<compile_context>
chip_gen: v7x
topology: tpu7x:2x2x1
jax: 0.10.2.dev20260603
libtpu: 0.0.44.dev20260713+nightly
codegen_flags: <defaults>
</compile_context>

<pallas_src>
import functools

import jax
import jax.numpy as jnp
from jax import lax
from jax.experimental import pallas as pl
from jax.experimental.pallas import tpu as pltpu
from jax.experimental.pallas import tpu_sc as plsc

_N = 10000
_NP = 10112
_E = 320000
_F = 16
_D = 128
_C = 80
_NCH = _E // _C
_NW = 32
_EPW = _E // _NW
_CPW = _NCH // _NW
_RPT = _NP // 16
_SUB = 25
_SUP = _SUB * _C
_NSUP = _E // _SUP
_SPW = _NSUP // _NW
_NB = 4

_mesh = plsc.VectorSubcoreMesh(core_axis_name="c", subcore_axis_name="s")
_sc_params = pltpu.CompilerParams(use_tc_tiling_on_sc=False,
                                  needs_layout_passes=False)


@functools.partial(
    pl.kernel,
    mesh=_mesh,
    out_type=(
        jax.ShapeDtypeStruct((2, _NP, _F), jnp.float32),
        jax.ShapeDtypeStruct((2, _NP, _F), jnp.float32),
    ),
    scratch_types=[
        pltpu.VMEM((_CPW, _C), jnp.int32),
        pltpu.VMEM((_SUP, _F), jnp.float32),
        pltpu.VMEM((_SUP, _F), jnp.float32),
        pltpu.VMEM((_C, _F), jnp.float32),
        pltpu.VMEM((_RPT, _F), jnp.float32),
        pltpu.VMEM_SHARED((_NP, _F), jnp.float32),
        pltpu.VMEM_SHARED((_NP, _F), jnp.float32),
        pltpu.SemaphoreType.DMA,
        pltpu.SemaphoreType.DMA,
        pltpu.SemaphoreType.DMA,
        pltpu.SemaphoreType.DMA,
    ],
    compiler_params=_sc_params,
)
def _sc_scatter(ef_hbm, dst3_hbm, psum_hbm, pdeg_hbm,
                dall_v, rv0, rv1, ones_v, ztile_v, acc_s, deg_s,
                srow0, srow1, ssr, sso):
    cid = lax.axis_index("c")
    sid = lax.axis_index("s")
    wid = sid * 2 + cid
    rv = (rv0, rv1)
    srow = (srow0, srow1)

    zrow = jnp.zeros((16,), jnp.float32)
    one = jnp.ones((16,), jnp.float32)

    def _fill_ones(i, carry):
        ones_v[i, :] = one
        return carry
    lax.fori_loop(0, _C, _fill_ones, 0)

    def _zt(i, carry):
        ztile_v[i, :] = zrow
        return carry
    lax.fori_loop(0, _RPT, _zt, 0)

    pltpu.sync_copy(ztile_v, acc_s.at[pl.ds(sid * _RPT, _RPT)])
    pltpu.sync_copy(ztile_v, deg_s.at[pl.ds(sid * _RPT, _RPT)])
    plsc.subcore_barrier()

    pltpu.sync_copy(dst3_hbm.at[wid], dall_v)

    def _rows_copy(s, b):
        base = pl.multiple_of((wid * _SPW + s) * _SUP, 8)
        return pltpu.make_async_copy(ef_hbm.at[pl.ds(base, _SUP)], rv[b], srow[b])

    _rows_copy(0, 0).start()
    _rows_copy(1, 1).start()

    def _scat_rows(b, j, row):
        return (rv[b].at[pl.ds(j * _C, _C)], acc_s.at[dall_v.at[row]], ssr)

    for s in range(_SPW):
        b = s % 2
        _rows_copy(s, b).wait()

        def _fire(j, carry):
            row = s * _SUB + j
            src, dst, sem = _scat_rows(b, j, row)
            pltpu.async_copy(src, dst, sem, add=True)
            pltpu.async_copy(ones_v, deg_s.at[dall_v.at[row]], sso, add=True)
            return carry
        lax.fori_loop(0, _SUB, _fire, 0)

        def _drain(j, carry):
            src, dst, sem = _scat_rows(b, j, s * _SUB + j)
            pltpu.make_async_copy(src, dst, sem).wait()
            return carry
        lax.fori_loop(0, _SUB, _drain, 0)

        if s + 2 < _SPW:
            _rows_copy(s + 2, b).start()

    def _drain_ones(j, carry):
        pltpu.make_async_copy(ones_v, deg_s.at[dall_v.at[j]], sso).wait()
        return carry
    lax.fori_loop(0, _CPW, _drain_ones, 0)

    plsc.subcore_barrier()

    pltpu.sync_copy(acc_s.at[pl.ds(sid * _RPT, _RPT)], ztile_v)
    pltpu.sync_copy(ztile_v, psum_hbm.at[cid, pl.ds(sid * _RPT, _RPT)])
    pltpu.sync_copy(deg_s.at[pl.ds(sid * _RPT, _RPT)], ztile_v)
    pltpu.sync_copy(ztile_v, pdeg_hbm.at[cid, pl.ds(sid * _RPT, _RPT)])


def _tc_linear_body(ps_ref, pd_ref, wn_ref, bn_ref, wa_ref, wb_ref, be_ref,
                    a_ref, b_ref):
    s = ps_ref[0] + ps_ref[1]
    dg = jnp.maximum(pd_ref[0][:, :1] + pd_ref[1][:, :1], 1.0)
    h = s / dg
    h2 = jnp.maximum(
        jnp.dot(h, wn_ref[...], preferred_element_type=jnp.float32) + bn_ref[...],
        0.0)
    a_ref[...] = jnp.dot(h2, wa_ref[...], preferred_element_type=jnp.float32)
    b_ref[...] = (jnp.dot(h2, wb_ref[...], preferred_element_type=jnp.float32)
                  + be_ref[...])


_tc_linear = pl.pallas_call(
    _tc_linear_body,
    out_shape=(
        jax.ShapeDtypeStruct((_NP, _D), jnp.float32),
        jax.ShapeDtypeStruct((_NP, _D), jnp.float32),
    ),
)


@functools.partial(
    pl.kernel,
    mesh=_mesh,
    out_type=jax.ShapeDtypeStruct((_NCH, _C, _D), jnp.float32),
    scratch_types=[
        [pltpu.VMEM((_C,), jnp.int32) for _ in range(_NB)],
        [pltpu.VMEM((_C,), jnp.int32) for _ in range(_NB)],
        [pltpu.VMEM((_C, _D), jnp.float32) for _ in range(_NB)],
        [pltpu.VMEM((_C, _D), jnp.float32) for _ in range(_NB)],
        [pltpu.SemaphoreType.DMA for _ in range(_NB)],
        [pltpu.SemaphoreType.DMA for _ in range(_NB)],
        [pltpu.SemaphoreType.DMA for _ in range(_NB)],
        [pltpu.SemaphoreType.DMA for _ in range(_NB)],
    ],
    compiler_params=_sc_params,
)
def _sc_gather(a_hbm, b_hbm, ei_hbm, out_hbm,
               isr, idr, ra, rb, si, sga, sgb, so):
    cid = lax.axis_index("c")
    sid = lax.axis_index("s")
    wid = sid * 2 + cid

    def _idx(i, b):
        base = pl.multiple_of(wid * _EPW + i * _C, 8)
        return (pltpu.make_async_copy(ei_hbm.at[0, pl.ds(base, _C)], isr[b],
                                      si[b]),
                pltpu.make_async_copy(ei_hbm.at[1, pl.ds(base, _C)], idr[b],
                                      si[b]))

    def _gath(b):
        return (pltpu.make_async_copy(a_hbm.at[isr[b]], ra[b], sga[b]),
                pltpu.make_async_copy(b_hbm.at[idr[b]], rb[b], sgb[b]))

    def _out(i, b):
        return pltpu.make_async_copy(rb[b], out_hbm.at[wid * _CPW + i], so[b])

    for j0 in range(_NB):
        pa, pb = _idx(j0, j0)
        pa.start()
        pb.start()
    for j0 in range(3):
        pa, pb = _idx(j0, j0)
        pa.wait()
        pb.wait()
        ga, gb = _gath(j0)
        ga.start()
        gb.start()

    def _half(i, b):
        ga_, gb_ = _gath(b)
        ga_.wait()
        gb_.wait()

        b3 = (b + 3) % _NB

        @pl.when(i + 3 < _CPW)
        def _():
            wa_, wb_ = _idx(i + 3, b3)
            wa_.wait()
            wb_.wait()

        @pl.when(i > 0)
        def _():
            _out(i - 1, b3).wait()

        @pl.when(i + 3 < _CPW)
        def _():
            na, nb = _gath(b3)
            na.start()
            nb.start()

        @pl.when(i + 4 < _CPW)
        def _():
            pa, pb = _idx(i + 4, b)
            pa.start()
            pb.start()

        def _addrow(k, c2):
            for g in range(_D // 16):
                sl = pl.ds(g * 16, 16)
                rb[b][k, sl] += ra[b][k, sl]
            return c2
        lax.fori_loop(0, _C, _addrow, 0)
        _out(i, b).start()

    def _quad(t, carry):
        for q in range(_NB):
            _half(_NB * t + q, q)
        return carry
    lax.fori_loop(0, _CPW // _NB, _quad, 0)
    _half(_CPW - 1, (_CPW - 1) % _NB)
    _out(_CPW - 1, (_CPW - 1) % _NB).wait()


def kernel(nfeats, efeats, edge_index, W_neigh1, b_neigh1, W_edge1, b_edge1,
           W_neigh2, b_neigh2, W_edge2, b_edge2):
    ei = edge_index.astype(jnp.int32)
    dst3 = ei[1].reshape(_NW, _CPW, _C)
    psum, pdeg = _sc_scatter(efeats, dst3)
    a_tab, b_tab = _tc_linear(
        psum, pdeg,
        W_neigh2.T, b_neigh2.reshape(1, _D),
        W_edge2[:, :_D].T, W_edge2[:, _D:].T, b_edge2.reshape(1, _D))
    out = _sc_gather(a_tab, b_tab, ei)
    return out.reshape(_E, _D)

# --- scband reference (transcript-rebuilt; emitter-appended) ---
"""Pipeline reference for scband-sage-14817637171447 (READ-ONLY COPY).

The authoritative reference and input builder live on the scoring server;
editing this copy changes nothing except your own understanding.
"""

import jax, jax.numpy as jnp
import numpy as np

N = 10000
E = 320000
NDIM = 128
EDIM_IN = 16
EDIM_OUT = 128

def setup_inputs(seed: int = 0) -> dict:
    key = jax.random.key(seed)
    ks = jax.random.split(key, 16)
    nfeats = jax.random.normal(ks[0], (N, NDIM), dtype=jnp.float32)
    efeats = jax.random.normal(ks[1], (E, EDIM_IN), dtype=jnp.float32)
    edge_index = jax.random.randint(ks[2], (2, E), 0, N)
    # Layer 1 params: fc_neigh1: edim_in -> ndim_in ; fc_edge1: 2*ndim_in -> edim_in (intermediate edim_out=edim_in)
    W_neigh1 = jax.random.normal(ks[3], (NDIM, EDIM_IN), dtype=jnp.float32) * 0.05
    b_neigh1 = jnp.zeros((NDIM,), dtype=jnp.float32)
    W_edge1 = jax.random.normal(ks[4], (EDIM_IN, 2 * NDIM), dtype=jnp.float32) * 0.05
    b_edge1 = jnp.zeros((EDIM_IN,), dtype=jnp.float32)
    # Layer 2 params: fc_neigh2: edim_in -> ndim_in ; fc_edge2: 2*ndim_in -> edim_out
    W_neigh2 = jax.random.normal(ks[5], (NDIM, EDIM_IN), dtype=jnp.float32) * 0.05
    b_neigh2 = jnp.zeros((NDIM,), dtype=jnp.float32)
    W_edge2 = jax.random.normal(ks[6], (EDIM_OUT, 2 * NDIM), dtype=jnp.float32) * 0.05
    b_edge2 = jnp.zeros((EDIM_OUT,), dtype=jnp.float32)
    return {"nfeats": nfeats, "efeats": efeats, "edge_index": edge_index,
            "W_neigh1": W_neigh1, "b_neigh1": b_neigh1, "W_edge1": W_edge1, "b_edge1": b_edge1,
            "W_neigh2": W_neigh2, "b_neigh2": b_neigh2, "W_edge2": W_edge2, "b_edge2": b_edge2}

def reference(nfeats, efeats, edge_index, W_neigh1, b_neigh1, W_edge1, b_edge1, W_neigh2, b_neigh2, W_edge2, b_edge2):
    src = edge_index[0]
    dst = edge_index[1]
    # block.update_all(copy_e('h','m'), mean('m','h_neigh')): mean of incoming edge feats per dst node
    deg = jax.ops.segment_sum(jnp.ones((E,), jnp.float32), dst, num_segments=N)
    h_neigh = jax.ops.segment_sum(efeats, dst, num_segments=N) / jnp.maximum(deg, 1.0)[:, None]
    # Layer 1 (nfeats set on srcdata/dstdata but overwritten by aggregated h_neigh transform)
    h1 = jax.nn.relu(h_neigh @ W_neigh1.T + b_neigh1)
    e1 = jnp.concatenate([h1[src], h1[dst]], axis=1) @ W_edge1.T + b_edge1  # dropout_rate=0.0 -> identity
    # Layer 2 (efeats unchanged, so aggregation is identical; h1 feeds in as nfeats but is unused by mean(copy_e))
    h2 = jax.nn.relu(h_neigh @ W_neigh2.T + b_neigh2)
    e2 = jnp.concatenate([h2[src], h2[dst]], axis=1) @ W_edge2.T + b_edge2
    return e2

if __name__ == "__main__":
    import jax
    _d = setup_inputs()
    print(jax.jit(kernel)(*tuple(_d.values())))

</pallas_src>

<mosaic_0001>
#map = affine_map<(d0, d1) -> (0, 0)>
#map1 = affine_map<(d0, d1) -> (0, 0, 0)>
module attributes {stable_mosaic.version = 14 : i64} {
  func.func @_sc_gather(%arg0: i32, %arg1: i32, %arg2: memref<10112x128xf32, #tpu.memory_space<hbm>>, %arg3: memref<10112x128xf32, #tpu.memory_space<hbm>>, %arg4: memref<2x320000xi32, #tpu.memory_space<hbm>>, %arg5: memref<4000x80x128xf32, #tpu.memory_space<hbm>>, %arg6: memref<80xi32, #tpu.memory_space<vmem>>, %arg7: memref<80xi32, #tpu.memory_space<vmem>>, %arg8: memref<80xi32, #tpu.memory_space<vmem>>, %arg9: memref<80xi32, #tpu.memory_space<vmem>>, %arg10: memref<80xi32, #tpu.memory_space<vmem>>, %arg11: memref<80xi32, #tpu.memory_space<vmem>>, %arg12: memref<80xi32, #tpu.memory_space<vmem>>, %arg13: memref<80xi32, #tpu.memory_space<vmem>>, %arg14: memref<80x128xf32, #tpu.memory_space<vmem>>, %arg15: memref<80x128xf32, #tpu.memory_space<vmem>>, %arg16: memref<80x128xf32, #tpu.memory_space<vmem>>, %arg17: memref<80x128xf32, #tpu.memory_space<vmem>>, %arg18: memref<80x128xf32, #tpu.memory_space<vmem>>, %arg19: memref<80x128xf32, #tpu.memory_space<vmem>>, %arg20: memref<80x128xf32, #tpu.memory_space<vmem>>, %arg21: memref<80x128xf32, #tpu.memory_space<vmem>>, %arg22: memref<!tpu.dma_semaphore, #tpu.memory_space<semaphore_mem>>, %arg23: memref<!tpu.dma_semaphore, #tpu.memory_space<semaphore_mem>>, %arg24: memref<!tpu.dma_semaphore, #tpu.memory_space<semaphore_mem>>, %arg25: memref<!tpu.dma_semaphore, #tpu.memory_space<semaphore_mem>>, %arg26: memref<!tpu.dma_semaphore, #tpu.memory_space<semaphore_mem>>, %arg27: memref<!tpu.dma_semaphore, #tpu.memory_space<semaphore_mem>>, %arg28: memref<!tpu.dma_semaphore, #tpu.memory_space<semaphore_mem>>, %arg29: memref<!tpu.dma_semaphore, #tpu.memory_space<semaphore_mem>>, %arg30: memref<!tpu.dma_semaphore, #tpu.memory_space<semaphore_mem>>, %arg31: memref<!tpu.dma_semaphore, #tpu.memory_space<semaphore_mem>>, %arg32: memref<!tpu.dma_semaphore, #tpu.memory_space<semaphore_mem>>, %arg33: memref<!tpu.dma_semaphore, #tpu.memory_space<semaphore_mem>>, %arg34: memref<!tpu.dma_semaphore, #tpu.memory_space<semaphore_mem>>, %arg35: memref<!tpu.dma_semaphore, #tpu.memory_space<semaphore_mem>>, %arg36: memref<!tpu.dma_semaphore, #tpu.memory_space<semaphore_mem>>, %arg37: memref<!tpu.dma_semaphore, #tpu.memory_space<semaphore_mem>>) attributes {dimension_semantics = [#tpu.dimension_semantics<core_parallel>, #tpu.dimension_semantics<subcore_parallel>], iteration_bounds = array<i64: 2, 16>, scalar_prefetch = 0 : i64, scratch_operands = 32 : i64, tpu.core_type = #tpu.core_type<sc_vector_subcore>, window_params = [{transform_indices = #map}, {transform_indices = #map}, {transform_indices = #map}, {transform_indices = #map1}]} {
    %mul3A = arith.constant 2 : i32
    %mul3A_0 = arith.muli %arg1, %mul3A : i32
    %add3A = arith.addi %mul3A_0, %arg0 : i32
    %mul3A_1 = arith.constant 10000 : i32
    %mul3A_2 = arith.muli %add3A, %mul3A_1 : i32
    %add3A_3 = arith.constant 0 : i32
    %add3A_4 = arith.addi %mul3A_2, %add3A_3 : i32
    %multiple_of3A = tpu.assume_multiple %add3A_4, 8 : i32
    %dma_start3A = arith.constant 0 : i32
    %dma_start3A_5 = tpu.memref_slice %arg4[%dma_start3A, %multiple_of3A] : memref<2x320000xi32, #tpu.memory_space<hbm>> -> memref<1x80xi32, #tpu.memory_space<hbm>>
    %dma_start3A_6 = tpu.memref_squeeze %dma_start3A_5 : memref<1x80xi32, #tpu.memory_space<hbm>> -> memref<80xi32, #tpu.memory_space<hbm>>
    %dma_start3A_7 = tpu.memref_slice %arg4[%dma_start3A, %multiple_of3A] : memref<2x320000xi32, #tpu.memory_space<hbm>> -> memref<1x80xi32, #tpu.memory_space<hbm>>
    %dma_start3A_8 = tpu.memref_squeeze %dma_start3A_7 : memref<1x80xi32, #tpu.memory_space<hbm>> -> memref<80xi32, #tpu.memory_space<hbm>>
    tpu.enqueue_dma source(%dma_start3A_8 : memref<80xi32, #tpu.memory_space<hbm>>) target(%arg6 : memref<80xi32, #tpu.memory_space<vmem>>) target_semaphore(%arg22 : memref<!tpu.dma_semaphore, #tpu.memory_space<semaphore_mem>>)
    %dma_start3A_9 = arith.constant 1 : i32
    %dma_start3A_10 = tpu.memref_slice %arg4[%dma_start3A_9, %multiple_of3A] : memref<2x320000xi32, #tpu.memory_space<hbm>> -> memref<1x80xi32, #tpu.memory_space<hbm>>
    %dma_start3A_11 = tpu.memref_squeeze %dma_start3A_10 : memref<1x80xi32, #tpu.memory_space<hbm>> -> memref<80xi32, #tpu.memory_space<hbm>>
    %dma_start3A_12 = tpu.memref_slice %arg4[%dma_start3A_9, %multiple_of3A] : memref<2x320000xi32, #tpu.memory_space<hbm>> -> memref<1x80xi32, #tpu.memory_space<hbm>>
    %dma_start3A_13 = tpu.memref_squeeze %dma_start3A_12 : memref<1x80xi32, #tpu.memory_space<hbm>> -> memref<80xi32, #tpu.memory_space<hbm>>
    tpu.enqueue_dma source(%dma_start3A_13 : memref<80xi32, #tpu.memory_space<hbm>>) target(%arg10 : memref<80xi32, #tpu.memory_space<vmem>>) target_semaphore(%arg22 : memref<!tpu.dma_semaphore, #tpu.memory_space<semaphore_mem>>)
    %mul3A_14 = arith.constant 10000 : i32
    %mul3A_15 = arith.muli %add3A, %mul3A_14 : i32
    %add3A_16 = arith.constant 80 : i32
    %add3A_17 = arith.addi %mul3A_15, %add3A_16 : i32
    %multiple_of3A_18 = tpu.assume_multiple %add3A_17, 8 : i32
    %dma_start3A_19 = arith.constant 0 : i32
    %dma_start3A_20 = tpu.memref_slice %arg4[%dma_start3A_19, %multiple_of3A_18] : memref<2x320000xi32, #tpu.memory_space<hbm>> -> memref<1x80xi32, #tpu.memory_space<hbm>>
    %dma_start3A_21 = tpu.memref_squeeze %dma_start3A_20 : memref<1x80xi32, #tpu.memory_space<hbm>> -> memref<80xi32, #tpu.memory_space<hbm>>
    %dma_start3A_22 = tpu.memref_slice %arg4[%dma_start3A_19, %multiple_of3A_18] : memref<2x320000xi32, #tpu.memory_space<hbm>> -> memref<1x80xi32, #tpu.memory_space<hbm>>
    %dma_start3A_23 = tpu.memref_squeeze %dma_start3A_22 : memref<1x80xi32, #tpu.memory_space<hbm>> -> memref<80xi32, #tpu.memory_space<hbm>>
    tpu.enqueue_dma source(%dma_start3A_23 : memref<80xi32, #tpu.memory_space<hbm>>) target(%arg7 : memref<80xi32, #tpu.memory_space<vmem>>) target_semaphore(%arg23 : memref<!tpu.dma_semaphore, #tpu.memory_space<semaphore_mem>>)
    %dma_start3A_24 = arith.constant 1 : i32
    %dma_start3A_25 = tpu.memref_slice %arg4[%dma_start3A_24, %multiple_of3A_18] : memref<2x320000xi32, #tpu.memory_space<hbm>> -> memref<1x80xi32, #tpu.memory_space<hbm>>
    %dma_start3A_26 = tpu.memref_squeeze %dma_start3A_25 : memref<1x80xi32, #tpu.memory_space<hbm>> -> memref<80xi32, #tpu.memory_space<hbm>>
    %dma_start3A_27 = tpu.memref_slice %arg4[%dma_start3A_24, %multiple_of3A_18] : memref<2x320000xi32, #tpu.memory_space<hbm>> -> memref<1x80xi32, #tpu.memory_space<hbm>>
    %dma_start3A_28 = tpu.memref_squeeze %dma_start3A_27 : memref<1x80xi32, #tpu.memory_space<hbm>> -> memref<80xi32, #tpu.memory_space<hbm>>
    tpu.enqueue_dma source(%dma_start3A_28 : memref<80xi32, #tpu.memory_space<hbm>>) target(%arg11 : memref<80xi32, #tpu.memory_space<vmem>>) target_semaphore(%arg23 : memref<!tpu.dma_semaphore, #tpu.memory_space<semaphore_mem>>)
    %mul3A_29 = arith.constant 10000 : i32
    %mul3A_30 = arith.muli %add3A, %mul3A_29 : i32
    %add3A_31 = arith.constant 160 : i32
    %add3A_32 = arith.addi %mul3A_30, %add3A_31 : i32
    %multiple_of3A_33 = tpu.assume_multiple %add3A_32, 8 : i32
    %dma_start3A_34 = arith.constant 0 : i32
    %dma_start3A_35 = tpu.memref_slice %arg4[%dma_start3A_34, %multiple_of3A_33] : memref<2x320000xi32, #tpu.memory_space<hbm>> -> memref<1x80xi32, #tpu.memory_space<hbm>>
    %dma_start3A_36 = tpu.memref_squeeze %dma_start3A_35 : memref<1x80xi32, #tpu.memory_space<hbm>> -> memref<80xi32, #tpu.memory_space<hbm>>
    %dma_start3A_37 = tpu.memref_slice %arg4[%dma_start3A_34, %multiple_of3A_33] : memref<2x320000xi32, #tpu.memory_space<hbm>> -> memref<1x80xi32, #tpu.memory_space<hbm>>
    %dma_start3A_38 = tpu.memref_squeeze %dma_start3A_37 : memref<1x80xi32, #tpu.memory_space<hbm>> -> memref<80xi32, #tpu.memory_space<hbm>>
    tpu.enqueue_dma source(%dma_start3A_38 : memref<80xi32, #tpu.memory_space<hbm>>) target(%arg8 : memref<80xi32, #tpu.memory_space<vmem>>) target_semaphore(%arg24 : memref<!tpu.dma_semaphore, #tpu.memory_space<semaphore_mem>>)
    %dma_start3A_39 = arith.constant 1 : i32
    %dma_start3A_40 = tpu.memref_slice %arg4[%dma_start3A_39, %multiple_of3A_33] : memref<2x320000xi32, #tpu.memory_space<hbm>> -> memref<1x80xi32, #tpu.memory_space<hbm>>
    %dma_start3A_41 = tpu.memref_squeeze %dma_start3A_40 : memref<1x80xi32, #tpu.memory_space<hbm>> -> memref<80xi32, #tpu.memory_space<hbm>>
    %dma_start3A_42 = tpu.memref_slice %arg4[%dma_start3A_39, %multiple_of3A_33] : memref<2x320000xi32, #tpu.memory_space<hbm>> -> memref<1x80xi32, #tpu.memory_space<hbm>>
    %dma_start3A_43 = tpu.memref_squeeze %dma_start3A_42 : memref<1x80xi32, #tpu.memory_space<hbm>> -> memref<80xi32, #tpu.memory_space<hbm>>
    tpu.enqueue_dma source(%dma_start3A_43 : memref<80xi32, #tpu.memory_space<hbm>>) target(%arg12 : memref<80xi32, #tpu.memory_space<vmem>>) target_semaphore(%arg24 : memref<!tpu.dma_semaphore, #tpu.memory_space<semaphore_mem>>)
    %mul3A_44 = arith.constant 10000 : i32
    %mul3A_45 = arith.muli %add3A, %mul3A_44 : i32
    %add3A_46 = arith.constant 240 : i32
    %add3A_47 = arith.addi %mul3A_45, %add3A_46 : i32
    %multiple_of3A_48 = tpu.assume_multiple %add3A_47, 8 : i32
    %dma_start3A_49 = arith.constant 0 : i32
    %dma_start3A_50 = tpu.memref_slice %arg4[%dma_start3A_49, %multiple_of3A_48] : memref<2x320000xi32, #tpu.memory_space<hbm>> -> memref<1x80xi32, #tpu.memory_space<hbm>>
    %dma_start3A_51 = tpu.memref_squeeze %dma_start3A_50 : memref<1x80xi32, #tpu.memory_space<hbm>> -> memref<80xi32, #tpu.memory_space<hbm>>
    %dma_start3A_52 = tpu.memref_slice %arg4[%dma_start3A_49, %multiple_of3A_48] : memref<2x320000xi32, #tpu.memory_space<hbm>> -> memref<1x80xi32, #tpu.memory_space<hbm>>
    %dma_start3A_53 = tpu.memref_squeeze %dma_start3A_52 : memref<1x80xi32, #tpu.memory_space<hbm>> -> memref<80xi32, #tpu.memory_space<hbm>>
    tpu.enqueue_dma source(%dma_start3A_53 : memref<80xi32, #tpu.memory_space<hbm>>) target(%arg9 : memref<80xi32, #tpu.memory_space<vmem>>) target_semaphore(%arg25 : memref<!tpu.dma_semaphore, #tpu.memory_space<semaphore_mem>>)
    %dma_start3A_54 = arith.constant 1 : i32
    %dma_start3A_55 = tpu.memref_slice %arg4[%dma_start3A_54, %multiple_of3A_48] : memref<2x320000xi32, #tpu.memory_space<hbm>> -> memref<1x80xi32, #tpu.memory_space<hbm>>
    %dma_start3A_56 = tpu.memref_squeeze %dma_start3A_55 : memref<1x80xi32, #tpu.memory_space<hbm>> -> memref<80xi32, #tpu.memory_space<hbm>>
    %dma_start3A_57 = tpu.memref_slice %arg4[%dma_start3A_54, %multiple_of3A_48] : memref<2x320000xi32, #tpu.memory_space<hbm>> -> memref<1x80xi32, #tpu.memory_space<hbm>>
    %dma_start3A_58 = tpu.memref_squeeze %dma_start3A_57 : memref<1x80xi32, #tpu.memory_space<hbm>> -> memref<80xi32, #tpu.memory_space<hbm>>
    tpu.enqueue_dma source(%dma_start3A_58 : memref<80xi32, #tpu.memory_space<hbm>>) target(%arg13 : memref<80xi32, #tpu.memory_space<vmem>>) target_semaphore(%arg25 : memref<!tpu.dma_semaphore, #tpu.memory_space<semaphore_mem>>)
    %mul3A_59 = arith.constant 10000 : i32
    %mul3A_60 = arith.muli %add3A, %mul3A_59 : i32
    %add3A_61 = arith.constant 0 : i32
    %add3A_62 = arith.addi %mul3A_60, %add3A_61 : i32
    %multiple_of3A_63 = tpu.assume_multiple %add3A_62, 8 : i32
    %dma_wait3A = arith.constant 0 : i32
    %dma_wait3A_64 = tpu.memref_slice %arg4[%dma_wait3A, %multiple_of3A_63] : memref<2x320000xi32, #tpu.memory_space<hbm>> -> memref<1x80xi32, #tpu.memory_space<hbm>>
    %dma_wait3A_65 = tpu.memref_squeeze %dma_wait3A_64 : memref<1x80xi32, #tpu.memory_space<hbm>> -> memref<80xi32, #tpu.memory_space<hbm>>
    %dma_wait3A_66 = tpu.memref_slice %arg4[%dma_wait3A, %multiple_of3A_63] : memref<2x320000xi32, #tpu.memory_space<hbm>> -> memref<1x80xi32, #tpu.memory_space<hbm>>
    %dma_wait3A_67 = tpu.memref_squeeze %dma_wait3A_66 : memref<1x80xi32, #tpu.memory_space<hbm>> -> memref<80xi32, #tpu.memory_space<hbm>>
    tpu.wait_dma2 semaphore(%arg22 : memref<!tpu.dma_semaphore, #tpu.memory_space<semaphore_mem>>) src(%dma_wait3A_67 : memref<80xi32, #tpu.memory_space<hbm>>) dst(%arg6 : memref<80xi32, #tpu.memory_space<vmem>>)
    %dma_wait3A_68 = arith.constant 1 : i32
    %dma_wait3A_69 = tpu.memref_slice %arg4[%dma_wait3A_68, %multiple_of3A_63] : memref<2x320000xi32, #tpu.memory_space<hbm>> -> memref<1x80xi32, #tpu.memory_space<hbm>>
    %dma_wait3A_70 = tpu.memref_squeeze %dma_wait3A_69 : memref<1x80xi32, #tpu.memory_space<hbm>> -> memref<80xi32, #tpu.memory_space<hbm>>
    %dma_wait3A_71 = tpu.memref_slice %arg4[%dma_wait3A_68, %multiple_of3A_63] : memref<2x320000xi32, #tpu.memory_space<hbm>> -> memref<1x80xi32, #tpu.memory_space<hbm>>
    %dma_wait3A_72 = tpu.memref_squeeze %dma_wait3A_71 : memref<1x80xi32, #tpu.memory_space<hbm>> -> memref<80xi32, #tpu.memory_space<hbm>>
    tpu.wait_dma2 semaphore(%arg22 : memref<!tpu.dma_semaphore, #tpu.memory_space<semaphore_mem>>) src(%dma_wait3A_72 : memref<80xi32, #tpu.memory_space<hbm>>) dst(%arg10 : memref<80xi32, #tpu.memory_space<vmem>>)
    %dma_start3A_73 = arith.constant 0 : i32
    %dma_start3A_74 = arith.constant 0 : i32
    %dma_start3A_75 = tpu.memref_slice %arg2[%dma_start3A_73, %dma_start3A_74] : memref<10112x128xf32, #tpu.memory_space<hbm>> -> memref<10112x128xf32, #tpu.memory_space<hbm>>
    tpu.enqueue_indirect_dma source(%dma_start3A_75 : memref<10112x128xf32, #tpu.memory_space<hbm>>) target(%arg14 : memref<80x128xf32, #tpu.memory_space<vmem>>) offsets(%arg6 : memref<80xi32, #tpu.memory_space<vmem>>) semaphore(%arg26 : memref<!tpu.dma_semaphore, #tpu.memory_space<semaphore_mem>>)
    %dma_start3A_76 = arith.constant 0 : i32
    %dma_start3A_77 = arith.constant 0 : i32
    %dma_start3A_78 = tpu.memref_slice %arg3[%dma_start3A_76, %dma_start3A_77] : memref<10112x128xf32, #tpu.memory_space<hbm>> -> memref<10112x128xf32, #tpu.memory_space<hbm>>
    tpu.enqueue_indirect_dma source(%dma_start3A_78 : memref<10112x128xf32, #tpu.memory_space<hbm>>) target(%arg18 : memref<80x128xf32, #tpu.memory_space<vmem>>) offsets(%arg10 : memref<80xi32, #tpu.memory_space<vmem>>) semaphore(%arg30 : memref<!tpu.dma_semaphore, #tpu.memory_space<semaphore_mem>>)
    %mul3A_79 = arith.constant 10000 : i32
    %mul3A_80 = arith.muli %add3A, %mul3A_79 : i32
    %add3A_81 = arith.constant 80 : i32
    %add3A_82 = arith.addi %mul3A_80, %add3A_81 : i32
    %multiple_of3A_83 = tpu.assume_multiple %add3A_82, 8 : i32
    %dma_wait3A_84 = arith.constant 0 : i32
    %dma_wait3A_85 = tpu.memref_slice %arg4[%dma_wait3A_84, %multiple_of3A_83] : memref<2x320000xi32, #tpu.memory_space<hbm>> -> memref<1x80xi32, #tpu.memory_space<hbm>>
    %dma_wait3A_86 = tpu.memref_squeeze %dma_wait3A_85 : memref<1x80xi32, #tpu.memory_space<hbm>> -> memref<80xi32, #tpu.memory_space<hbm>>
    %dma_wait3A_87 = tpu.memref_slice %arg4[%dma_wait3A_84, %multiple_of3A_83] : memref<2x320000xi32, #tpu.memory_space<hbm>> -> memref<1x80xi32, #tpu.memory_space<hbm>>
    %dma_wait3A_88 = tpu.memref_squeeze %dma_wait3A_87 : memref<1x80xi32, #tpu.memory_space<hbm>> -> memref<80xi32, #tpu.memory_space<hbm>>
    tpu.wait_dma2 semaphore(%arg23 : memref<!tpu.dma_semaphore, #tpu.memory_space<semaphore_mem>>) src(%dma_wait3A_88 : memref<80xi32, #tpu.memory_space<hbm>>) dst(%arg7 : memref<80xi32, #tpu.memory_space<vmem>>)
    %dma_wait3A_89 = arith.constant 1 : i32
    %dma_wait3A_90 = tpu.memref_slice %arg4[%dma_wait3A_89, %multiple_of3A_83] : memref<2x320000xi32, #tpu.memory_space<hbm>> -> memref<1x80xi32, #tpu.memory_space<hbm>>
    %dma_wait3A_91 = tpu.memref_squeeze %dma_wait3A_90 : memref<1x80xi32, #tpu.memory_space<hbm>> -> memref<80xi32, #tpu.memory_space<hbm>>
    %dma_wait3A_92 = tpu.memref_slice %arg4[%dma_wait3A_89, %multiple_of3A_83] : memref<2x320000xi32, #tpu.memory_space<hbm>> -> memref<1x80xi32, #tpu.memory_space<hbm>>
    %dma_wait3A_93 = tpu.memref_squeeze %dma_wait3A_92 : memref<1x80xi32, #tpu.memory_space<hbm>> -> memref<80xi32, #tpu.memory_space<hbm>>
    tpu.wait_dma2 semaphore(%arg23 : memref<!tpu.dma_semaphore, #tpu.memory_space<semaphore_mem>>) src(%dma_wait3A_93 : memref<80xi32, #tpu.memory_space<hbm>>) dst(%arg11 : memref<80xi32, #tpu.memory_space<vmem>>)
    %dma_start3A_94 = arith.constant 0 : i32
    %dma_start3A_95 = arith.constant 0 : i32
    %dma_start3A_96 = tpu.memref_slice %arg2[%dma_start3A_94, %dma_start3A_95] : memref<10112x128xf32, #tpu.memory_space<hbm>> -> memref<10112x128xf32, #tpu.memory_space<hbm>>
    tpu.enqueue_indirect_dma source(%dma_start3A_96 : memref<10112x128xf32, #tpu.memory_space<hbm>>) target(%arg15 : memref<80x128xf32, #tpu.memory_space<vmem>>) offsets(%arg7 : memref<80xi32, #tpu.memory_space<vmem>>) semaphore(%arg27 : memref<!tpu.dma_semaphore, #tpu.memory_space<semaphore_mem>>)
    %dma_start3A_97 = arith.constant 0 : i32
    %dma_start3A_98 = arith.constant 0 : i32
    %dma_start3A_99 = tpu.memref_slice %arg3[%dma_start3A_97, %dma_start3A_98] : memref<10112x128xf32, #tpu.memory_space<hbm>> -> memref<10112x128xf32, #tpu.memory_space<hbm>>
    tpu.enqueue_indirect_dma source(%dma_start3A_99 : memref<10112x128xf32, #tpu.memory_space<hbm>>) target(%arg19 : memref<80x128xf32, #tpu.memory_space<vmem>>) offsets(%arg11 : memref<80xi32, #tpu.memory_space<vmem>>) semaphore(%arg31 : memref<!tpu.dma_semaphore, #tpu.memory_space<semaphore_mem>>)
    %mul3A_100 = arith.constant 10000 : i32
    %mul3A_101 = arith.muli %add3A, %mul3A_100 : i32
    %add3A_102 = arith.constant 160 : i32
    %add3A_103 = arith.addi %mul3A_101, %add3A_102 : i32
    %multiple_of3A_104 = tpu.assume_multiple %add3A_103, 8 : i32
    %dma_wait3A_105 = arith.constant 0 : i32
    %dma_wait3A_106 = tpu.memref_slice %arg4[%dma_wait3A_105, %multiple_of3A_104] : memref<2x320000xi32, #tpu.memory_space<hbm>> -> memref<1x80xi32, #tpu.memory_space<hbm>>
    %dma_wait3A_107 = tpu.memref_squeeze %dma_wait3A_106 : memref<1x80xi32, #tpu.memory_space<hbm>> -> memref<80xi32, #tpu.memory_space<hbm>>
    %dma_wait3A_108 = tpu.memref_slice %arg4[%dma_wait3A_105, %multiple_of3A_104] : memref<2x320000xi32, #tpu.memory_space<hbm>> -> memref<1x80xi32, #tpu.memory_space<hbm>>
    %dma_wait3A_109 = tpu.memref_squeeze %dma_wait3A_108 : memref<1x80xi32, #tpu.memory_space<hbm>> -> memref<80xi32, #tpu.memory_space<hbm>>
    tpu.wait_dma2 semaphore(%arg24 : memref<!tpu.dma_semaphore, #tpu.memory_space<semaphore_mem>>) src(%dma_wait3A_109 : memref<80xi32, #tpu.memory_space<hbm>>) dst(%arg8 : memref<80xi32, #tpu.memory_space<vmem>>)
    %dma_wait3A_110 = arith.constant 1 : i32
    %dma_wait3A_111 = tpu.memref_slice %arg4[%dma_wait3A_110, %multiple_of3A_104] : memref<2x320000xi32, #tpu.memory_space<hbm>> -> memref<1x80xi32, #tpu.memory_space<hbm>>
    %dma_wait3A_112 = tpu.memref_squeeze %dma_wait3A_111 : memref<1x80xi32, #tpu.memory_space<hbm>> -> memref<80xi32, #tpu.memory_space<hbm>>
    %dma_wait3A_113 = tpu.memref_slice %arg4[%dma_wait3A_110, %multiple_of3A_104] : memref<2x320000xi32, #tpu.memory_space<hbm>> -> memref<1x80xi32, #tpu.memory_space<hbm>>
    %dma_wait3A_114 = tpu.memref_squeeze %dma_wait3A_113 : memref<1x80xi32, #tpu.memory_space<hbm>> -> memref<80xi32, #tpu.memory_space<hbm>>
    tpu.wait_dma2 semaphore(%arg24 : memref<!tpu.dma_semaphore, #tpu.memory_space<semaphore_mem>>) src(%dma_wait3A_114 : memref<80xi32, #tpu.memory_space<hbm>>) dst(%arg12 : memref<80xi32, #tpu.memory_space<vmem>>)
    %dma_start3A_115 = arith.constant 0 : i32
    %dma_start3A_116 = arith.constant 0 : i32
    %dma_start3A_117 = tpu.memref_slice %arg2[%dma_start3A_115, %dma_start3A_116] : memref<10112x128xf32, #tpu.memory_space<hbm>> -> memref<10112x128xf32, #tpu.memory_space<hbm>>
    tpu.enqueue_indirect_dma source(%dma_start3A_117 : memref<10112x128xf32, #tpu.memory_space<hbm>>) target(%arg16 : memref<80x128xf32, #tpu.memory_space<vmem>>) offsets(%arg8 : memref<80xi32, #tpu.memory_space<vmem>>) semaphore(%arg28 : memref<!tpu.dma_semaphore, #tpu.memory_space<semaphore_mem>>)
    %dma_start3A_118 = arith.constant 0 : i32
    %dma_start3A_119 = arith.constant 0 : i32
    %dma_start3A_120 = tpu.memref_slice %arg3[%dma_start3A_118, %dma_start3A_119] : memref<10112x128xf32, #tpu.memory_space<hbm>> -> memref<10112x128xf32, #tpu.memory_space<hbm>>
    tpu.enqueue_indirect_dma source(%dma_start3A_120 : memref<10112x128xf32, #tpu.memory_space<hbm>>) target(%arg20 : memref<80x128xf32, #tpu.memory_space<vmem>>) offsets(%arg12 : memref<80xi32, #tpu.memory_space<vmem>>) semaphore(%arg32 : memref<!tpu.dma_semaphore, #tpu.memory_space<semaphore_mem>>)
    %scan3A = arith.constant 0 : i32
    %scan3A_121 = arith.constant 0 : i32
    %scan3A_122 = arith.constant 31 : i32
    %scan3A_123 = arith.addi %scan3A_121, %scan3A_122 : i32
    %scan3A_124 = arith.constant 1 : i32
    scf.for %scan3A_174 = %scan3A_121 to %scan3A_123 step %scan3A_124  : i32 {
      %mul3A_175 = arith.constant 4 : i32
      %mul3A_176 = arith.muli %mul3A_175, %scan3A_174 : i32
      %add3A_177 = arith.constant 0 : i32
      %add3A_178 = arith.addi %mul3A_176, %add3A_177 : i32
      %dma_wait3A_179 = arith.constant 0 : i32
      %dma_wait3A_180 = arith.constant 0 : i32
      %dma_wait3A_181 = tpu.memref_slice %arg2[%dma_wait3A_179, %dma_wait3A_180] : memref<10112x128xf32, #tpu.memory_space<hbm>> -> memref<10112x128xf32, #tpu.memory_space<hbm>>
      tpu.wait_indirect_dma semaphore(%arg26 : memref<!tpu.dma_semaphore, #tpu.memory_space<semaphore_mem>>) src(%dma_wait3A_181 : memref<10112x128xf32, #tpu.memory_space<hbm>>) dst(%arg14 : memref<80x128xf32, #tpu.memory_space<vmem>>)
      %dma_wait3A_182 = arith.constant 0 : i32
      %dma_wait3A_183 = arith.constant 0 : i32
      %dma_wait3A_184 = tpu.memref_slice %arg3[%dma_wait3A_182, %dma_wait3A_183] : memref<10112x128xf32, #tpu.memory_space<hbm>> -> memref<10112x128xf32, #tpu.memory_space<hbm>>
      tpu.wait_indirect_dma semaphore(%arg30 : memref<!tpu.dma_semaphore, #tpu.memory_space<semaphore_mem>>) src(%dma_wait3A_184 : memref<10112x128xf32, #tpu.memory_space<hbm>>) dst(%arg18 : memref<80x128xf32, #tpu.memory_space<vmem>>)
      %add3A_185 = arith.constant 3 : i32
      %add3A_186 = arith.addi %add3A_178, %add3A_185 : i32
      %lt3A = arith.constant 125 : i32
      %lt3A_187 = arith.cmpi slt, %add3A_186, %lt3A : i32
      %convert_element_type3A = arith.extui %lt3A_187 : i1 to i32
      %cond3A = arith.constant 0 : i32
      %cond3A_188 = arith.cmpi ne, %convert_element_type3A, %cond3A : i32
      scf.if %cond3A_188 {
        %add3A_383 = arith.constant 3 : i32
        %add3A_384 = arith.addi %add3A_178, %add3A_383 : i32
        %mul3A_385 = arith.constant 10000 : i32
        %mul3A_386 = arith.muli %add3A, %mul3A_385 : i32
        %mul3A_387 = arith.constant 80 : i32
        %mul3A_388 = arith.muli %add3A_384, %mul3A_387 : i32
        %add3A_389 = arith.addi %mul3A_386, %mul3A_388 : i32
        %multiple_of3A_390 = tpu.assume_multiple %add3A_389, 8 : i32
        %dma_wait3A_391 = arith.constant 0 : i32
        %dma_wait3A_392 = tpu.memref_slice %arg4[%dma_wait3A_391, %multiple_of3A_390] : memref<2x320000xi32, #tpu.memory_space<hbm>> -> memref<1x80xi32, #tpu.memory_space<hbm>>
        %dma_wait3A_393 = tpu.memref_squeeze %dma_wait3A_392 : memref<1x80xi32, #tpu.memory_space<hbm>> -> memref<80xi32, #tpu.memory_space<hbm>>
        %dma_wait3A_394 = tpu.memref_slice %arg4[%dma_wait3A_391, %multiple_of3A_390] : memref<2x320000xi32, #tpu.memory_space<hbm>> -> memref<1x80xi32, #tpu.memory_space<hbm>>
        %dma_wait3A_395 = tpu.memref_squeeze %dma_wait3A_394 : memref<1x80xi32, #tpu.memory_space<hbm>> -> memref<80xi32, #tpu.memory_space<hbm>>
        tpu.wait_dma2 semaphore(%arg25 : memref<!tpu.dma_semaphore, #tpu.memory_space<semaphore_mem>>) src(%dma_wait3A_395 : memref<80xi32, #tpu.memory_space<hbm>>) dst(%arg9 : memref<80xi32, #tpu.memory_space<vmem>>)
        %dma_wait3A_396 = arith.constant 1 : i32
        %dma_wait3A_397 = tpu.memref_slice %arg4[%dma_wait3A_396, %multiple_of3A_390] : memref<2x320000xi32, #tpu.memory_space<hbm>> -> memref<1x80xi32, #tpu.memory_space<hbm>>
        %dma_wait3A_398 = tpu.memref_squeeze %dma_wait3A_397 : memref<1x80xi32, #tpu.memory_space<hbm>> -> memref<80xi32, #tpu.memory_space<hbm>>
        %dma_wait3A_399 = tpu.memref_slice %arg4[%dma_wait3A_396, %multiple_of3A_390] : memref<2x320000xi32, #tpu.memory_space<hbm>> -> memref<1x80xi32, #tpu.memory_space<hbm>>
        %dma_wait3A_400 = tpu.memref_squeeze %dma_wait3A_399 : memref<1x80xi32, #tpu.memory_space<hbm>> -> memref<80xi32, #tpu.memory_space<hbm>>
        tpu.wait_dma2 semaphore(%arg25 : memref<!tpu.dma_semaphore, #tpu.memory_space<semaphore_mem>>) src(%dma_wait3A_400 : memref<80xi32, #tpu.memory_space<hbm>>) dst(%arg13 : memref<80xi32, #tpu.memory_space<vmem>>)
      } else {
      }
      %gt3A = arith.constant 0 : i32
      %gt3A_189 = arith.cmpi sgt, %add3A_178, %gt3A : i32
      %convert_element_type3A_190 = arith.extui %gt3A_189 : i1 to i32
      %cond3A_191 = arith.constant 0 : i32
      %cond3A_192 = arith.cmpi ne, %convert_element_type3A_190, %cond3A_191 : i32
      scf.if %cond3A_192 {
        %sub3A = arith.constant 1 : i32
        %sub3A_383 = arith.subi %add3A_178, %sub3A : i32
        %mul3A_384 = arith.constant 125 : i32
        %mul3A_385 = arith.muli %add3A, %mul3A_384 : i32
        %add3A_386 = arith.addi %mul3A_385, %sub3A_383 : i32
        %dma_wait3A_387 = arith.constant 0 : i32
        %dma_wait3A_388 = arith.constant 0 : i32
        %dma_wait3A_389 = tpu.memref_slice %arg5[%add3A_386, %dma_wait3A_387, %dma_wait3A_388] : memref<4000x80x128xf32, #tpu.memory_space<hbm>> -> memref<1x80x128xf32, #tpu.memory_space<hbm>>
        %dma_wait3A_390 = tpu.memref_squeeze %dma_wait3A_389 : memref<1x80x128xf32, #tpu.memory_space<hbm>> -> memref<80x128xf32, #tpu.memory_space<hbm>>
        %dma_wait3A_391 = arith.constant 0 : i32
        %dma_wait3A_392 = arith.constant 0 : i32
        %dma_wait3A_393 = tpu.memref_slice %arg5[%add3A_386, %dma_wait3A_391, %dma_wait3A_392] : memref<4000x80x128xf32, #tpu.memory_space<hbm>> -> memref<1x80x128xf32, #tpu.memory_space<hbm>>
        %dma_wait3A_394 = tpu.memref_squeeze %dma_wait3A_393 : memref<1x80x128xf32, #tpu.memory_space<hbm>> -> memref<80x128xf32, #tpu.memory_space<hbm>>
        tpu.wait_dma2 semaphore(%arg37 : memref<!tpu.dma_semaphore, #tpu.memory_space<semaphore_mem>>) src(%arg21 : memref<80x128xf32, #tpu.memory_space<vmem>>) dst(%dma_wait3A_394 : memref<80x128xf32, #tpu.memory_space<hbm>>)
      } else {
      }
      %add3A_193 = arith.constant 3 : i32
      %add3A_194 = arith.addi %add3A_178, %add3A_193 : i32
      %lt3A_195 = arith.constant 125 : i32
      %lt3A_196 = arith.cmpi slt, %add3A_194, %lt3A_195 : i32
      %convert_element_type3A_197 = arith.extui %lt3A_196 : i1 to i32
      %cond3A_198 = arith.constant 0 : i32
      %cond3A_199 = arith.cmpi ne, %convert_element_type3A_197, %cond3A_198 : i32
      scf.if %cond3A_199 {
        %dma_start3A_383 = arith.constant 0 : i32
        %dma_start3A_384 = arith.constant 0 : i32
        %dma_start3A_385 = tpu.memref_slice %arg2[%dma_start3A_383, %dma_start3A_384] : memref<10112x128xf32, #tpu.memory_space<hbm>> -> memref<10112x128xf32, #tpu.memory_space<hbm>>
        tpu.enqueue_indirect_dma source(%dma_start3A_385 : memref<10112x128xf32, #tpu.memory_space<hbm>>) target(%arg17 : memref<80x128xf32, #tpu.memory_space<vmem>>) offsets(%arg9 : memref<80xi32, #tpu.memory_space<vmem>>) semaphore(%arg29 : memref<!tpu.dma_semaphore, #tpu.memory_space<semaphore_mem>>)
        %dma_start3A_386 = arith.constant 0 : i32
        %dma_start3A_387 = arith.constant 0 : i32
        %dma_start3A_388 = tpu.memref_slice %arg3[%dma_start3A_386, %dma_start3A_387] : memref<10112x128xf32, #tpu.memory_space<hbm>> -> memref<10112x128xf32, #tpu.memory_space<hbm>>
        tpu.enqueue_indirect_dma source(%dma_start3A_388 : memref<10112x128xf32, #tpu.memory_space<hbm>>) target(%arg21 : memref<80x128xf32, #tpu.memory_space<vmem>>) offsets(%arg13 : memref<80xi32, #tpu.memory_space<vmem>>) semaphore(%arg33 : memref<!tpu.dma_semaphore, #tpu.memory_space<semaphore_mem>>)
      } else {
      }
      %add3A_200 = arith.constant 4 : i32
      %add3A_201 = arith.addi %add3A_178, %add3A_200 : i32
      %lt3A_202 = arith.constant 125 : i32
      %lt3A_203 = arith.cmpi slt, %add3A_201, %lt3A_202 : i32
      %convert_element_type3A_204 = arith.extui %lt3A_203 : i1 to i32
      %cond3A_205 = arith.constant 0 : i32
      %cond3A_206 = arith.cmpi ne, %convert_element_type3A_204, %cond3A_205 : i32
      scf.if %cond3A_206 {
        %add3A_383 = arith.constant 4 : i32
        %add3A_384 = arith.addi %add3A_178, %add3A_383 : i32
        %mul3A_385 = arith.constant 10000 : i32
        %mul3A_386 = arith.muli %add3A, %mul3A_385 : i32
        %mul3A_387 = arith.constant 80 : i32
        %mul3A_388 = arith.muli %add3A_384, %mul3A_387 : i32
        %add3A_389 = arith.addi %mul3A_386, %mul3A_388 : i32
        %multiple_of3A_390 = tpu.assume_multiple %add3A_389, 8 : i32
        %dma_start3A_391 = arith.constant 0 : i32
        %dma_start3A_392 = tpu.memref_slice %arg4[%dma_start3A_391, %multiple_of3A_390] : memref<2x320000xi32, #tpu.memory_space<hbm>> -> memref<1x80xi32, #tpu.memory_space<hbm>>
        %dma_start3A_393 = tpu.memref_squeeze %dma_start3A_392 : memref<1x80xi32, #tpu.memory_space<hbm>> -> memref<80xi32, #tpu.memory_space<hbm>>
        %dma_start3A_394 = tpu.memref_slice %arg4[%dma_start3A_391, %multiple_of3A_390] : memref<2x320000xi32, #tpu.memory_space<hbm>> -> memref<1x80xi32, #tpu.memory_space<hbm>>
        %dma_start3A_395 = tpu.memref_squeeze %dma_start3A_394 : memref<1x80xi32, #tpu.memory_space<hbm>> -> memref<80xi32, #tpu.memory_space<hbm>>
        tpu.enqueue_dma source(%dma_start3A_395 : memref<80xi32, #tpu.memory_space<hbm>>) target(%arg6 : memref<80xi32, #tpu.memory_space<vmem>>) target_semaphore(%arg22 : memref<!tpu.dma_semaphore, #tpu.memory_space<semaphore_mem>>)
        %dma_start3A_396 = arith.constant 1 : i32
        %dma_start3A_397 = tpu.memref_slice %arg4[%dma_start3A_396, %multiple_of3A_390] : memref<2x320000xi32, #tpu.memory_space<hbm>> -> memref<1x80xi32, #tpu.memory_space<hbm>>
        %dma_start3A_398 = tpu.memref_squeeze %dma_start3A_397 : memref<1x80xi32, #tpu.memory_space<hbm>> -> memref<80xi32, #tpu.memory_space<hbm>>
        %dma_start3A_399 = tpu.memref_slice %arg4[%dma_start3A_396, %multiple_of3A_390] : memref<2x320000xi32, #tpu.memory_space<hbm>> -> memref<1x80xi32, #tpu.memory_space<hbm>>
        %dma_start3A_400 = tpu.memref_squeeze %dma_start3A_399 : memref<1x80xi32, #tpu.memory_space<hbm>> -> memref<80xi32, #tpu.memory_space<hbm>>
        tpu.enqueue_dma source(%dma_start3A_400 : memref<80xi32, #tpu.memory_space<hbm>>) target(%arg10 : memref<80xi32, #tpu.memory_space<vmem>>) target_semaphore(%arg22 : memref<!tpu.dma_semaphore, #tpu.memory_space<semaphore_mem>>)
      } else {
      }
      %scan3A_207 = arith.constant 0 : i32
      %scan3A_208 = arith.constant 0 : i32
      %scan3A_209 = arith.constant 80 : i32
      %scan3A_210 = arith.addi %scan3A_208, %scan3A_209 : i32
      %scan3A_211 = arith.constant 1 : i32
      scf.for %scan3A_383 = %scan3A_208 to %scan3A_210 step %scan3A_211  : i32 {
        %get3A = arith.index_cast %scan3A_383 : i32 to index
        %get3A_384 = arith.constant 0 : index
        %get3A_385 = tpu.vector_load %arg18[%get3A, %get3A_384] {strides = array<i32>} : memref<80x128xf32, #tpu.memory_space<vmem>>, vector<16xf32>,
        %get3A_386 = arith.index_cast %scan3A_383 : i32 to index
        %get3A_387 = arith.constant 0 : index
        %get3A_388 = tpu.vector_load %arg14[%get3A_386, %get3A_387] {strides = array<i32>} : memref<80x128xf32, #tpu.memory_space<vmem>>, vector<16xf32>,
        %add3A_389 = arith.addf %get3A_385, %get3A_388 : vector<16xf32>
        %swap3A = arith.index_cast %scan3A_383 : i32 to index
        %swap3A_390 = arith.constant 0 : index
        %swap3A_391 = tpu.vector_load %arg18[%swap3A, %swap3A_390] {strides = array<i32>} : memref<80x128xf32, #tpu.memory_space<vmem>>, vector<16xf32>,
        tpu.vector_store %arg18[%swap3A, %swap3A_390], %add3A_389 {strides = array<i32>} : memref<80x128xf32, #tpu.memory_space<vmem>>, vector<16xf32>,
        %get3A_392 = arith.index_cast %scan3A_383 : i32 to index
        %get3A_393 = arith.constant 16 : index
        %get3A_394 = tpu.vector_load %arg18[%get3A_392, %get3A_393] {strides = array<i32>} : memref<80x128xf32, #tpu.memory_space<vmem>>, vector<16xf32>,
        %get3A_395 = arith.index_cast %scan3A_383 : i32 to index
        %get3A_396 = arith.constant 16 : index
        %get3A_397 = tpu.vector_load %arg14[%get3A_395, %get3A_396] {strides = array<i32>} : memref<80x128xf32, #tpu.memory_space<vmem>>, vector<16xf32>,
        %add3A_398 = arith.addf %get3A_394, %get3A_397 : vector<16xf32>
        %swap3A_399 = arith.index_cast %scan3A_383 : i32 to index
        %swap3A_400 = arith.constant 16 : index
        %swap3A_401 = tpu.vector_load %arg18[%swap3A_399, %swap3A_400] {strides = array<i32>} : memref<80x128xf32, #tpu.memory_space<vmem>>, vector<16xf32>,
        tpu.vector_store %arg18[%swap3A_399, %swap3A_400], %add3A_398 {strides = array<i32>} : memref<80x128xf32, #tpu.memory_space<vmem>>, vector<16xf32>,
        %get3A_402 = arith.index_cast %scan3A_383 : i32 to index
        %get3A_403 = arith.constant 32 : index
        %get3A_404 = tpu.vector_load %arg18[%get3A_402, %get3A_403] {strides = array<i32>} : memref<80x128xf32, #tpu.memory_space<vmem>>, vector<16xf32>,
        %get3A_405 = arith.index_cast %scan3A_383 : i32 to index
        %get3A_406 = arith.constant 32 : index
        %get3A_407 = tpu.vector_load %arg14[%get3A_405, %get3A_406] {strides = array<i32>} : memref<80x128xf32, #tpu.memory_space<vmem>>, vector<16xf32>,
        %add3A_408 = arith.addf %get3A_404, %get3A_407 : vector<16xf32>
        %swap3A_409 = arith.index_cast %scan3A_383 : i32 to index
        %swap3A_410 = arith.constant 32 : index
        %swap3A_411 = tpu.vector_load %arg18[%swap3A_409, %swap3A_410] {strides = array<i32>} : memref<80x128xf32, #tpu.memory_space<vmem>>, vector<16xf32>,
        tpu.vector_store %arg18[%swap3A_409, %swap3A_410], %add3A_408 {strides = array<i32>} : memref<80x128xf32, #tpu.memory_space<vmem>>, vector<16xf32>,
        %get3A_412 = arith.index_cast %scan3A_383 : i32 to index
        %get3A_413 = arith.constant 48 : index
        %get3A_414 = tpu.vector_load %arg18[%get3A_412, %get3A_413] {strides = array<i32>} : memref<80x128xf32, #tpu.memory_space<vmem>>, vector<16xf32>,
        %get3A_415 = arith.index_cast %scan3A_383 : i32 to index
        %get3A_416 = arith.constant 48 : index
        %get3A_417 = tpu.vector_load %arg14[%get3A_415, %get3A_416] {strides = array<i32>} : memref<80x128xf32, #tpu.memory_space<vmem>>, vector<16xf32>,
        %add3A_418 = arith.addf %get3A_414, %get3A_417 : vector<16xf32>
        %swap3A_419 = arith.index_cast %scan3A_383 : i32 to index
        %swap3A_420 = arith.constant 48 : index
        %swap3A_421 = tpu.vector_load %arg18[%swap3A_419, %swap3A_420] {strides = array<i32>} : memref<80x128xf32, #tpu.memory_space<vmem>>, vector<16xf32>,
        tpu.vector_store %arg18[%swap3A_419, %swap3A_420], %add3A_418 {strides = array<i32>} : memref<80x128xf32, #tpu.memory_space<vmem>>, vector<16xf32>,
        %get3A_422 = arith.index_cast %scan3A_383 : i32 to index
        %get3A_423 = arith.constant 64 : index
        %get3A_424 = tpu.vector_load %arg18[%get3A_422, %get3A_423] {strides = array<i32>} : memref<80x128xf32, #tpu.memory_space<vmem>>, vector<16xf32>,
        %get3A_425 = arith.index_cast %scan3A_383 : i32 to index
        %get3A_426 = arith.constant 64 : index
        %get3A_427 = tpu.vector_load %arg14[%get3A_425, %get3A_426] {strides = array<i32>} : memref<80x128xf32, #tpu.memory_space<vmem>>, vector<16xf32>,
        %add3A_428 = arith.addf %get3A_424, %get3A_427 : vector<16xf32>
        %swap3A_429 = arith.index_cast %scan3A_383 : i32 to index
        %swap3A_430 = arith.constant 64 : index
        %swap3A_431 = tpu.vector_load %arg18[%swap3A_429, %swap3A_430] {strides = array<i32>} : memref<80x128xf32, #tpu.memory_space<vmem>>, vector<16xf32>,
        tpu.vector_store %arg18[%swap3A_429, %swap3A_430], %add3A_428 {strides = array<i32>} : memref<80x128xf32, #tpu.memory_space<vmem>>, vector<16xf32>,
        %get3A_432 = arith.index_cast %scan3A_383 : i32 to index
        %get3A_433 = arith.constant 80 : index
        %get3A_434 = tpu.vector_load %arg18[%get3A_432, %get3A_433] {strides = array<i32>} : memref<80x128xf32, #tpu.memory_space<vmem>>, vector<16xf32>,
        %get3A_435 = arith.index_cast %scan3A_383 : i32 to index
        %get3A_436 = arith.constant 80 : index
        %get3A_437 = tpu.vector_load %arg14[%get3A_435, %get3A_436] {strides = array<i32>} : memref<80x128xf32, #tpu.memory_space<vmem>>, vector<16xf32>,
        %add3A_438 = arith.addf %get3A_434, %get3A_437 : vector<16xf32>
        %swap3A_439 = arith.index_cast %scan3A_383 : i32 to index
        %swap3A_440 = arith.constant 80 : index
        %swap3A_441 = tpu.vector_load %arg18[%swap3A_439, %swap3A_440] {strides = array<i32>} : memref<80x128xf32, #tpu.memory_space<vmem>>, vector<16xf32>,
        tpu.vector_store %arg18[%swap3A_439, %swap3A_440], %add3A_438 {strides = array<i32>} : memref<80x128xf32, #tpu.memory_space<vmem>>, vector<16xf32>,
        %get3A_442 = arith.index_cast %scan3A_383 : i32 to index
        %get3A_443 = arith.constant 96 : index
        %get3A_444 = tpu.vector_load %arg18[%get3A_442, %get3A_443] {strides = array<i32>} : memref<80x128xf32, #tpu.memory_space<vmem>>, vector<16xf32>,
        %get3A_445 = arith.index_cast %scan3A_383 : i32 to index
        %get3A_446 = arith.constant 96 : index
        %get3A_447 = tpu.vector_load %arg14[%get3A_445, %get3A_446] {strides = array<i32>} : memref<80x128xf32, #tpu.memory_space<vmem>>, vector<16xf32>,
        %add3A_448 = arith.addf %get3A_444, %get3A_447 : vector<16xf32>
        %swap3A_449 = arith.index_cast %scan3A_383 : i32 to index
        %swap3A_450 = arith.constant 96 : index
        %swap3A_451 = tpu.vector_load %arg18[%swap3A_449, %swap3A_450] {strides = array<i32>} : memref<80x128xf32, #tpu.memory_space<vmem>>, vector<16xf32>,
        tpu.vector_store %arg18[%swap3A_449, %swap3A_450], %add3A_448 {strides = array<i32>} : memref<80x128xf32, #tpu.memory_space<vmem>>, vector<16xf32>,
        %get3A_452 = arith.index_cast %scan3A_383 : i32 to index
        %get3A_453 = arith.constant 112 : index
        %get3A_454 = tpu.vector_load %arg18[%get3A_452, %get3A_453] {strides = array<i32>} : memref<80x128xf32, #tpu.memory_space<vmem>>, vector<16xf32>,
        %get3A_455 = arith.index_cast %scan3A_383 : i32 to index
        %get3A_456 = arith.constant 112 : index
        %get3A_457 = tpu.vector_load %arg14[%get3A_455, %get3A_456] {strides = array<i32>} : memref<80x128xf32, #tpu.memory_space<vmem>>, vector<16xf32>,
        %add3A_458 = arith.addf %get3A_454, %get3A_457 : vector<16xf32>
        %swap3A_459 = arith.index_cast %scan3A_383 : i32 to index
        %swap3A_460 = arith.constant 112 : index
        %swap3A_461 = tpu.vector_load %arg18[%swap3A_459, %swap3A_460] {strides = array<i32>} : memref<80x128xf32, #tpu.memory_space<vmem>>, vector<16xf32>,
        tpu.vector_store %arg18[%swap3A_459, %swap3A_460], %add3A_458 {strides = array<i32>} : memref<80x128xf32, #tpu.memory_space<vmem>>, vector<16xf32>,
      }
      %scan3A_212 = arith.constant 80 : i32
      %mul3A_213 = arith.constant 125 : i32
      %mul3A_214 = arith.muli %add3A, %mul3A_213 : i32
      %add3A_215 = arith.addi %mul3A_214, %add3A_178 : i32
      %dma_start3A_216 = arith.constant 0 : i32
      %dma_start3A_217 = arith.constant 0 : i32
      %dma_start3A_218 = tpu.memref_slice %arg5[%add3A_215, %dma_start3A_216, %dma_start3A_217] : memref<4000x80x128xf32, #tpu.memory_space<hbm>> -> memref<1x80x128xf32, #tpu.memory_space<hbm>>
      %dma_start3A_219 = tpu.memref_squeeze %dma_start3A_218 : memref<1x80x128xf32, #tpu.memory_space<hbm>> -> memref<80x128xf32, #tpu.memory_space<hbm>>
      %dma_start3A_220 = arith.constant 0 : i32
      %dma_start3A_221 = arith.constant 0 : i32
      %dma_start3A_222 = tpu.memref_slice %arg5[%add3A_215, %dma_start3A_220, %dma_start3A_221] : memref<4000x80x128xf32, #tpu.memory_space<hbm>> -> memref<1x80x128xf32, #tpu.memory_space<hbm>>
      %dma_start3A_223 = tpu.memref_squeeze %dma_start3A_222 : memref<1x80x128xf32, #tpu.memory_space<hbm>> -> memref<80x128xf32, #tpu.memory_space<hbm>>
      tpu.enqueue_dma source(%arg18 : memref<80x128xf32, #tpu.memory_space<vmem>>) target(%dma_start3A_223 : memref<80x128xf32, #tpu.memory_space<hbm>>) target_semaphore(%arg34 : memref<!tpu.dma_semaphore, #tpu.memory_space<semaphore_mem>>)
      %mul3A_224 = arith.constant 4 : i32
      %mul3A_225 = arith.muli %mul3A_224, %scan3A_174 : i32
      %add3A_226 = arith.constant 1 : i32
      %add3A_227 = arith.addi %mul3A_225, %add3A_226 : i32
      %dma_wait3A_228 = arith.constant 0 : i32
      %dma_wait3A_229 = arith.constant 0 : i32
      %dma_wait3A_230 = tpu.memref_slice %arg2[%dma_wait3A_228, %dma_wait3A_229] : memref<10112x128xf32, #tpu.memory_space<hbm>> -> memref<10112x128xf32, #tpu.memory_space<hbm>>
      tpu.wait_indirect_dma semaphore(%arg27 : memref<!tpu.dma_semaphore, #tpu.memory_space<semaphore_mem>>) src(%dma_wait3A_230 : memref<10112x128xf32, #tpu.memory_space<hbm>>) dst(%arg15 : memref<80x128xf32, #tpu.memory_space<vmem>>)
      %dma_wait3A_231 = arith.constant 0 : i32
      %dma_wait3A_232 = arith.constant 0 : i32
      %dma_wait3A_233 = tpu.memref_slice %arg3[%dma_wait3A_231, %dma_wait3A_232] : memref<10112x128xf32, #tpu.memory_space<hbm>> -> memref<10112x128xf32, #tpu.memory_space<hbm>>
      tpu.wait_indirect_dma semaphore(%arg31 : memref<!tpu.dma_semaphore, #tpu.memory_space<semaphore_mem>>) src(%dma_wait3A_233 : memref<10112x128xf32, #tpu.memory_space<hbm>>) dst(%arg19 : memref<80x128xf32, #tpu.memory_space<vmem>>)
      %add3A_234 = arith.constant 3 : i32
      %add3A_235 = arith.addi %add3A_227, %add3A_234 : i32
      %lt3A_236 = arith.constant 125 : i32
      %lt3A_237 = arith.cmpi slt, %add3A_235, %lt3A_236 : i32
      %convert_element_type3A_238 = arith.extui %lt3A_237 : i1 to i32
      %cond3A_239 = arith.constant 0 : i32
      %cond3A_240 = arith.cmpi ne, %convert_element_type3A_238, %cond3A_239 : i32
      scf.if %cond3A_240 {
        %add3A_383 = arith.constant 3 : i32
        %add3A_384 = arith.addi %add3A_227, %add3A_383 : i32
        %mul3A_385 = arith.constant 10000 : i32
        %mul3A_386 = arith.muli %add3A, %mul3A_385 : i32
        %mul3A_387 = arith.constant 80 : i32
        %mul3A_388 = arith.muli %add3A_384, %mul3A_387 : i32
        %add3A_389 = arith.addi %mul3A_386, %mul3A_388 : i32
        %multiple_of3A_390 = tpu.assume_multiple %add3A_389, 8 : i32
        %dma_wait3A_391 = arith.constant 0 : i32
        %dma_wait3A_392 = tpu.memref_slice %arg4[%dma_wait3A_391, %multiple_of3A_390] : memref<2x320000xi32, #tpu.memory_space<hbm>> -> memref<1x80xi32, #tpu.memory_space<hbm>>
        %dma_wait3A_393 = tpu.memref_squeeze %dma_wait3A_392 : memref<1x80xi32, #tpu.memory_space<hbm>> -> memref<80xi32, #tpu.memory_space<hbm>>
        %dma_wait3A_394 = tpu.memref_slice %arg4[%dma_wait3A_391, %multiple_of3A_390] : memref<2x320000xi32, #tpu.memory_space<hbm>> -> memref<1x80xi32, #tpu.memory_space<hbm>>
        %dma_wait3A_395 = tpu.memref_squeeze %dma_wait3A_394 : memref<1x80xi32, #tpu.memory_space<hbm>> -> memref<80xi32, #tpu.memory_space<hbm>>
        tpu.wait_dma2 semaphore(%arg22 : memref<!tpu.dma_semaphore, #tpu.memory_space<semaphore_mem>>) src(%dma_wait3A_395 : memref<80xi32, #tpu.memory_space<hbm>>) dst(%arg6 : memref<80xi32, #tpu.memory_space<vmem>>)
        %dma_wait3A_396 = arith.constant 1 : i32
        %dma_wait3A_397 = tpu.memref_slice %arg4[%dma_wait3A_396, %multiple_of3A_390] : memref<2x320000xi32, #tpu.memory_space<hbm>> -> memref<1x80xi32, #tpu.memory_space<hbm>>
        %dma_wait3A_398 = tpu.memref_squeeze %dma_wait3A_397 : memref<1x80xi32, #tpu.memory_space<hbm>> -> memref<80xi32, #tpu.memory_space<hbm>>
        %dma_wait3A_399 = tpu.memref_slice %arg4[%dma_wait3A_396, %multiple_of3A_390] : memref<2x320000xi32, #tpu.memory_space<hbm>> -> memref<1x80xi32, #tpu.memory_space<hbm>>
        %dma_wait3A_400 = tpu.memref_squeeze %dma_wait3A_399 : memref<1x80xi32, #tpu.memory_space<hbm>> -> memref<80xi32, #tpu.memory_space<hbm>>
        tpu.wait_dma2 semaphore(%arg22 : memref<!tpu.dma_semaphore, #tpu.memory_space<semaphore_mem>>) src(%dma_wait3A_400 : memref<80xi32, #tpu.memory_space<hbm>>) dst(%arg10 : memref<80xi32, #tpu.memory_space<vmem>>)
      } else {
      }
      %gt3A_241 = arith.constant 0 : i32
      %gt3A_242 = arith.cmpi sgt, %add3A_227, %gt3A_241 : i32
      %convert_element_type3A_243 = arith.extui %gt3A_242 : i1 to i32
      %cond3A_244 = arith.constant 0 : i32
      %cond3A_245 = arith.cmpi ne, %convert_element_type3A_243, %cond3A_244 : i32
      scf.if %cond3A_245 {
        %sub3A = arith.constant 1 : i32
        %sub3A_383 = arith.subi %add3A_227, %sub3A : i32
        %mul3A_384 = arith.constant 125 : i32
        %mul3A_385 = arith.muli %add3A, %mul3A_384 : i32
        %add3A_386 = arith.addi %mul3A_385, %sub3A_383 : i32
        %dma_wait3A_387 = arith.constant 0 : i32
        %dma_wait3A_388 = arith.constant 0 : i32
        %dma_wait3A_389 = tpu.memref_slice %arg5[%add3A_386, %dma_wait3A_387, %dma_wait3A_388] : memref<4000x80x128xf32, #tpu.memory_space<hbm>> -> memref<1x80x128xf32, #tpu.memory_space<hbm>>
        %dma_wait3A_390 = tpu.memref_squeeze %dma_wait3A_389 : memref<1x80x128xf32, #tpu.memory_space<hbm>> -> memref<80x128xf32, #tpu.memory_space<hbm>>
        %dma_wait3A_391 = arith.constant 0 : i32
        %dma_wait3A_392 = arith.constant 0 : i32
        %dma_wait3A_393 = tpu.memref_slice %arg5[%add3A_386, %dma_wait3A_391, %dma_wait3A_392] : memref<4000x80x128xf32, #tpu.memory_space<hbm>> -> memref<1x80x128xf32, #tpu.memory_space<hbm>>
        %dma_wait3A_394 = tpu.memref_squeeze %dma_wait3A_393 : memref<1x80x128xf32, #tpu.memory_space<hbm>> -> memref<80x128xf32, #tpu.memory_space<hbm>>
        tpu.wait_dma2 semaphore(%arg34 : memref<!tpu.dma_semaphore, #tpu.memory_space<semaphore_mem>>) src(%arg18 : memref<80x128xf32, #tpu.memory_space<vmem>>) dst(%dma_wait3A_394 : memref<80x128xf32, #tpu.memory_space<hbm>>)
      } else {
      }
      %add3A_246 = arith.constant 3 : i32
      %add3A_247 = arith.addi %add3A_227, %add3A_246 : i32
      %lt3A_248 = arith.constant 125 : i32
      %lt3A_249 = arith.cmpi slt, %add3A_247, %lt3A_248 : i32
      %convert_element_type3A_250 = arith.extui %lt3A_249 : i1 to i32
      %cond3A_251 = arith.constant 0 : i32
      %cond3A_252 = arith.cmpi ne, %convert_element_type3A_250, %cond3A_251 : i32
      scf.if %cond3A_252 {
        %dma_start3A_383 = arith.constant 0 : i32
        %dma_start3A_384 = arith.constant 0 : i32
        %dma_start3A_385 = tpu.memref_slice %arg2[%dma_start3A_383, %dma_start3A_384] : memref<10112x128xf32, #tpu.memory_space<hbm>> -> memref<10112x128xf32, #tpu.memory_space<hbm>>
        tpu.enqueue_indirect_dma source(%dma_start3A_385 : memref<10112x128xf32, #tpu.memory_space<hbm>>) target(%arg14 : memref<80x128xf32, #tpu.memory_space<vmem>>) offsets(%arg6 : memref<80xi32, #tpu.memory_space<vmem>>) semaphore(%arg26 : memref<!tpu.dma_semaphore, #tpu.memory_space<semaphore_mem>>)
        %dma_start3A_386 = arith.constant 0 : i32
        %dma_start3A_387 = arith.constant 0 : i32
        %dma_start3A_388 = tpu.memref_slice %arg3[%dma_start3A_386, %dma_start3A_387] : memref<10112x128xf32, #tpu.memory_space<hbm>> -> memref<10112x128xf32, #tpu.memory_space<hbm>>
        tpu.enqueue_indirect_dma source(%dma_start3A_388 : memref<10112x128xf32, #tpu.memory_space<hbm>>) target(%arg18 : memref<80x128xf32, #tpu.memory_space<vmem>>) offsets(%arg10 : memref<80xi32, #tpu.memory_space<vmem>>) semaphore(%arg30 : memref<!tpu.dma_semaphore, #tpu.memory_space<semaphore_mem>>)
      } else {
      }
      %add3A_253 = arith.constant 4 : i32
      %add3A_254 = arith.addi %add3A_227, %add3A_253 : i32
      %lt3A_255 = arith.constant 125 : i32
      %lt3A_256 = arith.cmpi slt, %add3A_254, %lt3A_255 : i32
      %convert_element_type3A_257 = arith.extui %lt3A_256 : i1 to i32
      %cond3A_258 = arith.constant 0 : i32
      %cond3A_259 = arith.cmpi ne, %convert_element_type3A_257, %cond3A_258 : i32
      scf.if %cond3A_259 {
        %add3A_383 = arith.constant 4 : i32
        %add3A_384 = arith.addi %add3A_227, %add3A_383 : i32
        %mul3A_385 = arith.constant 10000 : i32
        %mul3A_386 = arith.muli %add3A, %mul3A_385 : i32
        %mul3A_387 = arith.constant 80 : i32
        %mul3A_388 = arith.muli %add3A_384, %mul3A_387 : i32
        %add3A_389 = arith.addi %mul3A_386, %mul3A_388 : i32
        %multiple_of3A_390 = tpu.assume_multiple %add3A_389, 8 : i32
        %dma_start3A_391 = arith.constant 0 : i32
        %dma_start3A_392 = tpu.memref_slice %arg4[%dma_start3A_391, %multiple_of3A_390] : memref<2x320000xi32, #tpu.memory_space<hbm>> -> memref<1x80xi32, #tpu.memory_space<hbm>>
        %dma_start3A_393 = tpu.memref_squeeze %dma_start3A_392 : memref<1x80xi32, #tpu.memory_space<hbm>> -> memref<80xi32, #tpu.memory_space<hbm>>
        %dma_start3A_394 = tpu.memref_slice %arg4[%dma_start3A_391, %multiple_of3A_390] : memref<2x320000xi32, #tpu.memory_space<hbm>> -> memref<1x80xi32, #tpu.memory_space<hbm>>
        %dma_start3A_395 = tpu.memref_squeeze %dma_start3A_394 : memref<1x80xi32, #tpu.memory_space<hbm>> -> memref<80xi32, #tpu.memory_space<hbm>>
        tpu.enqueue_dma source(%dma_start3A_395 : memref<80xi32, #tpu.memory_space<hbm>>) target(%arg7 : memref<80xi32, #tpu.memory_space<vmem>>) target_semaphore(%arg23 : memref<!tpu.dma_semaphore, #tpu.memory_space<semaphore_mem>>)
        %dma_start3A_396 = arith.constant 1 : i32
        %dma_start3A_397 = tpu.memref_slice %arg4[%dma_start3A_396, %multiple_of3A_390] : memref<2x320000xi32, #tpu.memory_space<hbm>> -> memref<1x80xi32, #tpu.memory_space<hbm>>
        %dma_start3A_398 = tpu.memref_squeeze %dma_start3A_397 : memref<1x80xi32, #tpu.memory_space<hbm>> -> memref<80xi32, #tpu.memory_space<hbm>>
        %dma_start3A_399 = tpu.memref_slice %arg4[%dma_start3A_396, %multiple_of3A_390] : memref<2x320000xi32, #tpu.memory_space<hbm>> -> memref<1x80xi32, #tpu.memory_space<hbm>>
        %dma_start3A_400 = tpu.memref_squeeze %dma_start3A_399 : memref<1x80xi32, #tpu.memory_space<hbm>> -> memref<80xi32, #tpu.memory_space<hbm>>
        tpu.enqueue_dma source(%dma_start3A_400 : memref<80xi32, #tpu.memory_space<hbm>>) target(%arg11 : memref<80xi32, #tpu.memory_space<vmem>>) target_semaphore(%arg23 : memref<!tpu.dma_semaphore, #tpu.memory_space<semaphore_mem>>)
      } else {
      }
      %scan3A_260 = arith.constant 0 : i32
      %scan3A_261 = arith.constant 0 : i32
      %scan3A_262 = arith.constant 80 : i32
      %scan3A_263 = arith.addi %scan3A_261, %scan3A_262 : i32
      %scan3A_264 = arith.constant 1 : i32
      scf.for %scan3A_383 = %scan3A_261 to %scan3A_263 step %scan3A_264  : i32 {
        %get3A = arith.index_cast %scan3A_383 : i32 to index
        %get3A_384 = arith.constant 0 : index
        %get3A_385 = tpu.vector_load %arg19[%get3A, %get3A_384] {strides = array<i32>} : memref<80x128xf32, #tpu.memory_space<vmem>>, vector<16xf32>,
        %get3A_386 = arith.index_cast %scan3A_383 : i32 to index
        %get3A_387 = arith.constant 0 : index
        %get3A_388 = tpu.vector_load %arg15[%get3A_386, %get3A_387] {strides = array<i32>} : memref<80x128xf32, #tpu.memory_space<vmem>>, vector<16xf32>,
        %add3A_389 = arith.addf %get3A_385, %get3A_388 : vector<16xf32>
        %swap3A = arith.index_cast %scan3A_383 : i32 to index
        %swap3A_390 = arith.constant 0 : index
        %swap3A_391 = tpu.vector_load %arg19[%swap3A, %swap3A_390] {strides = array<i32>} : memref<80x128xf32, #tpu.memory_space<vmem>>, vector<16xf32>,
        tpu.vector_store %arg19[%swap3A, %swap3A_390], %add3A_389 {strides = array<i32>} : memref<80x128xf32, #tpu.memory_space<vmem>>, vector<16xf32>,
        %get3A_392 = arith.index_cast %scan3A_383 : i32 to index
        %get3A_393 = arith.constant 16 : index
        %get3A_394 = tpu.vector_load %arg19[%get3A_392, %get3A_393] {strides = array<i32>} : memref<80x128xf32, #tpu.memory_space<vmem>>, vector<16xf32>,
        %get3A_395 = arith.index_cast %scan3A_383 : i32 to index
        %get3A_396 = arith.constant 16 : index
        %get3A_397 = tpu.vector_load %arg15[%get3A_395, %get3A_396] {strides = array<i32>} : memref<80x128xf32, #tpu.memory_space<vmem>>, vector<16xf32>,
        %add3A_398 = arith.addf %get3A_394, %get3A_397 : vector<16xf32>
        %swap3A_399 = arith.index_cast %scan3A_383 : i32 to index
        %swap3A_400 = arith.constant 16 : index
        %swap3A_401 = tpu.vector_load %arg19[%swap3A_399, %swap3A_400] {strides = array<i32>} : memref<80x128xf32, #tpu.memory_space<vmem>>, vector<16xf32>,
        tpu.vector_store %arg19[%swap3A_399, %swap3A_400], %add3A_398 {strides = array<i32>} : memref<80x128xf32, #tpu.memory_space<vmem>>, vector<16xf32>,
        %get3A_402 = arith.index_cast %scan3A_383 : i32 to index
        %get3A_403 = arith.constant 32 : index
        %get3A_404 = tpu.vector_load %arg19[%get3A_402, %get3A_403] {strides = array<i32>} : memref<80x128xf32, #tpu.memory_space<vmem>>, vector<16xf32>,
        %get3A_405 = arith.index_cast %scan3A_383 : i32 to index
        %get3A_406 = arith.constant 32 : index
        %get3A_407 = tpu.vector_load %arg15[%get3A_405, %get3A_406] {strides = array<i32>} : memref<80x128xf32, #tpu.memory_space<vmem>>, vector<16xf32>,
        %add3A_408 = arith.addf %get3A_404, %get3A_407 : vector<16xf32>
        %swap3A_409 = arith.index_cast %scan3A_383 : i32 to index
        %swap3A_410 = arith.constant 32 : index
        %swap3A_411 = tpu.vector_load %arg19[%swap3A_409, %swap3A_410] {strides = array<i32>} : memref<80x128xf32, #tpu.memory_space<vmem>>, vector<16xf32>,
        tpu.vector_store %arg19[%swap3A_409, %swap3A_410], %add3A_408 {strides = array<i32>} : memref<80x128xf32, #tpu.memory_space<vmem>>, vector<16xf32>,
        %get3A_412 = arith.index_cast %scan3A_383 : i32 to index
        %get3A_413 = arith.constant 48 : index
        %get3A_414 = tpu.vector_load %arg19[%get3A_412, %get3A_413] {strides = array<i32>} : memref<80x128xf32, #tpu.memory_space<vmem>>, vector<16xf32>,
        %get3A_415 = arith.index_cast %scan3A_383 : i32 to index
        %get3A_416 = arith.constant 48 : index
        %get3A_417 = tpu.vector_load %arg15[%get3A_415, %get3A_416] {strides = array<i32>} : memref<80x128xf32, #tpu.memory_space<vmem>>, vector<16xf32>,
        %add3A_418 = arith.addf %get3A_414, %get3A_417 : vector<16xf32>
        %swap3A_419 = arith.index_cast %scan3A_383 : i32 to index
        %swap3A_420 = arith.constant 48 : index
        %swap3A_421 = tpu.vector_load %arg19[%swap3A_419, %swap3A_420] {strides = array<i32>} : memref<80x128xf32, #tpu.memory_space<vmem>>, vector<16xf32>,
        tpu.vector_store %arg19[%swap3A_419, %swap3A_420], %add3A_418 {strides = array<i32>} : memref<80x128xf32, #tpu.memory_space<vmem>>, vector<16xf32>,
        %get3A_422 = arith.index_cast %scan3A_383 : i32 to index
        %get3A_423 = arith.constant 64 : index
        %get3A_424 = tpu.vector_load %arg19[%get3A_422, %get3A_423] {strides = array<i32>} : memref<80x128xf32, #tpu.memory_space<vmem>>, vector<16xf32>,
        %get3A_425 = arith.index_cast %scan3A_383 : i32 to index
        %get3A_426 = arith.constant 64 : index
        %get3A_427 = tpu.vector_load %arg15[%get3A_425, %get3A_426] {strides = array<i32>} : memref<80x128xf32, #tpu.memory_space<vmem>>, vector<16xf32>,
        %add3A_428 = arith.addf %get3A_424, %get3A_427 : vector<16xf32>
        %swap3A_429 = arith.index_cast %scan3A_383 : i32 to index
        %swap3A_430 = arith.constant 64 : index
        %swap3A_431 = tpu.vector_load %arg19[%swap3A_429, %swap3A_430] {strides = array<i32>} : memref<80x128xf32, #tpu.memory_space<vmem>>, vector<16xf32>,
        tpu.vector_store %arg19[%swap3A_429, %swap3A_430], %add3A_428 {strides = array<i32>} : memref<80x128xf32, #tpu.memory_space<vmem>>, vector<16xf32>,
        %get3A_432 = arith.index_cast %scan3A_383 : i32 to index
        %get3A_433 = arith.constant 80 : index
        %get3A_434 = tpu.vector_load %arg19[%get3A_432, %get3A_433] {strides = array<i32>} : memref<80x128xf32, #tpu.memory_space<vmem>>, vector<16xf32>,
        %get3A_435 = arith.index_cast %scan3A_383 : i32 to index
        %get3A_436 = arith.constant 80 : index
        %get3A_437 = tpu.vector_load %arg15[%get3A_435, %get3A_436] {strides = array<i32>} : memref<80x128xf32, #tpu.memory_space<vmem>>, vector<16xf32>,
        %add3A_438 = arith.addf %get3A_434, %get3A_437 : vector<16xf32>
        %swap3A_439 = arith.index_cast %scan3A_383 : i32 to index
        %swap3A_440 = arith.constant 80 : index
        %swap3A_441 = tpu.vector_load %arg19[%swap3A_439, %swap3A_440] {strides = array<i32>} : memref<80x128xf32, #tpu.memory_space<vmem>>, vector<16xf32>,
        tpu.vector_store %arg19[%swap3A_439, %swap3A_440], %add3A_438 {strides = array<i32>} : memref<80x128xf32, #tpu.memory_space<vmem>>, vector<16xf32>,
        %get3A_442 = arith.index_cast %scan3A_383 : i32 to index
        %get3A_443 = arith.constant 96 : index
        %get3A_444 = tpu.vector_load %arg19[%get3A_442, %get3A_443] {strides = array<i32>} : memref<80x128xf32, #tpu.memory_space<vmem>>, vector<16xf32>,
        %get3A_445 = arith.index_cast %scan3A_383 : i32 to index
        %get3A_446 = arith.constant 96 : index
        %get3A_447 = tpu.vector_load %arg15[%get3A_445, %get3A_446] {strides = array<i32>} : memref<80x128xf32, #tpu.memory_space<vmem>>, vector<16xf32>,
        %add3A_448 = arith.addf %get3A_444, %get3A_447 : vector<16xf32>
        %swap3A_449 = arith.index_cast %scan3A_383 : i32 to index
        %swap3A_450 = arith.constant 96 : index
        %swap3A_451 = tpu.vector_load %arg19[%swap3A_449, %swap3A_450] {strides = array<i32>} : memref<80x128xf32, #tpu.memory_space<vmem>>, vector<16xf32>,
        tpu.vector_store %arg19[%swap3A_449, %swap3A_450], %add3A_448 {strides = array<i32>} : memref<80x128xf32, #tpu.memory_space<vmem>>, vector<16xf32>,
        %get3A_452 = arith.index_cast %scan3A_383 : i32 to index
        %get3A_453 = arith.constant 112 : index
        %get3A_454 = tpu.vector_load %arg19[%get3A_452, %get3A_453] {strides = array<i32>} : memref<80x128xf32, #tpu.memory_space<vmem>>, vector<16xf32>,
        %get3A_455 = arith.index_cast %scan3A_383 : i32 to index
        %get3A_456 = arith.constant 112 : index
        %get3A_457 = tpu.vector_load %arg15[%get3A_455, %get3A_456] {strides = array<i32>} : memref<80x128xf32, #tpu.memory_space<vmem>>, vector<16xf32>,
        %add3A_458 = arith.addf %get3A_454, %get3A_457 : vector<16xf32>
        %swap3A_459 = arith.index_cast %scan3A_383 : i32 to index
        %swap3A_460 = arith.constant 112 : index
        %swap3A_461 = tpu.vector_load %arg19[%swap3A_459, %swap3A_460] {strides = array<i32>} : memref<80x128xf32, #tpu.memory_space<vmem>>, vector<16xf32>,
        tpu.vector_store %arg19[%swap3A_459, %swap3A_460], %add3A_458 {strides = array<i32>} : memref<80x128xf32, #tpu.memory_space<vmem>>, vector<16xf32>,
      }
      %scan3A_265 = arith.constant 80 : i32
      %mul3A_266 = arith.constant 125 : i32
      %mul3A_267 = arith.muli %add3A, %mul3A_266 : i32
      %add3A_268 = arith.addi %mul3A_267, %add3A_227 : i32
      %dma_start3A_269 = arith.constant 0 : i32
      %dma_start3A_270 = arith.constant 0 : i32
      %dma_start3A_271 = tpu.memref_slice %arg5[%add3A_268, %dma_start3A_269, %dma_start3A_270] : memref<4000x80x128xf32, #tpu.memory_space<hbm>> -> memref<1x80x128xf32, #tpu.memory_space<hbm>>
      %dma_start3A_272 = tpu.memref_squeeze %dma_start3A_271 : memref<1x80x128xf32, #tpu.memory_space<hbm>> -> memref<80x128xf32, #tpu.memory_space<hbm>>
      %dma_start3A_273 = arith.constant 0 : i32
      %dma_start3A_274 = arith.constant 0 : i32
      %dma_start3A_275 = tpu.memref_slice %arg5[%add3A_268, %dma_start3A_273, %dma_start3A_274] : memref<4000x80x128xf32, #tpu.memory_space<hbm>> -> memref<1x80x128xf32, #tpu.memory_space<hbm>>
      %dma_start3A_276 = tpu.memref_squeeze %dma_start3A_275 : memref<1x80x128xf32, #tpu.memory_space<hbm>> -> memref<80x128xf32, #tpu.memory_space<hbm>>
      tpu.enqueue_dma source(%arg19 : memref<80x128xf32, #tpu.memory_space<vmem>>) target(%dma_start3A_276 : memref<80x128xf32, #tpu.memory_space<hbm>>) target_semaphore(%arg35 : memref<!tpu.dma_semaphore, #tpu.memory_space<semaphore_mem>>)
      %mul3A_277 = arith.constant 4 : i32
      %mul3A_278 = arith.muli %mul3A_277, %scan3A_174 : i32
      %add3A_279 = arith.constant 2 : i32
      %add3A_280 = arith.addi %mul3A_278, %add3A_279 : i32
      %dma_wait3A_281 = arith.constant 0 : i32
      %dma_wait3A_282 = arith.constant 0 : i32
      %dma_wait3A_283 = tpu.memref_slice %arg2[%dma_wait3A_281, %dma_wait3A_282] : memref<10112x128xf32, #tpu.memory_space<hbm>> -> memref<10112x128xf32, #tpu.memory_space<hbm>>
      tpu.wait_indirect_dma semaphore(%arg28 : memref<!tpu.dma_semaphore, #tpu.memory_space<semaphore_mem>>) src(%dma_wait3A_283 : memref<10112x128xf32, #tpu.memory_space<hbm>>) dst(%arg16 : memref<80x128xf32, #tpu.memory_space<vmem>>)
      %dma_wait3A_284 = arith.constant 0 : i32
      %dma_wait3A_285 = arith.constant 0 : i32
      %dma_wait3A_286 = tpu.memref_slice %arg3[%dma_wait3A_284, %dma_wait3A_285] : memref<10112x128xf32, #tpu.memory_space<hbm>> -> memref<10112x128xf32, #tpu.memory_space<hbm>>
      tpu.wait_indirect_dma semaphore(%arg32 : memref<!tpu.dma_semaphore, #tpu.memory_space<semaphore_mem>>) src(%dma_wait3A_286 : memref<10112x128xf32, #tpu.memory_space<hbm>>) dst(%arg20 : memref<80x128xf32, #tpu.memory_space<vmem>>)
      %add3A_287 = arith.constant 3 : i32
      %add3A_288 = arith.addi %add3A_280, %add3A_287 : i32
      %lt3A_289 = arith.constant 125 : i32
      %lt3A_290 = arith.cmpi slt, %add3A_288, %lt3A_289 : i32
      %convert_element_type3A_291 = arith.extui %lt3A_290 : i1 to i32
      %cond3A_292 = arith.constant 0 : i32
      %cond3A_293 = arith.cmpi ne, %convert_element_type3A_291, %cond3A_292 : i32
      scf.if %cond3A_293 {
        %add3A_383 = arith.constant 3 : i32
        %add3A_384 = arith.addi %add3A_280, %add3A_383 : i32
        %mul3A_385 = arith.constant 10000 : i32
        %mul3A_386 = arith.muli %add3A, %mul3A_385 : i32
        %mul3A_387 = arith.constant 80 : i32
        %mul3A_388 = arith.muli %add3A_384, %mul3A_387 : i32
        %add3A_389 = arith.addi %mul3A_386, %mul3A_388 : i32
        %multiple_of3A_390 = tpu.assume_multiple %add3A_389, 8 : i32
        %dma_wait3A_391 = arith.constant 0 : i32
        %dma_wait3A_392 = tpu.memref_slice %arg4[%dma_wait3A_391, %multiple_of3A_390] : memref<2x320000xi32, #tpu.memory_space<hbm>> -> memref<1x80xi32, #tpu.memory_space<hbm>>
        %dma_wait3A_393 = tpu.memref_squeeze %dma_wait3A_392 : memref<1x80xi32, #tpu.memory_space<hbm>> -> memref<80xi32, #tpu.memory_space<hbm>>
        %dma_wait3A_394 = tpu.memref_slice %arg4[%dma_wait3A_391, %multiple_of3A_390] : memref<2x320000xi32, #tpu.memory_space<hbm>> -> memref<1x80xi32, #tpu.memory_space<hbm>>
        %dma_wait3A_395 = tpu.memref_squeeze %dma_wait3A_394 : memref<1x80xi32, #tpu.memory_space<hbm>> -> memref<80xi32, #tpu.memory_space<hbm>>
        tpu.wait_dma2 semaphore(%arg23 : memref<!tpu.dma_semaphore, #tpu.memory_space<semaphore_mem>>) src(%dma_wait3A_395 : memref<80xi32, #tpu.memory_space<hbm>>) dst(%arg7 : memref<80xi32, #tpu.memory_space<vmem>>)
        %dma_wait3A_396 = arith.constant 1 : i32
        %dma_wait3A_397 = tpu.memref_slice %arg4[%dma_wait3A_396, %multiple_of3A_390] : memref<2x320000xi32, #tpu.memory_space<hbm>> -> memref<1x80xi32, #tpu.memory_space<hbm>>
        %dma_wait3A_398 = tpu.memref_squeeze %dma_wait3A_397 : memref<1x80xi32, #tpu.memory_space<hbm>> -> memref<80xi32, #tpu.memory_space<hbm>>
        %dma_wait3A_399 = tpu.memref_slice %arg4[%dma_wait3A_396, %multiple_of3A_390] : memref<2x320000xi32, #tpu.memory_space<hbm>> -> memref<1x80xi32, #tpu.memory_space<hbm>>
        %dma_wait3A_400 = tpu.memref_squeeze %dma_wait3A_399 : memref<1x80xi32, #tpu.memory_space<hbm>> -> memref<80xi32, #tpu.memory_space<hbm>>
        tpu.wait_dma2 semaphore(%arg23 : memref<!tpu.dma_semaphore, #tpu.memory_space<semaphore_mem>>) src(%dma_wait3A_400 : memref<80xi32, #tpu.memory_space<hbm>>) dst(%arg11 : memref<80xi32, #tpu.memory_space<vmem>>)
      } else {
      }
      %gt3A_294 = arith.constant 0 : i32
      %gt3A_295 = arith.cmpi sgt, %add3A_280, %gt3A_294 : i32
      %convert_element_type3A_296 = arith.extui %gt3A_295 : i1 to i32
      %cond3A_297 = arith.constant 0 : i32
      %cond3A_298 = arith.cmpi ne, %convert_element_type3A_296, %cond3A_297 : i32
      scf.if %cond3A_298 {
        %sub3A = arith.constant 1 : i32
        %sub3A_383 = arith.subi %add3A_280, %sub3A : i32
        %mul3A_384 = arith.constant 125 : i32
        %mul3A_385 = arith.muli %add3A, %mul3A_384 : i32
        %add3A_386 = arith.addi %mul3A_385, %sub3A_383 : i32
        %dma_wait3A_387 = arith.constant 0 : i32
        %dma_wait3A_388 = arith.constant 0 : i32
        %dma_wait3A_389 = tpu.memref_slice %arg5[%add3A_386, %dma_wait3A_387, %dma_wait3A_388] : memref<4000x80x128xf32, #tpu.memory_space<hbm>> -> memref<1x80x128xf32, #tpu.memory_space<hbm>>
        %dma_wait3A_390 = tpu.memref_squeeze %dma_wait3A_389 : memref<1x80x128xf32, #tpu.memory_space<hbm>> -> memref<80x128xf32, #tpu.memory_space<hbm>>
        %dma_wait3A_391 = arith.constant 0 : i32
        %dma_wait3A_392 = arith.constant 0 : i32
        %dma_wait3A_393 = tpu.memref_slice %arg5[%add3A_386, %dma_wait3A_391, %dma_wait3A_392] : memref<4000x80x128xf32, #tpu.memory_space<hbm>> -> memref<1x80x128xf32, #tpu.memory_space<hbm>>
        %dma_wait3A_394 = tpu.memref_squeeze %dma_wait3A_393 : memref<1x80x128xf32, #tpu.memory_space<hbm>> -> memref<80x128xf32, #tpu.memory_space<hbm>>
        tpu.wait_dma2 semaphore(%arg35 : memref<!tpu.dma_semaphore, #tpu.memory_space<semaphore_mem>>) src(%arg19 : memref<80x128xf32, #tpu.memory_space<vmem>>) dst(%dma_wait3A_394 : memref<80x128xf32, #tpu.memory_space<hbm>>)
      } else {
      }
      %add3A_299 = arith.constant 3 : i32
      %add3A_300 = arith.addi %add3A_280, %add3A_299 : i32
      %lt3A_301 = arith.constant 125 : i32
      %lt3A_302 = arith.cmpi slt, %add3A_300, %lt3A_301 : i32
      %convert_element_type3A_303 = arith.extui %lt3A_302 : i1 to i32
      %cond3A_304 = arith.constant 0 : i32
      %cond3A_305 = arith.cmpi ne, %convert_element_type3A_303, %cond3A_304 : i32
      scf.if %cond3A_305 {
        %dma_start3A_383 = arith.constant 0 : i32
        %dma_start3A_384 = arith.constant 0 : i32
        %dma_start3A_385 = tpu.memref_slice %arg2[%dma_start3A_383, %dma_start3A_384] : memref<10112x128xf32, #tpu.memory_space<hbm>> -> memref<10112x128xf32, #tpu.memory_space<hbm>>
        tpu.enqueue_indirect_dma source(%dma_start3A_385 : memref<10112x128xf32, #tpu.memory_space<hbm>>) target(%arg15 : memref<80x128xf32, #tpu.memory_space<vmem>>) offsets(%arg7 : memref<80xi32, #tpu.memory_space<vmem>>) semaphore(%arg27 : memref<!tpu.dma_semaphore, #tpu.memory_space<semaphore_mem>>)
        %dma_start3A_386 = arith.constant 0 : i32
        %dma_start3A_387 = arith.constant 0 : i32
        %dma_start3A_388 = tpu.memref_slice %arg3[%dma_start3A_386, %dma_start3A_387] : memref<10112x128xf32, #tpu.memory_space<hbm>> -> memref<10112x128xf32, #tpu.memory_space<hbm>>
        tpu.enqueue_indirect_dma source(%dma_start3A_388 : memref<10112x128xf32, #tpu.memory_space<hbm>>) target(%arg19 : memref<80x128xf32, #tpu.memory_space<vmem>>) offsets(%arg11 : memref<80xi32, #tpu.memory_space<vmem>>) semaphore(%arg31 : memref<!tpu.dma_semaphore, #tpu.memory_space<semaphore_mem>>)
      } else {
      }
      %add3A_306 = arith.constant 4 : i32
      %add3A_307 = arith.addi %add3A_280, %add3A_306 : i32
      %lt3A_308 = arith.constant 125 : i32
      %lt3A_309 = arith.cmpi slt, %add3A_307, %lt3A_308 : i32
      %convert_element_type3A_310 = arith.extui %lt3A_309 : i1 to i32
      %cond3A_311 = arith.constant 0 : i32
      %cond3A_312 = arith.cmpi ne, %convert_element_type3A_310, %cond3A_311 : i32
      scf.if %cond3A_312 {
        %add3A_383 = arith.constant 4 : i32
        %add3A_384 = arith.addi %add3A_280, %add3A_383 : i32
        %mul3A_385 = arith.constant 10000 : i32
        %mul3A_386 = arith.muli %add3A, %mul3A_385 : i32
        %mul3A_387 = arith.constant 80 : i32
        %mul3A_388 = arith.muli %add3A_384, %mul3A_387 : i32
        %add3A_389 = arith.addi %mul3A_386, %mul3A_388 : i32
        %multiple_of3A_390 = tpu.assume_multiple %add3A_389, 8 : i32
        %dma_start3A_391 = arith.constant 0 : i32
        %dma_start3A_392 = tpu.memref_slice %arg4[%dma_start3A_391, %multiple_of3A_390] : memref<2x320000xi32, #tpu.memory_space<hbm>> -> memref<1x80xi32, #tpu.memory_space<hbm>>
        %dma_start3A_393 = tpu.memref_squeeze %dma_start3A_392 : memref<1x80xi32, #tpu.memory_space<hbm>> -> memref<80xi32, #tpu.memory_space<hbm>>
        %dma_start3A_394 = tpu.memref_slice %arg4[%dma_start3A_391, %multiple_of3A_390] : memref<2x320000xi32, #tpu.memory_space<hbm>> -> memref<1x80xi32, #tpu.memory_space<hbm>>
        %dma_start3A_395 = tpu.memref_squeeze %dma_start3A_394 : memref<1x80xi32, #tpu.memory_space<hbm>> -> memref<80xi32, #tpu.memory_space<hbm>>
        tpu.enqueue_dma source(%dma_start3A_395 : memref<80xi32, #tpu.memory_space<hbm>>) target(%arg8 : memref<80xi32, #tpu.memory_space<vmem>>) target_semaphore(%arg24 : memref<!tpu.dma_semaphore, #tpu.memory_space<semaphore_mem>>)
        %dma_start3A_396 = arith.constant 1 : i32
        %dma_start3A_397 = tpu.memref_slice %arg4[%dma_start3A_396, %multiple_of3A_390] : memref<2x320000xi32, #tpu.memory_space<hbm>> -> memref<1x80xi32, #tpu.memory_space<hbm>>
        %dma_start3A_398 = tpu.memref_squeeze %dma_start3A_397 : memref<1x80xi32, #tpu.memory_space<hbm>> -> memref<80xi32, #tpu.memory_space<hbm>>
        %dma_start3A_399 = tpu.memref_slice %arg4[%dma_start3A_396, %multiple_of3A_390] : memref<2x320000xi32, #tpu.memory_space<hbm>> -> memref<1x80xi32, #tpu.memory_space<hbm>>
        %dma_start3A_400 = tpu.memref_squeeze %dma_start3A_399 : memref<1x80xi32, #tpu.memory_space<hbm>> -> memref<80xi32, #tpu.memory_space<hbm>>
        tpu.enqueue_dma source(%dma_start3A_400 : memref<80xi32, #tpu.memory_space<hbm>>) target(%arg12 : memref<80xi32, #tpu.memory_space<vmem>>) target_semaphore(%arg24 : memref<!tpu.dma_semaphore, #tpu.memory_space<semaphore_mem>>)
      } else {
      }
      %scan3A_313 = arith.constant 0 : i32
      %scan3A_314 = arith.constant 0 : i32
      %scan3A_315 = arith.constant 80 : i32
      %scan3A_316 = arith.addi %scan3A_314, %scan3A_315 : i32
      %scan3A_317 = arith.constant 1 : i32
      scf.for %scan3A_383 = %scan3A_314 to %scan3A_316 step %scan3A_317  : i32 {
        %get3A = arith.index_cast %scan3A_383 : i32 to index
        %get3A_384 = arith.constant 0 : index
        %get3A_385 = tpu.vector_load %arg20[%get3A, %get3A_384] {strides = array<i32>} : memref<80x128xf32, #tpu.memory_space<vmem>>, vector<16xf32>,
        %get3A_386 = arith.index_cast %scan3A_383 : i32 to index
        %get3A_387 = arith.constant 0 : index
        %get3A_388 = tpu.vector_load %arg16[%get3A_386, %get3A_387] {strides = array<i32>} : memref<80x128xf32, #tpu.memory_space<vmem>>, vector<16xf32>,
        %add3A_389 = arith.addf %get3A_385, %get3A_388 : vector<16xf32>
        %swap3A = arith.index_cast %scan3A_383 : i32 to index
        %swap3A_390 = arith.constant 0 : index
        %swap3A_391 = tpu.vector_load %arg20[%swap3A, %swap3A_390] {strides = array<i32>} : memref<80x128xf32, #tpu.memory_space<vmem>>, vector<16xf32>,
        tpu.vector_store %arg20[%swap3A, %swap3A_390], %add3A_389 {strides = array<i32>} : memref<80x128xf32, #tpu.memory_space<vmem>>, vector<16xf32>,
        %get3A_392 = arith.index_cast %scan3A_383 : i32 to index
        %get3A_393 = arith.constant 16 : index
        %get3A_394 = tpu.vector_load %arg20[%get3A_392, %get3A_393] {strides = array<i32>} : memref<80x128xf32, #tpu.memory_space<vmem>>, vector<16xf32>,
        %get3A_395 = arith.index_cast %scan3A_383 : i32 to index
        %get3A_396 = arith.constant 16 : index
        %get3A_397 = tpu.vector_load %arg16[%get3A_395, %get3A_396] {strides = array<i32>} : memref<80x128xf32, #tpu.memory_space<vmem>>, vector<16xf32>,
        %add3A_398 = arith.addf %get3A_394, %get3A_397 : vector<16xf32>
        %swap3A_399 = arith.index_cast %scan3A_383 : i32 to index
        %swap3A_400 = arith.constant 16 : index
        %swap3A_401 = tpu.vector_load %arg20[%swap3A_399, %swap3A_400] {strides = array<i32>} : memref<80x128xf32, #tpu.memory_space<vmem>>, vector<16xf32>,
        tpu.vector_store %arg20[%swap3A_399, %swap3A_400], %add3A_398 {strides = array<i32>} : memref<80x128xf32, #tpu.memory_space<vmem>>, vector<16xf32>,
        %get3A_402 = arith.index_cast %scan3A_383 : i32 to index
        %get3A_403 = arith.constant 32 : index
        %get3A_404 = tpu.vector_load %arg20[%get3A_402, %get3A_403] {strides = array<i32>} : memref<80x128xf32, #tpu.memory_space<vmem>>, vector<16xf32>,
        %get3A_405 = arith.index_cast %scan3A_383 : i32 to index
        %get3A_406 = arith.constant 32 : index
        %get3A_407 = tpu.vector_load %arg16[%get3A_405, %get3A_406] {strides = array<i32>} : memref<80x128xf32, #tpu.memory_space<vmem>>, vector<16xf32>,
        %add3A_408 = arith.addf %get3A_404, %get3A_407 : vector<16xf32>
        %swap3A_409 = arith.index_cast %scan3A_383 : i32 to index
        %swap3A_410 = arith.constant 32 : index
        %swap3A_411 = tpu.vector_load %arg20[%swap3A_409, %swap3A_410] {strides = array<i32>} : memref<80x128xf32, #tpu.memory_space<vmem>>, vector<16xf32>,
        tpu.vector_store %arg20[%swap3A_409, %swap3A_410], %add3A_408 {strides = array<i32>} : memref<80x128xf32, #tpu.memory_space<vmem>>, vector<16xf32>,
        %get3A_412 = arith.index_cast %scan3A_383 : i32 to index
        %get3A_413 = arith.constant 48 : index
        %get3A_414 = tpu.vector_load %arg20[%get3A_412, %get3A_413] {strides = array<i32>} : memref<80x128xf32, #tpu.memory_space<vmem>>, vector<16xf32>,
        %get3A_415 = arith.index_cast %scan3A_383 : i32 to index
        %get3A_416 = arith.constant 48 : index
        %get3A_417 = tpu.vector_load %arg16[%get3A_415, %get3A_416] {strides = array<i32>} : memref<80x128xf32, #tpu.memory_space<vmem>>, vector<16xf32>,
        %add3A_418 = arith.addf %get3A_414, %get3A_417 : vector<16xf32>
        %swap3A_419 = arith.index_cast %scan3A_383 : i32 to index
        %swap3A_420 = arith.constant 48 : index
        %swap3A_421 = tpu.vector_load %arg20[%swap3A_419, %swap3A_420] {strides = array<i32>} : memref<80x128xf32, #tpu.memory_space<vmem>>, vector<16xf32>,
        tpu.vector_store %arg20[%swap3A_419, %swap3A_420], %add3A_418 {strides = array<i32>} : memref<80x128xf32, #tpu.memory_space<vmem>>, vector<16xf32>,
        %get3A_422 = arith.index_cast %scan3A_383 : i32 to index
        %get3A_423 = arith.constant 64 : index
        %get3A_424 = tpu.vector_load %arg20[%get3A_422, %get3A_423] {strides = array<i32>} : memref<80x128xf32, #tpu.memory_space<vmem>>, vector<16xf32>,
        %get3A_425 = arith.index_cast %scan3A_383 : i32 to index
        %get3A_426 = arith.constant 64 : index
        %get3A_427 = tpu.vector_load %arg16[%get3A_425, %get3A_426] {strides = array<i32>} : memref<80x128xf32, #tpu.memory_space<vmem>>, vector<16xf32>,
        %add3A_428 = arith.addf %get3A_424, %get3A_427 : vector<16xf32>
        %swap3A_429 = arith.index_cast %scan3A_383 : i32 to index
        %swap3A_430 = arith.constant 64 : index
        %swap3A_431 = tpu.vector_load %arg20[%swap3A_429, %swap3A_430] {strides = array<i32>} : memref<80x128xf32, #tpu.memory_space<vmem>>, vector<16xf32>,
        tpu.vector_store %arg20[%swap3A_429, %swap3A_430], %add3A_428 {strides = array<i32>} : memref<80x128xf32, #tpu.memory_space<vmem>>, vector<16xf32>,
        %get3A_432 = arith.index_cast %scan3A_383 : i32 to index
        %get3A_433 = arith.constant 80 : index
        %get3A_434 = tpu.vector_load %arg20[%get3A_432, %get3A_433] {strides = array<i32>} : memref<80x128xf32, #tpu.memory_space<vmem>>, vector<16xf32>,
        %get3A_435 = arith.index_cast %scan3A_383 : i32 to index
        %get3A_436 = arith.constant 80 : index
        %get3A_437 = tpu.vector_load %arg16[%get3A_435, %get3A_436] {strides = array<i32>} : memref<80x128xf32, #tpu.memory_space<vmem>>, vector<16xf32>,
        %add3A_438 = arith.addf %get3A_434, %get3A_437 : vector<16xf32>
        %swap3A_439 = arith.index_cast %scan3A_383 : i32 to index
        %swap3A_440 = arith.constant 80 : index
        %swap3A_441 = tpu.vector_load %arg20[%swap3A_439, %swap3A_440] {strides = array<i32>} : memref<80x128xf32, #tpu.memory_space<vmem>>, vector<16xf32>,
        tpu.vector_store %arg20[%swap3A_439, %swap3A_440], %add3A_438 {strides = array<i32>} : memref<80x128xf32, #tpu.memory_space<vmem>>, vector<16xf32>,
        %get3A_442 = arith.index_cast %scan3A_383 : i32 to index
        %get3A_443 = arith.constant 96 : index
        %get3A_444 = tpu.vector_load %arg20[%get3A_442, %get3A_443] {strides = array<i32>} : memref<80x128xf32, #tpu.memory_space<vmem>>, vector<16xf32>,
        %get3A_445 = arith.index_cast %scan3A_383 : i32 to index
        %get3A_446 = arith.constant 96 : index
        %get3A_447 = tpu.vector_load %arg16[%get3A_445, %get3A_446] {strides = array<i32>} : memref<80x128xf32, #tpu.memory_space<vmem>>, vector<16xf32>,
        %add3A_448 = arith.addf %get3A_444, %get3A_447 : vector<16xf32>
        %swap3A_449 = arith.index_cast %scan3A_383 : i32 to index
        %swap3A_450 = arith.constant 96 : index
        %swap3A_451 = tpu.vector_load %arg20[%swap3A_449, %swap3A_450] {strides = array<i32>} : memref<80x128xf32, #tpu.memory_space<vmem>>, vector<16xf32>,
        tpu.vector_store %arg20[%swap3A_449, %swap3A_450], %add3A_448 {strides = array<i32>} : memref<80x128xf32, #tpu.memory_space<vmem>>, vector<16xf32>,
        %get3A_452 = arith.index_cast %scan3A_383 : i32 to index
        %get3A_453 = arith.constant 112 : index
        %get3A_454 = tpu.vector_load %arg20[%get3A_452, %get3A_453] {strides = array<i32>} : memref<80x128xf32, #tpu.memory_space<vmem>>, vector<16xf32>,
        %get3A_455 = arith.index_cast %scan3A_383 : i32 to index
        %get3A_456 = arith.constant 112 : index
        %get3A_457 = tpu.vector_load %arg16[%get3A_455, %get3A_456] {strides = array<i32>} : memref<80x128xf32, #tpu.memory_space<vmem>>, vector<16xf32>,
        %add3A_458 = arith.addf %get3A_454, %get3A_457 : vector<16xf32>
        %swap3A_459 = arith.index_cast %scan3A_383 : i32 to index
        %swap3A_460 = arith.constant 112 : index
        %swap3A_461 = tpu.vector_load %arg20[%swap3A_459, %swap3A_460] {strides = array<i32>} : memref<80x128xf32, #tpu.memory_space<vmem>>, vector<16xf32>,
        tpu.vector_store %arg20[%swap3A_459, %swap3A_460], %add3A_458 {strides = array<i32>} : memref<80x128xf32, #tpu.memory_space<vmem>>, vector<16xf32>,
      }
      %scan3A_318 = arith.constant 80 : i32
      %mul3A_319 = arith.constant 125 : i32
      %mul3A_320 = arith.muli %add3A, %mul3A_319 : i32
      %add3A_321 = arith.addi %mul3A_320, %add3A_280 : i32
      %dma_start3A_322 = arith.constant 0 : i32
      %dma_start3A_323 = arith.constant 0 : i32
      %dma_start3A_324 = tpu.memref_slice %arg5[%add3A_321, %dma_start3A_322, %dma_start3A_323] : memref<4000x80x128xf32, #tpu.memory_space<hbm>> -> memref<1x80x128xf32, #tpu.memory_space<hbm>>
      %dma_start3A_325 = tpu.memref_squeeze %dma_start3A_324 : memref<1x80x128xf32, #tpu.memory_space<hbm>> -> memref<80x128xf32, #tpu.memory_space<hbm>>
      %dma_start3A_326 = arith.constant 0 : i32
      %dma_start3A_327 = arith.constant 0 : i32
      %dma_start3A_328 = tpu.memref_slice %arg5[%add3A_321, %dma_start3A_326, %dma_start3A_327] : memref<4000x80x128xf32, #tpu.memory_space<hbm>> -> memref<1x80x128xf32, #tpu.memory_space<hbm>>
      %dma_start3A_329 = tpu.memref_squeeze %dma_start3A_328 : memref<1x80x128xf32, #tpu.memory_space<hbm>> -> memref<80x128xf32, #tpu.memory_space<hbm>>
      tpu.enqueue_dma source(%arg20 : memref<80x128xf32, #tpu.memory_space<vmem>>) target(%dma_start3A_329 : memref<80x128xf32, #tpu.memory_space<hbm>>) target_semaphore(%arg36 : memref<!tpu.dma_semaphore, #tpu.memory_space<semaphore_mem>>)
      %mul3A_330 = arith.constant 4 : i32
      %mul3A_331 = arith.muli %mul3A_330, %scan3A_174 : i32
      %add3A_332 = arith.constant 3 : i32
      %add3A_333 = arith.addi %mul3A_331, %add3A_332 : i32
      %dma_wait3A_334 = arith.constant 0 : i32
      %dma_wait3A_335 = arith.constant 0 : i32
      %dma_wait3A_336 = tpu.memref_slice %arg2[%dma_wait3A_334, %dma_wait3A_335] : memref<10112x128xf32, #tpu.memory_space<hbm>> -> memref<10112x128xf32, #tpu.memory_space<hbm>>
      tpu.wait_indirect_dma semaphore(%arg29 : memref<!tpu.dma_semaphore, #tpu.memory_space<semaphore_mem>>) src(%dma_wait3A_336 : memref<10112x128xf32, #tpu.memory_space<hbm>>) dst(%arg17 : memref<80x128xf32, #tpu.memory_space<vmem>>)
      %dma_wait3A_337 = arith.constant 0 : i32
      %dma_wait3A_338 = arith.constant 0 : i32
      %dma_wait3A_339 = tpu.memref_slice %arg3[%dma_wait3A_337, %dma_wait3A_338] : memref<10112x128xf32, #tpu.memory_space<hbm>> -> memref<10112x128xf32, #tpu.memory_space<hbm>>
      tpu.wait_indirect_dma semaphore(%arg33 : memref<!tpu.dma_semaphore, #tpu.memory_space<semaphore_mem>>) src(%dma_wait3A_339 : memref<10112x128xf32, #tpu.memory_space<hbm>>) dst(%arg21 : memref<80x128xf32, #tpu.memory_space<vmem>>)
      %add3A_340 = arith.constant 3 : i32
      %add3A_341 = arith.addi %add3A_333, %add3A_340 : i32
      %lt3A_342 = arith.constant 125 : i32
      %lt3A_343 = arith.cmpi slt, %add3A_341, %lt3A_342 : i32
      %convert_element_type3A_344 = arith.extui %lt3A_343 : i1 to i32
      %cond3A_345 = arith.constant 0 : i32
      %cond3A_346 = arith.cmpi ne, %convert_element_type3A_344, %cond3A_345 : i32
      scf.if %cond3A_346 {
        %add3A_383 = arith.constant 3 : i32
        %add3A_384 = arith.addi %add3A_333, %add3A_383 : i32
        %mul3A_385 = arith.constant 10000 : i32
        %mul3A_386 = arith.muli %add3A, %mul3A_385 : i32
        %mul3A_387 = arith.constant 80 : i32
        %mul3A_388 = arith.muli %add3A_384, %mul3A_387 : i32
        %add3A_389 = arith.addi %mul3A_386, %mul3A_388 : i32
        %multiple_of3A_390 = tpu.assume_multiple %add3A_389, 8 : i32
        %dma_wait3A_391 = arith.constant 0 : i32
        %dma_wait3A_392 = tpu.memref_slice %arg4[%dma_wait3A_391, %multiple_of3A_390] : memref<2x320000xi32, #tpu.memory_space<hbm>> -> memref<1x80xi32, #tpu.memory_space<hbm>>
        %dma_wait3A_393 = tpu.memref_squeeze %dma_wait3A_392 : memref<1x80xi32, #tpu.memory_space<hbm>> -> memref<80xi32, #tpu.memory_space<hbm>>
        %dma_wait3A_394 = tpu.memref_slice %arg4[%dma_wait3A_391, %multiple_of3A_390] : memref<2x320000xi32, #tpu.memory_space<hbm>> -> memref<1x80xi32, #tpu.memory_space<hbm>>
        %dma_wait3A_395 = tpu.memref_squeeze %dma_wait3A_394 : memref<1x80xi32, #tpu.memory_space<hbm>> -> memref<80xi32, #tpu.memory_space<hbm>>
        tpu.wait_dma2 semaphore(%arg24 : memref<!tpu.dma_semaphore, #tpu.memory_space<semaphore_mem>>) src(%dma_wait3A_395 : memref<80xi32, #tpu.memory_space<hbm>>) dst(%arg8 : memref<80xi32, #tpu.memory_space<vmem>>)
        %dma_wait3A_396 = arith.constant 1 : i32
        %dma_wait3A_397 = tpu.memref_slice %arg4[%dma_wait3A_396, %multiple_of3A_390] : memref<2x320000xi32, #tpu.memory_space<hbm>> -> memref<1x80xi32, #tpu.memory_space<hbm>>
        %dma_wait3A_398 = tpu.memref_squeeze %dma_wait3A_397 : memref<1x80xi32, #tpu.memory_space<hbm>> -> memref<80xi32, #tpu.memory_space<hbm>>
        %dma_wait3A_399 = tpu.memref_slice %arg4[%dma_wait3A_396, %multiple_of3A_390] : memref<2x320000xi32, #tpu.memory_space<hbm>> -> memref<1x80xi32, #tpu.memory_space<hbm>>
        %dma_wait3A_400 = tpu.memref_squeeze %dma_wait3A_399 : memref<1x80xi32, #tpu.memory_space<hbm>> -> memref<80xi32, #tpu.memory_space<hbm>>
        tpu.wait_dma2 semaphore(%arg24 : memref<!tpu.dma_semaphore, #tpu.memory_space<semaphore_mem>>) src(%dma_wait3A_400 : memref<80xi32, #tpu.memory_space<hbm>>) dst(%arg12 : memref<80xi32, #tpu.memory_space<vmem>>)
      } else {
      }
      %gt3A_347 = arith.constant 0 : i32
      %gt3A_348 = arith.cmpi sgt, %add3A_333, %gt3A_347 : i32
      %convert_element_type3A_349 = arith.extui %gt3A_348 : i1 to i32
      %cond3A_350 = arith.constant 0 : i32
      %cond3A_351 = arith.cmpi ne, %convert_element_type3A_349, %cond3A_350 : i32
      scf.if %cond3A_351 {
        %sub3A = arith.constant 1 : i32
        %sub3A_383 = arith.subi %add3A_333, %sub3A : i32
        %mul3A_384 = arith.constant 125 : i32
        %mul3A_385 = arith.muli %add3A, %mul3A_384 : i32
        %add3A_386 = arith.addi %mul3A_385, %sub3A_383 : i32
        %dma_wait3A_387 = arith.constant 0 : i32
        %dma_wait3A_388 = arith.constant 0 : i32
        %dma_wait3A_389 = tpu.memref_slice %arg5[%add3A_386, %dma_wait3A_387, %dma_wait3A_388] : memref<4000x80x128xf32, #tpu.memory_space<hbm>> -> memref<1x80x128xf32, #tpu.memory_space<hbm>>
        %dma_wait3A_390 = tpu.memref_squeeze %dma_wait3A_389 : memref<1x80x128xf32, #tpu.memory_space<hbm>> -> memref<80x128xf32, #tpu.memory_space<hbm>>
        %dma_wait3A_391 = arith.constant 0 : i32
        %dma_wait3A_392 = arith.constant 0 : i32
        %dma_wait3A_393 = tpu.memref_slice %arg5[%add3A_386, %dma_wait3A_391, %dma_wait3A_392] : memref<4000x80x128xf32, #tpu.memory_space<hbm>> -> memref<1x80x128xf32, #tpu.memory_space<hbm>>
        %dma_wait3A_394 = tpu.memref_squeeze %dma_wait3A_393 : memref<1x80x128xf32, #tpu.memory_space<hbm>> -> memref<80x128xf32, #tpu.memory_space<hbm>>
        tpu.wait_dma2 semaphore(%arg36 : memref<!tpu.dma_semaphore, #tpu.memory_space<semaphore_mem>>) src(%arg20 : memref<80x128xf32, #tpu.memory_space<vmem>>) dst(%dma_wait3A_394 : memref<80x128xf32, #tpu.memory_space<hbm>>)
      } else {
      }
      %add3A_352 = arith.constant 3 : i32
      %add3A_353 = arith.addi %add3A_333, %add3A_352 : i32
      %lt3A_354 = arith.constant 125 : i32
      %lt3A_355 = arith.cmpi slt, %add3A_353, %lt3A_354 : i32
      %convert_element_type3A_356 = arith.extui %lt3A_355 : i1 to i32
      %cond3A_357 = arith.constant 0 : i32
      %cond3A_358 = arith.cmpi ne, %convert_element_type3A_356, %cond3A_357 : i32
      scf.if %cond3A_358 {
        %dma_start3A_383 = arith.constant 0 : i32
        %dma_start3A_384 = arith.constant 0 : i32
        %dma_start3A_385 = tpu.memref_slice %arg2[%dma_start3A_383, %dma_start3A_384] : memref<10112x128xf32, #tpu.memory_space<hbm>> -> memref<10112x128xf32, #tpu.memory_space<hbm>>
        tpu.enqueue_indirect_dma source(%dma_start3A_385 : memref<10112x128xf32, #tpu.memory_space<hbm>>) target(%arg16 : memref<80x128xf32, #tpu.memory_space<vmem>>) offsets(%arg8 : memref<80xi32, #tpu.memory_space<vmem>>) semaphore(%arg28 : memref<!tpu.dma_semaphore, #tpu.memory_space<semaphore_mem>>)
        %dma_start3A_386 = arith.constant 0 : i32
        %dma_start3A_387 = arith.constant 0 : i32
        %dma_start3A_388 = tpu.memref_slice %arg3[%dma_start3A_386, %dma_start3A_387] : memref<10112x128xf32, #tpu.memory_space<hbm>> -> memref<10112x128xf32, #tpu.memory_space<hbm>>
        tpu.enqueue_indirect_dma source(%dma_start3A_388 : memref<10112x128xf32, #tpu.memory_space<hbm>>) target(%arg20 : memref<80x128xf32, #tpu.memory_space<vmem>>) offsets(%arg12 : memref<80xi32, #tpu.memory_space<vmem>>) semaphore(%arg32 : memref<!tpu.dma_semaphore, #tpu.memory_space<semaphore_mem>>)
      } else {
      }
      %add3A_359 = arith.constant 4 : i32
      %add3A_360 = arith.addi %add3A_333, %add3A_359 : i32
      %lt3A_361 = arith.constant 125 : i32
      %lt3A_362 = arith.cmpi slt, %add3A_360, %lt3A_361 : i32
      %convert_element_type3A_363 = arith.extui %lt3A_362 : i1 to i32
      %cond3A_364 = arith.constant 0 : i32
      %cond3A_365 = arith.cmpi ne, %convert_element_type3A_363, %cond3A_364 : i32
      scf.if %cond3A_365 {
        %add3A_383 = arith.constant 4 : i32
        %add3A_384 = arith.addi %add3A_333, %add3A_383 : i32
        %mul3A_385 = arith.constant 10000 : i32
        %mul3A_386 = arith.muli %add3A, %mul3A_385 : i32
        %mul3A_387 = arith.constant 80 : i32
        %mul3A_388 = arith.muli %add3A_384, %mul3A_387 : i32
        %add3A_389 = arith.addi %mul3A_386, %mul3A_388 : i32
        %multiple_of3A_390 = tpu.assume_multiple %add3A_389, 8 : i32
        %dma_start3A_391 = arith.constant 0 : i32
        %dma_start3A_392 = tpu.memref_slice %arg4[%dma_start3A_391, %multiple_of3A_390] : memref<2x320000xi32, #tpu.memory_space<hbm>> -> memref<1x80xi32, #tpu.memory_space<hbm>>
        %dma_start3A_393 = tpu.memref_squeeze %dma_start3A_392 : memref<1x80xi32, #tpu.memory_space<hbm>> -> memref<80xi32, #tpu.memory_space<hbm>>
        %dma_start3A_394 = tpu.memref_slice %arg4[%dma_start3A_391, %multiple_of3A_390] : memref<2x320000xi32, #tpu.memory_space<hbm>> -> memref<1x80xi32, #tpu.memory_space<hbm>>
        %dma_start3A_395 = tpu.memref_squeeze %dma_start3A_394 : memref<1x80xi32, #tpu.memory_space<hbm>> -> memref<80xi32, #tpu.memory_space<hbm>>
        tpu.enqueue_dma source(%dma_start3A_395 : memref<80xi32, #tpu.memory_space<hbm>>) target(%arg9 : memref<80xi32, #tpu.memory_space<vmem>>) target_semaphore(%arg25 : memref<!tpu.dma_semaphore, #tpu.memory_space<semaphore_mem>>)
        %dma_start3A_396 = arith.constant 1 : i32
        %dma_start3A_397 = tpu.memref_slice %arg4[%dma_start3A_396, %multiple_of3A_390] : memref<2x320000xi32, #tpu.memory_space<hbm>> -> memref<1x80xi32, #tpu.memory_space<hbm>>
        %dma_start3A_398 = tpu.memref_squeeze %dma_start3A_397 : memref<1x80xi32, #tpu.memory_space<hbm>> -> memref<80xi32, #tpu.memory_space<hbm>>
        %dma_start3A_399 = tpu.memref_slice %arg4[%dma_start3A_396, %multiple_of3A_390] : memref<2x320000xi32, #tpu.memory_space<hbm>> -> memref<1x80xi32, #tpu.memory_space<hbm>>
        %dma_start3A_400 = tpu.memref_squeeze %dma_start3A_399 : memref<1x80xi32, #tpu.memory_space<hbm>> -> memref<80xi32, #tpu.memory_space<hbm>>
        tpu.enqueue_dma source(%dma_start3A_400 : memref<80xi32, #tpu.memory_space<hbm>>) target(%arg13 : memref<80xi32, #tpu.memory_space<vmem>>) target_semaphore(%arg25 : memref<!tpu.dma_semaphore, #tpu.memory_space<semaphore_mem>>)
      } else {
      }
      %scan3A_366 = arith.constant 0 : i32
      %scan3A_367 = arith.constant 0 : i32
      %scan3A_368 = arith.constant 80 : i32
      %scan3A_369 = arith.addi %scan3A_367, %scan3A_368 : i32
      %scan3A_370 = arith.constant 1 : i32
      scf.for %scan3A_383 = %scan3A_367 to %scan3A_369 step %scan3A_370  : i32 {
        %get3A = arith.index_cast %scan3A_383 : i32 to index
        %get3A_384 = arith.constant 0 : index
        %get3A_385 = tpu.vector_load %arg21[%get3A, %get3A_384] {strides = array<i32>} : memref<80x128xf32, #tpu.memory_space<vmem>>, vector<16xf32>,
        %get3A_386 = arith.index_cast %scan3A_383 : i32 to index
        %get3A_387 = arith.constant 0 : index
        %get3A_388 = tpu.vector_load %arg17[%get3A_386, %get3A_387] {strides = array<i32>} : memref<80x128xf32, #tpu.memory_space<vmem>>, vector<16xf32>,
        %add3A_389 = arith.addf %get3A_385, %get3A_388 : vector<16xf32>
        %swap3A = arith.index_cast %scan3A_383 : i32 to index
        %swap3A_390 = arith.constant 0 : index
        %swap3A_391 = tpu.vector_load %arg21[%swap3A, %swap3A_390] {strides = array<i32>} : memref<80x128xf32, #tpu.memory_space<vmem>>, vector<16xf32>,
        tpu.vector_store %arg21[%swap3A, %swap3A_390], %add3A_389 {strides = array<i32>} : memref<80x128xf32, #tpu.memory_space<vmem>>, vector<16xf32>,
        %get3A_392 = arith.index_cast %scan3A_383 : i32 to index
        %get3A_393 = arith.constant 16 : index
        %get3A_394 = tpu.vector_load %arg21[%get3A_392, %get3A_393] {strides = array<i32>} : memref<80x128xf32, #tpu.memory_space<vmem>>, vector<16xf32>,
        %get3A_395 = arith.index_cast %scan3A_383 : i32 to index
        %get3A_396 = arith.constant 16 : index
        %get3A_397 = tpu.vector_load %arg17[%get3A_395, %get3A_396] {strides = array<i32>} : memref<80x128xf32, #tpu.memory_space<vmem>>, vector<16xf32>,
        %add3A_398 = arith.addf %get3A_394, %get3A_397 : vector<16xf32>
        %swap3A_399 = arith.index_cast %scan3A_383 : i32 to index
        %swap3A_400 = arith.constant 16 : index
        %swap3A_401 = tpu.vector_load %arg21[%swap3A_399, %swap3A_400] {strides = array<i32>} : memref<80x128xf32, #tpu.memory_space<vmem>>, vector<16xf32>,
        tpu.vector_store %arg21[%swap3A_399, %swap3A_400], %add3A_398 {strides = array<i32>} : memref<80x128xf32, #tpu.memory_space<vmem>>, vector<16xf32>,
        %get3A_402 = arith.index_cast %scan3A_383 : i32 to index
        %get3A_403 = arith.constant 32 : index
        %get3A_404 = tpu.vector_load %arg21[%get3A_402, %get3A_403] {strides = array<i32>} : memref<80x128xf32, #tpu.memory_space<vmem>>, vector<16xf32>,
        %get3A_405 = arith.index_cast %scan3A_383 : i32 to index
        %get3A_406 = arith.constant 32 : index
        %get3A_407 = tpu.vector_load %arg17[%get3A_405, %get3A_406] {strides = array<i32>} : memref<80x128xf32, #tpu.memory_space<vmem>>, vector<16xf32>,
        %add3A_408 = arith.addf %get3A_404, %get3A_407 : vector<16xf32>
        %swap3A_409 = arith.index_cast %scan3A_383 : i32 to index
        %swap3A_410 = arith.constant 32 : index
        %swap3A_411 = tpu.vector_load %arg21[%swap3A_409, %swap3A_410] {strides = array<i32>} : memref<80x128xf32, #tpu.memory_space<vmem>>, vector<16xf32>,
        tpu.vector_store %arg21[%swap3A_409, %swap3A_410], %add3A_408 {strides = array<i32>} : memref<80x128xf32, #tpu.memory_space<vmem>>, vector<16xf32>,
        %get3A_412 = arith.index_cast %scan3A_383 : i32 to index
        %get3A_413 = arith.constant 48 : index
        %get3A_414 = tpu.vector_load %arg21[%get3A_412, %get3A_413] {strides = array<i32>} : memref<80x128xf32, #tpu.memory_space<vmem>>, vector<16xf32>,
        %get3A_415 = arith.index_cast %scan3A_383 : i32 to index
        %get3A_416 = arith.constant 48 : index
        %get3A_417 = tpu.vector_load %arg17[%get3A_415, %get3A_416] {strides = array<i32>} : memref<80x128xf32, #tpu.memory_space<vmem>>, vector<16xf32>,
        %add3A_418 = arith.addf %get3A_414, %get3A_417 : vector<16xf32>
        %swap3A_419 = arith.index_cast %scan3A_383 : i32 to index
        %swap3A_420 = arith.constant 48 : index
        %swap3A_421 = tpu.vector_load %arg21[%swap3A_419, %swap3A_420] {strides = array<i32>} : memref<80x128xf32, #tpu.memory_space<vmem>>, vector<16xf32>,
        tpu.vector_store %arg21[%swap3A_419, %swap3A_420], %add3A_418 {strides = array<i32>} : memref<80x128xf32, #tpu.memory_space<vmem>>, vector<16xf32>,
        %get3A_422 = arith.index_cast %scan3A_383 : i32 to index
        %get3A_423 = arith.constant 64 : index
        %get3A_424 = tpu.vector_load %arg21[%get3A_422, %get3A_423] {strides = array<i32>} : memref<80x128xf32, #tpu.memory_space<vmem>>, vector<16xf32>,
        %get3A_425 = arith.index_cast %scan3A_383 : i32 to index
        %get3A_426 = arith.constant 64 : index
        %get3A_427 = tpu.vector_load %arg17[%get3A_425, %get3A_426] {strides = array<i32>} : memref<80x128xf32, #tpu.memory_space<vmem>>, vector<16xf32>,
        %add3A_428 = arith.addf %get3A_424, %get3A_427 : vector<16xf32>
        %swap3A_429 = arith.index_cast %scan3A_383 : i32 to index
        %swap3A_430 = arith.constant 64 : index
        %swap3A_431 = tpu.vector_load %arg21[%swap3A_429, %swap3A_430] {strides = array<i32>} : memref<80x128xf32, #tpu.memory_space<vmem>>, vector<16xf32>,
        tpu.vector_store %arg21[%swap3A_429, %swap3A_430], %add3A_428 {strides = array<i32>} : memref<80x128xf32, #tpu.memory_space<vmem>>, vector<16xf32>,
        %get3A_432 = arith.index_cast %scan3A_383 : i32 to index
        %get3A_433 = arith.constant 80 : index
        %get3A_434 = tpu.vector_load %arg21[%get3A_432, %get3A_433] {strides = array<i32>} : memref<80x128xf32, #tpu.memory_space<vmem>>, vector<16xf32>,
        %get3A_435 = arith.index_cast %scan3A_383 : i32 to index
        %get3A_436 = arith.constant 80 : index
        %get3A_437 = tpu.vector_load %arg17[%get3A_435, %get3A_436] {strides = array<i32>} : memref<80x128xf32, #tpu.memory_space<vmem>>, vector<16xf32>,
        %add3A_438 = arith.addf %get3A_434, %get3A_437 : vector<16xf32>
        %swap3A_439 = arith.index_cast %scan3A_383 : i32 to index
        %swap3A_440 = arith.constant 80 : index
        %swap3A_441 = tpu.vector_load %arg21[%swap3A_439, %swap3A_440] {strides = array<i32>} : memref<80x128xf32, #tpu.memory_space<vmem>>, vector<16xf32>,
        tpu.vector_store %arg21[%swap3A_439, %swap3A_440], %add3A_438 {strides = array<i32>} : memref<80x128xf32, #tpu.memory_space<vmem>>, vector<16xf32>,
        %get3A_442 = arith.index_cast %scan3A_383 : i32 to index
        %get3A_443 = arith.constant 96 : index
        %get3A_444 = tpu.vector_load %arg21[%get3A_442, %get3A_443] {strides = array<i32>} : memref<80x128xf32, #tpu.memory_space<vmem>>, vector<16xf32>,
        %get3A_445 = arith.index_cast %scan3A_383 : i32 to index
        %get3A_446 = arith.constant 96 : index
        %get3A_447 = tpu.vector_load %arg17[%get3A_445, %get3A_446] {strides = array<i32>} : memref<80x128xf32, #tpu.memory_space<vmem>>, vector<16xf32>,
        %add3A_448 = arith.addf %get3A_444, %get3A_447 : vector<16xf32>
        %swap3A_449 = arith.index_cast %scan3A_383 : i32 to index
        %swap3A_450 = arith.constant 96 : index
        %swap3A_451 = tpu.vector_load %arg21[%swap3A_449, %swap3A_450] {strides = array<i32>} : memref<80x128xf32, #tpu.memory_space<vmem>>, vector<16xf32>,
        tpu.vector_store %arg21[%swap3A_449, %swap3A_450], %add3A_448 {strides = array<i32>} : memref<80x128xf32, #tpu.memory_space<vmem>>, vector<16xf32>,
        %get3A_452 = arith.index_cast %scan3A_383 : i32 to index
        %get3A_453 = arith.constant 112 : index
        %get3A_454 = tpu.vector_load %arg21[%get3A_452, %get3A_453] {strides = array<i32>} : memref<80x128xf32, #tpu.memory_space<vmem>>, vector<16xf32>,
        %get3A_455 = arith.index_cast %scan3A_383 : i32 to index
        %get3A_456 = arith.constant 112 : index
        %get3A_457 = tpu.vector_load %arg17[%get3A_455, %get3A_456] {strides = array<i32>} : memref<80x128xf32, #tpu.memory_space<vmem>>, vector<16xf32>,
        %add3A_458 = arith.addf %get3A_454, %get3A_457 : vector<16xf32>
        %swap3A_459 = arith.index_cast %scan3A_383 : i32 to index
        %swap3A_460 = arith.constant 112 : index
        %swap3A_461 = tpu.vector_load %arg21[%swap3A_459, %swap3A_460] {strides = array<i32>} : memref<80x128xf32, #tpu.memory_space<vmem>>, vector<16xf32>,
        tpu.vector_store %arg21[%swap3A_459, %swap3A_460], %add3A_458 {strides = array<i32>} : memref<80x128xf32, #tpu.memory_space<vmem>>, vector<16xf32>,
      }
      %scan3A_371 = arith.constant 80 : i32
      %mul3A_372 = arith.constant 125 : i32
      %mul3A_373 = arith.muli %add3A, %mul3A_372 : i32
      %add3A_374 = arith.addi %mul3A_373, %add3A_333 : i32
      %dma_start3A_375 = arith.constant 0 : i32
      %dma_start3A_376 = arith.constant 0 : i32
      %dma_start3A_377 = tpu.memref_slice %arg5[%add3A_374, %dma_start3A_375, %dma_start3A_376] : memref<4000x80x128xf32, #tpu.memory_space<hbm>> -> memref<1x80x128xf32, #tpu.memory_space<hbm>>
      %dma_start3A_378 = tpu.memref_squeeze %dma_start3A_377 : memref<1x80x128xf32, #tpu.memory_space<hbm>> -> memref<80x128xf32, #tpu.memory_space<hbm>>
      %dma_start3A_379 = arith.constant 0 : i32
      %dma_start3A_380 = arith.constant 0 : i32
      %dma_start3A_381 = tpu.memref_slice %arg5[%add3A_374, %dma_start3A_379, %dma_start3A_380] : memref<4000x80x128xf32, #tpu.memory_space<hbm>> -> memref<1x80x128xf32, #tpu.memory_space<hbm>>
      %dma_start3A_382 = tpu.memref_squeeze %dma_start3A_381 : memref<1x80x128xf32, #tpu.memory_space<hbm>> -> memref<80x128xf32, #tpu.memory_space<hbm>>
      tpu.enqueue_dma source(%arg21 : memref<80x128xf32, #tpu.memory_space<vmem>>) target(%dma_start3A_382 : memref<80x128xf32, #tpu.memory_space<hbm>>) target_semaphore(%arg37 : memref<!tpu.dma_semaphore, #tpu.memory_space<semaphore_mem>>)
    }
    %scan3A_125 = arith.constant 31 : i32
    %dma_wait3A_126 = arith.constant 0 : i32
    %dma_wait3A_127 = arith.constant 0 : i32
    %dma_wait3A_128 = tpu.memref_slice %arg2[%dma_wait3A_126, %dma_wait3A_127] : memref<10112x128xf32, #tpu.memory_space<hbm>> -> memref<10112x128xf32, #tpu.memory_space<hbm>>
    tpu.wait_indirect_dma semaphore(%arg26 : memref<!tpu.dma_semaphore, #tpu.memory_space<semaphore_mem>>) src(%dma_wait3A_128 : memref<10112x128xf32, #tpu.memory_space<hbm>>) dst(%arg14 : memref<80x128xf32, #tpu.memory_space<vmem>>)
    %dma_wait3A_129 = arith.constant 0 : i32
    %dma_wait3A_130 = arith.constant 0 : i32
    %dma_wait3A_131 = tpu.memref_slice %arg3[%dma_wait3A_129, %dma_wait3A_130] : memref<10112x128xf32, #tpu.memory_space<hbm>> -> memref<10112x128xf32, #tpu.memory_space<hbm>>
    tpu.wait_indirect_dma semaphore(%arg30 : memref<!tpu.dma_semaphore, #tpu.memory_space<semaphore_mem>>) src(%dma_wait3A_131 : memref<10112x128xf32, #tpu.memory_space<hbm>>) dst(%arg18 : memref<80x128xf32, #tpu.memory_space<vmem>>)
    %mul3A_132 = arith.constant 125 : i32
    %mul3A_133 = arith.muli %add3A, %mul3A_132 : i32
    %add3A_134 = arith.constant 123 : i32
    %add3A_135 = arith.addi %mul3A_133, %add3A_134 : i32
    %dma_wait3A_136 = arith.constant 0 : i32
    %dma_wait3A_137 = arith.constant 0 : i32
    %dma_wait3A_138 = tpu.memref_slice %arg5[%add3A_135, %dma_wait3A_136, %dma_wait3A_137] : memref<4000x80x128xf32, #tpu.memory_space<hbm>> -> memref<1x80x128xf32, #tpu.memory_space<hbm>>
    %dma_wait3A_139 = tpu.memref_squeeze %dma_wait3A_138 : memref<1x80x128xf32, #tpu.memory_space<hbm>> -> memref<80x128xf32, #tpu.memory_space<hbm>>
    %dma_wait3A_140 = arith.constant 0 : i32
    %dma_wait3A_141 = arith.constant 0 : i32
    %dma_wait3A_142 = tpu.memref_slice %arg5[%add3A_135, %dma_wait3A_140, %dma_wait3A_141] : memref<4000x80x128xf32, #tpu.memory_space<hbm>> -> memref<1x80x128xf32, #tpu.memory_space<hbm>>
    %dma_wait3A_143 = tpu.memref_squeeze %dma_wait3A_142 : memref<1x80x128xf32, #tpu.memory_space<hbm>> -> memref<80x128xf32, #tpu.memory_space<hbm>>
    tpu.wait_dma2 semaphore(%arg37 : memref<!tpu.dma_semaphore, #tpu.memory_space<semaphore_mem>>) src(%arg21 : memref<80x128xf32, #tpu.memory_space<vmem>>) dst(%dma_wait3A_143 : memref<80x128xf32, #tpu.memory_space<hbm>>)
    %scan3A_144 = arith.constant 0 : i32
    %scan3A_145 = arith.constant 0 : i32
    %scan3A_146 = arith.constant 80 : i32
    %scan3A_147 = arith.addi %scan3A_145, %scan3A_146 : i32
    %scan3A_148 = arith.constant 1 : i32
    scf.for %scan3A_174 = %scan3A_145 to %scan3A_147 step %scan3A_148  : i32 {
      %get3A = arith.index_cast %scan3A_174 : i32 to index
      %get3A_175 = arith.constant 0 : index
      %get3A_176 = tpu.vector_load %arg18[%get3A, %get3A_175] {strides = array<i32>} : memref<80x128xf32, #tpu.memory_space<vmem>>, vector<16xf32>,
      %get3A_177 = arith.index_cast %scan3A_174 : i32 to index
      %get3A_178 = arith.constant 0 : index
      %get3A_179 = tpu.vector_load %arg14[%get3A_177, %get3A_178] {strides = array<i32>} : memref<80x128xf32, #tpu.memory_space<vmem>>, vector<16xf32>,
      %add3A_180 = arith.addf %get3A_176, %get3A_179 : vector<16xf32>
      %swap3A = arith.index_cast %scan3A_174 : i32 to index
      %swap3A_181 = arith.constant 0 : index
      %swap3A_182 = tpu.vector_load %arg18[%swap3A, %swap3A_181] {strides = array<i32>} : memref<80x128xf32, #tpu.memory_space<vmem>>, vector<16xf32>,
      tpu.vector_store %arg18[%swap3A, %swap3A_181], %add3A_180 {strides = array<i32>} : memref<80x128xf32, #tpu.memory_space<vmem>>, vector<16xf32>,
      %get3A_183 = arith.index_cast %scan3A_174 : i32 to index
      %get3A_184 = arith.constant 16 : index
      %get3A_185 = tpu.vector_load %arg18[%get3A_183, %get3A_184] {strides = array<i32>} : memref<80x128xf32, #tpu.memory_space<vmem>>, vector<16xf32>,
      %get3A_186 = arith.index_cast %scan3A_174 : i32 to index
      %get3A_187 = arith.constant 16 : index
      %get3A_188 = tpu.vector_load %arg14[%get3A_186, %get3A_187] {strides = array<i32>} : memref<80x128xf32, #tpu.memory_space<vmem>>, vector<16xf32>,
      %add3A_189 = arith.addf %get3A_185, %get3A_188 : vector<16xf32>
      %swap3A_190 = arith.index_cast %scan3A_174 : i32 to index
      %swap3A_191 = arith.constant 16 : index
      %swap3A_192 = tpu.vector_load %arg18[%swap3A_190, %swap3A_191] {strides = array<i32>} : memref<80x128xf32, #tpu.memory_space<vmem>>, vector<16xf32>,
      tpu.vector_store %arg18[%swap3A_190, %swap3A_191], %add3A_189 {strides = array<i32>} : memref<80x128xf32, #tpu.memory_space<vmem>>, vector<16xf32>,
      %get3A_193 = arith.index_cast %scan3A_174 : i32 to index
      %get3A_194 = arith.constant 32 : index
      %get3A_195 = tpu.vector_load %arg18[%get3A_193, %get3A_194] {strides = array<i32>} : memref<80x128xf32, #tpu.memory_space<vmem>>, vector<16xf32>,
      %get3A_196 = arith.index_cast %scan3A_174 : i32 to index
      %get3A_197 = arith.constant 32 : index
      %get3A_198 = tpu.vector_load %arg14[%get3A_196, %get3A_197] {strides = array<i32>} : memref<80x128xf32, #tpu.memory_space<vmem>>, vector<16xf32>,
      %add3A_199 = arith.addf %get3A_195, %get3A_198 : vector<16xf32>
      %swap3A_200 = arith.index_cast %scan3A_174 : i32 to index
      %swap3A_201 = arith.constant 32 : index
      %swap3A_202 = tpu.vector_load %arg18[%swap3A_200, %swap3A_201] {strides = array<i32>} : memref<80x128xf32, #tpu.memory_space<vmem>>, vector<16xf32>,
      tpu.vector_store %arg18[%swap3A_200, %swap3A_201], %add3A_199 {strides = array<i32>} : memref<80x128xf32, #tpu.memory_space<vmem>>, vector<16xf32>,
      %get3A_203 = arith.index_cast %scan3A_174 : i32 to index
      %get3A_204 = arith.constant 48 : index
      %get3A_205 = tpu.vector_load %arg18[%get3A_203, %get3A_204] {strides = array<i32>} : memref<80x128xf32, #tpu.memory_space<vmem>>, vector<16xf32>,
      %get3A_206 = arith.index_cast %scan3A_174 : i32 to index
      %get3A_207 = arith.constant 48 : index
      %get3A_208 = tpu.vector_load %arg14[%get3A_206, %get3A_207] {strides = array<i32>} : memref<80x128xf32, #tpu.memory_space<vmem>>, vector<16xf32>,
      %add3A_209 = arith.addf %get3A_205, %get3A_208 : vector<16xf32>
      %swap3A_210 = arith.index_cast %scan3A_174 : i32 to index
      %swap3A_211 = arith.constant 48 : index
      %swap3A_212 = tpu.vector_load %arg18[%swap3A_210, %swap3A_211] {strides = array<i32>} : memref<80x128xf32, #tpu.memory_space<vmem>>, vector<16xf32>,
      tpu.vector_store %arg18[%swap3A_210, %swap3A_211], %add3A_209 {strides = array<i32>} : memref<80x128xf32, #tpu.memory_space<vmem>>, vector<16xf32>,
      %get3A_213 = arith.index_cast %scan3A_174 : i32 to index
      %get3A_214 = arith.constant 64 : index
      %get3A_215 = tpu.vector_load %arg18[%get3A_213, %get3A_214] {strides = array<i32>} : memref<80x128xf32, #tpu.memory_space<vmem>>, vector<16xf32>,
      %get3A_216 = arith.index_cast %scan3A_174 : i32 to index
      %get3A_217 = arith.constant 64 : index
      %get3A_218 = tpu.vector_load %arg14[%get3A_216, %get3A_217] {strides = array<i32>} : memref<80x128xf32, #tpu.memory_space<vmem>>, vector<16xf32>,
      %add3A_219 = arith.addf %get3A_215, %get3A_218 : vector<16xf32>
      %swap3A_220 = arith.index_cast %scan3A_174 : i32 to index
      %swap3A_221 = arith.constant 64 : index
      %swap3A_222 = tpu.vector_load %arg18[%swap3A_220, %swap3A_221] {strides = array<i32>} : memref<80x128xf32, #tpu.memory_space<vmem>>, vector<16xf32>,
      tpu.vector_store %arg18[%swap3A_220, %swap3A_221], %add3A_219 {strides = array<i32>} : memref<80x128xf32, #tpu.memory_space<vmem>>, vector<16xf32>,
      %get3A_223 = arith.index_cast %scan3A_174 : i32 to index
      %get3A_224 = arith.constant 80 : index
      %get3A_225 = tpu.vector_load %arg18[%get3A_223, %get3A_224] {strides = array<i32>} : memref<80x128xf32, #tpu.memory_space<vmem>>, vector<16xf32>,
      %get3A_226 = arith.index_cast %scan3A_174 : i32 to index
      %get3A_227 = arith.constant 80 : index
      %get3A_228 = tpu.vector_load %arg14[%get3A_226, %get3A_227] {strides = array<i32>} : memref<80x128xf32, #tpu.memory_space<vmem>>, vector<16xf32>,
      %add3A_229 = arith.addf %get3A_225, %get3A_228 : vector<16xf32>
      %swap3A_230 = arith.index_cast %scan3A_174 : i32 to index
      %swap3A_231 = arith.constant 80 : index
      %swap3A_232 = tpu.vector_load %arg18[%swap3A_230, %swap3A_231] {strides = array<i32>} : memref<80x128xf32, #tpu.memory_space<vmem>>, vector<16xf32>,
      tpu.vector_store %arg18[%swap3A_230, %swap3A_231], %add3A_229 {strides = array<i32>} : memref<80x128xf32, #tpu.memory_space<vmem>>, vector<16xf32>,
      %get3A_233 = arith.index_cast %scan3A_174 : i32 to index
      %get3A_234 = arith.constant 96 : index
      %get3A_235 = tpu.vector_load %arg18[%get3A_233, %get3A_234] {strides = array<i32>} : memref<80x128xf32, #tpu.memory_space<vmem>>, vector<16xf32>,
      %get3A_236 = arith.index_cast %scan3A_174 : i32 to index
      %get3A_237 = arith.constant 96 : index
      %get3A_238 = tpu.vector_load %arg14[%get3A_236, %get3A_237] {strides = array<i32>} : memref<80x128xf32, #tpu.memory_space<vmem>>, vector<16xf32>,
      %add3A_239 = arith.addf %get3A_235, %get3A_238 : vector<16xf32>
      %swap3A_240 = arith.index_cast %scan3A_174 : i32 to index
      %swap3A_241 = arith.constant 96 : index
      %swap3A_242 = tpu.vector_load %arg18[%swap3A_240, %swap3A_241] {strides = array<i32>} : memref<80x128xf32, #tpu.memory_space<vmem>>, vector<16xf32>,
      tpu.vector_store %arg18[%swap3A_240, %swap3A_241], %add3A_239 {strides = array<i32>} : memref<80x128xf32, #tpu.memory_space<vmem>>, vector<16xf32>,
      %get3A_243 = arith.index_cast %scan3A_174 : i32 to index
      %get3A_244 = arith.constant 112 : index
      %get3A_245 = tpu.vector_load %arg18[%get3A_243, %get3A_244] {strides = array<i32>} : memref<80x128xf32, #tpu.memory_space<vmem>>, vector<16xf32>,
      %get3A_246 = arith.index_cast %scan3A_174 : i32 to index
      %get3A_247 = arith.constant 112 : index
      %get3A_248 = tpu.vector_load %arg14[%get3A_246, %get3A_247] {strides = array<i32>} : memref<80x128xf32, #tpu.memory_space<vmem>>, vector<16xf32>,
      %add3A_249 = arith.addf %get3A_245, %get3A_248 : vector<16xf32>
      %swap3A_250 = arith.index_cast %scan3A_174 : i32 to index
      %swap3A_251 = arith.constant 112 : index
      %swap3A_252 = tpu.vector_load %arg18[%swap3A_250, %swap3A_251] {strides = array<i32>} : memref<80x128xf32, #tpu.memory_space<vmem>>, vector<16xf32>,
      tpu.vector_store %arg18[%swap3A_250, %swap3A_251], %add3A_249 {strides = array<i32>} : memref<80x128xf32, #tpu.memory_space<vmem>>, vector<16xf32>,
    }
    %scan3A_149 = arith.constant 80 : i32
    %mul3A_150 = arith.constant 125 : i32
    %mul3A_151 = arith.muli %add3A, %mul3A_150 : i32
    %add3A_152 = arith.constant 124 : i32
    %add3A_153 = arith.addi %mul3A_151, %add3A_152 : i32
    %dma_start3A_154 = arith.constant 0 : i32
    %dma_start3A_155 = arith.constant 0 : i32
    %dma_start3A_156 = tpu.memref_slice %arg5[%add3A_153, %dma_start3A_154, %dma_start3A_155] : memref<4000x80x128xf32, #tpu.memory_space<hbm>> -> memref<1x80x128xf32, #tpu.memory_space<hbm>>
    %dma_start3A_157 = tpu.memref_squeeze %dma_start3A_156 : memref<1x80x128xf32, #tpu.memory_space<hbm>> -> memref<80x128xf32, #tpu.memory_space<hbm>>
    %dma_start3A_158 = arith.constant 0 : i32
    %dma_start3A_159 = arith.constant 0 : i32
    %dma_start3A_160 = tpu.memref_slice %arg5[%add3A_153, %dma_start3A_158, %dma_start3A_159] : memref<4000x80x128xf32, #tpu.memory_space<hbm>> -> memref<1x80x128xf32, #tpu.memory_space<hbm>>
    %dma_start3A_161 = tpu.memref_squeeze %dma_start3A_160 : memref<1x80x128xf32, #tpu.memory_space<hbm>> -> memref<80x128xf32, #tpu.memory_space<hbm>>
    tpu.enqueue_dma source(%arg18 : memref<80x128xf32, #tpu.memory_space<vmem>>) target(%dma_start3A_161 : memref<80x128xf32, #tpu.memory_space<hbm>>) target_semaphore(%arg34 : memref<!tpu.dma_semaphore, #tpu.memory_space<semaphore_mem>>)
    %mul3A_162 = arith.constant 125 : i32
    %mul3A_163 = arith.muli %add3A, %mul3A_162 : i32
    %add3A_164 = arith.constant 124 : i32
    %add3A_165 = arith.addi %mul3A_163, %add3A_164 : i32
    %dma_wait3A_166 = arith.constant 0 : i32
    %dma_wait3A_167 = arith.constant 0 : i32
    %dma_wait3A_168 = tpu.memref_slice %arg5[%add3A_165, %dma_wait3A_166, %dma_wait3A_167] : memref<4000x80x128xf32, #tpu.memory_space<hbm>> -> memref<1x80x128xf32, #tpu.memory_space<hbm>>
    %dma_wait3A_169 = tpu.memref_squeeze %dma_wait3A_168 : memref<1x80x128xf32, #tpu.memory_space<hbm>> -> memref<80x128xf32, #tpu.memory_space<hbm>>
    %dma_wait3A_170 = arith.constant 0 : i32
    %dma_wait3A_171 = arith.constant 0 : i32
    %dma_wait3A_172 = tpu.memref_slice %arg5[%add3A_165, %dma_wait3A_170, %dma_wait3A_171] : memref<4000x80x128xf32, #tpu.memory_space<hbm>> -> memref<1x80x128xf32, #tpu.memory_space<hbm>>
    %dma_wait3A_173 = tpu.memref_squeeze %dma_wait3A_172 : memref<1x80x128xf32, #tpu.memory_space<hbm>> -> memref<80x128xf32, #tpu.memory_space<hbm>>
    tpu.wait_dma2 semaphore(%arg34 : memref<!tpu.dma_semaphore, #tpu.memory_space<semaphore_mem>>) src(%arg18 : memref<80x128xf32, #tpu.memory_space<vmem>>) dst(%dma_wait3A_173 : memref<80x128xf32, #tpu.memory_space<hbm>>)
    return
  }
}

#map = affine_map<(d0, d1) -> (0, 0)>
#map1 = affine_map<(d0, d1) -> (0, 0, 0)>
module attributes {stable_mosaic.version = 14 : i64} {
  func.func @_sc_scatter(%arg0: i32, %arg1: i32, %arg2: memref<320000x16xf32, #tpu.memory_space<hbm>>, %arg3: memref<32x125x80xi32, #tpu.memory_space<hbm>>, %arg4: memref<2x10112x16xf32, #tpu.memory_space<hbm>>, %arg5: memref<2x10112x16xf32, #tpu.memory_space<hbm>>, %arg6: memref<125x80xi32, #tpu.memory_space<vmem>>, %arg7: memref<2000x16xf32, #tpu.memory_space<vmem>>, %arg8: memref<2000x16xf32, #tpu.memory_space<vmem>>, %arg9: memref<80x16xf32, #tpu.memory_space<vmem>>, %arg10: memref<632x16xf32, #tpu.memory_space<vmem>>, %arg11: memref<10112x16xf32, #tpu.memory_space<vmem_shared>>, %arg12: memref<10112x16xf32, #tpu.memory_space<vmem_shared>>, %arg13: memref<!tpu.dma_semaphore, #tpu.memory_space<semaphore_mem>>, %arg14: memref<!tpu.dma_semaphore, #tpu.memory_space<semaphore_mem>>, %arg15: memref<!tpu.dma_semaphore, #tpu.memory_space<semaphore_mem>>, %arg16: memref<!tpu.dma_semaphore, #tpu.memory_space<semaphore_mem>>) attributes {dimension_semantics = [#tpu.dimension_semantics<core_parallel>, #tpu.dimension_semantics<subcore_parallel>], iteration_bounds = array<i64: 2, 16>, scalar_prefetch = 0 : i64, scratch_operands = 11 : i64, tpu.core_type = #tpu.core_type<sc_vector_subcore>, window_params = [{transform_indices = #map}, {transform_indices = #map1}, {transform_indices = #map1}, {transform_indices = #map1}]} {
    %mul3A = arith.constant 2 : i32
    %mul3A_0 = arith.muli %arg1, %mul3A : i32
    %add3A = arith.addi %mul3A_0, %arg0 : i32
    %broadcast_in_dim3A = arith.constant 0.000000e+00 : f32
    %broadcast_in_dim3A_1 = vector.broadcast %broadcast_in_dim3A : f32 to vector<16xf32>
    %broadcast_in_dim3A_2 = arith.constant 1.000000e+00 : f32
    %broadcast_in_dim3A_3 = vector.broadcast %broadcast_in_dim3A_2 : f32 to vector<16xf32>
    %scan3A = arith.constant 0 : i32
    %scan3A_4 = arith.constant 0 : i32
    %scan3A_5 = arith.constant 80 : i32
    %scan3A_6 = arith.addi %scan3A_4, %scan3A_5 : i32
    %scan3A_7 = arith.constant 1 : i32
    scf.for %scan3A_201 = %scan3A_4 to %scan3A_6 step %scan3A_7  : i32 {
      %swap3A = arith.index_cast %scan3A_201 : i32 to index
      %swap3A_202 = arith.constant 0 : index
      %swap3A_203 = tpu.vector_load %arg9[%swap3A, %swap3A_202] {strides = array<i32>} : memref<80x16xf32, #tpu.memory_space<vmem>>, vector<16xf32>,
      tpu.vector_store %arg9[%swap3A, %swap3A_202], %broadcast_in_dim3A_3 {strides = array<i32>} : memref<80x16xf32, #tpu.memory_space<vmem>>, vector<16xf32>,
    }
    %scan3A_8 = arith.constant 80 : i32
    %scan3A_9 = arith.constant 0 : i32
    %scan3A_10 = arith.constant 0 : i32
    %scan3A_11 = arith.constant 632 : i32
    %scan3A_12 = arith.addi %scan3A_10, %scan3A_11 : i32
    %scan3A_13 = arith.constant 1 : i32
    scf.for %scan3A_201 = %scan3A_10 to %scan3A_12 step %scan3A_13  : i32 {
      %swap3A = arith.index_cast %scan3A_201 : i32 to index
      %swap3A_202 = arith.constant 0 : index
      %swap3A_203 = tpu.vector_load %arg10[%swap3A, %swap3A_202] {strides = array<i32>} : memref<632x16xf32, #tpu.memory_space<vmem>>, vector<16xf32>,
      tpu.vector_store %arg10[%swap3A, %swap3A_202], %broadcast_in_dim3A_1 {strides = array<i32>} : memref<632x16xf32, #tpu.memory_space<vmem>>, vector<16xf32>,
    }
    %scan3A_14 = arith.constant 632 : i32
    %mul3A_15 = arith.constant 632 : i32
    %mul3A_16 = arith.muli %arg1, %mul3A_15 : i32
    "tpu.region"() ({
      %run_scoped3A = tpu.sem_alloc : memref<!tpu.dma_semaphore, #tpu.memory_space<semaphore_mem>>
      %dma_start3A_201 = arith.constant 0 : i32
      %dma_start3A_202 = tpu.memref_slice %arg11[%mul3A_16, %dma_start3A_201] : memref<10112x16xf32, #tpu.memory_space<vmem_shared>> -> memref<632x16xf32, #tpu.memory_space<vmem_shared>>
      %dma_start3A_203 = arith.constant 0 : i32
      %dma_start3A_204 = tpu.memref_slice %arg11[%mul3A_16, %dma_start3A_203] : memref<10112x16xf32, #tpu.memory_space<vmem_shared>> -> memref<632x16xf32, #tpu.memory_space<vmem_shared>>
      tpu.enqueue_dma source(%arg10 : memref<632x16xf32, #tpu.memory_space<vmem>>) target(%dma_start3A_204 : memref<632x16xf32, #tpu.memory_space<vmem_shared>>) target_semaphore(%run_scoped3A : memref<!tpu.dma_semaphore, #tpu.memory_space<semaphore_mem>>)
      %dma_wait3A_205 = arith.constant 0 : i32
      %dma_wait3A_206 = tpu.memref_slice %arg11[%mul3A_16, %dma_wait3A_205] : memref<10112x16xf32, #tpu.memory_space<vmem_shared>> -> memref<632x16xf32, #tpu.memory_space<vmem_shared>>
      %dma_wait3A_207 = arith.constant 0 : i32
      %dma_wait3A_208 = tpu.memref_slice %arg11[%mul3A_16, %dma_wait3A_207] : memref<10112x16xf32, #tpu.memory_space<vmem_shared>> -> memref<632x16xf32, #tpu.memory_space<vmem_shared>>
      tpu.wait_dma2 semaphore(%run_scoped3A : memref<!tpu.dma_semaphore, #tpu.memory_space<semaphore_mem>>) src(%arg10 : memref<632x16xf32, #tpu.memory_space<vmem>>) dst(%dma_wait3A_208 : memref<632x16xf32, #tpu.memory_space<vmem_shared>>)
      tpu.yield
    }) : () -> ()
    %mul3A_17 = arith.constant 632 : i32
    %mul3A_18 = arith.muli %arg1, %mul3A_17 : i32
    "tpu.region"() ({
      %run_scoped3A = tpu.sem_alloc : memref<!tpu.dma_semaphore, #tpu.memory_space<semaphore_mem>>
      %dma_start3A_201 = arith.constant 0 : i32
      %dma_start3A_202 = tpu.memref_slice %arg12[%mul3A_18, %dma_start3A_201] : memref<10112x16xf32, #tpu.memory_space<vmem_shared>> -> memref<632x16xf32, #tpu.memory_space<vmem_shared>>
      %dma_start3A_203 = arith.constant 0 : i32
      %dma_start3A_204 = tpu.memref_slice %arg12[%mul3A_18, %dma_start3A_203] : memref<10112x16xf32, #tpu.memory_space<vmem_shared>> -> memref<632x16xf32, #tpu.memory_space<vmem_shared>>
      tpu.enqueue_dma source(%arg10 : memref<632x16xf32, #tpu.memory_space<vmem>>) target(%dma_start3A_204 : memref<632x16xf32, #tpu.memory_space<vmem_shared>>) target_semaphore(%run_scoped3A : memref<!tpu.dma_semaphore, #tpu.memory_space<semaphore_mem>>)
      %dma_wait3A_205 = arith.constant 0 : i32
      %dma_wait3A_206 = tpu.memref_slice %arg12[%mul3A_18, %dma_wait3A_205] : memref<10112x16xf32, #tpu.memory_space<vmem_shared>> -> memref<632x16xf32, #tpu.memory_space<vmem_shared>>
      %dma_wait3A_207 = arith.constant 0 : i32
      %dma_wait3A_208 = tpu.memref_slice %arg12[%mul3A_18, %dma_wait3A_207] : memref<10112x16xf32, #tpu.memory_space<vmem_shared>> -> memref<632x16xf32, #tpu.memory_space<vmem_shared>>
      tpu.wait_dma2 semaphore(%run_scoped3A : memref<!tpu.dma_semaphore, #tpu.memory_space<semaphore_mem>>) src(%arg10 : memref<632x16xf32, #tpu.memory_space<vmem>>) dst(%dma_wait3A_208 : memref<632x16xf32, #tpu.memory_space<vmem_shared>>)
      tpu.yield
    }) : () -> ()
    %barrier3A = arith.constant 0 : index
    tpu.barrier barrier_id(%barrier3A)
    "tpu.region"() ({
      %run_scoped3A = tpu.sem_alloc : memref<!tpu.dma_semaphore, #tpu.memory_space<semaphore_mem>>
      %dma_start3A_201 = arith.constant 0 : i32
      %dma_start3A_202 = arith.constant 0 : i32
      %dma_start3A_203 = tpu.memref_slice %arg3[%add3A, %dma_start3A_201, %dma_start3A_202] : memref<32x125x80xi32, #tpu.memory_space<hbm>> -> memref<1x125x80xi32, #tpu.memory_space<hbm>>
      %dma_start3A_204 = tpu.memref_squeeze %dma_start3A_203 : memref<1x125x80xi32, #tpu.memory_space<hbm>> -> memref<125x80xi32, #tpu.memory_space<hbm>>
      %dma_start3A_205 = arith.constant 0 : i32
      %dma_start3A_206 = arith.constant 0 : i32
      %dma_start3A_207 = tpu.memref_slice %arg3[%add3A, %dma_start3A_205, %dma_start3A_206] : memref<32x125x80xi32, #tpu.memory_space<hbm>> -> memref<1x125x80xi32, #tpu.memory_space<hbm>>
      %dma_start3A_208 = tpu.memref_squeeze %dma_start3A_207 : memref<1x125x80xi32, #tpu.memory_space<hbm>> -> memref<125x80xi32, #tpu.memory_space<hbm>>
      tpu.enqueue_dma source(%dma_start3A_208 : memref<125x80xi32, #tpu.memory_space<hbm>>) target(%arg6 : memref<125x80xi32, #tpu.memory_space<vmem>>) target_semaphore(%run_scoped3A : memref<!tpu.dma_semaphore, #tpu.memory_space<semaphore_mem>>)
      %dma_wait3A_209 = arith.constant 0 : i32
      %dma_wait3A_210 = arith.constant 0 : i32
      %dma_wait3A_211 = tpu.memref_slice %arg3[%add3A, %dma_wait3A_209, %dma_wait3A_210] : memref<32x125x80xi32, #tpu.memory_space<hbm>> -> memref<1x125x80xi32, #tpu.memory_space<hbm>>
      %dma_wait3A_212 = tpu.memref_squeeze %dma_wait3A_211 : memref<1x125x80xi32, #tpu.memory_space<hbm>> -> memref<125x80xi32, #tpu.memory_space<hbm>>
      %dma_wait3A_213 = arith.constant 0 : i32
      %dma_wait3A_214 = arith.constant 0 : i32
      %dma_wait3A_215 = tpu.memref_slice %arg3[%add3A, %dma_wait3A_213, %dma_wait3A_214] : memref<32x125x80xi32, #tpu.memory_space<hbm>> -> memref<1x125x80xi32, #tpu.memory_space<hbm>>
      %dma_wait3A_216 = tpu.memref_squeeze %dma_wait3A_215 : memref<1x125x80xi32, #tpu.memory_space<hbm>> -> memref<125x80xi32, #tpu.memory_space<hbm>>
      tpu.wait_dma2 semaphore(%run_scoped3A : memref<!tpu.dma_semaphore, #tpu.memory_space<semaphore_mem>>) src(%dma_wait3A_216 : memref<125x80xi32, #tpu.memory_space<hbm>>) dst(%arg6 : memref<125x80xi32, #tpu.memory_space<vmem>>)
      tpu.yield
    }) : () -> ()
    %mul3A_19 = arith.constant 5 : i32
    %mul3A_20 = arith.muli %add3A, %mul3A_19 : i32
    %add3A_21 = arith.constant 0 : i32
    %add3A_22 = arith.addi %mul3A_20, %add3A_21 : i32
    %mul3A_23 = arith.constant 2000 : i32
    %mul3A_24 = arith.muli %add3A_22, %mul3A_23 : i32
    %multiple_of3A = tpu.assume_multiple %mul3A_24, 8 : i32
    %dma_start3A = arith.constant 0 : i32
    %dma_start3A_25 = tpu.memref_slice %arg2[%multiple_of3A, %dma_start3A] : memref<320000x16xf32, #tpu.memory_space<hbm>> -> memref<2000x16xf32, #tpu.memory_space<hbm>>
    %dma_start3A_26 = arith.constant 0 : i32
    %dma_start3A_27 = tpu.memref_slice %arg2[%multiple_of3A, %dma_start3A_26] : memref<320000x16xf32, #tpu.memory_space<hbm>> -> memref<2000x16xf32, #tpu.memory_space<hbm>>
    tpu.enqueue_dma source(%dma_start3A_27 : memref<2000x16xf32, #tpu.memory_space<hbm>>) target(%arg7 : memref<2000x16xf32, #tpu.memory_space<vmem>>) target_semaphore(%arg13 : memref<!tpu.dma_semaphore, #tpu.memory_space<semaphore_mem>>)
    %mul3A_28 = arith.constant 5 : i32
    %mul3A_29 = arith.muli %add3A, %mul3A_28 : i32
    %add3A_30 = arith.constant 1 : i32
    %add3A_31 = arith.addi %mul3A_29, %add3A_30 : i32
    %mul3A_32 = arith.constant 2000 : i32
    %mul3A_33 = arith.muli %add3A_31, %mul3A_32 : i32
    %multiple_of3A_34 = tpu.assume_multiple %mul3A_33, 8 : i32
    %dma_start3A_35 = arith.constant 0 : i32
    %dma_start3A_36 = tpu.memref_slice %arg2[%multiple_of3A_34, %dma_start3A_35] : memref<320000x16xf32, #tpu.memory_space<hbm>> -> memref<2000x16xf32, #tpu.memory_space<hbm>>
    %dma_start3A_37 = arith.constant 0 : i32
    %dma_start3A_38 = tpu.memref_slice %arg2[%multiple_of3A_34, %dma_start3A_37] : memref<320000x16xf32, #tpu.memory_space<hbm>> -> memref<2000x16xf32, #tpu.memory_space<hbm>>
    tpu.enqueue_dma source(%dma_start3A_38 : memref<2000x16xf32, #tpu.memory_space<hbm>>) target(%arg8 : memref<2000x16xf32, #tpu.memory_space<vmem>>) target_semaphore(%arg14 : memref<!tpu.dma_semaphore, #tpu.memory_space<semaphore_mem>>)
    %mul3A_39 = arith.constant 5 : i32
    %mul3A_40 = arith.muli %add3A, %mul3A_39 : i32
    %add3A_41 = arith.constant 0 : i32
    %add3A_42 = arith.addi %mul3A_40, %add3A_41 : i32
    %mul3A_43 = arith.constant 2000 : i32
    %mul3A_44 = arith.muli %add3A_42, %mul3A_43 : i32
    %multiple_of3A_45 = tpu.assume_multiple %mul3A_44, 8 : i32
    %dma_wait3A = arith.constant 0 : i32
    %dma_wait3A_46 = tpu.memref_slice %arg2[%multiple_of3A_45, %dma_wait3A] : memref<320000x16xf32, #tpu.memory_space<hbm>> -> memref<2000x16xf32, #tpu.memory_space<hbm>>
    %dma_wait3A_47 = arith.constant 0 : i32
    %dma_wait3A_48 = tpu.memref_slice %arg2[%multiple_of3A_45, %dma_wait3A_47] : memref<320000x16xf32, #tpu.memory_space<hbm>> -> memref<2000x16xf32, #tpu.memory_space<hbm>>
    tpu.wait_dma2 semaphore(%arg13 : memref<!tpu.dma_semaphore, #tpu.memory_space<semaphore_mem>>) src(%dma_wait3A_48 : memref<2000x16xf32, #tpu.memory_space<hbm>>) dst(%arg7 : memref<2000x16xf32, #tpu.memory_space<vmem>>)
    %scan3A_49 = arith.constant 0 : i32
    %scan3A_50 = arith.constant 0 : i32
    %scan3A_51 = arith.constant 25 : i32
    %scan3A_52 = arith.addi %scan3A_50, %scan3A_51 : i32
    %scan3A_53 = arith.constant 1 : i32
    scf.for %scan3A_201 = %scan3A_50 to %scan3A_52 step %scan3A_53  : i32 {
      %add3A_202 = arith.constant 0 : i32
      %add3A_203 = arith.addi %add3A_202, %scan3A_201 : i32
      %mul3A_204 = arith.constant 80 : i32
      %mul3A_205 = arith.muli %scan3A_201, %mul3A_204 : i32
      %dma_start3A_206 = arith.constant 0 : i32
      %dma_start3A_207 = tpu.memref_slice %arg7[%mul3A_205, %dma_start3A_206] : memref<2000x16xf32, #tpu.memory_space<vmem>> -> memref<80x16xf32, #tpu.memory_space<vmem>>
      %dma_start3A_208 = arith.constant 0 : i32
      %dma_start3A_209 = tpu.memref_slice %arg6[%add3A_203, %dma_start3A_208] : memref<125x80xi32, #tpu.memory_space<vmem>> -> memref<1x80xi32, #tpu.memory_space<vmem>>
      %dma_start3A_210 = tpu.memref_squeeze %dma_start3A_209 : memref<1x80xi32, #tpu.memory_space<vmem>> -> memref<80xi32, #tpu.memory_space<vmem>>
      %dma_start3A_211 = arith.constant 0 : i32
      %dma_start3A_212 = arith.constant 0 : i32
      %dma_start3A_213 = tpu.memref_slice %arg11[%dma_start3A_211, %dma_start3A_212] : memref<10112x16xf32, #tpu.memory_space<vmem_shared>> -> memref<10112x16xf32, #tpu.memory_space<vmem_shared>>
      tpu.enqueue_indirect_dma source(%dma_start3A_207 : memref<80x16xf32, #tpu.memory_space<vmem>>) target(%dma_start3A_213 : memref<10112x16xf32, #tpu.memory_space<vmem_shared>>) offsets(%dma_start3A_210 : memref<80xi32, #tpu.memory_space<vmem>>) semaphore(%arg15 : memref<!tpu.dma_semaphore, #tpu.memory_space<semaphore_mem>>) {add = true}
      %dma_start3A_214 = arith.constant 0 : i32
      %dma_start3A_215 = tpu.memref_slice %arg6[%add3A_203, %dma_start3A_214] : memref<125x80xi32, #tpu.memory_space<vmem>> -> memref<1x80xi32, #tpu.memory_space<vmem>>
      %dma_start3A_216 = tpu.memref_squeeze %dma_start3A_215 : memref<1x80xi32, #tpu.memory_space<vmem>> -> memref<80xi32, #tpu.memory_space<vmem>>
      %dma_start3A_217 = arith.constant 0 : i32
      %dma_start3A_218 = arith.constant 0 : i32
      %dma_start3A_219 = tpu.memref_slice %arg12[%dma_start3A_217, %dma_start3A_218] : memref<10112x16xf32, #tpu.memory_space<vmem_shared>> -> memref<10112x16xf32, #tpu.memory_space<vmem_shared>>
      tpu.enqueue_indirect_dma source(%arg9 : memref<80x16xf32, #tpu.memory_space<vmem>>) target(%dma_start3A_219 : memref<10112x16xf32, #tpu.memory_space<vmem_shared>>) offsets(%dma_start3A_216 : memref<80xi32, #tpu.memory_space<vmem>>) semaphore(%arg16 : memref<!tpu.dma_semaphore, #tpu.memory_space<semaphore_mem>>) {add = true}
    }
    %scan3A_54 = arith.constant 25 : i32
    %scan3A_55 = arith.constant 0 : i32
    %scan3A_56 = arith.constant 0 : i32
    %scan3A_57 = arith.constant 25 : i32
    %scan3A_58 = arith.addi %scan3A_56, %scan3A_57 : i32
    %scan3A_59 = arith.constant 1 : i32
    scf.for %scan3A_201 = %scan3A_56 to %scan3A_58 step %scan3A_59  : i32 {
      %add3A_202 = arith.constant 0 : i32
      %add3A_203 = arith.addi %add3A_202, %scan3A_201 : i32
      %mul3A_204 = arith.constant 80 : i32
      %mul3A_205 = arith.muli %scan3A_201, %mul3A_204 : i32
      %dma_wait3A_206 = arith.constant 0 : i32
      %dma_wait3A_207 = tpu.memref_slice %arg7[%mul3A_205, %dma_wait3A_206] : memref<2000x16xf32, #tpu.memory_space<vmem>> -> memref<80x16xf32, #tpu.memory_space<vmem>>
      %dma_wait3A_208 = arith.constant 0 : i32
      %dma_wait3A_209 = tpu.memref_slice %arg6[%add3A_203, %dma_wait3A_208] : memref<125x80xi32, #tpu.memory_space<vmem>> -> memref<1x80xi32, #tpu.memory_space<vmem>>
      %dma_wait3A_210 = tpu.memref_squeeze %dma_wait3A_209 : memref<1x80xi32, #tpu.memory_space<vmem>> -> memref<80xi32, #tpu.memory_space<vmem>>
      %dma_wait3A_211 = arith.constant 0 : i32
      %dma_wait3A_212 = arith.constant 0 : i32
      %dma_wait3A_213 = tpu.memref_slice %arg11[%dma_wait3A_211, %dma_wait3A_212] : memref<10112x16xf32, #tpu.memory_space<vmem_shared>> -> memref<10112x16xf32, #tpu.memory_space<vmem_shared>>
      tpu.wait_indirect_dma semaphore(%arg15 : memref<!tpu.dma_semaphore, #tpu.memory_space<semaphore_mem>>) src(%dma_wait3A_207 : memref<80x16xf32, #tpu.memory_space<vmem>>) dst(%dma_wait3A_213 : memref<10112x16xf32, #tpu.memory_space<vmem_shared>>)
    }
    %scan3A_60 = arith.constant 25 : i32
    %mul3A_61 = arith.constant 5 : i32
    %mul3A_62 = arith.muli %add3A, %mul3A_61 : i32
    %add3A_63 = arith.constant 2 : i32
    %add3A_64 = arith.addi %mul3A_62, %add3A_63 : i32
    %mul3A_65 = arith.constant 2000 : i32
    %mul3A_66 = arith.muli %add3A_64, %mul3A_65 : i32
    %multiple_of3A_67 = tpu.assume_multiple %mul3A_66, 8 : i32
    %dma_start3A_68 = arith.constant 0 : i32
    %dma_start3A_69 = tpu.memref_slice %arg2[%multiple_of3A_67, %dma_start3A_68] : memref<320000x16xf32, #tpu.memory_space<hbm>> -> memref<2000x16xf32, #tpu.memory_space<hbm>>
    %dma_start3A_70 = arith.constant 0 : i32
    %dma_start3A_71 = tpu.memref_slice %arg2[%multiple_of3A_67, %dma_start3A_70] : memref<320000x16xf32, #tpu.memory_space<hbm>> -> memref<2000x16xf32, #tpu.memory_space<hbm>>
    tpu.enqueue_dma source(%dma_start3A_71 : memref<2000x16xf32, #tpu.memory_space<hbm>>) target(%arg7 : memref<2000x16xf32, #tpu.memory_space<vmem>>) target_semaphore(%arg13 : memref<!tpu.dma_semaphore, #tpu.memory_space<semaphore_mem>>)
    %mul3A_72 = arith.constant 5 : i32
    %mul3A_73 = arith.muli %add3A, %mul3A_72 : i32
    %add3A_74 = arith.constant 1 : i32
    %add3A_75 = arith.addi %mul3A_73, %add3A_74 : i32
    %mul3A_76 = arith.constant 2000 : i32
    %mul3A_77 = arith.muli %add3A_75, %mul3A_76 : i32
    %multiple_of3A_78 = tpu.assume_multiple %mul3A_77, 8 : i32
    %dma_wait3A_79 = arith.constant 0 : i32
    %dma_wait3A_80 = tpu.memref_slice %arg2[%multiple_of3A_78, %dma_wait3A_79] : memref<320000x16xf32, #tpu.memory_space<hbm>> -> memref<2000x16xf32, #tpu.memory_space<hbm>>
    %dma_wait3A_81 = arith.constant 0 : i32
    %dma_wait3A_82 = tpu.memref_slice %arg2[%multiple_of3A_78, %dma_wait3A_81] : memref<320000x16xf32, #tpu.memory_space<hbm>> -> memref<2000x16xf32, #tpu.memory_space<hbm>>
    tpu.wait_dma2 semaphore(%arg14 : memref<!tpu.dma_semaphore, #tpu.memory_space<semaphore_mem>>) src(%dma_wait3A_82 : memref<2000x16xf32, #tpu.memory_space<hbm>>) dst(%arg8 : memref<2000x16xf32, #tpu.memory_space<vmem>>)
    %scan3A_83 = arith.constant 0 : i32
    %scan3A_84 = arith.constant 0 : i32
    %scan3A_85 = arith.constant 25 : i32
    %scan3A_86 = arith.addi %scan3A_84, %scan3A_85 : i32
    %scan3A_87 = arith.constant 1 : i32
    scf.for %scan3A_201 = %scan3A_84 to %scan3A_86 step %scan3A_87  : i32 {
      %add3A_202 = arith.constant 25 : i32
      %add3A_203 = arith.addi %add3A_202, %scan3A_201 : i32
      %mul3A_204 = arith.constant 80 : i32
      %mul3A_205 = arith.muli %scan3A_201, %mul3A_204 : i32
      %dma_start3A_206 = arith.constant 0 : i32
      %dma_start3A_207 = tpu.memref_slice %arg8[%mul3A_205, %dma_start3A_206] : memref<2000x16xf32, #tpu.memory_space<vmem>> -> memref<80x16xf32, #tpu.memory_space<vmem>>
      %dma_start3A_208 = arith.constant 0 : i32
      %dma_start3A_209 = tpu.memref_slice %arg6[%add3A_203, %dma_start3A_208] : memref<125x80xi32, #tpu.memory_space<vmem>> -> memref<1x80xi32, #tpu.memory_space<vmem>>
      %dma_start3A_210 = tpu.memref_squeeze %dma_start3A_209 : memref<1x80xi32, #tpu.memory_space<vmem>> -> memref<80xi32, #tpu.memory_space<vmem>>
      %dma_start3A_211 = arith.constant 0 : i32
      %dma_start3A_212 = arith.constant 0 : i32
      %dma_start3A_213 = tpu.memref_slice %arg11[%dma_start3A_211, %dma_start3A_212] : memref<10112x16xf32, #tpu.memory_space<vmem_shared>> -> memref<10112x16xf32, #tpu.memory_space<vmem_shared>>
      tpu.enqueue_indirect_dma source(%dma_start3A_207 : memref<80x16xf32, #tpu.memory_space<vmem>>) target(%dma_start3A_213 : memref<10112x16xf32, #tpu.memory_space<vmem_shared>>) offsets(%dma_start3A_210 : memref<80xi32, #tpu.memory_space<vmem>>) semaphore(%arg15 : memref<!tpu.dma_semaphore, #tpu.memory_space<semaphore_mem>>) {add = true}
      %dma_start3A_214 = arith.constant 0 : i32
      %dma_start3A_215 = tpu.memref_slice %arg6[%add3A_203, %dma_start3A_214] : memref<125x80xi32, #tpu.memory_space<vmem>> -> memref<1x80xi32, #tpu.memory_space<vmem>>
      %dma_start3A_216 = tpu.memref_squeeze %dma_start3A_215 : memref<1x80xi32, #tpu.memory_space<vmem>> -> memref<80xi32, #tpu.memory_space<vmem>>
      %dma_start3A_217 = arith.constant 0 : i32
      %dma_start3A_218 = arith.constant 0 : i32
      %dma_start3A_219 = tpu.memref_slice %arg12[%dma_start3A_217, %dma_start3A_218] : memref<10112x16xf32, #tpu.memory_space<vmem_shared>> -> memref<10112x16xf32, #tpu.memory_space<vmem_shared>>
      tpu.enqueue_indirect_dma source(%arg9 : memref<80x16xf32, #tpu.memory_space<vmem>>) target(%dma_start3A_219 : memref<10112x16xf32, #tpu.memory_space<vmem_shared>>) offsets(%dma_start3A_216 : memref<80xi32, #tpu.memory_space<vmem>>) semaphore(%arg16 : memref<!tpu.dma_semaphore, #tpu.memory_space<semaphore_mem>>) {add = true}
    }
    %scan3A_88 = arith.constant 25 : i32
    %scan3A_89 = arith.constant 0 : i32
    %scan3A_90 = arith.constant 0 : i32
    %scan3A_91 = arith.constant 25 : i32
    %scan3A_92 = arith.addi %scan3A_90, %scan3A_91 : i32
    %scan3A_93 = arith.constant 1 : i32
    scf.for %scan3A_201 = %scan3A_90 to %scan3A_92 step %scan3A_93  : i32 {
      %add3A_202 = arith.constant 25 : i32
      %add3A_203 = arith.addi %add3A_202, %scan3A_201 : i32
      %mul3A_204 = arith.constant 80 : i32
      %mul3A_205 = arith.muli %scan3A_201, %mul3A_204 : i32
      %dma_wait3A_206 = arith.constant 0 : i32
      %dma_wait3A_207 = tpu.memref_slice %arg8[%mul3A_205, %dma_wait3A_206] : memref<2000x16xf32, #tpu.memory_space<vmem>> -> memref<80x16xf32, #tpu.memory_space<vmem>>
      %dma_wait3A_208 = arith.constant 0 : i32
      %dma_wait3A_209 = tpu.memref_slice %arg6[%add3A_203, %dma_wait3A_208] : memref<125x80xi32, #tpu.memory_space<vmem>> -> memref<1x80xi32, #tpu.memory_space<vmem>>
      %dma_wait3A_210 = tpu.memref_squeeze %dma_wait3A_209 : memref<1x80xi32, #tpu.memory_space<vmem>> -> memref<80xi32, #tpu.memory_space<vmem>>
      %dma_wait3A_211 = arith.constant 0 : i32
      %dma_wait3A_212 = arith.constant 0 : i32
      %dma_wait3A_213 = tpu.memref_slice %arg11[%dma_wait3A_211, %dma_wait3A_212] : memref<10112x16xf32, #tpu.memory_space<vmem_shared>> -> memref<10112x16xf32, #tpu.memory_space<vmem_shared>>
      tpu.wait_indirect_dma semaphore(%arg15 : memref<!tpu.dma_semaphore, #tpu.memory_space<semaphore_mem>>) src(%dma_wait3A_207 : memref<80x16xf32, #tpu.memory_space<vmem>>) dst(%dma_wait3A_213 : memref<10112x16xf32, #tpu.memory_space<vmem_shared>>)
    }
    %scan3A_94 = arith.constant 25 : i32
    %mul3A_95 = arith.constant 5 : i32
    %mul3A_96 = arith.muli %add3A, %mul3A_95 : i32
    %add3A_97 = arith.constant 3 : i32
    %add3A_98 = arith.addi %mul3A_96, %add3A_97 : i32
    %mul3A_99 = arith.constant 2000 : i32
    %mul3A_100 = arith.muli %add3A_98, %mul3A_99 : i32
    %multiple_of3A_101 = tpu.assume_multiple %mul3A_100, 8 : i32
    %dma_start3A_102 = arith.constant 0 : i32
    %dma_start3A_103 = tpu.memref_slice %arg2[%multiple_of3A_101, %dma_start3A_102] : memref<320000x16xf32, #tpu.memory_space<hbm>> -> memref<2000x16xf32, #tpu.memory_space<hbm>>
    %dma_start3A_104 = arith.constant 0 : i32
    %dma_start3A_105 = tpu.memref_slice %arg2[%multiple_of3A_101, %dma_start3A_104] : memref<320000x16xf32, #tpu.memory_space<hbm>> -> memref<2000x16xf32, #tpu.memory_space<hbm>>
    tpu.enqueue_dma source(%dma_start3A_105 : memref<2000x16xf32, #tpu.memory_space<hbm>>) target(%arg8 : memref<2000x16xf32, #tpu.memory_space<vmem>>) target_semaphore(%arg14 : memref<!tpu.dma_semaphore, #tpu.memory_space<semaphore_mem>>)
    %mul3A_106 = arith.constant 5 : i32
    %mul3A_107 = arith.muli %add3A, %mul3A_106 : i32
    %add3A_108 = arith.constant 2 : i32
    %add3A_109 = arith.addi %mul3A_107, %add3A_108 : i32
    %mul3A_110 = arith.constant 2000 : i32
    %mul3A_111 = arith.muli %add3A_109, %mul3A_110 : i32
    %multiple_of3A_112 = tpu.assume_multiple %mul3A_111, 8 : i32
    %dma_wait3A_113 = arith.constant 0 : i32
    %dma_wait3A_114 = tpu.memref_slice %arg2[%multiple_of3A_112, %dma_wait3A_113] : memref<320000x16xf32, #tpu.memory_space<hbm>> -> memref<2000x16xf32, #tpu.memory_space<hbm>>
    %dma_wait3A_115 = arith.constant 0 : i32
    %dma_wait3A_116 = tpu.memref_slice %arg2[%multiple_of3A_112, %dma_wait3A_115] : memref<320000x16xf32, #tpu.memory_space<hbm>> -> memref<2000x16xf32, #tpu.memory_space<hbm>>
    tpu.wait_dma2 semaphore(%arg13 : memref<!tpu.dma_semaphore, #tpu.memory_space<semaphore_mem>>) src(%dma_wait3A_116 : memref<2000x16xf32, #tpu.memory_space<hbm>>) dst(%arg7 : memref<2000x16xf32, #tpu.memory_space<vmem>>)
    %scan3A_117 = arith.constant 0 : i32
    %scan3A_118 = arith.constant 0 : i32
    %scan3A_119 = arith.constant 25 : i32
    %scan3A_120 = arith.addi %scan3A_118, %scan3A_119 : i32
    %scan3A_121 = arith.constant 1 : i32
    scf.for %scan3A_201 = %scan3A_118 to %scan3A_120 step %scan3A_121  : i32 {
      %add3A_202 = arith.constant 50 : i32
      %add3A_203 = arith.addi %add3A_202, %scan3A_201 : i32
      %mul3A_204 = arith.constant 80 : i32
      %mul3A_205 = arith.muli %scan3A_201, %mul3A_204 : i32
      %dma_start3A_206 = arith.constant 0 : i32
      %dma_start3A_207 = tpu.memref_slice %arg7[%mul3A_205, %dma_start3A_206] : memref<2000x16xf32, #tpu.memory_space<vmem>> -> memref<80x16xf32, #tpu.memory_space<vmem>>
      %dma_start3A_208 = arith.constant 0 : i32
      %dma_start3A_209 = tpu.memref_slice %arg6[%add3A_203, %dma_start3A_208] : memref<125x80xi32, #tpu.memory_space<vmem>> -> memref<1x80xi32, #tpu.memory_space<vmem>>
      %dma_start3A_210 = tpu.memref_squeeze %dma_start3A_209 : memref<1x80xi32, #tpu.memory_space<vmem>> -> memref<80xi32, #tpu.memory_space<vmem>>
      %dma_start3A_211 = arith.constant 0 : i32
      %dma_start3A_212 = arith.constant 0 : i32
      %dma_start3A_213 = tpu.memref_slice %arg11[%dma_start3A_211, %dma_start3A_212] : memref<10112x16xf32, #tpu.memory_space<vmem_shared>> -> memref<10112x16xf32, #tpu.memory_space<vmem_shared>>
      tpu.enqueue_indirect_dma source(%dma_start3A_207 : memref<80x16xf32, #tpu.memory_space<vmem>>) target(%dma_start3A_213 : memref<10112x16xf32, #tpu.memory_space<vmem_shared>>) offsets(%dma_start3A_210 : memref<80xi32, #tpu.memory_space<vmem>>) semaphore(%arg15 : memref<!tpu.dma_semaphore, #tpu.memory_space<semaphore_mem>>) {add = true}
      %dma_start3A_214 = arith.constant 0 : i32
      %dma_start3A_215 = tpu.memref_slice %arg6[%add3A_203, %dma_start3A_214] : memref<125x80xi32, #tpu.memory_space<vmem>> -> memref<1x80xi32, #tpu.memory_space<vmem>>
      %dma_start3A_216 = tpu.memref_squeeze %dma_start3A_215 : memref<1x80xi32, #tpu.memory_space<vmem>> -> memref<80xi32, #tpu.memory_space<vmem>>
      %dma_start3A_217 = arith.constant 0 : i32
      %dma_start3A_218 = arith.constant 0 : i32
      %dma_start3A_219 = tpu.memref_slice %arg12[%dma_start3A_217, %dma_start3A_218] : memref<10112x16xf32, #tpu.memory_space<vmem_shared>> -> memref<10112x16xf32, #tpu.memory_space<vmem_shared>>
      tpu.enqueue_indirect_dma source(%arg9 : memref<80x16xf32, #tpu.memory_space<vmem>>) target(%dma_start3A_219 : memref<10112x16xf32, #tpu.memory_space<vmem_shared>>) offsets(%dma_start3A_216 : memref<80xi32, #tpu.memory_space<vmem>>) semaphore(%arg16 : memref<!tpu.dma_semaphore, #tpu.memory_space<semaphore_mem>>) {add = true}
    }
    %scan3A_122 = arith.constant 25 : i32
    %scan3A_123 = arith.constant 0 : i32
    %scan3A_124 = arith.constant 0 : i32
    %scan3A_125 = arith.constant 25 : i32
    %scan3A_126 = arith.addi %scan3A_124, %scan3A_125 : i32
    %scan3A_127 = arith.constant 1 : i32
    scf.for %scan3A_201 = %scan3A_124 to %scan3A_126 step %scan3A_127  : i32 {
      %add3A_202 = arith.constant 50 : i32
      %add3A_203 = arith.addi %add3A_202, %scan3A_201 : i32
      %mul3A_204 = arith.constant 80 : i32
      %mul3A_205 = arith.muli %scan3A_201, %mul3A_204 : i32
      %dma_wait3A_206 = arith.constant 0 : i32
      %dma_wait3A_207 = tpu.memref_slice %arg7[%mul3A_205, %dma_wait3A_206] : memref<2000x16xf32, #tpu.memory_space<vmem>> -> memref<80x16xf32, #tpu.memory_space<vmem>>
      %dma_wait3A_208 = arith.constant 0 : i32
      %dma_wait3A_209 = tpu.memref_slice %arg6[%add3A_203, %dma_wait3A_208] : memref<125x80xi32, #tpu.memory_space<vmem>> -> memref<1x80xi32, #tpu.memory_space<vmem>>
      %dma_wait3A_210 = tpu.memref_squeeze %dma_wait3A_209 : memref<1x80xi32, #tpu.memory_space<vmem>> -> memref<80xi32, #tpu.memory_space<vmem>>
      %dma_wait3A_211 = arith.constant 0 : i32
      %dma_wait3A_212 = arith.constant 0 : i32
      %dma_wait3A_213 = tpu.memref_slice %arg11[%dma_wait3A_211, %dma_wait3A_212] : memref<10112x16xf32, #tpu.memory_space<vmem_shared>> -> memref<10112x16xf32, #tpu.memory_space<vmem_shared>>
      tpu.wait_indirect_dma semaphore(%arg15 : memref<!tpu.dma_semaphore, #tpu.memory_space<semaphore_mem>>) src(%dma_wait3A_207 : memref<80x16xf32, #tpu.memory_space<vmem>>) dst(%dma_wait3A_213 : memref<10112x16xf32, #tpu.memory_space<vmem_shared>>)
    }
    %scan3A_128 = arith.constant 25 : i32
    %mul3A_129 = arith.constant 5 : i32
    %mul3A_130 = arith.muli %add3A, %mul3A_129 : i32
    %add3A_131 = arith.constant 4 : i32
    %add3A_132 = arith.addi %mul3A_130, %add3A_131 : i32
    %mul3A_133 = arith.constant 2000 : i32
    %mul3A_134 = arith.muli %add3A_132, %mul3A_133 : i32
    %multiple_of3A_135 = tpu.assume_multiple %mul3A_134, 8 : i32
    %dma_start3A_136 = arith.constant 0 : i32
    %dma_start3A_137 = tpu.memref_slice %arg2[%multiple_of3A_135, %dma_start3A_136] : memref<320000x16xf32, #tpu.memory_space<hbm>> -> memref<2000x16xf32, #tpu.memory_space<hbm>>
    %dma_start3A_138 = arith.constant 0 : i32
    %dma_start3A_139 = tpu.memref_slice %arg2[%multiple_of3A_135, %dma_start3A_138] : memref<320000x16xf32, #tpu.memory_space<hbm>> -> memref<2000x16xf32, #tpu.memory_space<hbm>>
    tpu.enqueue_dma source(%dma_start3A_139 : memref<2000x16xf32, #tpu.memory_space<hbm>>) target(%arg7 : memref<2000x16xf32, #tpu.memory_space<vmem>>) target_semaphore(%arg13 : memref<!tpu.dma_semaphore, #tpu.memory_space<semaphore_mem>>)
    %mul3A_140 = arith.constant 5 : i32
    %mul3A_141 = arith.muli %add3A, %mul3A_140 : i32
    %add3A_142 = arith.constant 3 : i32
    %add3A_143 = arith.addi %mul3A_141, %add3A_142 : i32
    %mul3A_144 = arith.constant 2000 : i32
    %mul3A_145 = arith.muli %add3A_143, %mul3A_144 : i32
    %multiple_of3A_146 = tpu.assume_multiple %mul3A_145, 8 : i32
    %dma_wait3A_147 = arith.constant 0 : i32
    %dma_wait3A_148 = tpu.memref_slice %arg2[%multiple_of3A_146, %dma_wait3A_147] : memref<320000x16xf32, #tpu.memory_space<hbm>> -> memref<2000x16xf32, #tpu.memory_space<hbm>>
    %dma_wait3A_149 = arith.constant 0 : i32
    %dma_wait3A_150 = tpu.memref_slice %arg2[%multiple_of3A_146, %dma_wait3A_149] : memref<320000x16xf32, #tpu.memory_space<hbm>> -> memref<2000x16xf32, #tpu.memory_space<hbm>>
    tpu.wait_dma2 semaphore(%arg14 : memref<!tpu.dma_semaphore, #tpu.memory_space<semaphore_mem>>) src(%dma_wait3A_150 : memref<2000x16xf32, #tpu.memory_space<hbm>>) dst(%arg8 : memref<2000x16xf32, #tpu.memory_space<vmem>>)
    %scan3A_151 = arith.constant 0 : i32
    %scan3A_152 = arith.constant 0 : i32
    %scan3A_153 = arith.constant 25 : i32
    %scan3A_154 = arith.addi %scan3A_152, %scan3A_153 : i32
    %scan3A_155 = arith.constant 1 : i32
    scf.for %scan3A_201 = %scan3A_152 to %scan3A_154 step %scan3A_155  : i32 {
      %add3A_202 = arith.constant 75 : i32
      %add3A_203 = arith.addi %add3A_202, %scan3A_201 : i32
      %mul3A_204 = arith.constant 80 : i32
      %mul3A_205 = arith.muli %scan3A_201, %mul3A_204 : i32
      %dma_start3A_206 = arith.constant 0 : i32
      %dma_start3A_207 = tpu.memref_slice %arg8[%mul3A_205, %dma_start3A_206] : memref<2000x16xf32, #tpu.memory_space<vmem>> -> memref<80x16xf32, #tpu.memory_space<vmem>>
      %dma_start3A_208 = arith.constant 0 : i32
      %dma_start3A_209 = tpu.memref_slice %arg6[%add3A_203, %dma_start3A_208] : memref<125x80xi32, #tpu.memory_space<vmem>> -> memref<1x80xi32, #tpu.memory_space<vmem>>
      %dma_start3A_210 = tpu.memref_squeeze %dma_start3A_209 : memref<1x80xi32, #tpu.memory_space<vmem>> -> memref<80xi32, #tpu.memory_space<vmem>>
      %dma_start3A_211 = arith.constant 0 : i32
      %dma_start3A_212 = arith.constant 0 : i32
      %dma_start3A_213 = tpu.memref_slice %arg11[%dma_start3A_211, %dma_start3A_212] : memref<10112x16xf32, #tpu.memory_space<vmem_shared>> -> memref<10112x16xf32, #tpu.memory_space<vmem_shared>>
      tpu.enqueue_indirect_dma source(%dma_start3A_207 : memref<80x16xf32, #tpu.memory_space<vmem>>) target(%dma_start3A_213 : memref<10112x16xf32, #tpu.memory_space<vmem_shared>>) offsets(%dma_start3A_210 : memref<80xi32, #tpu.memory_space<vmem>>) semaphore(%arg15 : memref<!tpu.dma_semaphore, #tpu.memory_space<semaphore_mem>>) {add = true}
      %dma_start3A_214 = arith.constant 0 : i32
      %dma_start3A_215 = tpu.memref_slice %arg6[%add3A_203, %dma_start3A_214] : memref<125x80xi32, #tpu.memory_space<vmem>> -> memref<1x80xi32, #tpu.memory_space<vmem>>
      %dma_start3A_216 = tpu.memref_squeeze %dma_start3A_215 : memref<1x80xi32, #tpu.memory_space<vmem>> -> memref<80xi32, #tpu.memory_space<vmem>>
      %dma_start3A_217 = arith.constant 0 : i32
      %dma_start3A_218 = arith.constant 0 : i32
      %dma_start3A_219 = tpu.memref_slice %arg12[%dma_start3A_217, %dma_start3A_218] : memref<10112x16xf32, #tpu.memory_space<vmem_shared>> -> memref<10112x16xf32, #tpu.memory_space<vmem_shared>>
      tpu.enqueue_indirect_dma source(%arg9 : memref<80x16xf32, #tpu.memory_space<vmem>>) target(%dma_start3A_219 : memref<10112x16xf32, #tpu.memory_space<vmem_shared>>) offsets(%dma_start3A_216 : memref<80xi32, #tpu.memory_space<vmem>>) semaphore(%arg16 : memref<!tpu.dma_semaphore, #tpu.memory_space<semaphore_mem>>) {add = true}
    }
    %scan3A_156 = arith.constant 25 : i32
    %scan3A_157 = arith.constant 0 : i32
    %scan3A_158 = arith.constant 0 : i32
    %scan3A_159 = arith.constant 25 : i32
    %scan3A_160 = arith.addi %scan3A_158, %scan3A_159 : i32
    %scan3A_161 = arith.constant 1 : i32
    scf.for %scan3A_201 = %scan3A_158 to %scan3A_160 step %scan3A_161  : i32 {
      %add3A_202 = arith.constant 75 : i32
      %add3A_203 = arith.addi %add3A_202, %scan3A_201 : i32
      %mul3A_204 = arith.constant 80 : i32
      %mul3A_205 = arith.muli %scan3A_201, %mul3A_204 : i32
      %dma_wait3A_206 = arith.constant 0 : i32
      %dma_wait3A_207 = tpu.memref_slice %arg8[%mul3A_205, %dma_wait3A_206] : memref<2000x16xf32, #tpu.memory_space<vmem>> -> memref<80x16xf32, #tpu.memory_space<vmem>>
      %dma_wait3A_208 = arith.constant 0 : i32
      %dma_wait3A_209 = tpu.memref_slice %arg6[%add3A_203, %dma_wait3A_208] : memref<125x80xi32, #tpu.memory_space<vmem>> -> memref<1x80xi32, #tpu.memory_space<vmem>>
      %dma_wait3A_210 = tpu.memref_squeeze %dma_wait3A_209 : memref<1x80xi32, #tpu.memory_space<vmem>> -> memref<80xi32, #tpu.memory_space<vmem>>
      %dma_wait3A_211 = arith.constant 0 : i32
      %dma_wait3A_212 = arith.constant 0 : i32
      %dma_wait3A_213 = tpu.memref_slice %arg11[%dma_wait3A_211, %dma_wait3A_212] : memref<10112x16xf32, #tpu.memory_space<vmem_shared>> -> memref<10112x16xf32, #tpu.memory_space<vmem_shared>>
      tpu.wait_indirect_dma semaphore(%arg15 : memref<!tpu.dma_semaphore, #tpu.memory_space<semaphore_mem>>) src(%dma_wait3A_207 : memref<80x16xf32, #tpu.memory_space<vmem>>) dst(%dma_wait3A_213 : memref<10112x16xf32, #tpu.memory_space<vmem_shared>>)
    }
    %scan3A_162 = arith.constant 25 : i32
    %mul3A_163 = arith.constant 5 : i32
    %mul3A_164 = arith.muli %add3A, %mul3A_163 : i32
    %add3A_165 = arith.constant 4 : i32
    %add3A_166 = arith.addi %mul3A_164, %add3A_165 : i32
    %mul3A_167 = arith.constant 2000 : i32
    %mul3A_168 = arith.muli %add3A_166, %mul3A_167 : i32
    %multiple_of3A_169 = tpu.assume_multiple %mul3A_168, 8 : i32
    %dma_wait3A_170 = arith.constant 0 : i32
    %dma_wait3A_171 = tpu.memref_slice %arg2[%multiple_of3A_169, %dma_wait3A_170] : memref<320000x16xf32, #tpu.memory_space<hbm>> -> memref<2000x16xf32, #tpu.memory_space<hbm>>
    %dma_wait3A_172 = arith.constant 0 : i32
    %dma_wait3A_173 = tpu.memref_slice %arg2[%multiple_of3A_169, %dma_wait3A_172] : memref<320000x16xf32, #tpu.memory_space<hbm>> -> memref<2000x16xf32, #tpu.memory_space<hbm>>
    tpu.wait_dma2 semaphore(%arg13 : memref<!tpu.dma_semaphore, #tpu.memory_space<semaphore_mem>>) src(%dma_wait3A_173 : memref<2000x16xf32, #tpu.memory_space<hbm>>) dst(%arg7 : memref<2000x16xf32, #tpu.memory_space<vmem>>)
    %scan3A_174 = arith.constant 0 : i32
    %scan3A_175 = arith.constant 0 : i32
    %scan3A_176 = arith.constant 25 : i32
    %scan3A_177 = arith.addi %scan3A_175, %scan3A_176 : i32
    %scan3A_178 = arith.constant 1 : i32
    scf.for %scan3A_201 = %scan3A_175 to %scan3A_177 step %scan3A_178  : i32 {
      %add3A_202 = arith.constant 100 : i32
      %add3A_203 = arith.addi %add3A_202, %scan3A_201 : i32
      %mul3A_204 = arith.constant 80 : i32
      %mul3A_205 = arith.muli %scan3A_201, %mul3A_204 : i32
      %dma_start3A_206 = arith.constant 0 : i32
      %dma_start3A_207 = tpu.memref_slice %arg7[%mul3A_205, %dma_start3A_206] : memref<2000x16xf32, #tpu.memory_space<vmem>> -> memref<80x16xf32, #tpu.memory_space<vmem>>
      %dma_start3A_208 = arith.constant 0 : i32
      %dma_start3A_209 = tpu.memref_slice %arg6[%add3A_203, %dma_start3A_208] : memref<125x80xi32, #tpu.memory_space<vmem>> -> memref<1x80xi32, #tpu.memory_space<vmem>>
      %dma_start3A_210 = tpu.memref_squeeze %dma_start3A_209 : memref<1x80xi32, #tpu.memory_space<vmem>> -> memref<80xi32, #tpu.memory_space<vmem>>
      %dma_start3A_211 = arith.constant 0 : i32
      %dma_start3A_212 = arith.constant 0 : i32
      %dma_start3A_213 = tpu.memref_slice %arg11[%dma_start3A_211, %dma_start3A_212] : memref<10112x16xf32, #tpu.memory_space<vmem_shared>> -> memref<10112x16xf32, #tpu.memory_space<vmem_shared>>
      tpu.enqueue_indirect_dma source(%dma_start3A_207 : memref<80x16xf32, #tpu.memory_space<vmem>>) target(%dma_start3A_213 : memref<10112x16xf32, #tpu.memory_space<vmem_shared>>) offsets(%dma_start3A_210 : memref<80xi32, #tpu.memory_space<vmem>>) semaphore(%arg15 : memref<!tpu.dma_semaphore, #tpu.memory_space<semaphore_mem>>) {add = true}
      %dma_start3A_214 = arith.constant 0 : i32
      %dma_start3A_215 = tpu.memref_slice %arg6[%add3A_203, %dma_start3A_214] : memref<125x80xi32, #tpu.memory_space<vmem>> -> memref<1x80xi32, #tpu.memory_space<vmem>>
      %dma_start3A_216 = tpu.memref_squeeze %dma_start3A_215 : memref<1x80xi32, #tpu.memory_space<vmem>> -> memref<80xi32, #tpu.memory_space<vmem>>
      %dma_start3A_217 = arith.constant 0 : i32
      %dma_start3A_218 = arith.constant 0 : i32
      %dma_start3A_219 = tpu.memref_slice %arg12[%dma_start3A_217, %dma_start3A_218] : memref<10112x16xf32, #tpu.memory_space<vmem_shared>> -> memref<10112x16xf32, #tpu.memory_space<vmem_shared>>
      tpu.enqueue_indirect_dma source(%arg9 : memref<80x16xf32, #tpu.memory_space<vmem>>) target(%dma_start3A_219 : memref<10112x16xf32, #tpu.memory_space<vmem_shared>>) offsets(%dma_start3A_216 : memref<80xi32, #tpu.memory_space<vmem>>) semaphore(%arg16 : memref<!tpu.dma_semaphore, #tpu.memory_space<semaphore_mem>>) {add = true}
    }
    %scan3A_179 = arith.constant 25 : i32
    %scan3A_180 = arith.constant 0 : i32
    %scan3A_181 = arith.constant 0 : i32
    %scan3A_182 = arith.constant 25 : i32
    %scan3A_183 = arith.addi %scan3A_181, %scan3A_182 : i32
    %scan3A_184 = arith.constant 1 : i32
    scf.for %scan3A_201 = %scan3A_181 to %scan3A_183 step %scan3A_184  : i32 {
      %add3A_202 = arith.constant 100 : i32
      %add3A_203 = arith.addi %add3A_202, %scan3A_201 : i32
      %mul3A_204 = arith.constant 80 : i32
      %mul3A_205 = arith.muli %scan3A_201, %mul3A_204 : i32
      %dma_wait3A_206 = arith.constant 0 : i32
      %dma_wait3A_207 = tpu.memref_slice %arg7[%mul3A_205, %dma_wait3A_206] : memref<2000x16xf32, #tpu.memory_space<vmem>> -> memref<80x16xf32, #tpu.memory_space<vmem>>
      %dma_wait3A_208 = arith.constant 0 : i32
      %dma_wait3A_209 = tpu.memref_slice %arg6[%add3A_203, %dma_wait3A_208] : memref<125x80xi32, #tpu.memory_space<vmem>> -> memref<1x80xi32, #tpu.memory_space<vmem>>
      %dma_wait3A_210 = tpu.memref_squeeze %dma_wait3A_209 : memref<1x80xi32, #tpu.memory_space<vmem>> -> memref<80xi32, #tpu.memory_space<vmem>>
      %dma_wait3A_211 = arith.constant 0 : i32
      %dma_wait3A_212 = arith.constant 0 : i32
      %dma_wait3A_213 = tpu.memref_slice %arg11[%dma_wait3A_211, %dma_wait3A_212] : memref<10112x16xf32, #tpu.memory_space<vmem_shared>> -> memref<10112x16xf32, #tpu.memory_space<vmem_shared>>
      tpu.wait_indirect_dma semaphore(%arg15 : memref<!tpu.dma_semaphore, #tpu.memory_space<semaphore_mem>>) src(%dma_wait3A_207 : memref<80x16xf32, #tpu.memory_space<vmem>>) dst(%dma_wait3A_213 : memref<10112x16xf32, #tpu.memory_space<vmem_shared>>)
    }
    %scan3A_185 = arith.constant 25 : i32
    %scan3A_186 = arith.constant 0 : i32
    %scan3A_187 = arith.constant 0 : i32
    %scan3A_188 = arith.constant 125 : i32
    %scan3A_189 = arith.addi %scan3A_187, %scan3A_188 : i32
    %scan3A_190 = arith.constant 1 : i32
    scf.for %scan3A_201 = %scan3A_187 to %scan3A_189 step %scan3A_190  : i32 {
      %dma_wait3A_202 = arith.constant 0 : i32
      %dma_wait3A_203 = tpu.memref_slice %arg6[%scan3A_201, %dma_wait3A_202] : memref<125x80xi32, #tpu.memory_space<vmem>> -> memref<1x80xi32, #tpu.memory_space<vmem>>
      %dma_wait3A_204 = tpu.memref_squeeze %dma_wait3A_203 : memref<1x80xi32, #tpu.memory_space<vmem>> -> memref<80xi32, #tpu.memory_space<vmem>>
      %dma_wait3A_205 = arith.constant 0 : i32
      %dma_wait3A_206 = arith.constant 0 : i32
      %dma_wait3A_207 = tpu.memref_slice %arg12[%dma_wait3A_205, %dma_wait3A_206] : memref<10112x16xf32, #tpu.memory_space<vmem_shared>> -> memref<10112x16xf32, #tpu.memory_space<vmem_shared>>
      tpu.wait_indirect_dma semaphore(%arg16 : memref<!tpu.dma_semaphore, #tpu.memory_space<semaphore_mem>>) src(%arg9 : memref<80x16xf32, #tpu.memory_space<vmem>>) dst(%dma_wait3A_207 : memref<10112x16xf32, #tpu.memory_space<vmem_shared>>)
    }
    %scan3A_191 = arith.constant 125 : i32
    %barrier3A_192 = arith.constant 0 : index
    tpu.barrier barrier_id(%barrier3A_192)
    %mul3A_193 = arith.constant 632 : i32
    %mul3A_194 = arith.muli %arg1, %mul3A_193 : i32
    "tpu.region"() ({
      %run_scoped3A = tpu.sem_alloc : memref<!tpu.dma_semaphore, #tpu.memory_space<semaphore_mem>>
      %dma_start3A_201 = arith.constant 0 : i32
      %dma_start3A_202 = tpu.memref_slice %arg11[%mul3A_194, %dma_start3A_201] : memref<10112x16xf32, #tpu.memory_space<vmem_shared>> -> memref<632x16xf32, #tpu.memory_space<vmem_shared>>
      %dma_start3A_203 = arith.constant 0 : i32
      %dma_start3A_204 = tpu.memref_slice %arg11[%mul3A_194, %dma_start3A_203] : memref<10112x16xf32, #tpu.memory_space<vmem_shared>> -> memref<632x16xf32, #tpu.memory_space<vmem_shared>>
      tpu.enqueue_dma source(%dma_start3A_204 : memref<632x16xf32, #tpu.memory_space<vmem_shared>>) target(%arg10 : memref<632x16xf32, #tpu.memory_space<vmem>>) target_semaphore(%run_scoped3A : memref<!tpu.dma_semaphore, #tpu.memory_space<semaphore_mem>>)
      %dma_wait3A_205 = arith.constant 0 : i32
      %dma_wait3A_206 = tpu.memref_slice %arg11[%mul3A_194, %dma_wait3A_205] : memref<10112x16xf32, #tpu.memory_space<vmem_shared>> -> memref<632x16xf32, #tpu.memory_space<vmem_shared>>
      %dma_wait3A_207 = arith.constant 0 : i32
      %dma_wait3A_208 = tpu.memref_slice %arg11[%mul3A_194, %dma_wait3A_207] : memref<10112x16xf32, #tpu.memory_space<vmem_shared>> -> memref<632x16xf32, #tpu.memory_space<vmem_shared>>
      tpu.wait_dma2 semaphore(%run_scoped3A : memref<!tpu.dma_semaphore, #tpu.memory_space<semaphore_mem>>) src(%dma_wait3A_208 : memref<632x16xf32, #tpu.memory_space<vmem_shared>>) dst(%arg10 : memref<632x16xf32, #tpu.memory_space<vmem>>)
      tpu.yield
    }) : () -> ()
    %mul3A_195 = arith.constant 632 : i32
    %mul3A_196 = arith.muli %arg1, %mul3A_195 : i32
    "tpu.region"() ({
      %run_scoped3A = tpu.sem_alloc : memref<!tpu.dma_semaphore, #tpu.memory_space<semaphore_mem>>
      %dma_start3A_201 = arith.constant 0 : i32
      %dma_start3A_202 = tpu.memref_slice %arg4[%arg0, %mul3A_196, %dma_start3A_201] : memref<2x10112x16xf32, #tpu.memory_space<hbm>> -> memref<1x632x16xf32, #tpu.memory_space<hbm>>
      %dma_start3A_203 = tpu.memref_squeeze %dma_start3A_202 : memref<1x632x16xf32, #tpu.memory_space<hbm>> -> memref<632x16xf32, #tpu.memory_space<hbm>>
      %dma_start3A_204 = arith.constant 0 : i32
      %dma_start3A_205 = tpu.memref_slice %arg4[%arg0, %mul3A_196, %dma_start3A_204] : memref<2x10112x16xf32, #tpu.memory_space<hbm>> -> memref<1x632x16xf32, #tpu.memory_space<hbm>>
      %dma_start3A_206 = tpu.memref_squeeze %dma_start3A_205 : memref<1x632x16xf32, #tpu.memory_space<hbm>> -> memref<632x16xf32, #tpu.memory_space<hbm>>
      tpu.enqueue_dma source(%arg10 : memref<632x16xf32, #tpu.memory_space<vmem>>) target(%dma_start3A_206 : memref<632x16xf32, #tpu.memory_space<hbm>>) target_semaphore(%run_scoped3A : memref<!tpu.dma_semaphore, #tpu.memory_space<semaphore_mem>>)
      %dma_wait3A_207 = arith.constant 0 : i32
      %dma_wait3A_208 = tpu.memref_slice %arg4[%arg0, %mul3A_196, %dma_wait3A_207] : memref<2x10112x16xf32, #tpu.memory_space<hbm>> -> memref<1x632x16xf32, #tpu.memory_space<hbm>>
      %dma_wait3A_209 = tpu.memref_squeeze %dma_wait3A_208 : memref<1x632x16xf32, #tpu.memory_space<hbm>> -> memref<632x16xf32, #tpu.memory_space<hbm>>
      %dma_wait3A_210 = arith.constant 0 : i32
      %dma_wait3A_211 = tpu.memref_slice %arg4[%arg0, %mul3A_196, %dma_wait3A_210] : memref<2x10112x16xf32, #tpu.memory_space<hbm>> -> memref<1x632x16xf32, #tpu.memory_space<hbm>>
      %dma_wait3A_212 = tpu.memref_squeeze %dma_wait3A_211 : memref<1x632x16xf32, #tpu.memory_space<hbm>> -> memref<632x16xf32, #tpu.memory_space<hbm>>
      tpu.wait_dma2 semaphore(%run_scoped3A : memref<!tpu.dma_semaphore, #tpu.memory_space<semaphore_mem>>) src(%arg10 : memref<632x16xf32, #tpu.memory_space<vmem>>) dst(%dma_wait3A_212 : memref<632x16xf32, #tpu.memory_space<hbm>>)
      tpu.yield
    }) : () -> ()
    %mul3A_197 = arith.constant 632 : i32
    %mul3A_198 = arith.muli %arg1, %mul3A_197 : i32
    "tpu.region"() ({
      %run_scoped3A = tpu.sem_alloc : memref<!tpu.dma_semaphore, #tpu.memory_space<semaphore_mem>>
      %dma_start3A_201 = arith.constant 0 : i32
      %dma_start3A_202 = tpu.memref_slice %arg12[%mul3A_198, %dma_start3A_201] : memref<10112x16xf32, #tpu.memory_space<vmem_shared>> -> memref<632x16xf32, #tpu.memory_space<vmem_shared>>
      %dma_start3A_203 = arith.constant 0 : i32
      %dma_start3A_204 = tpu.memref_slice %arg12[%mul3A_198, %dma_start3A_203] : memref<10112x16xf32, #tpu.memory_space<vmem_shared>> -> memref<632x16xf32, #tpu.memory_space<vmem_shared>>
      tpu.enqueue_dma source(%dma_start3A_204 : memref<632x16xf32, #tpu.memory_space<vmem_shared>>) target(%arg10 : memref<632x16xf32, #tpu.memory_space<vmem>>) target_semaphore(%run_scoped3A : memref<!tpu.dma_semaphore, #tpu.memory_space<semaphore_mem>>)
      %dma_wait3A_205 = arith.constant 0 : i32
      %dma_wait3A_206 = tpu.memref_slice %arg12[%mul3A_198, %dma_wait3A_205] : memref<10112x16xf32, #tpu.memory_space<vmem_shared>> -> memref<632x16xf32, #tpu.memory_space<vmem_shared>>
      %dma_wait3A_207 = arith.constant 0 : i32
      %dma_wait3A_208 = tpu.memref_slice %arg12[%mul3A_198, %dma_wait3A_207] : memref<10112x16xf32, #tpu.memory_space<vmem_shared>> -> memref<632x16xf32, #tpu.memory_space<vmem_shared>>
      tpu.wait_dma2 semaphore(%run_scoped3A : memref<!tpu.dma_semaphore, #tpu.memory_space<semaphore_mem>>) src(%dma_wait3A_208 : memref<632x16xf32, #tpu.memory_space<vmem_shared>>) dst(%arg10 : memref<632x16xf32, #tpu.memory_space<vmem>>)
      tpu.yield
    }) : () -> ()
    %mul3A_199 = arith.constant 632 : i32
    %mul3A_200 = arith.muli %arg1, %mul3A_199 : i32
    "tpu.region"() ({
      %run_scoped3A = tpu.sem_alloc : memref<!tpu.dma_semaphore, #tpu.memory_space<semaphore_mem>>
      %dma_start3A_201 = arith.constant 0 : i32
      %dma_start3A_202 = tpu.memref_slice %arg5[%arg0, %mul3A_200, %dma_start3A_201] : memref<2x10112x16xf32, #tpu.memory_space<hbm>> -> memref<1x632x16xf32, #tpu.memory_space<hbm>>
      %dma_start3A_203 = tpu.memref_squeeze %dma_start3A_202 : memref<1x632x16xf32, #tpu.memory_space<hbm>> -> memref<632x16xf32, #tpu.memory_space<hbm>>
      %dma_start3A_204 = arith.constant 0 : i32
      %dma_start3A_205 = tpu.memref_slice %arg5[%arg0, %mul3A_200, %dma_start3A_204] : memref<2x10112x16xf32, #tpu.memory_space<hbm>> -> memref<1x632x16xf32, #tpu.memory_space<hbm>>
      %dma_start3A_206 = tpu.memref_squeeze %dma_start3A_205 : memref<1x632x16xf32, #tpu.memory_space<hbm>> -> memref<632x16xf32, #tpu.memory_space<hbm>>
      tpu.enqueue_dma source(%arg10 : memref<632x16xf32, #tpu.memory_space<vmem>>) target(%dma_start3A_206 : memref<632x16xf32, #tpu.memory_space<hbm>>) target_semaphore(%run_scoped3A : memref<!tpu.dma_semaphore, #tpu.memory_space<semaphore_mem>>)
      %dma_wait3A_207 = arith.constant 0 : i32
      %dma_wait3A_208 = tpu.memref_slice %arg5[%arg0, %mul3A_200, %dma_wait3A_207] : memref<2x10112x16xf32, #tpu.memory_space<hbm>> -> memref<1x632x16xf32, #tpu.memory_space<hbm>>
      %dma_wait3A_209 = tpu.memref_squeeze %dma_wait3A_208 : memref<1x632x16xf32, #tpu.memory_space<hbm>> -> memref<632x16xf32, #tpu.memory_space<hbm>>
      %dma_wait3A_210 = arith.constant 0 : i32
      %dma_wait3A_211 = tpu.memref_slice %arg5[%arg0, %mul3A_200, %dma_wait3A_210] : memref<2x10112x16xf32, #tpu.memory_space<hbm>> -> memref<1x632x16xf32, #tpu.memory_space<hbm>>
      %dma_wait3A_212 = tpu.memref_squeeze %dma_wait3A_211 : memref<1x632x16xf32, #tpu.memory_space<hbm>> -> memref<632x16xf32, #tpu.memory_space<hbm>>
      tpu.wait_dma2 semaphore(%run_scoped3A : memref<!tpu.dma_semaphore, #tpu.memory_space<semaphore_mem>>) src(%arg10 : memref<632x16xf32, #tpu.memory_space<vmem>>) dst(%dma_wait3A_212 : memref<632x16xf32, #tpu.memory_space<hbm>>)
      tpu.yield
    }) : () -> ()
    return
  }
}

module attributes {stable_mosaic.version = 14 : i64} {
  func.func @_tc_linear_body(%arg0: memref<2x10112x16xf32, #tpu.memory_space<vmem>>, %arg1: memref<2x10112x16xf32, #tpu.memory_space<vmem>>, %arg2: memref<16x128xf32, #tpu.memory_space<vmem>>, %arg3: memref<1x128xf32, #tpu.memory_space<vmem>>, %arg4: memref<128x128xf32, #tpu.memory_space<vmem>>, %arg5: memref<128x128xf32, #tpu.memory_space<vmem>>, %arg6: memref<1x128xf32, #tpu.memory_space<vmem>>, %arg7: memref<10112x128xf32, #tpu.memory_space<vmem>>, %arg8: memref<10112x128xf32, #tpu.memory_space<vmem>>) attributes {dimension_semantics = [], scalar_prefetch = 0 : i64, scratch_operands = 0 : i64, tpu.core_type = #tpu.core_type<tc>} {
    %get3A = arith.constant 0 : index
    %get3A_0 = arith.constant 0 : index
    %get3A_1 = arith.constant 0 : index
    %get3A_2 = vector.load %arg0[%get3A, %get3A_0, %get3A_1] : memref<2x10112x16xf32, #tpu.memory_space<vmem>>, vector<1x10112x16xf32>
    %get3A_3 = vector.shape_cast %get3A_2 : vector<1x10112x16xf32> to vector<10112x16xf32>
    %get3A_4 = arith.constant 1 : index
    %get3A_5 = arith.constant 0 : index
    %get3A_6 = arith.constant 0 : index
    %get3A_7 = vector.load %arg0[%get3A_4, %get3A_5, %get3A_6] : memref<2x10112x16xf32, #tpu.memory_space<vmem>>, vector<1x10112x16xf32>
    %get3A_8 = vector.shape_cast %get3A_7 : vector<1x10112x16xf32> to vector<10112x16xf32>
    %add3A = arith.addf %get3A_3, %get3A_8 : vector<10112x16xf32>
    %get3A_9 = arith.constant 0 : index
    %get3A_10 = arith.constant 0 : index
    %get3A_11 = arith.constant 0 : index
    %get3A_12 = vector.load %arg1[%get3A_9, %get3A_10, %get3A_11] : memref<2x10112x16xf32, #tpu.memory_space<vmem>>, vector<1x10112x16xf32>
    %get3A_13 = vector.shape_cast %get3A_12 : vector<1x10112x16xf32> to vector<10112x16xf32>
    %slice3A = vector.extract_strided_slice %get3A_13 {offsets = [0, 0], sizes = [10112, 1], strides = [1, 1]} : vector<10112x16xf32> to vector<10112x1xf32>
    %get3A_14 = arith.constant 1 : index
    %get3A_15 = arith.constant 0 : index
    %get3A_16 = arith.constant 0 : index
    %get3A_17 = vector.load %arg1[%get3A_14, %get3A_15, %get3A_16] : memref<2x10112x16xf32, #tpu.memory_space<vmem>>, vector<1x10112x16xf32>
    %get3A_18 = vector.shape_cast %get3A_17 : vector<1x10112x16xf32> to vector<10112x16xf32>
    %slice3A_19 = vector.extract_strided_slice %get3A_18 {offsets = [0, 0], sizes = [10112, 1], strides = [1, 1]} : vector<10112x16xf32> to vector<10112x1xf32>
    %add3A_20 = arith.addf %slice3A, %slice3A_19 : vector<10112x1xf32>
    %max3A = arith.constant 1.000000e+00 : f32
    %max3A_21 = vector.broadcast %max3A : f32 to vector<10112x1xf32>
    %max3A_22 = arith.maximumf %add3A_20, %max3A_21 : vector<10112x1xf32>
    %div3A = vector.broadcast %max3A_22 : vector<10112x1xf32> to vector<10112x16xf32>
    %div3A_23 = arith.divf %add3A, %div3A : vector<10112x16xf32>
    %get3A_24 = arith.constant 0 : index
    %get3A_25 = arith.constant 0 : index
    %get3A_26 = vector.load %arg2[%get3A_24, %get3A_25] : memref<16x128xf32, #tpu.memory_space<vmem>>, vector<16x128xf32>
    %dot_general3A = arith.constant dense<0.000000e+00> : vector<10112x128xf32>
    %dot_general3A_27 = tpu.matmul %div3A_23, %get3A_26, %dot_general3A {dimension_numbers = #tpu.dot_dimension_numbers<[1], [0], [0], [1], [0, 0, 1, 1], [], []>, transpose_lhs_hint = false} : vector<10112x16xf32>, vector<16x128xf32>, vector<10112x128xf32> -> vector<10112x128xf32>
    %get3A_28 = arith.constant 0 : index
    %get3A_29 = arith.constant 0 : index
    %get3A_30 = vector.load %arg3[%get3A_28, %get3A_29] : memref<1x128xf32, #tpu.memory_space<vmem>>, vector<1x128xf32>
    %add3A_31 = vector.broadcast %get3A_30 : vector<1x128xf32> to vector<10112x128xf32>
    %add3A_32 = arith.addf %dot_general3A_27, %add3A_31 : vector<10112x128xf32>
    %max3A_33 = arith.constant 0.000000e+00 : f32
    %max3A_34 = vector.broadcast %max3A_33 : f32 to vector<10112x128xf32>
    %max3A_35 = arith.maximumf %add3A_32, %max3A_34 : vector<10112x128xf32>
    %get3A_36 = arith.constant 0 : index
    %get3A_37 = arith.constant 0 : index
    %get3A_38 = vector.load %arg4[%get3A_36, %get3A_37] : memref<128x128xf32, #tpu.memory_space<vmem>>, vector<128x128xf32>
    %dot_general3A_39 = arith.constant dense<0.000000e+00> : vector<10112x128xf32>
    %dot_general3A_40 = tpu.matmul %max3A_35, %get3A_38, %dot_general3A_39 {dimension_numbers = #tpu.dot_dimension_numbers<[1], [0], [0], [1], [0, 0, 1, 1], [], []>, transpose_lhs_hint = false} : vector<10112x128xf32>, vector<128x128xf32>, vector<10112x128xf32> -> vector<10112x128xf32>
    %swap3A = arith.constant 0 : index
    %swap3A_41 = arith.constant 0 : index
    %swap3A_42 = vector.load %arg7[%swap3A, %swap3A_41] : memref<10112x128xf32, #tpu.memory_space<vmem>>, vector<10112x128xf32>
    tpu.vector_store %arg7[%swap3A, %swap3A_41], %dot_general3A_40 {strides = array<i32>} : memref<10112x128xf32, #tpu.memory_space<vmem>>, vector<10112x128xf32>,
    %get3A_43 = arith.constant 0 : index
    %get3A_44 = arith.constant 0 : index
    %get3A_45 = vector.load %arg5[%get3A_43, %get3A_44] : memref<128x128xf32, #tpu.memory_space<vmem>>, vector<128x128xf32>
    %dot_general3A_46 = arith.constant dense<0.000000e+00> : vector<10112x128xf32>
    %dot_general3A_47 = tpu.matmul %max3A_35, %get3A_45, %dot_general3A_46 {dimension_numbers = #tpu.dot_dimension_numbers<[1], [0], [0], [1], [0, 0, 1, 1], [], []>, transpose_lhs_hint = false} : vector<10112x128xf32>, vector<128x128xf32>, vector<10112x128xf32> -> vector<10112x128xf32>
    %get3A_48 = arith.constant 0 : index
    %get3A_49 = arith.constant 0 : index
    %get3A_50 = vector.load %arg6[%get3A_48, %get3A_49] : memref<1x128xf32, #tpu.memory_space<vmem>>, vector<1x128xf32>
    %add3A_51 = vector.broadcast %get3A_50 : vector<1x128xf32> to vector<10112x128xf32>
    %add3A_52 = arith.addf %dot_general3A_47, %add3A_51 : vector<10112x128xf32>
    %swap3A_53 = arith.constant 0 : index
    %swap3A_54 = arith.constant 0 : index
    %swap3A_55 = vector.load %arg8[%swap3A_53, %swap3A_54] : memref<10112x128xf32, #tpu.memory_space<vmem>>, vector<10112x128xf32>
    tpu.vector_store %arg8[%swap3A_53, %swap3A_54], %add3A_52 {strides = array<i32>} : memref<10112x128xf32, #tpu.memory_space<vmem>>, vector<10112x128xf32>,
    return
  }
}

</mosaic_0001>

<sc_bundles>
// kernel: kernel.5.cloned.1.call-start
scs
__scs_entry_jumppad:
0x0: {  	(pc) =	sbr.rel $0x88, $3  }
0x1: {  	(tag) =	ssettag $0x0;
	lr =	simm.s32 $0x1  }
0x2: {  	[smem:$0x3F9B] =	sst lr;
	_ =	strace $0xD0000000  }
0x3: {  	_ = 	snop  }
0x4: {  	_ = 	snop  }
0x5: {  	_ = 	snop  }
0x6: {  	_ = 	snop  }
0x7: {  	_ = 	snop  }
__scs_overlays_trampoline_lowered:
0x8: {  	[smem:$0x3FAA] =	sst s0  }
0x9: {  	[smem:$0x3FAB] =	sst s1  }
0xa: {  	[smem:$0x3FAC] =	sst s2  }
0xb: {  	[smem:$0x3FAD] =	sst s3  }
0xc: {  	[smem:$0x3FAE] =	sst s4  }
0xd: {  	[smem:$0x3FAF] =	sst s5  }
0xe: {  	[smem:$0x3FB0] =	sst s6  }
0xf: {  	[smem:$0x3FB1] =	sst s7  }
0x10: {  	[smem:$0x3FB2] =	sst s8  }
0x11: {  	[smem:$0x3FB3] =	sst s9;
	s0 =	simm.s32 @!p0 $0x0  }
0x12: {  	s1 =	sld [smem:$0x3F99];
	s0 =	simm.s32 @p0 $0x1  }
0x13: {  	[smem:$0x3FB4] =	sst s0;
	s0 =	simm.s32 @!p1 $0x0  }
0x14: {  	s2 =	sld [smem:$0x3F98];
	s0 =	simm.s32 @p1 $0x1  }
0x15: {  	[smem:$0x3FB5] =	sst s0;
	s0 =	simm.s32 @!p2 $0x0  }
0x16: {  	s3 =	sld [smem:$0x3FDB];
	s0 =	simm.s32 @p2 $0x1  }
0x17: {  	s4 =	simm.s32 $0x1BF5;
	[smem:$0x3FB7] =	sst s0  }
0x18: {  	s0 =	sld [smem:$0x3F9A];
	_ =	swait.ge [sflag:s4], $0x0  }
0x19: {  	s7 =	sld [smem:$0x3F9B]  }
0x1a: {  	s8 =	sadd.s32 $0xFFFFE003, lr  }
0x1b: {  	s9 =	sadd.s32 $0xFFFFFEF7, lr;
	s5 =	simm.s32 $0xFFFFFFFF;
	p2 =	slt.u32 s8, $0xFFFFF086  }
0x1c: {  	p1 =	slt.u32 s9, $0xF7A;
	s5 =	simm.s32 @!p2 $0x0  }
0x1d: {  	s5 =	simm.s32 @p1 $0x1;
	p0 =	seq.s32 s7, s2  }
0x1e: {  	s7 =	smul.u32 @!p0 $0xF7A, s2;
	p2 =	seq.s32 @!p0 s5, $0x0  }
0x1f: {  	s9 =	smul.u32 $0xF7A, s1;
	s8 =	simm.s32 @!p0 $0x1BF5;
	p2 =	por !p2, p0  }
0x20: {  	[sflag:s8] =	ssyncset.s32 @!p0 $0xFFFFF086;
	s6 =	sadd.s32 @!p0 s3, s7;
	s7 =	simm.s32 @!p0 $0x108  }
0x21: {  	s3 =	sadd.s32 s3, s9;
	s6 =	sadd.s32 @!p0 $0x88, s6;
	s7 =	simm.s32 @p2 $0x1082  }
0x22: {  	[simem:s7], [sflag:s8] =	dma.local @!p0 [hbm:s6], $0xF7A  }
0x23: {  	s9 =	sor.u32 $0xD0000000, s2;
	s6 =	simm.s32 $0x108;
	_ =	swait.ge @!p0 [sflag:s8], $0x0  }
0x24: {  	s3 =	sadd.s32 $0x88, s3;
	s6 =	simm.s32 @!p1 $0x1082;
	[sflag:s4] =	ssyncset.s32 $0xFFFFF086  }
0x25: {  	[simem:s6], [sflag:s4] =	dma.local [hbm:s3], $0xF7A  }
0x26: {  	[smem:$0x3F9B] =	sst s1;
	(tag) =	ssettag s2;
	_ =	strace s9  }
0x27: {  	s1 =	sld [smem:$0x3FAB]  }
0x28: {  	s2 =	sld [smem:$0x3FAC]  }
0x29: {  	s4 =	sld [smem:$0x3FAE]  }
0x2a: {  	p0 =	seq.s32 s5, $0x0;
	s5 =	sld [smem:$0x3FAF]  }
0x2b: {  	s6 =	sld [smem:$0x3FB0]  }
0x2c: {  	s7 =	sld [smem:$0x3FB1]  }
0x2d: {  	s3 =	simm.s32 $0x108;
	s8 =	sld [smem:$0x3FB2]  }
0x2e: {  	s3 =	simm.s32 @!p0 $0x1082;
	s9 =	sld [smem:$0x3FB3]  }
0x2f: {  	lr =	sadd.s32 s0, s3;
	s0 =	sld [smem:$0x3FAA]  }
0x30: {  	s3 =	sld [smem:$0x3FAD]  }
0x31: {  	[smem:$0x3FB6] =	sst s10  }
0x32: {  	s10 =	sld [smem:$0x3FB4];
	_ =	sdelay $0x3  }
0x33: {  	p0 =	seq.s32 s10, $0x1;
	s10 =	sld [smem:$0x3FB6];
	_ =	sdelay $0x3  }
0x34: {  	[smem:$0x3FB6] =	sst s10  }
0x35: {  	s10 =	sld [smem:$0x3FB5];
	_ =	sdelay $0x3  }
0x36: {  	p1 =	seq.s32 s10, $0x1;
	s10 =	sld [smem:$0x3FB6];
	_ =	sdelay $0x3  }
0x37: {  	[smem:$0x3FB6] =	sst s10  }
0x38: {  	s10 =	sld [smem:$0x3FB7]  }
0x39: {  	_ = 	snop;
	(pc) =	sbr.ind lr, $3  }
0x3a: {  	_ = 	snop  }
0x3b: {  	_ = 	snop  }
0x3c: {  	p2 =	seq.s32 s10, $0x1;
	s10 =	sld [smem:$0x3FB6]  }
0x3d: {  	_ =	shalt  }
0x3e: {  	_ =	shalt  }
0x3f: {  	_ =	shalt  }
0x40: {  	_ =	shalt  }
0x41: {  	_ =	shalt  }
0x42: {  	_ =	shalt  }
0x43: {  	_ =	shalt  }
0x44: {  	_ =	shalt  }
0x45: {  	_ =	shalt  }
0x46: {  	_ =	shalt  }
0x47: {  	_ =	shalt  }
0x48: {  	_ =	shalt  }
0x49: {  	_ =	shalt  }
0x4a: {  	_ =	shalt  }
0x4b: {  	_ =	shalt  }
0x4c: {  	_ =	shalt  }
0x4d: {  	_ =	shalt  }
0x4e: {  	_ =	shalt  }
0x4f: {  	_ =	shalt  }
0x50: {  	_ =	shalt  }
0x51: {  	_ =	shalt  }
0x52: {  	_ =	shalt  }
0x53: {  	_ =	shalt  }
0x54: {  	_ =	shalt  }
0x55: {  	_ =	shalt  }
0x56: {  	_ =	shalt  }
0x57: {  	_ =	shalt  }
0x58: {  	_ =	shalt  }
0x59: {  	_ =	shalt  }
0x5a: {  	_ =	shalt  }
0x5b: {  	_ =	shalt  }
0x5c: {  	_ =	shalt  }
0x5d: {  	_ =	shalt  }
0x5e: {  	_ =	shalt  }
0x5f: {  	_ =	shalt  }
0x60: {  	_ =	shalt  }
0x61: {  	_ =	shalt  }
0x62: {  	_ =	shalt  }
0x63: {  	_ =	shalt  }
0x64: {  	_ =	shalt  }
0x65: {  	_ =	shalt  }
0x66: {  	_ =	shalt  }
0x67: {  	_ =	shalt  }
0x68: {  	_ =	shalt  }
0x69: {  	_ =	shalt  }
0x6a: {  	_ =	shalt  }
0x6b: {  	_ =	shalt  }
0x6c: {  	_ =	shalt  }
0x6d: {  	_ =	shalt  }
0x6e: {  	_ =	shalt  }
0x6f: {  	_ =	shalt  }
0x70: {  	_ =	shalt  }
0x71: {  	_ =	shalt  }
0x72: {  	_ =	shalt  }
0x73: {  	_ =	shalt  }
0x74: {  	_ =	shalt  }
0x75: {  	_ =	shalt  }
0x76: {  	_ =	shalt  }
0x77: {  	_ =	shalt  }
0x78: {  	_ =	shalt  }
0x79: {  	_ =	shalt  }
0x7a: {  	_ =	shalt  }
0x7b: {  	_ =	shalt  }
0x7c: {  	_ =	shalt  }
0x7d: {  	_ =	shalt  }
0x7e: {  	_ =	shalt  }
0x7f: {  	_ =	shalt  }
0x80: {  	_ =	shalt  }
0x81: {  	_ =	shalt  }
0x82: {  	_ =	shalt  }
0x83: {  	_ =	shalt  }
0x84: {  	_ =	shalt  }
0x85: {  	_ =	shalt  }
0x86: {  	_ =	shalt  }
0x87: {  	_ =	shalt  }
.Lfunc_end0:
.L_simem_size_0:
called_computation_lowered:
.L_overlay_start_0:
0x88: {  	s2 =	sld [smem:$0x3FD9]  }
0x89: {  	s3 =	sld [smem:$0x3FFE];
	_ =	sdelay $0x1  }
0x8a: {  	s1 =	srdreg.scid  }
0x8b: {  	s0 =	sand.u32 $0x1, s1  }
0x8c: {  	s17 =	sshll.u32 s0, $0xA;
	s2 =	sadd.s32 s3, s2  }
0x8d: {  	s2 =	sadd.s32 s2, s17  }
0x8e: {  	[smem:$0x3FC2] =	sst s2  }
0x8f: {  	_ = 	snop  }
0x90: {  	s2 =	sld [smem:$0x3FD0];
	(tm) =	ssettm $0x1  }
0x91: {  	s18 =	sld [smem:$0x3FFB];
	_ =	sdelay $0x3  }
0x92: {  	_ =	strace s18  }
0x93: {  	s3 =	sld [smem:$0x3FFC];
	_ =	sdelay $0x3  }
0x94: {  	_ =	strace s3  }
0x95: {  	s3 =	sld [smem:$0x3FFD];
	_ =	sdelay $0x3  }
0x96: {  	_ =	strace s3  }
0x97: {  	_ =	strace $0x8FFFFFFF  }
0x98: {  	s19 =	sld [smem:$0x3FDB];
	_ =	sdelay $0x1  }
0x99: {  	s4 =	simm.s32 $_scs_section_size  }
0x9a: {  	s5 =	simm.s32 $_size__tile_overlayer_lowered;
	s6 =	simm.s32 $_tile_overlayer_lowered  }
0x9b: {  	s22 =	simm.s32 $0x1BFF;
	s21 =	sshll.u32 s6, $0x1;
	s3 =	sadd.s32 s4, s19  }
0x9c: {  	s7 =	simm.s32 $0x0;
	s20 =	sshll.u32 s5, $0x1;
	s5 =	sadd.s32 s21, s3  }
0x9d: {  	[timem:s7], [sflag:s22] =	dma.local [hbm:s5], s20  }
0x9e: {  	_ =	swait.ge [sflag:s22], s20  }
0x9f: {  	s4 =	ssub.s32 $0x0, s20;
	[sflag:s22] =	ssyncset.done $0x0  }
0xa0: {  	[sflag:s22] =	ssyncadd.s32 s4;
	_ =	sdelay $0x1  }
0xa1: {  	s23 =	simm.s32 $0x1B8B  }
0xa2: {  	_ =	swait.ge [sflag:s23], $0x1  }
0xa3: {  	[sflag:s23] =	ssyncset.done $0x0  }
0xa4: {  	s25 =	simm.s32 $0x1B8E;
	s24 =	sld [smem:$0x3FFE];
	[sflag:s23] =	ssyncadd.s32 $0xFFFFFFFF  }
0xa5: {  	s26 =	simm.s32 $execute0_lowered;
	[smem:$0x3FD2] =	sst s25  }
0xa6: {  	s5 =	sshll.u32 s26, $0x1;
	_ =	strace $0x80000046;
	[dreg:$0x1] =	wrdreg $0xFFFFFFFF  }
0xa7: {  	s28 =	simm.s32 $_size_execute0_lowered;
	s3 =	sadd.s32 s3, s5;
	[dreg:$0x0] =	wrdreg $0x0  }
0xa8: {  	s5 =	sshll.u32 s28, $0x1;
	[dreg:$0x2] =	wrdreg s3  }
0xa9: {  	[dreg:$0x3] =	wrdreg s5  }
0xaa: {  	[dreg:$0x4] =	wrdreg $0xC0  }
0xab: {  	_ =	task [dreg:s7], $0x5FFFF  }
0xac: {  	[dreg:$0x1] =	wrdreg $0xFFFFFFFF  }
0xad: {  	[dreg:$0x0] =	wrdreg $0x60  }
0xae: {  	[dreg:$0x2] =	wrdreg s24  }
0xaf: {  	[dreg:$0x3] =	wrdreg s2  }
0xb0: {  	[dreg:$0x4] =	wrdreg $0x14D900  }
0xb1: {  	[dreg:$0x5] =	wrdreg $0x175100  }
0xb2: {  	[dreg:$0x6] =	wrdreg $0x9  }
0xb3: {  	_ =	task.clear_ibuf [dreg:s7], $0x7FFFF;
	_ =	strace $0x90000046  }
0xb4: {  	s29 =	simm.s32 $0x9;
	_ =	strace $0x80000048  }
0xb5: {  	_ =	swait.ge [sflag:s29], $0x1  }
0xb6: {  	[sflag:s29] =	ssyncadd.s32 $0xFFFFFFFF  }
0xb7: {  	_ =	strace $0x90000048  }
0xb8: {  	_ =	sfence  }
0xb9: {  	s30 =	sld [smem:$0x0];
	_ =	sdelay $0x2  }
0xba: {  	s31 =	sshll.u32 s1, $0xD;
	s1 =	sshrl.u32 s1, $0x2  }
0xbb: {  	s3 =	sand.u32 $0x4000, s31;
	s1 =	sadd.s32 s1, s30  }
0xbc: {  	s0 =	sor.u32 s3, s0;
	s1 =	sshll.u32 s1, $0x11  }
0xbd: {  	s0 =	sor.u32 s1, s0  }
0xbe: {  	s0 =	sadd.s32 $0x8F2B, s0  }
0xbf: {  	[sflag:s0] =	ssyncadd.remote.s32 $0x1  }
0xc0: {  	_ =	sfence.sel $0xFFFF  }
0xc1: {  	[dreg:$0x0] =	wrdreg $0xFFFFFFFF;
	(pc) =	sbr.abs _section_cstart, $3  }
0xc2: {  	[dreg:$0x1] =	wrdreg $0xFFFFFFFF  }
0xc3: {  	_ =	task.clear_ibuf [dreg:s7], $0x2FFFF;
	_ =	strace $0x9FFFFFFF  }
0xc4: {  	(tm) =	ssettm $0x7FFFFFFF  }
0xc5: {  	_ =	shalt  }
tec
execute0_lowered:
.L_overlay_start_1:
0x0: {  	(tag) =	ssettag $0x1  }
0x1: {  	s0 =	rddreg [dreg:$0x0]  }
0x2: {  	s1 =	rddreg [dreg:$0x1]  }
0x3: {  	s2 =	rddreg [dreg:$0x2]  }
0x4: {  	s3 =	rddreg [dreg:$0x3]  }
0x5: {  	s5 =	srdreg.scid;
	s8 =	stileid.u32  }
0x6: {  	s4 =	simm.s32 $0x0;
	s17 =	simm.s32 $0x5;
	s28 =	simm.s32 $0xE010  }
0x7: {  	s29 =	simm.s32 $0xE510;
	s30 =	simm.s32 $0xEA10;
	s31 =	simm.s32 $0xEF10  }
0x8: {  	s5 =	sand.u32 $0x1, s5;
	s6 =	smul.u32 $0x2780, s8;
	s8 =	sshll.u32 s8, $0x1  }
0x9: {  	[smem:$0x7FF] =	sst s4;
	s7 =	smul.u32 $0x27800, s5;
	s8 =	sor.u32 s5, s8  }
0xa: {  	s9 =	sadd.s32 $0x1C00, s0;
	s4 =	simm.s32 $0x1;
	s10 =	smul.u32 $0x4E2, s8  }
0xb: {  	_ =	strace $0x80000047;
	s5 =	ssub.s32 $0x2, s5;
	s12 =	smul.u32 $0x27100, s8  }
0xc: {  	s11 =	sshrl.u32 s5, $0x1;
	s8 =	smul.u32 $0x4E20, s8;
	s15 =	sadd.s32 s6, s3  }
0xd: {  	s18 =	ssub.s32 s5, s11;
	s5 =	sadd.s32 s6, s2;
	[dreg:$0xe] =	wrdreg s15  }
0xe: {  	s7 =	sadd.s32 s6, s7;
	s1 =	sadd.s32 s1, s10;
	[dreg:$0xf] =	wrdreg s5  }
0xf: {  	s19 =	sshrl.u32 s12, $0x3;
	s20 =	sadd.s32 s9, s8;
	[dreg:$0x5] =	wrdreg s1  }
0x10: {  	s26 =	smax.u32 s18, $0x1;
	[dreg:$0x6] =	wrdreg s20;
	s21 =	sadd.s32 s9, s19  }
0x11: {  	s7 =	sshrl.u32 s7, $0x3;
	[dreg:$0xd] =	wrdreg s26;
	s22 =	sadd.s32 $0xFA0, s21  }
0x12: {  	s10 =	simm.s32 $0x4;
	s23 =	sadd.s32 $0x1F40, s21;
	[dreg:$0x7] =	wrdreg s22  }
0x13: {  	s0 =	sadd.s32 s7, s0;
	s24 =	sadd.s32 $0x2EE0, s21;
	[dreg:$0x8] =	wrdreg s23  }
0x14: {  	s7 =	simm.s32 $0x3;
	s1 =	sadd.s32 $0x3E80, s21;
	[dreg:$0x9] =	wrdreg s24  }
0x15: {  	s26 =	simm.s32 $0x0;
	s25 =	sadd.s32 $0xA7E00, s0;
	[dreg:$0xa] =	wrdreg s1  }
0x16: {  	s9 =	simm.s32 $0x2710;
	s0 =	sadd.s32 $0x9E000, s0;
	[dreg:$0xb] =	wrdreg s25  }
0x17: {  	s19 =	simm.s32 $0xA410;
	s21 =	simm.s32 $0x50;
	[dreg:$0xc] =	wrdreg s0  }
0x18: {  	v0 =	vimm.f32 $1.000000000e+00;
	v1 =	vimm.f32 $0.0e+00;
	s0 =	simm.s32 $0x12610;
	s22 =	simm.s32 $0x12110;
	s25 =	simm.s32 $0xDB10  }
.LBB2_1:
0x19: {  	s13 =	simm.s32 $0x0  }
.LBB2_2:
0x1a: {  	p0 =	sne.s32 s13, $0x13C0  }
.Ltmp0:
0x1b: {  	_ = 	snop;
	(pc) =	sbr.rel @p0 .LBB2_2-.Ltmp0, $3  }
0x1c: {  	_ =	sdelay $0x1  }
0x1d: {  	s14 =	sshra.s32 s13, $0x2  }
0x1e: {  	s13 =	sadd.s32 $0x40, s13;
	[tilespmem:s14+$0x12110] =	vst v0  }
0x1f: {  	s13 =	simm.s32 $0x40;
	s14 =	simm.s32 $0x0  }
.LBB2_4:
0x20: {  	p0 =	sne.s32 s13, $0x9DC0;
	[tilespmem:s14+$0x12610] =	vst v1;
	s14 =	smov.u32 s13;
	s13 =	sadd.s32 $0x40, s13  }
.Ltmp1:
0x21: {  	(pc) =	sbr.rel @p0 .LBB2_4-.Ltmp1, $2  }
0x22: {  	_ =	sdelay $0x2  }
0x23: {  	s14 =	sshra.s32 s14, $0x2  }
0x24: {  	[tilespmem:s14+$0x12610] =	vst v1  }
0x25: {  	[spmem:s5] =	stream.linear.scatter [tilespmem:s0], [sflag:$0x5], $0x2780, $0x38;
	[tilespmem:$0x19C90] =	vst v63  }
0x26: {  	_ =	swait.ge [sflag:s17], $0x2780  }
0x27: {  	[sflag:s17] =	ssyncset.done $0x0  }
0x28: {  	[sflag:s17] =	ssyncadd.s32 $0xFFFFD880  }
0x29: {  	[spmem:s15] =	stream.linear.scatter [tilespmem:s0], [sflag:$0x5], $0x2780, $0x38;
	[tilespmem:$0x19C90] =	vst v63  }
0x2a: {  	_ =	swait.ge [sflag:s17], $0x2780  }
0x2b: {  	[sflag:s17] =	ssyncset.done $0x0  }
0x2c: {  	[sflag:s17] =	ssyncadd.s32 $0xFFFFD880  }
0x2d: {  	[bflag:$0x0] =	sbarrier.arrive $0xFFFF  }
0x2e: {  	s1 =	simm.s32 $0x0;
	s13 =	rddreg [dreg:$0x5]  }
0x2f: {  	[tilespmem:s1], [sflag:$0x5] =	stream.linear.gather [hbm4b:s13+s1], $0x2710, $0x38;
	[tilespmem:$0x19C90] =	vst v63  }
0x30: {  	_ =	swait.ge [sflag:s17], $0x2710  }
0x31: {  	[sflag:s17] =	ssyncset.done $0x0  }
0x32: {  	s24 =	rddreg [dreg:$0x6];
	[sflag:s17] =	ssyncadd.s32 $0xFFFFD8F0  }
0x33: {  	[tilespmem:s9], [sflag:$0x1] =	stream.linear.gather [hbm4b:s24+s1], $0x7D00, $0x38;
	[tilespmem:$0x19C90] =	vst v63  }
0x34: {  	s0 =	rddreg [dreg:$0x7]  }
0x35: {  	[tilespmem:s19], [sflag:$0x2] =	stream.linear.gather [hbm4b:s0+s1], $0x7D00, $0x38;
	[tilespmem:$0x19C90] =	vst v63  }
0x36: {  	_ =	swait.ge [sflag:s4], $0x7D00  }
0x37: {  	[sflag:s4] =	ssyncset.done $0x0  }
0x38: {  	[sflag:s4] =	ssyncadd.s32 $0xFFFF8300  }
0x39: {  	[spmem:s2] =	stream.indirect.scatter.add.f32 [tilespmem:s9], [sflag:$0x3], $0x10, s1, s21, $0xb8;
	[tilespmem:$0x19C90] =	vst v63  }
0x3a: {  	_ = 	snop  }
0x3b: {  	[spmem:s3] =	stream.indirect.scatter.add.f32 [tilespmem:s22], [sflag:$0x4], $0x10, s1, s21, $0xb8;
	[tilespmem:$0x19C90] =	vst v63  }
0x3c: {  	s5 =	simm.s32 $0x2C10  }
0x3d: {  	[spmem:s2] =	stream.indirect.scatter.add.f32 [tilespmem:s5], [sflag:$0x3], $0x10, s21, s21, $0xb8;
	[tilespmem:$0x19C90] =	vst v63  }
0x3e: {  	_ = 	snop  }
0x3f: {  	[spmem:s3] =	stream.indirect.scatter.add.f32 [tilespmem:s22], [sflag:$0x4], $0x10, s21, s21, $0xb8;
	[tilespmem:$0x19C90] =	vst v63  }
0x40: {  	s6 =	simm.s32 $0xA0;
	s8 =	simm.s32 $0x3110  }
0x41: {  	[spmem:s2] =	stream.indirect.scatter.add.f32 [tilespmem:s8], [sflag:$0x3], $0x10, s6, s21, $0xb8;
	[tilespmem:$0x19C90] =	vst v63  }
0x42: {  	_ = 	snop  }
0x43: {  	[spmem:s3] =	stream.indirect.scatter.add.f32 [tilespmem:s22], [sflag:$0x4], $0x10, s6, s21, $0xb8;
	[tilespmem:$0x19C90] =	vst v63  }
0x44: {  	s11 =	simm.s32 $0xF0;
	s12 =	simm.s32 $0x3610  }
0x45: {  	[spmem:s2] =	stream.indirect.scatter.add.f32 [tilespmem:s12], [sflag:$0x3], $0x10, s11, s21, $0xb8;
	[tilespmem:$0x19C90] =	vst v63  }
0x46: {  	_ = 	snop  }
0x47: {  	[spmem:s3] =	stream.indirect.scatter.add.f32 [tilespmem:s22], [sflag:$0x4], $0x10, s11, s21, $0xb8;
	[tilespmem:$0x19C90] =	vst v63  }
0x48: {  	s14 =	simm.s32 $0x140;
	s15 =	simm.s32 $0x3B10  }
0x49: {  	[spmem:s2] =	stream.indirect.scatter.add.f32 [tilespmem:s15], [sflag:$0x3], $0x10, s14, s21, $0xb8;
	[tilespmem:$0x19C90] =	vst v63  }
0x4a: {  	_ = 	snop  }
0x4b: {  	[spmem:s3] =	stream.indirect.scatter.add.f32 [tilespmem:s22], [sflag:$0x4], $0x10, s14, s21, $0xb8;
	[tilespmem:$0x19C90] =	vst v63  }
0x4c: {  	s16 =	simm.s32 $0x190;
	s18 =	simm.s32 $0x4010  }
0x4d: {  	[spmem:s2] =	stream.indirect.scatter.add.f32 [tilespmem:s18], [sflag:$0x3], $0x10, s16, s21, $0xb8;
	[tilespmem:$0x19C90] =	vst v63  }
0x4e: {  	_ = 	snop  }
0x4f: {  	[spmem:s3] =	stream.indirect.scatter.add.f32 [tilespmem:s22], [sflag:$0x4], $0x10, s16, s21, $0xb8;
	[tilespmem:$0x19C90] =	vst v63  }
0x50: {  	s20 =	simm.s32 $0x1E0;
	s23 =	simm.s32 $0x4510  }
0x51: {  	[spmem:s2] =	stream.indirect.scatter.add.f32 [tilespmem:s23], [sflag:$0x3], $0x10, s20, s21, $0xb8;
	[tilespmem:$0x19C90] =	vst v63  }
0x52: {  	_ = 	snop  }
0x53: {  	[spmem:s3] =	stream.indirect.scatter.add.f32 [tilespmem:s22], [sflag:$0x4], $0x10, s20, s21, $0xb8;
	[tilespmem:$0x19C90] =	vst v63  }
0x54: {  	s24 =	simm.s32 $0x230;
	s6 =	simm.s32 $0x4A10  }
0x55: {  	[spmem:s2] =	stream.indirect.scatter.add.f32 [tilespmem:s6], [sflag:$0x3], $0x10, s24, s21, $0xb8;
	[tilespmem:$0x19C90] =	vst v63  }
0x56: {  	_ = 	snop  }
0x57: {  	[spmem:s3] =	stream.indirect.scatter.add.f32 [tilespmem:s22], [sflag:$0x4], $0x10, s24, s21, $0xb8;
	[tilespmem:$0x19C90] =	vst v63  }
0x58: {  	s8 =	simm.s32 $0x280;
	s11 =	simm.s32 $0x4F10  }
0x59: {  	[spmem:s2] =	stream.indirect.scatter.add.f32 [tilespmem:s11], [sflag:$0x3], $0x10, s8, s21, $0xb8;
	[tilespmem:$0x19C90] =	vst v63  }
0x5a: {  	_ = 	snop  }
0x5b: {  	[spmem:s3] =	stream.indirect.scatter.add.f32 [tilespmem:s22], [sflag:$0x4], $0x10, s8, s21, $0xb8;
	[tilespmem:$0x19C90] =	vst v63  }
0x5c: {  	s12 =	simm.s32 $0x2D0;
	s14 =	simm.s32 $0x5410  }
0x5d: {  	[spmem:s2] =	stream.indirect.scatter.add.f32 [tilespmem:s14], [sflag:$0x3], $0x10, s12, s21, $0xb8;
	[tilespmem:$0x19C90] =	vst v63  }
0x5e: {  	_ = 	snop  }
0x5f: {  	[spmem:s3] =	stream.indirect.scatter.add.f32 [tilespmem:s22], [sflag:$0x4], $0x10, s12, s21, $0xb8;
	[tilespmem:$0x19C90] =	vst v63  }
0x60: {  	s15 =	simm.s32 $0x320;
	s16 =	simm.s32 $0x5910  }
0x61: {  	[spmem:s2] =	stream.indirect.scatter.add.f32 [tilespmem:s16], [sflag:$0x3], $0x10, s15, s21, $0xb8;
	[tilespmem:$0x19C90] =	vst v63  }
0x62: {  	_ = 	snop  }
0x63: {  	[spmem:s3] =	stream.indirect.scatter.add.f32 [tilespmem:s22], [sflag:$0x4], $0x10, s15, s21, $0xb8;
	[tilespmem:$0x19C90] =	vst v63  }
0x64: {  	s18 =	simm.s32 $0x370;
	s20 =	simm.s32 $0x5E10  }
0x65: {  	[spmem:s2] =	stream.indirect.scatter.add.f32 [tilespmem:s20], [sflag:$0x3], $0x10, s18, s21, $0xb8;
	[tilespmem:$0x19C90] =	vst v63  }
0x66: {  	_ = 	snop  }
0x67: {  	[spmem:s3] =	stream.indirect.scatter.add.f32 [tilespmem:s22], [sflag:$0x4], $0x10, s18, s21, $0xb8;
	[tilespmem:$0x19C90] =	vst v63  }
0x68: {  	s23 =	simm.s32 $0x3C0;
	s24 =	simm.s32 $0x6310  }
0x69: {  	[spmem:s2] =	stream.indirect.scatter.add.f32 [tilespmem:s24], [sflag:$0x3], $0x10, s23, s21, $0xb8;
	[tilespmem:$0x19C90] =	vst v63  }
0x6a: {  	_ = 	snop  }
0x6b: {  	[spmem:s3] =	stream.indirect.scatter.add.f32 [tilespmem:s22], [sflag:$0x4], $0x10, s23, s21, $0xb8;
	[tilespmem:$0x19C90] =	vst v63  }
0x6c: {  	s6 =	simm.s32 $0x410;
	s8 =	simm.s32 $0x6810  }
0x6d: {  	[spmem:s2] =	stream.indirect.scatter.add.f32 [tilespmem:s8], [sflag:$0x3], $0x10, s6, s21, $0xb8;
	[tilespmem:$0x19C90] =	vst v63  }
0x6e: {  	_ = 	snop  }
0x6f: {  	[spmem:s3] =	stream.indirect.scatter.add.f32 [tilespmem:s22], [sflag:$0x4], $0x10, s6, s21, $0xb8;
	[tilespmem:$0x19C90] =	vst v63  }
0x70: {  	s11 =	simm.s32 $0x460;
	s12 =	simm.s32 $0x6D10  }
0x71: {  	[spmem:s2] =	stream.indirect.scatter.add.f32 [tilespmem:s12], [sflag:$0x3], $0x10, s11, s21, $0xb8;
	[tilespmem:$0x19C90] =	vst v63  }
0x72: {  	_ = 	snop  }
0x73: {  	[spmem:s3] =	stream.indirect.scatter.add.f32 [tilespmem:s22], [sflag:$0x4], $0x10, s11, s21, $0xb8;
	[tilespmem:$0x19C90] =	vst v63  }
0x74: {  	s14 =	simm.s32 $0x4B0;
	s15 =	simm.s32 $0x7210  }
0x75: {  	[spmem:s2] =	stream.indirect.scatter.add.f32 [tilespmem:s15], [sflag:$0x3], $0x10, s14, s21, $0xb8;
	[tilespmem:$0x19C90] =	vst v63  }
0x76: {  	_ = 	snop  }
0x77: {  	[spmem:s3] =	stream.indirect.scatter.add.f32 [tilespmem:s22], [sflag:$0x4], $0x10, s14, s21, $0xb8;
	[tilespmem:$0x19C90] =	vst v63  }
0x78: {  	s16 =	simm.s32 $0x500;
	s18 =	simm.s32 $0x7710  }
0x79: {  	[spmem:s2] =	stream.indirect.scatter.add.f32 [tilespmem:s18], [sflag:$0x3], $0x10, s16, s21, $0xb8;
	[tilespmem:$0x19C90] =	vst v63  }
0x7a: {  	_ = 	snop  }
0x7b: {  	[spmem:s3] =	stream.indirect.scatter.add.f32 [tilespmem:s22], [sflag:$0x4], $0x10, s16, s21, $0xb8;
	[tilespmem:$0x19C90] =	vst v63  }
0x7c: {  	s20 =	simm.s32 $0x550;
	s23 =	simm.s32 $0x7C10  }
0x7d: {  	[spmem:s2] =	stream.indirect.scatter.add.f32 [tilespmem:s23], [sflag:$0x3], $0x10, s20, s21, $0xb8;
	[tilespmem:$0x19C90] =	vst v63  }
0x7e: {  	_ = 	snop  }
0x7f: {  	[spmem:s3] =	stream.indirect.scatter.add.f32 [tilespmem:s22], [sflag:$0x4], $0x10, s20, s21, $0xb8;
	[tilespmem:$0x19C90] =	vst v63  }
0x80: {  	s24 =	simm.s32 $0x5A0;
	s6 =	simm.s32 $0x8110  }
0x81: {  	[spmem:s2] =	stream.indirect.scatter.add.f32 [tilespmem:s6], [sflag:$0x3], $0x10, s24, s21, $0xb8;
	[tilespmem:$0x19C90] =	vst v63  }
0x82: {  	_ = 	snop  }
0x83: {  	[spmem:s3] =	stream.indirect.scatter.add.f32 [tilespmem:s22], [sflag:$0x4], $0x10, s24, s21, $0xb8;
	[tilespmem:$0x19C90] =	vst v63  }
0x84: {  	s8 =	simm.s32 $0x5F0;
	s11 =	simm.s32 $0x8610  }
0x85: {  	[spmem:s2] =	stream.indirect.scatter.add.f32 [tilespmem:s11], [sflag:$0x3], $0x10, s8, s21, $0xb8;
	[tilespmem:$0x19C90] =	vst v63  }
0x86: {  	_ = 	snop  }
0x87: {  	[spmem:s3] =	stream.indirect.scatter.add.f32 [tilespmem:s22], [sflag:$0x4], $0x10, s8, s21, $0xb8;
	[tilespmem:$0x19C90] =	vst v63  }
0x88: {  	s12 =	simm.s32 $0x640;
	s14 =	simm.s32 $0x8B10  }
0x89: {  	[spmem:s2] =	stream.indirect.scatter.add.f32 [tilespmem:s14], [sflag:$0x3], $0x10, s12, s21, $0xb8;
	[tilespmem:$0x19C90] =	vst v63  }
0x8a: {  	_ = 	snop  }
0x8b: {  	[spmem:s3] =	stream.indirect.scatter.add.f32 [tilespmem:s22], [sflag:$0x4], $0x10, s12, s21, $0xb8;
	[tilespmem:$0x19C90] =	vst v63  }
0x8c: {  	s15 =	simm.s32 $0x690;
	s16 =	simm.s32 $0x9010  }
0x8d: {  	[spmem:s2] =	stream.indirect.scatter.add.f32 [tilespmem:s16], [sflag:$0x3], $0x10, s15, s21, $0xb8;
	[tilespmem:$0x19C90] =	vst v63  }
0x8e: {  	_ = 	snop  }
0x8f: {  	[spmem:s3] =	stream.indirect.scatter.add.f32 [tilespmem:s22], [sflag:$0x4], $0x10, s15, s21, $0xb8;
	[tilespmem:$0x19C90] =	vst v63  }
0x90: {  	s18 =	simm.s32 $0x6E0;
	s20 =	simm.s32 $0x9510  }
0x91: {  	[spmem:s2] =	stream.indirect.scatter.add.f32 [tilespmem:s20], [sflag:$0x3], $0x10, s18, s21, $0xb8;
	[tilespmem:$0x19C90] =	vst v63  }
0x92: {  	_ = 	snop  }
0x93: {  	[spmem:s3] =	stream.indirect.scatter.add.f32 [tilespmem:s22], [sflag:$0x4], $0x10, s18, s21, $0xb8;
	[tilespmem:$0x19C90] =	vst v63  }
0x94: {  	s23 =	simm.s32 $0x730;
	s24 =	simm.s32 $0x9A10  }
0x95: {  	[spmem:s2] =	stream.indirect.scatter.add.f32 [tilespmem:s24], [sflag:$0x3], $0x10, s23, s21, $0xb8;
	[tilespmem:$0x19C90] =	vst v63  }
0x96: {  	_ = 	snop  }
0x97: {  	[spmem:s3] =	stream.indirect.scatter.add.f32 [tilespmem:s22], [sflag:$0x4], $0x10, s23, s21, $0xb8;
	[tilespmem:$0x19C90] =	vst v63  }
0x98: {  	s6 =	simm.s32 $0x780;
	s8 =	simm.s32 $0x9F10  }
0x99: {  	[spmem:s2] =	stream.indirect.scatter.add.f32 [tilespmem:s8], [sflag:$0x3], $0x10, s6, s21, $0xb8;
	[tilespmem:$0x19C90] =	vst v63  }
0x9a: {  	_ = 	snop  }
0x9b: {  	[spmem:s3] =	stream.indirect.scatter.add.f32 [tilespmem:s22], [sflag:$0x4], $0x10, s6, s21, $0xb8;
	[tilespmem:$0x19C90] =	vst v63  }
0x9c: {  	_ =	swait.ge [sflag:s7], $0x500  }
0x9d: {  	[sflag:s7] =	ssyncset.done $0x0  }
0x9e: {  	[sflag:s7] =	ssyncadd.s32 $0xFFFFFB00  }
0x9f: {  	_ =	swait.ge [sflag:s7], $0x500  }
0xa0: {  	[sflag:s7] =	ssyncset.done $0x0  }
0xa1: {  	[sflag:s7] =	ssyncadd.s32 $0xFFFFFB00  }
0xa2: {  	_ =	swait.ge [sflag:s7], $0x500  }
0xa3: {  	[sflag:s7] =	ssyncset.done $0x0  }
0xa4: {  	[sflag:s7] =	ssyncadd.s32 $0xFFFFFB00  }
0xa5: {  	_ =	swait.ge [sflag:s7], $0x500  }
0xa6: {  	[sflag:s7] =	ssyncset.done $0x0  }
0xa7: {  	[sflag:s7] =	ssyncadd.s32 $0xFFFFFB00  }
0xa8: {  	_ =	swait.ge [sflag:s7], $0x500  }
0xa9: {  	[sflag:s7] =	ssyncset.done $0x0  }
0xaa: {  	[sflag:s7] =	ssyncadd.s32 $0xFFFFFB00  }
0xab: {  	_ =	swait.ge [sflag:s7], $0x500  }
0xac: {  	[sflag:s7] =	ssyncset.done $0x0  }
0xad: {  	[sflag:s7] =	ssyncadd.s32 $0xFFFFFB00  }
0xae: {  	_ =	swait.ge [sflag:s7], $0x500  }
0xaf: {  	[sflag:s7] =	ssyncset.done $0x0  }
0xb0: {  	[sflag:s7] =	ssyncadd.s32 $0xFFFFFB00  }
0xb1: {  	_ =	swait.ge [sflag:s7], $0x500  }
0xb2: {  	[sflag:s7] =	ssyncset.done $0x0  }
0xb3: {  	[sflag:s7] =	ssyncadd.s32 $0xFFFFFB00  }
0xb4: {  	_ =	swait.ge [sflag:s7], $0x500  }
0xb5: {  	[sflag:s7] =	ssyncset.done $0x0  }
0xb6: {  	[sflag:s7] =	ssyncadd.s32 $0xFFFFFB00  }
0xb7: {  	_ =	swait.ge [sflag:s7], $0x500  }
0xb8: {  	[sflag:s7] =	ssyncset.done $0x0  }
0xb9: {  	[sflag:s7] =	ssyncadd.s32 $0xFFFFFB00  }
0xba: {  	_ =	swait.ge [sflag:s7], $0x500  }
0xbb: {  	[sflag:s7] =	ssyncset.done $0x0  }
0xbc: {  	[sflag:s7] =	ssyncadd.s32 $0xFFFFFB00  }
0xbd: {  	_ =	swait.ge [sflag:s7], $0x500  }
0xbe: {  	[sflag:s7] =	ssyncset.done $0x0  }
0xbf: {  	[sflag:s7] =	ssyncadd.s32 $0xFFFFFB00  }
0xc0: {  	_ =	swait.ge [sflag:s7], $0x500  }
0xc1: {  	[sflag:s7] =	ssyncset.done $0x0  }
0xc2: {  	[sflag:s7] =	ssyncadd.s32 $0xFFFFFB00  }
0xc3: {  	_ =	swait.ge [sflag:s7], $0x500  }
0xc4: {  	[sflag:s7] =	ssyncset.done $0x0  }
0xc5: {  	[sflag:s7] =	ssyncadd.s32 $0xFFFFFB00  }
0xc6: {  	_ =	swait.ge [sflag:s7], $0x500  }
0xc7: {  	[sflag:s7] =	ssyncset.done $0x0  }
0xc8: {  	[sflag:s7] =	ssyncadd.s32 $0xFFFFFB00  }
0xc9: {  	_ =	swait.ge [sflag:s7], $0x500  }
0xca: {  	[sflag:s7] =	ssyncset.done $0x0  }
0xcb: {  	[sflag:s7] =	ssyncadd.s32 $0xFFFFFB00  }
0xcc: {  	_ =	swait.ge [sflag:s7], $0x500  }
0xcd: {  	[sflag:s7] =	ssyncset.done $0x0  }
0xce: {  	[sflag:s7] =	ssyncadd.s32 $0xFFFFFB00  }
0xcf: {  	_ =	swait.ge [sflag:s7], $0x500  }
0xd0: {  	[sflag:s7] =	ssyncset.done $0x0  }
0xd1: {  	[sflag:s7] =	ssyncadd.s32 $0xFFFFFB00  }
0xd2: {  	_ =	swait.ge [sflag:s7], $0x500  }
0xd3: {  	[sflag:s7] =	ssyncset.done $0x0  }
0xd4: {  	[sflag:s7] =	ssyncadd.s32 $0xFFFFFB00  }
0xd5: {  	_ =	swait.ge [sflag:s7], $0x500  }
0xd6: {  	[sflag:s7] =	ssyncset.done $0x0  }
0xd7: {  	[sflag:s7] =	ssyncadd.s32 $0xFFFFFB00  }
0xd8: {  	_ =	swait.ge [sflag:s7], $0x500  }
0xd9: {  	[sflag:s7] =	ssyncset.done $0x0  }
0xda: {  	[sflag:s7] =	ssyncadd.s32 $0xFFFFFB00  }
0xdb: {  	_ =	swait.ge [sflag:s7], $0x500  }
0xdc: {  	[sflag:s7] =	ssyncset.done $0x0  }
0xdd: {  	[sflag:s7] =	ssyncadd.s32 $0xFFFFFB00  }
0xde: {  	_ =	swait.ge [sflag:s7], $0x500  }
0xdf: {  	[sflag:s7] =	ssyncset.done $0x0  }
0xe0: {  	[sflag:s7] =	ssyncadd.s32 $0xFFFFFB00  }
0xe1: {  	_ =	swait.ge [sflag:s7], $0x500  }
0xe2: {  	[sflag:s7] =	ssyncset.done $0x0  }
0xe3: {  	[sflag:s7] =	ssyncadd.s32 $0xFFFFFB00  }
0xe4: {  	_ =	swait.ge [sflag:s7], $0x500  }
0xe5: {  	[sflag:s7] =	ssyncset.done $0x0  }
0xe6: {  	s0 =	simm.s32 $0x2;
	s11 =	rddreg [dreg:$0x8];
	[sflag:s7] =	ssyncadd.s32 $0xFFFFFB00  }
0xe7: {  	[tilespmem:s9], [sflag:$0x1] =	stream.linear.gather [hbm4b:s11+s1], $0x7D00, $0x38;
	[tilespmem:$0x19C90] =	vst v63  }
0xe8: {  	_ =	swait.ge [sflag:s0], $0x7D00  }
0xe9: {  	[sflag:s0] =	ssyncset.done $0x0  }
0xea: {  	s12 =	simm.s32 $0x7D0;
	[sflag:s0] =	ssyncadd.s32 $0xFFFF8300  }
0xeb: {  	[spmem:s2] =	stream.indirect.scatter.add.f32 [tilespmem:s19], [sflag:$0x3], $0x10, s12, s21, $0xb8;
	[tilespmem:$0x19C90] =	vst v63  }
0xec: {  	_ = 	snop  }
0xed: {  	[spmem:s3] =	stream.indirect.scatter.add.f32 [tilespmem:s22], [sflag:$0x4], $0x10, s12, s21, $0xb8;
	[tilespmem:$0x19C90] =	vst v63  }
0xee: {  	s14 =	simm.s32 $0x820;
	s6 =	simm.s32 $0xA910  }
0xef: {  	[spmem:s2] =	stream.indirect.scatter.add.f32 [tilespmem:s6], [sflag:$0x3], $0x10, s14, s21, $0xb8;
	[tilespmem:$0x19C90] =	vst v63  }
0xf0: {  	_ = 	snop  }
0xf1: {  	[spmem:s3] =	stream.indirect.scatter.add.f32 [tilespmem:s22], [sflag:$0x4], $0x10, s14, s21, $0xb8;
	[tilespmem:$0x19C90] =	vst v63  }
0xf2: {  	s16 =	simm.s32 $0xAE10;
	s15 =	simm.s32 $0x870  }
0xf3: {  	[spmem:s2] =	stream.indirect.scatter.add.f32 [tilespmem:s16], [sflag:$0x3], $0x10, s15, s21, $0xb8;
	[tilespmem:$0x19C90] =	vst v63  }
0xf4: {  	_ = 	snop  }
0xf5: {  	[spmem:s3] =	stream.indirect.scatter.add.f32 [tilespmem:s22], [sflag:$0x4], $0x10, s15, s21, $0xb8;
	[tilespmem:$0x19C90] =	vst v63  }
0xf6: {  	s20 =	simm.s32 $0xB310;
	s18 =	simm.s32 $0x8C0  }
0xf7: {  	[spmem:s2] =	stream.indirect.scatter.add.f32 [tilespmem:s20], [sflag:$0x3], $0x10, s18, s21, $0xb8;
	[tilespmem:$0x19C90] =	vst v63  }
0xf8: {  	_ = 	snop  }
0xf9: {  	[spmem:s3] =	stream.indirect.scatter.add.f32 [tilespmem:s22], [sflag:$0x4], $0x10, s18, s21, $0xb8;
	[tilespmem:$0x19C90] =	vst v63  }
0xfa: {  	s24 =	simm.s32 $0xB810;
	s23 =	simm.s32 $0x910  }
0xfb: {  	[spmem:s2] =	stream.indirect.scatter.add.f32 [tilespmem:s24], [sflag:$0x3], $0x10, s23, s21, $0xb8;
	[tilespmem:$0x19C90] =	vst v63  }
0xfc: {  	_ = 	snop  }
0xfd: {  	[spmem:s3] =	stream.indirect.scatter.add.f32 [tilespmem:s22], [sflag:$0x4], $0x10, s23, s21, $0xb8;
	[tilespmem:$0x19C90] =	vst v63  }
0xfe: {  	s8 =	simm.s32 $0x960;
	s11 =	simm.s32 $0xBD10  }
0xff: {  	[spmem:s2] =	stream.indirect.scatter.add.f32 [tilespmem:s11], [sflag:$0x3], $0x10, s8, s21, $0xb8;
	[tilespmem:$0x19C90] =	vst v63  }
0x100: {  	_ = 	snop  }
0x101: {  	[spmem:s3] =	stream.indirect.scatter.add.f32 [tilespmem:s22], [sflag:$0x4], $0x10, s8, s21, $0xb8;
	[tilespmem:$0x19C90] =	vst v63  }
0x102: {  	s12 =	simm.s32 $0x9B0;
	s14 =	simm.s32 $0xC210  }
0x103: {  	[spmem:s2] =	stream.indirect.scatter.add.f32 [tilespmem:s14], [sflag:$0x3], $0x10, s12, s21, $0xb8;
	[tilespmem:$0x19C90] =	vst v63  }
0x104: {  	_ = 	snop  }
0x105: {  	[spmem:s3] =	stream.indirect.scatter.add.f32 [tilespmem:s22], [sflag:$0x4], $0x10, s12, s21, $0xb8;
	[tilespmem:$0x19C90] =	vst v63  }
0x106: {  	s16 =	simm.s32 $0xC710;
	s15 =	simm.s32 $0xA00  }
0x107: {  	[spmem:s2] =	stream.indirect.scatter.add.f32 [tilespmem:s16], [sflag:$0x3], $0x10, s15, s21, $0xb8;
	[tilespmem:$0x19C90] =	vst v63  }
0x108: {  	_ = 	snop  }
0x109: {  	[spmem:s3] =	stream.indirect.scatter.add.f32 [tilespmem:s22], [sflag:$0x4], $0x10, s15, s21, $0xb8;
	[tilespmem:$0x19C90] =	vst v63  }
0x10a: {  	s20 =	simm.s32 $0xCC10;
	s18 =	simm.s32 $0xA50  }
0x10b: {  	[spmem:s2] =	stream.indirect.scatter.add.f32 [tilespmem:s20], [sflag:$0x3], $0x10, s18, s21, $0xb8;
	[tilespmem:$0x19C90] =	vst v63  }
0x10c: {  	_ = 	snop  }
0x10d: {  	[spmem:s3] =	stream.indirect.scatter.add.f32 [tilespmem:s22], [sflag:$0x4], $0x10, s18, s21, $0xb8;
	[tilespmem:$0x19C90] =	vst v63  }
0x10e: {  	s24 =	simm.s32 $0xD110;
	s23 =	simm.s32 $0xAA0  }
0x10f: {  	[spmem:s2] =	stream.indirect.scatter.add.f32 [tilespmem:s24], [sflag:$0x3], $0x10, s23, s21, $0xb8;
	[tilespmem:$0x19C90] =	vst v63  }
0x110: {  	_ = 	snop  }
0x111: {  	[spmem:s3] =	stream.indirect.scatter.add.f32 [tilespmem:s22], [sflag:$0x4], $0x10, s23, s21, $0xb8;
	[tilespmem:$0x19C90] =	vst v63  }
0x112: {  	s11 =	simm.s32 $0xD610;
	s8 =	simm.s32 $0xAF0  }
0x113: {  	[spmem:s2] =	stream.indirect.scatter.add.f32 [tilespmem:s11], [sflag:$0x3], $0x10, s8, s21, $0xb8;
	[tilespmem:$0x19C90] =	vst v63  }
0x114: {  	_ = 	snop  }
0x115: {  	[spmem:s3] =	stream.indirect.scatter.add.f32 [tilespmem:s22], [sflag:$0x4], $0x10, s8, s21, $0xb8;
	[tilespmem:$0x19C90] =	vst v63  }
0x116: {  	s12 =	simm.s32 $0xB40  }
0x117: {  	[spmem:s2] =	stream.indirect.scatter.add.f32 [tilespmem:s25], [sflag:$0x3], $0x10, s12, s21, $0xb8;
	[tilespmem:$0x19C90] =	vst v63  }
0x118: {  	_ = 	snop  }
0x119: {  	[spmem:s3] =	stream.indirect.scatter.add.f32 [tilespmem:s22], [sflag:$0x4], $0x10, s12, s21, $0xb8;
	[tilespmem:$0x19C90] =	vst v63  }
0x11a: {  	s14 =	simm.s32 $0xB90  }
0x11b: {  	[spmem:s2] =	stream.indirect.scatter.add.f32 [tilespmem:s28], [sflag:$0x3], $0x10, s14, s21, $0xb8;
	[tilespmem:$0x19C90] =	vst v63  }
0x11c: {  	_ = 	snop  }
0x11d: {  	[spmem:s3] =	stream.indirect.scatter.add.f32 [tilespmem:s22], [sflag:$0x4], $0x10, s14, s21, $0xb8;
	[tilespmem:$0x19C90] =	vst v63  }
0x11e: {  	s15 =	simm.s32 $0xBE0  }
0x11f: {  	[spmem:s2] =	stream.indirect.scatter.add.f32 [tilespmem:s29], [sflag:$0x3], $0x10, s15, s21, $0xb8;
	[tilespmem:$0x19C90] =	vst v63  }
0x120: {  	_ = 	snop  }
0x121: {  	[spmem:s3] =	stream.indirect.scatter.add.f32 [tilespmem:s22], [sflag:$0x4], $0x10, s15, s21, $0xb8;
	[tilespmem:$0x19C90] =	vst v63  }
0x122: {  	s16 =	simm.s32 $0xC30  }
0x123: {  	[spmem:s2] =	stream.indirect.scatter.add.f32 [tilespmem:s30], [sflag:$0x3], $0x10, s16, s21, $0xb8;
	[tilespmem:$0x19C90] =	vst v63  }
0x124: {  	_ = 	snop  }
0x125: {  	[spmem:s3] =	stream.indirect.scatter.add.f32 [tilespmem:s22], [sflag:$0x4], $0x10, s16, s21, $0xb8;
	[tilespmem:$0x19C90] =	vst v63  }
0x126: {  	s18 =	simm.s32 $0xC80  }
0x127: {  	[spmem:s2] =	stream.indirect.scatter.add.f32 [tilespmem:s31], [sflag:$0x3], $0x10, s18, s21, $0xb8;
	[tilespmem:$0x19C90] =	vst v63  }
0x128: {  	_ = 	snop  }
0x129: {  	[spmem:s3] =	stream.indirect.scatter.add.f32 [tilespmem:s22], [sflag:$0x4], $0x10, s18, s21, $0xb8;
	[tilespmem:$0x19C90] =	vst v63  }
0x12a: {  	s20 =	simm.s32 $0xCD0;
	s23 =	simm.s32 $0xF410  }
0x12b: {  	[spmem:s2] =	stream.indirect.scatter.add.f32 [tilespmem:s23], [sflag:$0x3], $0x10, s20, s21, $0xb8;
	[tilespmem:$0x19C90] =	vst v63  }
0x12c: {  	_ = 	snop  }
0x12d: {  	[spmem:s3] =	stream.indirect.scatter.add.f32 [tilespmem:s22], [sflag:$0x4], $0x10, s20, s21, $0xb8;
	[tilespmem:$0x19C90] =	vst v63  }
0x12e: {  	s24 =	simm.s32 $0xD20;
	s8 =	simm.s32 $0xF910  }
0x12f: {  	[spmem:s2] =	stream.indirect.scatter.add.f32 [tilespmem:s8], [sflag:$0x3], $0x10, s24, s21, $0xb8;
	[tilespmem:$0x19C90] =	vst v63  }
0x130: {  	_ = 	snop  }
0x131: {  	[spmem:s3] =	stream.indirect.scatter.add.f32 [tilespmem:s22], [sflag:$0x4], $0x10, s24, s21, $0xb8;
	[tilespmem:$0x19C90] =	vst v63  }
0x132: {  	s11 =	simm.s32 $0xD70;
	s12 =	simm.s32 $0xFE10  }
0x133: {  	[spmem:s2] =	stream.indirect.scatter.add.f32 [tilespmem:s12], [sflag:$0x3], $0x10, s11, s21, $0xb8;
	[tilespmem:$0x19C90] =	vst v63  }
0x134: {  	_ = 	snop  }
0x135: {  	[spmem:s3] =	stream.indirect.scatter.add.f32 [tilespmem:s22], [sflag:$0x4], $0x10, s11, s21, $0xb8;
	[tilespmem:$0x19C90] =	vst v63  }
0x136: {  	s14 =	simm.s32 $0xDC0;
	s15 =	simm.s32 $0x10310  }
0x137: {  	[spmem:s2] =	stream.indirect.scatter.add.f32 [tilespmem:s15], [sflag:$0x3], $0x10, s14, s21, $0xb8;
	[tilespmem:$0x19C90] =	vst v63  }
0x138: {  	_ = 	snop  }
0x139: {  	[spmem:s3] =	stream.indirect.scatter.add.f32 [tilespmem:s22], [sflag:$0x4], $0x10, s14, s21, $0xb8;
	[tilespmem:$0x19C90] =	vst v63  }
0x13a: {  	s16 =	simm.s32 $0xE10;
	s18 =	simm.s32 $0x10810  }
0x13b: {  	[spmem:s2] =	stream.indirect.scatter.add.f32 [tilespmem:s18], [sflag:$0x3], $0x10, s16, s21, $0xb8;
	[tilespmem:$0x19C90] =	vst v63  }
0x13c: {  	_ = 	snop  }
0x13d: {  	[spmem:s3] =	stream.indirect.scatter.add.f32 [tilespmem:s22], [sflag:$0x4], $0x10, s16, s21, $0xb8;
	[tilespmem:$0x19C90] =	vst v63  }
0x13e: {  	s23 =	simm.s32 $0x10D10;
	s20 =	simm.s32 $0xE60  }
0x13f: {  	[spmem:s2] =	stream.indirect.scatter.add.f32 [tilespmem:s23], [sflag:$0x3], $0x10, s20, s21, $0xb8;
	[tilespmem:$0x19C90] =	vst v63  }
0x140: {  	_ = 	snop  }
0x141: {  	[spmem:s3] =	stream.indirect.scatter.add.f32 [tilespmem:s22], [sflag:$0x4], $0x10, s20, s21, $0xb8;
	[tilespmem:$0x19C90] =	vst v63  }
0x142: {  	s8 =	simm.s32 $0x11210;
	s24 =	simm.s32 $0xEB0  }
0x143: {  	[spmem:s2] =	stream.indirect.scatter.add.f32 [tilespmem:s8], [sflag:$0x3], $0x10, s24, s21, $0xb8;
	[tilespmem:$0x19C90] =	vst v63  }
0x144: {  	_ = 	snop  }
0x145: {  	[spmem:s3] =	stream.indirect.scatter.add.f32 [tilespmem:s22], [sflag:$0x4], $0x10, s24, s21, $0xb8;
	[tilespmem:$0x19C90] =	vst v63  }
0x146: {  	s12 =	simm.s32 $0x11710;
	s11 =	simm.s32 $0xF00  }
0x147: {  	[spmem:s2] =	stream.indirect.scatter.add.f32 [tilespmem:s12], [sflag:$0x3], $0x10, s11, s21, $0xb8;
	[tilespmem:$0x19C90] =	vst v63  }
0x148: {  	_ = 	snop  }
0x149: {  	[spmem:s3] =	stream.indirect.scatter.add.f32 [tilespmem:s22], [sflag:$0x4], $0x10, s11, s21, $0xb8;
	[tilespmem:$0x19C90] =	vst v63  }
0x14a: {  	s15 =	simm.s32 $0x11C10;
	s14 =	simm.s32 $0xF50  }
0x14b: {  	[spmem:s2] =	stream.indirect.scatter.add.f32 [tilespmem:s15], [sflag:$0x3], $0x10, s14, s21, $0xb8;
	[tilespmem:$0x19C90] =	vst v63  }
0x14c: {  	_ = 	snop  }
0x14d: {  	[spmem:s3] =	stream.indirect.scatter.add.f32 [tilespmem:s22], [sflag:$0x4], $0x10, s14, s21, $0xb8;
	[tilespmem:$0x19C90] =	vst v63  }
0x14e: {  	_ =	swait.ge [sflag:s7], $0x500  }
0x14f: {  	[sflag:s7] =	ssyncset.done $0x0  }
0x150: {  	[sflag:s7] =	ssyncadd.s32 $0xFFFFFB00  }
0x151: {  	_ =	swait.ge [sflag:s7], $0x500  }
0x152: {  	[sflag:s7] =	ssyncset.done $0x0  }
0x153: {  	[sflag:s7] =	ssyncadd.s32 $0xFFFFFB00  }
0x154: {  	_ =	swait.ge [sflag:s7], $0x500  }
0x155: {  	[sflag:s7] =	ssyncset.done $0x0  }
0x156: {  	[sflag:s7] =	ssyncadd.s32 $0xFFFFFB00  }
0x157: {  	_ =	swait.ge [sflag:s7], $0x500  }
0x158: {  	[sflag:s7] =	ssyncset.done $0x0  }
0x159: {  	[sflag:s7] =	ssyncadd.s32 $0xFFFFFB00  }
0x15a: {  	_ =	swait.ge [sflag:s7], $0x500  }
0x15b: {  	[sflag:s7] =	ssyncset.done $0x0  }
0x15c: {  	[sflag:s7] =	ssyncadd.s32 $0xFFFFFB00  }
0x15d: {  	_ =	swait.ge [sflag:s7], $0x500  }
0x15e: {  	[sflag:s7] =	ssyncset.done $0x0  }
0x15f: {  	[sflag:s7] =	ssyncadd.s32 $0xFFFFFB00  }
0x160: {  	_ =	swait.ge [sflag:s7], $0x500  }
0x161: {  	[sflag:s7] =	ssyncset.done $0x0  }
0x162: {  	[sflag:s7] =	ssyncadd.s32 $0xFFFFFB00  }
0x163: {  	_ =	swait.ge [sflag:s7], $0x500  }
0x164: {  	[sflag:s7] =	ssyncset.done $0x0  }
0x165: {  	[sflag:s7] =	ssyncadd.s32 $0xFFFFFB00  }
0x166: {  	_ =	swait.ge [sflag:s7], $0x500  }
0x167: {  	[sflag:s7] =	ssyncset.done $0x0  }
0x168: {  	[sflag:s7] =	ssyncadd.s32 $0xFFFFFB00  }
0x169: {  	_ =	swait.ge [sflag:s7], $0x500  }
0x16a: {  	[sflag:s7] =	ssyncset.done $0x0  }
0x16b: {  	[sflag:s7] =	ssyncadd.s32 $0xFFFFFB00  }
0x16c: {  	_ =	swait.ge [sflag:s7], $0x500  }
0x16d: {  	[sflag:s7] =	ssyncset.done $0x0  }
0x16e: {  	[sflag:s7] =	ssyncadd.s32 $0xFFFFFB00  }
0x16f: {  	_ =	swait.ge [sflag:s7], $0x500  }
0x170: {  	[sflag:s7] =	ssyncset.done $0x0  }
0x171: {  	[sflag:s7] =	ssyncadd.s32 $0xFFFFFB00  }
0x172: {  	_ =	swait.ge [sflag:s7], $0x500  }
0x173: {  	[sflag:s7] =	ssyncset.done $0x0  }
0x174: {  	[sflag:s7] =	ssyncadd.s32 $0xFFFFFB00  }
0x175: {  	_ =	swait.ge [sflag:s7], $0x500  }
0x176: {  	[sflag:s7] =	ssyncset.done $0x0  }
0x177: {  	[sflag:s7] =	ssyncadd.s32 $0xFFFFFB00  }
0x178: {  	_ =	swait.ge [sflag:s7], $0x500  }
0x179: {  	[sflag:s7] =	ssyncset.done $0x0  }
0x17a: {  	[sflag:s7] =	ssyncadd.s32 $0xFFFFFB00  }
0x17b: {  	_ =	swait.ge [sflag:s7], $0x500  }
0x17c: {  	[sflag:s7] =	ssyncset.done $0x0  }
0x17d: {  	[sflag:s7] =	ssyncadd.s32 $0xFFFFFB00  }
0x17e: {  	_ =	swait.ge [sflag:s7], $0x500  }
0x17f: {  	[sflag:s7] =	ssyncset.done $0x0  }
0x180: {  	[sflag:s7] =	ssyncadd.s32 $0xFFFFFB00  }
0x181: {  	_ =	swait.ge [sflag:s7], $0x500  }
0x182: {  	[sflag:s7] =	ssyncset.done $0x0  }
0x183: {  	[sflag:s7] =	ssyncadd.s32 $0xFFFFFB00  }
0x184: {  	_ =	swait.ge [sflag:s7], $0x500  }
0x185: {  	[sflag:s7] =	ssyncset.done $0x0  }
0x186: {  	[sflag:s7] =	ssyncadd.s32 $0xFFFFFB00  }
0x187: {  	_ =	swait.ge [sflag:s7], $0x500  }
0x188: {  	[sflag:s7] =	ssyncset.done $0x0  }
0x189: {  	[sflag:s7] =	ssyncadd.s32 $0xFFFFFB00  }
0x18a: {  	_ =	swait.ge [sflag:s7], $0x500  }
0x18b: {  	[sflag:s7] =	ssyncset.done $0x0  }
0x18c: {  	[sflag:s7] =	ssyncadd.s32 $0xFFFFFB00  }
0x18d: {  	_ =	swait.ge [sflag:s7], $0x500  }
0x18e: {  	[sflag:s7] =	ssyncset.done $0x0  }
0x18f: {  	[sflag:s7] =	ssyncadd.s32 $0xFFFFFB00  }
0x190: {  	_ =	swait.ge [sflag:s7], $0x500  }
0x191: {  	[sflag:s7] =	ssyncset.done $0x0  }
0x192: {  	[sflag:s7] =	ssyncadd.s32 $0xFFFFFB00  }
0x193: {  	_ =	swait.ge [sflag:s7], $0x500  }
0x194: {  	[sflag:s7] =	ssyncset.done $0x0  }
0x195: {  	[sflag:s7] =	ssyncadd.s32 $0xFFFFFB00  }
0x196: {  	_ =	swait.ge [sflag:s7], $0x500  }
0x197: {  	[sflag:s7] =	ssyncset.done $0x0  }
0x198: {  	s16 =	rddreg [dreg:$0x9];
	[sflag:s7] =	ssyncadd.s32 $0xFFFFFB00  }
0x199: {  	[tilespmem:s19], [sflag:$0x2] =	stream.linear.gather [hbm4b:s16+s1], $0x7D00, $0x38;
	[tilespmem:$0x19C90] =	vst v63  }
0x19a: {  	_ =	swait.ge [sflag:s4], $0x7D00  }
0x19b: {  	[sflag:s4] =	ssyncset.done $0x0  }
0x19c: {  	s18 =	simm.s32 $0xFA0;
	[sflag:s4] =	ssyncadd.s32 $0xFFFF8300  }
0x19d: {  	[spmem:s2] =	stream.indirect.scatter.add.f32 [tilespmem:s9], [sflag:$0x3], $0x10, s18, s21, $0xb8;
	[tilespmem:$0x19C90] =	vst v63  }
0x19e: {  	_ = 	snop  }
0x19f: {  	[spmem:s3] =	stream.indirect.scatter.add.f32 [tilespmem:s22], [sflag:$0x4], $0x10, s18, s21, $0xb8;
	[tilespmem:$0x19C90] =	vst v63  }
0x1a0: {  	s5 =	simm.s32 $0x2C10;
	s20 =	simm.s32 $0xFF0  }
0x1a1: {  	[spmem:s2] =	stream.indirect.scatter.add.f32 [tilespmem:s5], [sflag:$0x3], $0x10, s20, s21, $0xb8;
	[tilespmem:$0x19C90] =	vst v63  }
0x1a2: {  	_ = 	snop  }
0x1a3: {  	[spmem:s3] =	stream.indirect.scatter.add.f32 [tilespmem:s22], [sflag:$0x4], $0x10, s20, s21, $0xb8;
	[tilespmem:$0x19C90] =	vst v63  }
0x1a4: {  	s23 =	simm.s32 $0x1040;
	s24 =	simm.s32 $0x3110  }
0x1a5: {  	[spmem:s2] =	stream.indirect.scatter.add.f32 [tilespmem:s24], [sflag:$0x3], $0x10, s23, s21, $0xb8;
	[tilespmem:$0x19C90] =	vst v63  }
0x1a6: {  	_ = 	snop  }
0x1a7: {  	[spmem:s3] =	stream.indirect.scatter.add.f32 [tilespmem:s22], [sflag:$0x4], $0x10, s23, s21, $0xb8;
	[tilespmem:$0x19C90] =	vst v63  }
0x1a8: {  	s6 =	simm.s32 $0x1090;
	s5 =	simm.s32 $0x3610  }
0x1a9: {  	[spmem:s2] =	stream.indirect.scatter.add.f32 [tilespmem:s5], [sflag:$0x3], $0x10, s6, s21, $0xb8;
	[tilespmem:$0x19C90] =	vst v63  }
0x1aa: {  	_ = 	snop  }
0x1ab: {  	[spmem:s3] =	stream.indirect.scatter.add.f32 [tilespmem:s22], [sflag:$0x4], $0x10, s6, s21, $0xb8;
	[tilespmem:$0x19C90] =	vst v63  }
0x1ac: {  	s8 =	simm.s32 $0x10E0;
	s11 =	simm.s32 $0x3B10  }
0x1ad: {  	[spmem:s2] =	stream.indirect.scatter.add.f32 [tilespmem:s11], [sflag:$0x3], $0x10, s8, s21, $0xb8;
	[tilespmem:$0x19C90] =	vst v63  }
0x1ae: {  	_ = 	snop  }
0x1af: {  	[spmem:s3] =	stream.indirect.scatter.add.f32 [tilespmem:s22], [sflag:$0x4], $0x10, s8, s21, $0xb8;
	[tilespmem:$0x19C90] =	vst v63  }
0x1b0: {  	s12 =	simm.s32 $0x1130;
	s6 =	simm.s32 $0x4010  }
0x1b1: {  	[spmem:s2] =	stream.indirect.scatter.add.f32 [tilespmem:s6], [sflag:$0x3], $0x10, s12, s21, $0xb8;
	[tilespmem:$0x19C90] =	vst v63  }
0x1b2: {  	_ = 	snop  }
0x1b3: {  	[spmem:s3] =	stream.indirect.scatter.add.f32 [tilespmem:s22], [sflag:$0x4], $0x10, s12, s21, $0xb8;
	[tilespmem:$0x19C90] =	vst v63  }
0x1b4: {  	s14 =	simm.s32 $0x1180;
	s8 =	simm.s32 $0x4510  }
0x1b5: {  	[spmem:s2] =	stream.indirect.scatter.add.f32 [tilespmem:s8], [sflag:$0x3], $0x10, s14, s21, $0xb8;
	[tilespmem:$0x19C90] =	vst v63  }
0x1b6: {  	_ = 	snop  }
0x1b7: {  	[spmem:s3] =	stream.indirect.scatter.add.f32 [tilespmem:s22], [sflag:$0x4], $0x10, s14, s21, $0xb8;
	[tilespmem:$0x19C90] =	vst v63  }
0x1b8: {  	s15 =	simm.s32 $0x11D0;
	s8 =	simm.s32 $0x4A10  }
0x1b9: {  	[spmem:s2] =	stream.indirect.scatter.add.f32 [tilespmem:s8], [sflag:$0x3], $0x10, s15, s21, $0xb8;
	[tilespmem:$0x19C90] =	vst v63  }
0x1ba: {  	_ = 	snop  }
0x1bb: {  	[spmem:s3] =	stream.indirect.scatter.add.f32 [tilespmem:s22], [sflag:$0x4], $0x10, s15, s21, $0xb8;
	[tilespmem:$0x19C90] =	vst v63  }
0x1bc: {  	s16 =	simm.s32 $0x1220;
	s11 =	simm.s32 $0x4F10  }
0x1bd: {  	[spmem:s2] =	stream.indirect.scatter.add.f32 [tilespmem:s11], [sflag:$0x3], $0x10, s16, s21, $0xb8;
	[tilespmem:$0x19C90] =	vst v63  }
0x1be: {  	_ = 	snop  }
0x1bf: {  	[spmem:s3] =	stream.indirect.scatter.add.f32 [tilespmem:s22], [sflag:$0x4], $0x10, s16, s21, $0xb8;
	[tilespmem:$0x19C90] =	vst v63  }
0x1c0: {  	s18 =	simm.s32 $0x1270;
	s11 =	simm.s32 $0x5410  }
0x1c1: {  	[spmem:s2] =	stream.indirect.scatter.add.f32 [tilespmem:s11], [sflag:$0x3], $0x10, s18, s21, $0xb8;
	[tilespmem:$0x19C90] =	vst v63  }
0x1c2: {  	_ = 	snop  }
0x1c3: {  	[spmem:s3] =	stream.indirect.scatter.add.f32 [tilespmem:s22], [sflag:$0x4], $0x10, s18, s21, $0xb8;
	[tilespmem:$0x19C90] =	vst v63  }
0x1c4: {  	s20 =	simm.s32 $0x12C0;
	s12 =	simm.s32 $0x5910  }
0x1c5: {  	[spmem:s2] =	stream.indirect.scatter.add.f32 [tilespmem:s12], [sflag:$0x3], $0x10, s20, s21, $0xb8;
	[tilespmem:$0x19C90] =	vst v63  }
0x1c6: {  	_ = 	snop  }
0x1c7: {  	[spmem:s3] =	stream.indirect.scatter.add.f32 [tilespmem:s22], [sflag:$0x4], $0x10, s20, s21, $0xb8;
	[tilespmem:$0x19C90] =	vst v63  }
0x1c8: {  	s23 =	simm.s32 $0x1310;
	s12 =	simm.s32 $0x5E10  }
0x1c9: {  	[spmem:s2] =	stream.indirect.scatter.add.f32 [tilespmem:s12], [sflag:$0x3], $0x10, s23, s21, $0xb8;
	[tilespmem:$0x19C90] =	vst v63  }
0x1ca: {  	_ = 	snop  }
0x1cb: {  	[spmem:s3] =	stream.indirect.scatter.add.f32 [tilespmem:s22], [sflag:$0x4], $0x10, s23, s21, $0xb8;
	[tilespmem:$0x19C90] =	vst v63  }
0x1cc: {  	s24 =	simm.s32 $0x1360;
	s15 =	simm.s32 $0x6310  }
0x1cd: {  	[spmem:s2] =	stream.indirect.scatter.add.f32 [tilespmem:s15], [sflag:$0x3], $0x10, s24, s21, $0xb8;
	[tilespmem:$0x19C90] =	vst v63  }
0x1ce: {  	_ = 	snop  }
0x1cf: {  	[spmem:s3] =	stream.indirect.scatter.add.f32 [tilespmem:s22], [sflag:$0x4], $0x10, s24, s21, $0xb8;
	[tilespmem:$0x19C90] =	vst v63  }
0x1d0: {  	s14 =	simm.s32 $0x6810;
	s16 =	simm.s32 $0x13B0  }
0x1d1: {  	[spmem:s2] =	stream.indirect.scatter.add.f32 [tilespmem:s14], [sflag:$0x3], $0x10, s16, s21, $0xb8;
	[tilespmem:$0x19C90] =	vst v63  }
0x1d2: {  	_ = 	snop  }
0x1d3: {  	[spmem:s3] =	stream.indirect.scatter.add.f32 [tilespmem:s22], [sflag:$0x4], $0x10, s16, s21, $0xb8;
	[tilespmem:$0x19C90] =	vst v63  }
0x1d4: {  	s18 =	simm.s32 $0x1400;
	s20 =	simm.s32 $0x6D10  }
0x1d5: {  	[spmem:s2] =	stream.indirect.scatter.add.f32 [tilespmem:s20], [sflag:$0x3], $0x10, s18, s21, $0xb8;
	[tilespmem:$0x19C90] =	vst v63  }
0x1d6: {  	_ = 	snop  }
0x1d7: {  	[spmem:s3] =	stream.indirect.scatter.add.f32 [tilespmem:s22], [sflag:$0x4], $0x10, s18, s21, $0xb8;
	[tilespmem:$0x19C90] =	vst v63  }
0x1d8: {  	s23 =	simm.s32 $0x1450;
	s15 =	simm.s32 $0x7210  }
0x1d9: {  	[spmem:s2] =	stream.indirect.scatter.add.f32 [tilespmem:s15], [sflag:$0x3], $0x10, s23, s21, $0xb8;
	[tilespmem:$0x19C90] =	vst v63  }
0x1da: {  	_ = 	snop  }
0x1db: {  	[spmem:s3] =	stream.indirect.scatter.add.f32 [tilespmem:s22], [sflag:$0x4], $0x10, s23, s21, $0xb8;
	[tilespmem:$0x19C90] =	vst v63  }
0x1dc: {  	s24 =	simm.s32 $0x14A0;
	s16 =	simm.s32 $0x7710  }
0x1dd: {  	[spmem:s2] =	stream.indirect.scatter.add.f32 [tilespmem:s16], [sflag:$0x3], $0x10, s24, s21, $0xb8;
	[tilespmem:$0x19C90] =	vst v63  }
0x1de: {  	_ = 	snop  }
0x1df: {  	[spmem:s3] =	stream.indirect.scatter.add.f32 [tilespmem:s22], [sflag:$0x4], $0x10, s24, s21, $0xb8;
	[tilespmem:$0x19C90] =	vst v63  }
0x1e0: {  	s18 =	simm.s32 $0x14F0;
	s16 =	simm.s32 $0x7C10  }
0x1e1: {  	[spmem:s2] =	stream.indirect.scatter.add.f32 [tilespmem:s16], [sflag:$0x3], $0x10, s18, s21, $0xb8;
	[tilespmem:$0x19C90] =	vst v63  }
0x1e2: {  	_ = 	snop  }
0x1e3: {  	[spmem:s3] =	stream.indirect.scatter.add.f32 [tilespmem:s22], [sflag:$0x4], $0x10, s18, s21, $0xb8;
	[tilespmem:$0x19C90] =	vst v63  }
0x1e4: {  	s20 =	simm.s32 $0x1540;
	s18 =	simm.s32 $0x8110  }
0x1e5: {  	[spmem:s2] =	stream.indirect.scatter.add.f32 [tilespmem:s18], [sflag:$0x3], $0x10, s20, s21, $0xb8;
	[tilespmem:$0x19C90] =	vst v63  }
0x1e6: {  	_ = 	snop  }
0x1e7: {  	[spmem:s3] =	stream.indirect.scatter.add.f32 [tilespmem:s22], [sflag:$0x4], $0x10, s20, s21, $0xb8;
	[tilespmem:$0x19C90] =	vst v63  }
0x1e8: {  	s23 =	simm.s32 $0x1590;
	s18 =	simm.s32 $0x8610  }
0x1e9: {  	[spmem:s2] =	stream.indirect.scatter.add.f32 [tilespmem:s18], [sflag:$0x3], $0x10, s23, s21, $0xb8;
	[tilespmem:$0x19C90] =	vst v63  }
0x1ea: {  	_ = 	snop  }
0x1eb: {  	[spmem:s3] =	stream.indirect.scatter.add.f32 [tilespmem:s22], [sflag:$0x4], $0x10, s23, s21, $0xb8;
	[tilespmem:$0x19C90] =	vst v63  }
0x1ec: {  	s24 =	simm.s32 $0x15E0;
	s20 =	simm.s32 $0x8B10  }
0x1ed: {  	[spmem:s2] =	stream.indirect.scatter.add.f32 [tilespmem:s20], [sflag:$0x3], $0x10, s24, s21, $0xb8;
	[tilespmem:$0x19C90] =	vst v63  }
0x1ee: {  	_ = 	snop  }
0x1ef: {  	[spmem:s3] =	stream.indirect.scatter.add.f32 [tilespmem:s22], [sflag:$0x4], $0x10, s24, s21, $0xb8;
	[tilespmem:$0x19C90] =	vst v63  }
0x1f0: {  	s23 =	simm.s32 $0x1630;
	s20 =	simm.s32 $0x9010  }
0x1f1: {  	[spmem:s2] =	stream.indirect.scatter.add.f32 [tilespmem:s20], [sflag:$0x3], $0x10, s23, s21, $0xb8;
	[tilespmem:$0x19C90] =	vst v63  }
0x1f2: {  	_ = 	snop  }
0x1f3: {  	[spmem:s3] =	stream.indirect.scatter.add.f32 [tilespmem:s22], [sflag:$0x4], $0x10, s23, s21, $0xb8;
	[tilespmem:$0x19C90] =	vst v63  }
0x1f4: {  	s24 =	simm.s32 $0x1680;
	s23 =	simm.s32 $0x9510  }
0x1f5: {  	[spmem:s2] =	stream.indirect.scatter.add.f32 [tilespmem:s23], [sflag:$0x3], $0x10, s24, s21, $0xb8;
	[tilespmem:$0x19C90] =	vst v63  }
0x1f6: {  	_ = 	snop  }
0x1f7: {  	[spmem:s3] =	stream.indirect.scatter.add.f32 [tilespmem:s22], [sflag:$0x4], $0x10, s24, s21, $0xb8;
	[tilespmem:$0x19C90] =	vst v63  }
0x1f8: {  	s23 =	simm.s32 $0x9A10;
	s24 =	simm.s32 $0x16D0  }
0x1f9: {  	[spmem:s2] =	stream.indirect.scatter.add.f32 [tilespmem:s23], [sflag:$0x3], $0x10, s24, s21, $0xb8;
	[tilespmem:$0x19C90] =	vst v63  }
0x1fa: {  	_ = 	snop  }
0x1fb: {  	[spmem:s3] =	stream.indirect.scatter.add.f32 [tilespmem:s22], [sflag:$0x4], $0x10, s24, s21, $0xb8;
	[tilespmem:$0x19C90] =	vst v63  }
0x1fc: {  	s13 =	simm.s32 $0x1720;
	s24 =	simm.s32 $0x9F10  }
0x1fd: {  	[spmem:s2] =	stream.indirect.scatter.add.f32 [tilespmem:s24], [sflag:$0x3], $0x10, s13, s21, $0xb8;
	[tilespmem:$0x19C90] =	vst v63  }
0x1fe: {  	_ = 	snop  }
0x1ff: {  	[spmem:s3] =	stream.indirect.scatter.add.f32 [tilespmem:s22], [sflag:$0x4], $0x10, s13, s21, $0xb8;
	[tilespmem:$0x19C90] =	vst v63  }
0x200: {  	_ =	swait.ge [sflag:s7], $0x500  }
0x201: {  	[sflag:s7] =	ssyncset.done $0x0  }
0x202: {  	[sflag:s7] =	ssyncadd.s32 $0xFFFFFB00  }
0x203: {  	_ =	swait.ge [sflag:s7], $0x500  }
0x204: {  	[sflag:s7] =	ssyncset.done $0x0  }
0x205: {  	[sflag:s7] =	ssyncadd.s32 $0xFFFFFB00  }
0x206: {  	_ =	swait.ge [sflag:s7], $0x500  }
0x207: {  	[sflag:s7] =	ssyncset.done $0x0  }
0x208: {  	[sflag:s7] =	ssyncadd.s32 $0xFFFFFB00  }
0x209: {  	_ =	swait.ge [sflag:s7], $0x500  }
0x20a: {  	[sflag:s7] =	ssyncset.done $0x0  }
0x20b: {  	[sflag:s7] =	ssyncadd.s32 $0xFFFFFB00  }
0x20c: {  	_ =	swait.ge [sflag:s7], $0x500  }
0x20d: {  	[sflag:s7] =	ssyncset.done $0x0  }
0x20e: {  	[sflag:s7] =	ssyncadd.s32 $0xFFFFFB00  }
0x20f: {  	_ =	swait.ge [sflag:s7], $0x500  }
0x210: {  	[sflag:s7] =	ssyncset.done $0x0  }
0x211: {  	[sflag:s7] =	ssyncadd.s32 $0xFFFFFB00  }
0x212: {  	_ =	swait.ge [sflag:s7], $0x500  }
0x213: {  	[sflag:s7] =	ssyncset.done $0x0  }
0x214: {  	[sflag:s7] =	ssyncadd.s32 $0xFFFFFB00  }
0x215: {  	_ =	swait.ge [sflag:s7], $0x500  }
0x216: {  	[sflag:s7] =	ssyncset.done $0x0  }
0x217: {  	[sflag:s7] =	ssyncadd.s32 $0xFFFFFB00  }
0x218: {  	_ =	swait.ge [sflag:s7], $0x500  }
0x219: {  	[sflag:s7] =	ssyncset.done $0x0  }
0x21a: {  	[sflag:s7] =	ssyncadd.s32 $0xFFFFFB00  }
0x21b: {  	_ =	swait.ge [sflag:s7], $0x500  }
0x21c: {  	[sflag:s7] =	ssyncset.done $0x0  }
0x21d: {  	[sflag:s7] =	ssyncadd.s32 $0xFFFFFB00  }
0x21e: {  	_ =	swait.ge [sflag:s7], $0x500  }
0x21f: {  	[sflag:s7] =	ssyncset.done $0x0  }
0x220: {  	[sflag:s7] =	ssyncadd.s32 $0xFFFFFB00  }
0x221: {  	_ =	swait.ge [sflag:s7], $0x500  }
0x222: {  	[sflag:s7] =	ssyncset.done $0x0  }
0x223: {  	[sflag:s7] =	ssyncadd.s32 $0xFFFFFB00  }
0x224: {  	_ =	swait.ge [sflag:s7], $0x500  }
0x225: {  	[sflag:s7] =	ssyncset.done $0x0  }
0x226: {  	[sflag:s7] =	ssyncadd.s32 $0xFFFFFB00  }
0x227: {  	_ =	swait.ge [sflag:s7], $0x500  }
0x228: {  	[sflag:s7] =	ssyncset.done $0x0  }
0x229: {  	[sflag:s7] =	ssyncadd.s32 $0xFFFFFB00  }
0x22a: {  	_ =	swait.ge [sflag:s7], $0x500  }
0x22b: {  	[sflag:s7] =	ssyncset.done $0x0  }
0x22c: {  	[sflag:s7] =	ssyncadd.s32 $0xFFFFFB00  }
0x22d: {  	_ =	swait.ge [sflag:s7], $0x500  }
0x22e: {  	[sflag:s7] =	ssyncset.done $0x0  }
0x22f: {  	[sflag:s7] =	ssyncadd.s32 $0xFFFFFB00  }
0x230: {  	_ =	swait.ge [sflag:s7], $0x500  }
0x231: {  	[sflag:s7] =	ssyncset.done $0x0  }
0x232: {  	[sflag:s7] =	ssyncadd.s32 $0xFFFFFB00  }
0x233: {  	_ =	swait.ge [sflag:s7], $0x500  }
0x234: {  	[sflag:s7] =	ssyncset.done $0x0  }
0x235: {  	[sflag:s7] =	ssyncadd.s32 $0xFFFFFB00  }
0x236: {  	_ =	swait.ge [sflag:s7], $0x500  }
0x237: {  	[sflag:s7] =	ssyncset.done $0x0  }
0x238: {  	[sflag:s7] =	ssyncadd.s32 $0xFFFFFB00  }
0x239: {  	_ =	swait.ge [sflag:s7], $0x500  }
0x23a: {  	[sflag:s7] =	ssyncset.done $0x0  }
0x23b: {  	[sflag:s7] =	ssyncadd.s32 $0xFFFFFB00  }
0x23c: {  	_ =	swait.ge [sflag:s7], $0x500  }
0x23d: {  	[sflag:s7] =	ssyncset.done $0x0  }
0x23e: {  	[sflag:s7] =	ssyncadd.s32 $0xFFFFFB00  }
0x23f: {  	_ =	swait.ge [sflag:s7], $0x500  }
0x240: {  	[sflag:s7] =	ssyncset.done $0x0  }
0x241: {  	[sflag:s7] =	ssyncadd.s32 $0xFFFFFB00  }
0x242: {  	_ =	swait.ge [sflag:s7], $0x500  }
0x243: {  	[sflag:s7] =	ssyncset.done $0x0  }
0x244: {  	[sflag:s7] =	ssyncadd.s32 $0xFFFFFB00  }
0x245: {  	_ =	swait.ge [sflag:s7], $0x500  }
0x246: {  	[sflag:s7] =	ssyncset.done $0x0  }
0x247: {  	[sflag:s7] =	ssyncadd.s32 $0xFFFFFB00  }
0x248: {  	_ =	swait.ge [sflag:s7], $0x500  }
0x249: {  	[sflag:s7] =	ssyncset.done $0x0  }
0x24a: {  	s13 =	rddreg [dreg:$0xa];
	[sflag:s7] =	ssyncadd.s32 $0xFFFFFB00  }
0x24b: {  	[tilespmem:s9], [sflag:$0x1] =	stream.linear.gather [hbm4b:s13+s1], $0x7D00, $0x38;
	[tilespmem:$0x19C90] =	vst v63  }
0x24c: {  	_ =	swait.ge [sflag:s0], $0x7D00  }
0x24d: {  	[sflag:s0] =	ssyncset.done $0x0  }
0x24e: {  	s1 =	simm.s32 $0x1770;
	[sflag:s0] =	ssyncadd.s32 $0xFFFF8300  }
0x24f: {  	[spmem:s2] =	stream.indirect.scatter.add.f32 [tilespmem:s19], [sflag:$0x3], $0x10, s1, s21, $0xb8;
	[tilespmem:$0x19C90] =	vst v63  }
0x250: {  	_ = 	snop  }
0x251: {  	[spmem:s3] =	stream.indirect.scatter.add.f32 [tilespmem:s22], [sflag:$0x4], $0x10, s1, s21, $0xb8;
	[tilespmem:$0x19C90] =	vst v63  }
0x252: {  	s13 =	simm.s32 $0xA910;
	s0 =	simm.s32 $0x17C0  }
0x253: {  	[spmem:s2] =	stream.indirect.scatter.add.f32 [tilespmem:s13], [sflag:$0x3], $0x10, s0, s21, $0xb8;
	[tilespmem:$0x19C90] =	vst v63  }
0x254: {  	_ = 	snop  }
0x255: {  	[spmem:s3] =	stream.indirect.scatter.add.f32 [tilespmem:s22], [sflag:$0x4], $0x10, s0, s21, $0xb8;
	[tilespmem:$0x19C90] =	vst v63  }
0x256: {  	s13 =	simm.s32 $0xAE10;
	s0 =	simm.s32 $0x1810  }
0x257: {  	[spmem:s2] =	stream.indirect.scatter.add.f32 [tilespmem:s13], [sflag:$0x3], $0x10, s0, s21, $0xb8;
	[tilespmem:$0x19C90] =	vst v63  }
0x258: {  	_ = 	snop  }
0x259: {  	[spmem:s3] =	stream.indirect.scatter.add.f32 [tilespmem:s22], [sflag:$0x4], $0x10, s0, s21, $0xb8;
	[tilespmem:$0x19C90] =	vst v63  }
0x25a: {  	s13 =	simm.s32 $0xB310;
	s0 =	simm.s32 $0x1860  }
0x25b: {  	[spmem:s2] =	stream.indirect.scatter.add.f32 [tilespmem:s13], [sflag:$0x3], $0x10, s0, s21, $0xb8;
	[tilespmem:$0x19C90] =	vst v63  }
0x25c: {  	_ = 	snop  }
0x25d: {  	[spmem:s3] =	stream.indirect.scatter.add.f32 [tilespmem:s22], [sflag:$0x4], $0x10, s0, s21, $0xb8;
	[tilespmem:$0x19C90] =	vst v63  }
0x25e: {  	s13 =	simm.s32 $0xB810;
	s0 =	simm.s32 $0x18B0  }
0x25f: {  	[spmem:s2] =	stream.indirect.scatter.add.f32 [tilespmem:s13], [sflag:$0x3], $0x10, s0, s21, $0xb8;
	[tilespmem:$0x19C90] =	vst v63  }
0x260: {  	_ = 	snop  }
0x261: {  	[spmem:s3] =	stream.indirect.scatter.add.f32 [tilespmem:s22], [sflag:$0x4], $0x10, s0, s21, $0xb8;
	[tilespmem:$0x19C90] =	vst v63  }
0x262: {  	s13 =	simm.s32 $0xBD10;
	s0 =	simm.s32 $0x1900  }
0x263: {  	[spmem:s2] =	stream.indirect.scatter.add.f32 [tilespmem:s13], [sflag:$0x3], $0x10, s0, s21, $0xb8;
	[tilespmem:$0x19C90] =	vst v63  }
0x264: {  	_ = 	snop  }
0x265: {  	[spmem:s3] =	stream.indirect.scatter.add.f32 [tilespmem:s22], [sflag:$0x4], $0x10, s0, s21, $0xb8;
	[tilespmem:$0x19C90] =	vst v63  }
0x266: {  	s13 =	simm.s32 $0xC210;
	s0 =	simm.s32 $0x1950  }
0x267: {  	[spmem:s2] =	stream.indirect.scatter.add.f32 [tilespmem:s13], [sflag:$0x3], $0x10, s0, s21, $0xb8;
	[tilespmem:$0x19C90] =	vst v63  }
0x268: {  	_ = 	snop  }
0x269: {  	[spmem:s3] =	stream.indirect.scatter.add.f32 [tilespmem:s22], [sflag:$0x4], $0x10, s0, s21, $0xb8;
	[tilespmem:$0x19C90] =	vst v63  }
0x26a: {  	s13 =	simm.s32 $0xC710;
	s0 =	simm.s32 $0x19A0  }
0x26b: {  	[spmem:s2] =	stream.indirect.scatter.add.f32 [tilespmem:s13], [sflag:$0x3], $0x10, s0, s21, $0xb8;
	[tilespmem:$0x19C90] =	vst v63  }
0x26c: {  	_ = 	snop  }
0x26d: {  	[spmem:s3] =	stream.indirect.scatter.add.f32 [tilespmem:s22], [sflag:$0x4], $0x10, s0, s21, $0xb8;
	[tilespmem:$0x19C90] =	vst v63  }
0x26e: {  	s13 =	simm.s32 $0xCC10;
	s0 =	simm.s32 $0x19F0  }
0x26f: {  	[spmem:s2] =	stream.indirect.scatter.add.f32 [tilespmem:s13], [sflag:$0x3], $0x10, s0, s21, $0xb8;
	[tilespmem:$0x19C90] =	vst v63  }
0x270: {  	_ = 	snop  }
0x271: {  	[spmem:s3] =	stream.indirect.scatter.add.f32 [tilespmem:s22], [sflag:$0x4], $0x10, s0, s21, $0xb8;
	[tilespmem:$0x19C90] =	vst v63  }
0x272: {  	s13 =	simm.s32 $0xD110;
	s0 =	simm.s32 $0x1A40  }
0x273: {  	[spmem:s2] =	stream.indirect.scatter.add.f32 [tilespmem:s13], [sflag:$0x3], $0x10, s0, s21, $0xb8;
	[tilespmem:$0x19C90] =	vst v63  }
0x274: {  	_ = 	snop  }
0x275: {  	[spmem:s3] =	stream.indirect.scatter.add.f32 [tilespmem:s22], [sflag:$0x4], $0x10, s0, s21, $0xb8;
	[tilespmem:$0x19C90] =	vst v63  }
0x276: {  	s13 =	simm.s32 $0xD610;
	s0 =	simm.s32 $0x1A90  }
0x277: {  	[spmem:s2] =	stream.indirect.scatter.add.f32 [tilespmem:s13], [sflag:$0x3], $0x10, s0, s21, $0xb8;
	[tilespmem:$0x19C90] =	vst v63  }
0x278: {  	_ = 	snop  }
0x279: {  	[spmem:s3] =	stream.indirect.scatter.add.f32 [tilespmem:s22], [sflag:$0x4], $0x10, s0, s21, $0xb8;
	[tilespmem:$0x19C90] =	vst v63  }
0x27a: {  	s1 =	simm.s32 $0x1AE0  }
0x27b: {  	[spmem:s2] =	stream.indirect.scatter.add.f32 [tilespmem:s25], [sflag:$0x3], $0x10, s1, s21, $0xb8;
	[tilespmem:$0x19C90] =	vst v63  }
0x27c: {  	_ = 	snop  }
0x27d: {  	[spmem:s3] =	stream.indirect.scatter.add.f32 [tilespmem:s22], [sflag:$0x4], $0x10, s1, s21, $0xb8;
	[tilespmem:$0x19C90] =	vst v63  }
0x27e: {  	s13 =	simm.s32 $0x1B30  }
0x27f: {  	[spmem:s2] =	stream.indirect.scatter.add.f32 [tilespmem:s28], [sflag:$0x3], $0x10, s13, s21, $0xb8;
	[tilespmem:$0x19C90] =	vst v63  }
0x280: {  	_ = 	snop  }
0x281: {  	[spmem:s3] =	stream.indirect.scatter.add.f32 [tilespmem:s22], [sflag:$0x4], $0x10, s13, s21, $0xb8;
	[tilespmem:$0x19C90] =	vst v63  }
0x282: {  	s1 =	simm.s32 $0x1B80  }
0x283: {  	[spmem:s2] =	stream.indirect.scatter.add.f32 [tilespmem:s29], [sflag:$0x3], $0x10, s1, s21, $0xb8;
	[tilespmem:$0x19C90] =	vst v63  }
0x284: {  	_ = 	snop  }
0x285: {  	[spmem:s3] =	stream.indirect.scatter.add.f32 [tilespmem:s22], [sflag:$0x4], $0x10, s1, s21, $0xb8;
	[tilespmem:$0x19C90] =	vst v63  }
0x286: {  	s13 =	simm.s32 $0x1BD0  }
0x287: {  	[spmem:s2] =	stream.indirect.scatter.add.f32 [tilespmem:s30], [sflag:$0x3], $0x10, s13, s21, $0xb8;
	[tilespmem:$0x19C90] =	vst v63  }
0x288: {  	_ = 	snop  }
0x289: {  	[spmem:s3] =	stream.indirect.scatter.add.f32 [tilespmem:s22], [sflag:$0x4], $0x10, s13, s21, $0xb8;
	[tilespmem:$0x19C90] =	vst v63  }
0x28a: {  	s1 =	simm.s32 $0x1C20  }
0x28b: {  	[spmem:s2] =	stream.indirect.scatter.add.f32 [tilespmem:s31], [sflag:$0x3], $0x10, s1, s21, $0xb8;
	[tilespmem:$0x19C90] =	vst v63  }
0x28c: {  	_ = 	snop  }
0x28d: {  	[spmem:s3] =	stream.indirect.scatter.add.f32 [tilespmem:s22], [sflag:$0x4], $0x10, s1, s21, $0xb8;
	[tilespmem:$0x19C90] =	vst v63  }
0x28e: {  	s0 =	simm.s32 $0x1C70;
	s13 =	simm.s32 $0xF410  }
0x28f: {  	[spmem:s2] =	stream.indirect.scatter.add.f32 [tilespmem:s13], [sflag:$0x3], $0x10, s0, s21, $0xb8;
	[tilespmem:$0x19C90] =	vst v63  }
0x290: {  	_ = 	snop  }
0x291: {  	[spmem:s3] =	stream.indirect.scatter.add.f32 [tilespmem:s22], [sflag:$0x4], $0x10, s0, s21, $0xb8;
	[tilespmem:$0x19C90] =	vst v63  }
0x292: {  	s13 =	simm.s32 $0xF910;
	s0 =	simm.s32 $0x1CC0  }
0x293: {  	[spmem:s2] =	stream.indirect.scatter.add.f32 [tilespmem:s13], [sflag:$0x3], $0x10, s0, s21, $0xb8;
	[tilespmem:$0x19C90] =	vst v63  }
0x294: {  	_ = 	snop  }
0x295: {  	[spmem:s3] =	stream.indirect.scatter.add.f32 [tilespmem:s22], [sflag:$0x4], $0x10, s0, s21, $0xb8;
	[tilespmem:$0x19C90] =	vst v63  }
0x296: {  	s13 =	simm.s32 $0xFE10;
	s0 =	simm.s32 $0x1D10  }
0x297: {  	[spmem:s2] =	stream.indirect.scatter.add.f32 [tilespmem:s13], [sflag:$0x3], $0x10, s0, s21, $0xb8;
	[tilespmem:$0x19C90] =	vst v63  }
0x298: {  	_ = 	snop  }
0x299: {  	[spmem:s3] =	stream.indirect.scatter.add.f32 [tilespmem:s22], [sflag:$0x4], $0x10, s0, s21, $0xb8;
	[tilespmem:$0x19C90] =	vst v63  }
0x29a: {  	s13 =	simm.s32 $0x10310;
	s0 =	simm.s32 $0x1D60  }
0x29b: {  	[spmem:s2] =	stream.indirect.scatter.add.f32 [tilespmem:s13], [sflag:$0x3], $0x10, s0, s21, $0xb8;
	[tilespmem:$0x19C90] =	vst v63  }
0x29c: {  	_ = 	snop  }
0x29d: {  	[spmem:s3] =	stream.indirect.scatter.add.f32 [tilespmem:s22], [sflag:$0x4], $0x10, s0, s21, $0xb8;
	[tilespmem:$0x19C90] =	vst v63  }
0x29e: {  	s13 =	simm.s32 $0x10810;
	s0 =	simm.s32 $0x1DB0  }
0x29f: {  	[spmem:s2] =	stream.indirect.scatter.add.f32 [tilespmem:s13], [sflag:$0x3], $0x10, s0, s21, $0xb8;
	[tilespmem:$0x19C90] =	vst v63  }
0x2a0: {  	_ = 	snop  }
0x2a1: {  	[spmem:s3] =	stream.indirect.scatter.add.f32 [tilespmem:s22], [sflag:$0x4], $0x10, s0, s21, $0xb8;
	[tilespmem:$0x19C90] =	vst v63  }
0x2a2: {  	s13 =	simm.s32 $0x10D10;
	s0 =	simm.s32 $0x1E00  }
0x2a3: {  	[spmem:s2] =	stream.indirect.scatter.add.f32 [tilespmem:s13], [sflag:$0x3], $0x10, s0, s21, $0xb8;
	[tilespmem:$0x19C90] =	vst v63  }
0x2a4: {  	_ = 	snop  }
0x2a5: {  	[spmem:s3] =	stream.indirect.scatter.add.f32 [tilespmem:s22], [sflag:$0x4], $0x10, s0, s21, $0xb8;
	[tilespmem:$0x19C90] =	vst v63  }
0x2a6: {  	s13 =	simm.s32 $0x11210;
	s0 =	simm.s32 $0x1E50  }
0x2a7: {  	[spmem:s2] =	stream.indirect.scatter.add.f32 [tilespmem:s13], [sflag:$0x3], $0x10, s0, s21, $0xb8;
	[tilespmem:$0x19C90] =	vst v63  }
0x2a8: {  	_ = 	snop  }
0x2a9: {  	[spmem:s3] =	stream.indirect.scatter.add.f32 [tilespmem:s22], [sflag:$0x4], $0x10, s0, s21, $0xb8;
	[tilespmem:$0x19C90] =	vst v63  }
0x2aa: {  	s13 =	simm.s32 $0x11710;
	s0 =	simm.s32 $0x1EA0  }
0x2ab: {  	[spmem:s2] =	stream.indirect.scatter.add.f32 [tilespmem:s13], [sflag:$0x3], $0x10, s0, s21, $0xb8;
	[tilespmem:$0x19C90] =	vst v63  }
0x2ac: {  	_ = 	snop  }
0x2ad: {  	[spmem:s3] =	stream.indirect.scatter.add.f32 [tilespmem:s22], [sflag:$0x4], $0x10, s0, s21, $0xb8;
	[tilespmem:$0x19C90] =	vst v63  }
0x2ae: {  	s13 =	simm.s32 $0x11C10;
	s0 =	simm.s32 $0x1EF0  }
0x2af: {  	[spmem:s2] =	stream.indirect.scatter.add.f32 [tilespmem:s13], [sflag:$0x3], $0x10, s0, s21, $0xb8;
	[tilespmem:$0x19C90] =	vst v63  }
0x2b0: {  	_ = 	snop  }
0x2b1: {  	[spmem:s3] =	stream.indirect.scatter.add.f32 [tilespmem:s22], [sflag:$0x4], $0x10, s0, s21, $0xb8;
	[tilespmem:$0x19C90] =	vst v63  }
0x2b2: {  	_ =	swait.ge [sflag:s7], $0x500  }
0x2b3: {  	[sflag:s7] =	ssyncset.done $0x0  }
0x2b4: {  	[sflag:s7] =	ssyncadd.s32 $0xFFFFFB00  }
0x2b5: {  	_ =	swait.ge [sflag:s7], $0x500  }
0x2b6: {  	[sflag:s7] =	ssyncset.done $0x0  }
0x2b7: {  	[sflag:s7] =	ssyncadd.s32 $0xFFFFFB00  }
0x2b8: {  	_ =	swait.ge [sflag:s7], $0x500  }
0x2b9: {  	[sflag:s7] =	ssyncset.done $0x0  }
0x2ba: {  	[sflag:s7] =	ssyncadd.s32 $0xFFFFFB00  }
0x2bb: {  	_ =	swait.ge [sflag:s7], $0x500  }
0x2bc: {  	[sflag:s7] =	ssyncset.done $0x0  }
0x2bd: {  	[sflag:s7] =	ssyncadd.s32 $0xFFFFFB00  }
0x2be: {  	_ =	swait.ge [sflag:s7], $0x500  }
0x2bf: {  	[sflag:s7] =	ssyncset.done $0x0  }
0x2c0: {  	[sflag:s7] =	ssyncadd.s32 $0xFFFFFB00  }
0x2c1: {  	_ =	swait.ge [sflag:s7], $0x500  }
0x2c2: {  	[sflag:s7] =	ssyncset.done $0x0  }
0x2c3: {  	[sflag:s7] =	ssyncadd.s32 $0xFFFFFB00  }
0x2c4: {  	_ =	swait.ge [sflag:s7], $0x500  }
0x2c5: {  	[sflag:s7] =	ssyncset.done $0x0  }
0x2c6: {  	[sflag:s7] =	ssyncadd.s32 $0xFFFFFB00  }
0x2c7: {  	_ =	swait.ge [sflag:s7], $0x500  }
0x2c8: {  	[sflag:s7] =	ssyncset.done $0x0  }
0x2c9: {  	[sflag:s7] =	ssyncadd.s32 $0xFFFFFB00  }
0x2ca: {  	_ =	swait.ge [sflag:s7], $0x500  }
0x2cb: {  	[sflag:s7] =	ssyncset.done $0x0  }
0x2cc: {  	[sflag:s7] =	ssyncadd.s32 $0xFFFFFB00  }
0x2cd: {  	_ =	swait.ge [sflag:s7], $0x500  }
0x2ce: {  	[sflag:s7] =	ssyncset.done $0x0  }
0x2cf: {  	[sflag:s7] =	ssyncadd.s32 $0xFFFFFB00  }
0x2d0: {  	_ =	swait.ge [sflag:s7], $0x500  }
0x2d1: {  	[sflag:s7] =	ssyncset.done $0x0  }
0x2d2: {  	[sflag:s7] =	ssyncadd.s32 $0xFFFFFB00  }
0x2d3: {  	_ =	swait.ge [sflag:s7], $0x500  }
0x2d4: {  	[sflag:s7] =	ssyncset.done $0x0  }
0x2d5: {  	[sflag:s7] =	ssyncadd.s32 $0xFFFFFB00  }
0x2d6: {  	_ =	swait.ge [sflag:s7], $0x500  }
0x2d7: {  	[sflag:s7] =	ssyncset.done $0x0  }
0x2d8: {  	[sflag:s7] =	ssyncadd.s32 $0xFFFFFB00  }
0x2d9: {  	_ =	swait.ge [sflag:s7], $0x500  }
0x2da: {  	[sflag:s7] =	ssyncset.done $0x0  }
0x2db: {  	[sflag:s7] =	ssyncadd.s32 $0xFFFFFB00  }
0x2dc: {  	_ =	swait.ge [sflag:s7], $0x500  }
0x2dd: {  	[sflag:s7] =	ssyncset.done $0x0  }
0x2de: {  	[sflag:s7] =	ssyncadd.s32 $0xFFFFFB00  }
0x2df: {  	_ =	swait.ge [sflag:s7], $0x500  }
0x2e0: {  	[sflag:s7] =	ssyncset.done $0x0  }
0x2e1: {  	[sflag:s7] =	ssyncadd.s32 $0xFFFFFB00  }
0x2e2: {  	_ =	swait.ge [sflag:s7], $0x500  }
0x2e3: {  	[sflag:s7] =	ssyncset.done $0x0  }
0x2e4: {  	[sflag:s7] =	ssyncadd.s32 $0xFFFFFB00  }
0x2e5: {  	_ =	swait.ge [sflag:s7], $0x500  }
0x2e6: {  	[sflag:s7] =	ssyncset.done $0x0  }
0x2e7: {  	[sflag:s7] =	ssyncadd.s32 $0xFFFFFB00  }
0x2e8: {  	_ =	swait.ge [sflag:s7], $0x500  }
0x2e9: {  	[sflag:s7] =	ssyncset.done $0x0  }
0x2ea: {  	[sflag:s7] =	ssyncadd.s32 $0xFFFFFB00  }
0x2eb: {  	_ =	swait.ge [sflag:s7], $0x500  }
0x2ec: {  	[sflag:s7] =	ssyncset.done $0x0  }
0x2ed: {  	[sflag:s7] =	ssyncadd.s32 $0xFFFFFB00  }
0x2ee: {  	_ =	swait.ge [sflag:s7], $0x500  }
0x2ef: {  	[sflag:s7] =	ssyncset.done $0x0  }
0x2f0: {  	[sflag:s7] =	ssyncadd.s32 $0xFFFFFB00  }
0x2f1: {  	_ =	swait.ge [sflag:s7], $0x500  }
0x2f2: {  	[sflag:s7] =	ssyncset.done $0x0  }
0x2f3: {  	[sflag:s7] =	ssyncadd.s32 $0xFFFFFB00  }
0x2f4: {  	_ =	swait.ge [sflag:s7], $0x500  }
0x2f5: {  	[sflag:s7] =	ssyncset.done $0x0  }
0x2f6: {  	[sflag:s7] =	ssyncadd.s32 $0xFFFFFB00  }
0x2f7: {  	_ =	swait.ge [sflag:s7], $0x500  }
0x2f8: {  	[sflag:s7] =	ssyncset.done $0x0  }
0x2f9: {  	[sflag:s7] =	ssyncadd.s32 $0xFFFFFB00  }
0x2fa: {  	_ =	swait.ge [sflag:s7], $0x500  }
0x2fb: {  	[sflag:s7] =	ssyncset.done $0x0  }
0x2fc: {  	[sflag:s7] =	ssyncadd.s32 $0xFFFFFB00  }
0x2fd: {  	_ =	swait.ge [sflag:s4], $0x7D00  }
0x2fe: {  	[sflag:s4] =	ssyncset.done $0x0  }
0x2ff: {  	s1 =	simm.s32 $0x1F40;
	[sflag:s4] =	ssyncadd.s32 $0xFFFF8300  }
0x300: {  	[spmem:s2] =	stream.indirect.scatter.add.f32 [tilespmem:s9], [sflag:$0x3], $0x10, s1, s21, $0xb8;
	[tilespmem:$0x19C90] =	vst v63  }
0x301: {  	_ = 	snop  }
0x302: {  	[spmem:s3] =	stream.indirect.scatter.add.f32 [tilespmem:s22], [sflag:$0x4], $0x10, s1, s21, $0xb8;
	[tilespmem:$0x19C90] =	vst v63  }
0x303: {  	s13 =	simm.s32 $0x2C10;
	s0 =	simm.s32 $0x1F90  }
0x304: {  	[spmem:s2] =	stream.indirect.scatter.add.f32 [tilespmem:s13], [sflag:$0x3], $0x10, s0, s21, $0xb8;
	[tilespmem:$0x19C90] =	vst v63  }
0x305: {  	_ = 	snop  }
0x306: {  	[spmem:s3] =	stream.indirect.scatter.add.f32 [tilespmem:s22], [sflag:$0x4], $0x10, s0, s21, $0xb8;
	[tilespmem:$0x19C90] =	vst v63  }
0x307: {  	s13 =	simm.s32 $0x3110;
	s0 =	simm.s32 $0x1FE0  }
0x308: {  	[spmem:s2] =	stream.indirect.scatter.add.f32 [tilespmem:s13], [sflag:$0x3], $0x10, s0, s21, $0xb8;
	[tilespmem:$0x19C90] =	vst v63  }
0x309: {  	_ = 	snop  }
0x30a: {  	[spmem:s3] =	stream.indirect.scatter.add.f32 [tilespmem:s22], [sflag:$0x4], $0x10, s0, s21, $0xb8;
	[tilespmem:$0x19C90] =	vst v63  }
0x30b: {  	s1 =	simm.s32 $0x2030  }
0x30c: {  	[spmem:s2] =	stream.indirect.scatter.add.f32 [tilespmem:s5], [sflag:$0x3], $0x10, s1, s21, $0xb8;
	[tilespmem:$0x19C90] =	vst v63  }
0x30d: {  	_ = 	snop  }
0x30e: {  	[spmem:s3] =	stream.indirect.scatter.add.f32 [tilespmem:s22], [sflag:$0x4], $0x10, s1, s21, $0xb8;
	[tilespmem:$0x19C90] =	vst v63  }
0x30f: {  	s13 =	simm.s32 $0x3B10;
	s5 =	simm.s32 $0x2080  }
0x310: {  	[spmem:s2] =	stream.indirect.scatter.add.f32 [tilespmem:s13], [sflag:$0x3], $0x10, s5, s21, $0xb8;
	[tilespmem:$0x19C90] =	vst v63  }
0x311: {  	_ = 	snop  }
0x312: {  	[spmem:s3] =	stream.indirect.scatter.add.f32 [tilespmem:s22], [sflag:$0x4], $0x10, s5, s21, $0xb8;
	[tilespmem:$0x19C90] =	vst v63  }
0x313: {  	s5 =	simm.s32 $0x20D0  }
0x314: {  	[spmem:s2] =	stream.indirect.scatter.add.f32 [tilespmem:s6], [sflag:$0x3], $0x10, s5, s21, $0xb8;
	[tilespmem:$0x19C90] =	vst v63  }
0x315: {  	_ = 	snop  }
0x316: {  	[spmem:s3] =	stream.indirect.scatter.add.f32 [tilespmem:s22], [sflag:$0x4], $0x10, s5, s21, $0xb8;
	[tilespmem:$0x19C90] =	vst v63  }
0x317: {  	s13 =	simm.s32 $0x4510;
	s6 =	simm.s32 $0x2120  }
0x318: {  	[spmem:s2] =	stream.indirect.scatter.add.f32 [tilespmem:s13], [sflag:$0x3], $0x10, s6, s21, $0xb8;
	[tilespmem:$0x19C90] =	vst v63  }
0x319: {  	_ = 	snop  }
0x31a: {  	[spmem:s3] =	stream.indirect.scatter.add.f32 [tilespmem:s22], [sflag:$0x4], $0x10, s6, s21, $0xb8;
	[tilespmem:$0x19C90] =	vst v63  }
0x31b: {  	s1 =	simm.s32 $0x2170  }
0x31c: {  	[spmem:s2] =	stream.indirect.scatter.add.f32 [tilespmem:s8], [sflag:$0x3], $0x10, s1, s21, $0xb8;
	[tilespmem:$0x19C90] =	vst v63  }
0x31d: {  	_ = 	snop  }
0x31e: {  	[spmem:s3] =	stream.indirect.scatter.add.f32 [tilespmem:s22], [sflag:$0x4], $0x10, s1, s21, $0xb8;
	[tilespmem:$0x19C90] =	vst v63  }
0x31f: {  	s5 =	simm.s32 $0x21C0;
	s6 =	simm.s32 $0x4F10  }
0x320: {  	[spmem:s2] =	stream.indirect.scatter.add.f32 [tilespmem:s6], [sflag:$0x3], $0x10, s5, s21, $0xb8;
	[tilespmem:$0x19C90] =	vst v63  }
0x321: {  	_ = 	snop  }
0x322: {  	[spmem:s3] =	stream.indirect.scatter.add.f32 [tilespmem:s22], [sflag:$0x4], $0x10, s5, s21, $0xb8;
	[tilespmem:$0x19C90] =	vst v63  }
0x323: {  	s8 =	simm.s32 $0x2210  }
0x324: {  	[spmem:s2] =	stream.indirect.scatter.add.f32 [tilespmem:s11], [sflag:$0x3], $0x10, s8, s21, $0xb8;
	[tilespmem:$0x19C90] =	vst v63  }
0x325: {  	_ = 	snop  }
0x326: {  	[spmem:s3] =	stream.indirect.scatter.add.f32 [tilespmem:s22], [sflag:$0x4], $0x10, s8, s21, $0xb8;
	[tilespmem:$0x19C90] =	vst v63  }
0x327: {  	s13 =	simm.s32 $0x5910;
	s11 =	simm.s32 $0x2260  }
0x328: {  	[spmem:s2] =	stream.indirect.scatter.add.f32 [tilespmem:s13], [sflag:$0x3], $0x10, s11, s21, $0xb8;
	[tilespmem:$0x19C90] =	vst v63  }
0x329: {  	_ = 	snop  }
0x32a: {  	[spmem:s3] =	stream.indirect.scatter.add.f32 [tilespmem:s22], [sflag:$0x4], $0x10, s11, s21, $0xb8;
	[tilespmem:$0x19C90] =	vst v63  }
0x32b: {  	s5 =	simm.s32 $0x22B0  }
0x32c: {  	[spmem:s2] =	stream.indirect.scatter.add.f32 [tilespmem:s12], [sflag:$0x3], $0x10, s5, s21, $0xb8;
	[tilespmem:$0x19C90] =	vst v63  }
0x32d: {  	_ = 	snop  }
0x32e: {  	[spmem:s3] =	stream.indirect.scatter.add.f32 [tilespmem:s22], [sflag:$0x4], $0x10, s5, s21, $0xb8;
	[tilespmem:$0x19C90] =	vst v63  }
0x32f: {  	s6 =	simm.s32 $0x2300;
	s8 =	simm.s32 $0x6310  }
0x330: {  	[spmem:s2] =	stream.indirect.scatter.add.f32 [tilespmem:s8], [sflag:$0x3], $0x10, s6, s21, $0xb8;
	[tilespmem:$0x19C90] =	vst v63  }
0x331: {  	_ = 	snop  }
0x332: {  	[spmem:s3] =	stream.indirect.scatter.add.f32 [tilespmem:s22], [sflag:$0x4], $0x10, s6, s21, $0xb8;
	[tilespmem:$0x19C90] =	vst v63  }
0x333: {  	s11 =	simm.s32 $0x2350  }
0x334: {  	[spmem:s2] =	stream.indirect.scatter.add.f32 [tilespmem:s14], [sflag:$0x3], $0x10, s11, s21, $0xb8;
	[tilespmem:$0x19C90] =	vst v63  }
0x335: {  	_ = 	snop  }
0x336: {  	[spmem:s3] =	stream.indirect.scatter.add.f32 [tilespmem:s22], [sflag:$0x4], $0x10, s11, s21, $0xb8;
	[tilespmem:$0x19C90] =	vst v63  }
0x337: {  	s13 =	simm.s32 $0x6D10;
	s12 =	simm.s32 $0x23A0  }
0x338: {  	[spmem:s2] =	stream.indirect.scatter.add.f32 [tilespmem:s13], [sflag:$0x3], $0x10, s12, s21, $0xb8;
	[tilespmem:$0x19C90] =	vst v63  }
0x339: {  	_ = 	snop  }
0x33a: {  	[spmem:s3] =	stream.indirect.scatter.add.f32 [tilespmem:s22], [sflag:$0x4], $0x10, s12, s21, $0xb8;
	[tilespmem:$0x19C90] =	vst v63  }
0x33b: {  	s14 =	simm.s32 $0x23F0  }
0x33c: {  	[spmem:s2] =	stream.indirect.scatter.add.f32 [tilespmem:s15], [sflag:$0x3], $0x10, s14, s21, $0xb8;
	[tilespmem:$0x19C90] =	vst v63  }
0x33d: {  	_ = 	snop  }
0x33e: {  	[spmem:s3] =	stream.indirect.scatter.add.f32 [tilespmem:s22], [sflag:$0x4], $0x10, s14, s21, $0xb8;
	[tilespmem:$0x19C90] =	vst v63  }
0x33f: {  	s5 =	simm.s32 $0x7710;
	s15 =	simm.s32 $0x2440  }
0x340: {  	[spmem:s2] =	stream.indirect.scatter.add.f32 [tilespmem:s5], [sflag:$0x3], $0x10, s15, s21, $0xb8;
	[tilespmem:$0x19C90] =	vst v63  }
0x341: {  	_ = 	snop  }
0x342: {  	[spmem:s3] =	stream.indirect.scatter.add.f32 [tilespmem:s22], [sflag:$0x4], $0x10, s15, s21, $0xb8;
	[tilespmem:$0x19C90] =	vst v63  }
0x343: {  	s6 =	simm.s32 $0x2490  }
0x344: {  	[spmem:s2] =	stream.indirect.scatter.add.f32 [tilespmem:s16], [sflag:$0x3], $0x10, s6, s21, $0xb8;
	[tilespmem:$0x19C90] =	vst v63  }
0x345: {  	_ = 	snop  }
0x346: {  	[spmem:s3] =	stream.indirect.scatter.add.f32 [tilespmem:s22], [sflag:$0x4], $0x10, s6, s21, $0xb8;
	[tilespmem:$0x19C90] =	vst v63  }
0x347: {  	s8 =	simm.s32 $0x24E0;
	s11 =	simm.s32 $0x8110  }
0x348: {  	[spmem:s2] =	stream.indirect.scatter.add.f32 [tilespmem:s11], [sflag:$0x3], $0x10, s8, s21, $0xb8;
	[tilespmem:$0x19C90] =	vst v63  }
0x349: {  	_ = 	snop  }
0x34a: {  	[spmem:s3] =	stream.indirect.scatter.add.f32 [tilespmem:s22], [sflag:$0x4], $0x10, s8, s21, $0xb8;
	[tilespmem:$0x19C90] =	vst v63  }
0x34b: {  	s12 =	simm.s32 $0x2530  }
0x34c: {  	[spmem:s2] =	stream.indirect.scatter.add.f32 [tilespmem:s18], [sflag:$0x3], $0x10, s12, s21, $0xb8;
	[tilespmem:$0x19C90] =	vst v63  }
0x34d: {  	_ = 	snop  }
0x34e: {  	[spmem:s3] =	stream.indirect.scatter.add.f32 [tilespmem:s22], [sflag:$0x4], $0x10, s12, s21, $0xb8;
	[tilespmem:$0x19C90] =	vst v63  }
0x34f: {  	s13 =	simm.s32 $0x2580;
	s14 =	simm.s32 $0x8B10  }
0x350: {  	[spmem:s2] =	stream.indirect.scatter.add.f32 [tilespmem:s14], [sflag:$0x3], $0x10, s13, s21, $0xb8;
	[tilespmem:$0x19C90] =	vst v63  }
0x351: {  	_ = 	snop  }
0x352: {  	[spmem:s3] =	stream.indirect.scatter.add.f32 [tilespmem:s22], [sflag:$0x4], $0x10, s13, s21, $0xb8;
	[tilespmem:$0x19C90] =	vst v63  }
0x353: {  	s15 =	simm.s32 $0x25D0  }
0x354: {  	[spmem:s2] =	stream.indirect.scatter.add.f32 [tilespmem:s20], [sflag:$0x3], $0x10, s15, s21, $0xb8;
	[tilespmem:$0x19C90] =	vst v63  }
0x355: {  	_ = 	snop  }
0x356: {  	[spmem:s3] =	stream.indirect.scatter.add.f32 [tilespmem:s22], [sflag:$0x4], $0x10, s15, s21, $0xb8;
	[tilespmem:$0x19C90] =	vst v63  }
0x357: {  	s16 =	simm.s32 $0x2620;
	s18 =	simm.s32 $0x9510  }
0x358: {  	[spmem:s2] =	stream.indirect.scatter.add.f32 [tilespmem:s18], [sflag:$0x3], $0x10, s16, s21, $0xb8;
	[tilespmem:$0x19C90] =	vst v63  }
0x359: {  	_ = 	snop  }
0x35a: {  	[spmem:s3] =	stream.indirect.scatter.add.f32 [tilespmem:s22], [sflag:$0x4], $0x10, s16, s21, $0xb8;
	[tilespmem:$0x19C90] =	vst v63  }
0x35b: {  	s20 =	simm.s32 $0x2670  }
0x35c: {  	[spmem:s2] =	stream.indirect.scatter.add.f32 [tilespmem:s23], [sflag:$0x3], $0x10, s20, s21, $0xb8;
	[tilespmem:$0x19C90] =	vst v63  }
0x35d: {  	_ = 	snop  }
0x35e: {  	[spmem:s3] =	stream.indirect.scatter.add.f32 [tilespmem:s22], [sflag:$0x4], $0x10, s20, s21, $0xb8;
	[tilespmem:$0x19C90] =	vst v63  }
0x35f: {  	s24 =	simm.s32 $0x9F10;
	s23 =	simm.s32 $0x26C0  }
0x360: {  	[spmem:s2] =	stream.indirect.scatter.add.f32 [tilespmem:s24], [sflag:$0x3], $0x10, s23, s21, $0xb8;
	[tilespmem:$0x19C90] =	vst v63  }
0x361: {  	_ = 	snop  }
0x362: {  	[spmem:s3] =	stream.indirect.scatter.add.f32 [tilespmem:s22], [sflag:$0x4], $0x10, s23, s21, $0xb8;
	[tilespmem:$0x19C90] =	vst v63  }
0x363: {  	_ =	swait.ge [sflag:s7], $0x500  }
0x364: {  	[sflag:s7] =	ssyncset.done $0x0  }
0x365: {  	[sflag:s7] =	ssyncadd.s32 $0xFFFFFB00  }
0x366: {  	_ =	swait.ge [sflag:s7], $0x500  }
0x367: {  	[sflag:s7] =	ssyncset.done $0x0  }
0x368: {  	[sflag:s7] =	ssyncadd.s32 $0xFFFFFB00  }
0x369: {  	_ =	swait.ge [sflag:s7], $0x500  }
0x36a: {  	[sflag:s7] =	ssyncset.done $0x0  }
0x36b: {  	[sflag:s7] =	ssyncadd.s32 $0xFFFFFB00  }
0x36c: {  	_ =	swait.ge [sflag:s7], $0x500  }
0x36d: {  	[sflag:s7] =	ssyncset.done $0x0  }
0x36e: {  	[sflag:s7] =	ssyncadd.s32 $0xFFFFFB00  }
0x36f: {  	_ =	swait.ge [sflag:s7], $0x500  }
0x370: {  	[sflag:s7] =	ssyncset.done $0x0  }
0x371: {  	[sflag:s7] =	ssyncadd.s32 $0xFFFFFB00  }
0x372: {  	_ =	swait.ge [sflag:s7], $0x500  }
0x373: {  	[sflag:s7] =	ssyncset.done $0x0  }
0x374: {  	[sflag:s7] =	ssyncadd.s32 $0xFFFFFB00  }
0x375: {  	_ =	swait.ge [sflag:s7], $0x500  }
0x376: {  	[sflag:s7] =	ssyncset.done $0x0  }
0x377: {  	[sflag:s7] =	ssyncadd.s32 $0xFFFFFB00  }
0x378: {  	_ =	swait.ge [sflag:s7], $0x500  }
0x379: {  	[sflag:s7] =	ssyncset.done $0x0  }
0x37a: {  	[sflag:s7] =	ssyncadd.s32 $0xFFFFFB00  }
0x37b: {  	_ =	swait.ge [sflag:s7], $0x500  }
0x37c: {  	[sflag:s7] =	ssyncset.done $0x0  }
0x37d: {  	[sflag:s7] =	ssyncadd.s32 $0xFFFFFB00  }
0x37e: {  	_ =	swait.ge [sflag:s7], $0x500  }
0x37f: {  	[sflag:s7] =	ssyncset.done $0x0  }
0x380: {  	[sflag:s7] =	ssyncadd.s32 $0xFFFFFB00  }
0x381: {  	_ =	swait.ge [sflag:s7], $0x500  }
0x382: {  	[sflag:s7] =	ssyncset.done $0x0  }
0x383: {  	[sflag:s7] =	ssyncadd.s32 $0xFFFFFB00  }
0x384: {  	_ =	swait.ge [sflag:s7], $0x500  }
0x385: {  	[sflag:s7] =	ssyncset.done $0x0  }
0x386: {  	[sflag:s7] =	ssyncadd.s32 $0xFFFFFB00  }
0x387: {  	_ =	swait.ge [sflag:s7], $0x500  }
0x388: {  	[sflag:s7] =	ssyncset.done $0x0  }
0x389: {  	[sflag:s7] =	ssyncadd.s32 $0xFFFFFB00  }
0x38a: {  	_ =	swait.ge [sflag:s7], $0x500  }
0x38b: {  	[sflag:s7] =	ssyncset.done $0x0  }
0x38c: {  	[sflag:s7] =	ssyncadd.s32 $0xFFFFFB00  }
0x38d: {  	_ =	swait.ge [sflag:s7], $0x500  }
0x38e: {  	[sflag:s7] =	ssyncset.done $0x0  }
0x38f: {  	[sflag:s7] =	ssyncadd.s32 $0xFFFFFB00  }
0x390: {  	_ =	swait.ge [sflag:s7], $0x500  }
0x391: {  	[sflag:s7] =	ssyncset.done $0x0  }
0x392: {  	[sflag:s7] =	ssyncadd.s32 $0xFFFFFB00  }
0x393: {  	_ =	swait.ge [sflag:s7], $0x500  }
0x394: {  	[sflag:s7] =	ssyncset.done $0x0  }
0x395: {  	[sflag:s7] =	ssyncadd.s32 $0xFFFFFB00  }
0x396: {  	_ =	swait.ge [sflag:s7], $0x500  }
0x397: {  	[sflag:s7] =	ssyncset.done $0x0  }
0x398: {  	[sflag:s7] =	ssyncadd.s32 $0xFFFFFB00  }
0x399: {  	_ =	swait.ge [sflag:s7], $0x500  }
0x39a: {  	[sflag:s7] =	ssyncset.done $0x0  }
0x39b: {  	[sflag:s7] =	ssyncadd.s32 $0xFFFFFB00  }
0x39c: {  	_ =	swait.ge [sflag:s7], $0x500  }
0x39d: {  	[sflag:s7] =	ssyncset.done $0x0  }
0x39e: {  	[sflag:s7] =	ssyncadd.s32 $0xFFFFFB00  }
0x39f: {  	_ =	swait.ge [sflag:s7], $0x500  }
0x3a0: {  	[sflag:s7] =	ssyncset.done $0x0  }
0x3a1: {  	[sflag:s7] =	ssyncadd.s32 $0xFFFFFB00  }
0x3a2: {  	_ =	swait.ge [sflag:s7], $0x500  }
0x3a3: {  	[sflag:s7] =	ssyncset.done $0x0  }
0x3a4: {  	[sflag:s7] =	ssyncadd.s32 $0xFFFFFB00  }
0x3a5: {  	_ =	swait.ge [sflag:s7], $0x500  }
0x3a6: {  	[sflag:s7] =	ssyncset.done $0x0  }
0x3a7: {  	[sflag:s7] =	ssyncadd.s32 $0xFFFFFB00  }
0x3a8: {  	_ =	swait.ge [sflag:s7], $0x500  }
0x3a9: {  	[sflag:s7] =	ssyncset.done $0x0  }
0x3aa: {  	[sflag:s7] =	ssyncadd.s32 $0xFFFFFB00  }
0x3ab: {  	_ =	swait.ge [sflag:s7], $0x500  }
0x3ac: {  	[sflag:s7] =	ssyncset.done $0x0  }
0x3ad: {  	[sflag:s7] =	ssyncadd.s32 $0xFFFFFB00  }
0x3ae: {  	_ =	swait.ge [sflag:s10], $0x500  }
0x3af: {  	s13 =	simm.s32 $0x7C;
	[sflag:s10] =	ssyncset.done $0x0  }
.LBB2_6:
0x3b0: {  	p0 =	sne.s32 s13, $0x1;
	s13 =	sadd.s32 $0xFFFFFFFF, s13;
	[sflag:s10] =	ssyncadd.s32 $0xFFFFFB00  }
.Ltmp2:
0x3b1: {  	(pc) =	sbr.rel @p0 .LBB2_6-.Ltmp2, $3  }
0x3b2: {  	_ =	sdelay $0x1  }
0x3b3: {  	_ =	swait.ge [sflag:s10], $0x500  }
0x3b4: {  	[sflag:s10] =	ssyncset.done $0x0  }
0x3b5: {  	[sflag:s10] =	ssyncadd.s32 $0xFFFFFB00  }
0x3b6: {  	[bflag:$0x0] =	sbarrier.arrive $0xFFFF  }
0x3b7: {  	s0 =	simm.s32 $0x12610;
	s5 =	rddreg [dreg:$0xf]  }
0x3b8: {  	[tilespmem:s0], [sflag:$0x5] =	stream.linear.gather [spmem:s5], $0x2780, $0x38;
	[tilespmem:$0x19C90] =	vst v63  }
0x3b9: {  	_ =	swait.ge [sflag:s17], $0x2780  }
0x3ba: {  	[sflag:s17] =	ssyncset.done $0x0  }
0x3bb: {  	s1 =	simm.s32 $0x0;
	s13 =	rddreg [dreg:$0xb];
	[sflag:s17] =	ssyncadd.s32 $0xFFFFD880  }
0x3bc: {  	[hbm4b:s13+s1] =	stream.linear.scatter [tilespmem:s0], [sflag:$0x5], $0x2780, $0x38;
	[tilespmem:$0x19C90] =	vst v63  }
0x3bd: {  	_ =	swait.ge [sflag:s17], $0x2780  }
0x3be: {  	[sflag:s17] =	ssyncset.done $0x0  }
0x3bf: {  	s15 =	rddreg [dreg:$0xe];
	[sflag:s17] =	ssyncadd.s32 $0xFFFFD880  }
0x3c0: {  	[tilespmem:s0], [sflag:$0x5] =	stream.linear.gather [spmem:s15], $0x2780, $0x38;
	[tilespmem:$0x19C90] =	vst v63  }
0x3c1: {  	_ =	swait.ge [sflag:s17], $0x2780  }
0x3c2: {  	[sflag:s17] =	ssyncset.done $0x0  }
0x3c3: {  	s23 =	rddreg [dreg:$0xc];
	[sflag:s17] =	ssyncadd.s32 $0xFFFFD880  }
0x3c4: {  	[hbm4b:s23+s1] =	stream.linear.scatter [tilespmem:s0], [sflag:$0x5], $0x2780, $0x38;
	[tilespmem:$0x19C90] =	vst v63  }
0x3c5: {  	_ =	swait.ge [sflag:s17], $0x2780  }
0x3c6: {  	s26 =	sadd.s32 $0x1, s26;
	s24 =	rddreg [dreg:$0xd]  }
0x3c7: {  	p0 =	sne.s32 s26, s24  }
.Ltmp3:
0x3c8: {  	_ = 	snop;
	(pc) =	sbr.rel @p0 .LBB2_1-.Ltmp3, $3  }
0x3c9: {  	_ =	sdelay $0x1  }
0x3ca: {  	[sflag:s17] =	ssyncset.done $0x0  }
0x3cb: {  	[sflag:s17] =	ssyncadd.s32 $0xFFFFD880  }
0x3cc: {  	_ =	sfence.sel $0x180000  }
0x3cd: {  	[bflag:$0x0] =	sbarrier.arrive $0xFFFF  }
0x3ce: {  	_ =	strace $0x90000047  }
0x3cf: {  	s0 =	stileid.u32;
	[bflag:$0x2] =	sbarrier.arrive $0xFFFF  }
0x3d0: {  	p0 =	sne.s32 s0, $0x0;
	s0 =	rddreg [dreg:$0x4]  }
0x3d1: {  	s0 =	sadd.s32 @!p0 $0x100000, s0  }
0x3d2: {  	[sflag:s0] =	ssyncadd.tile.s32 @!p0 $0x1;
	_ =	shalt  }
.Lfunc_end2:
_tile_overlayer_lowered:
.L_overlay_start_2:
0x3d3: {  	(tag) =	ssettag $0x2  }
0x3d4: {  	s0 =	rddreg [dreg:$0x0];
	s2 =	stileid.u32  }
0x3d5: {  	s1 =	rddreg [dreg:$0x1];
	p0 =	sne.s32 s2, $0x0  }
0x3d6: {  	s3 =	rddreg [dreg:$0x2];
	[bflag:$0x3] =	sbarrier.arrive $0xFFFF;
	s2 =	simm.s32 @!p0 $0x1C05  }
0x3d7: {  	[timem:s3], [sflag:s2] =	dma.local @!p0 [hbm:s0], s1  }
0x3d8: {  	s0 =	simm.s32 @!p0 $0x5  }
0x3d9: {  	_ =	swait.ge @!p0 [sflag:s0], s1  }
0x3da: {  	s1 =	ssub.s32 @!p0 $0x0, s1;
	[sflag:s0] =	ssyncset.done @!p0 $0x0  }
0x3db: {  	[sflag:s0] =	ssyncadd.s32 @!p0 s1  }
0x3dc: {  	[bflag:$0x3] =	sbarrier.arrive $0xFFFF  }
0x3dd: {  	_ =	shalt  }

// kernel: kernel.8.cloned.1.call-start
scs
__scs_entry_jumppad:
0x0: {  	(pc) =	sbr.rel $0x88, $3  }
0x1: {  	(tag) =	ssettag $0x0;
	lr =	simm.s32 $0x1  }
0x2: {  	[smem:$0x3F9B] =	sst lr;
	_ =	strace $0xD0000000  }
0x3: {  	_ = 	snop  }
0x4: {  	_ = 	snop  }
0x5: {  	_ = 	snop  }
0x6: {  	_ = 	snop  }
0x7: {  	_ = 	snop  }
__scs_overlays_trampoline_lowered:
0x8: {  	[smem:$0x3FAA] =	sst s0  }
0x9: {  	[smem:$0x3FAB] =	sst s1  }
0xa: {  	[smem:$0x3FAC] =	sst s2  }
0xb: {  	[smem:$0x3FAD] =	sst s3  }
0xc: {  	[smem:$0x3FAE] =	sst s4  }
0xd: {  	[smem:$0x3FAF] =	sst s5  }
0xe: {  	[smem:$0x3FB0] =	sst s6  }
0xf: {  	[smem:$0x3FB1] =	sst s7  }
0x10: {  	[smem:$0x3FB2] =	sst s8  }
0x11: {  	[smem:$0x3FB3] =	sst s9;
	s0 =	simm.s32 @!p0 $0x0  }
0x12: {  	s1 =	sld [smem:$0x3F99];
	s0 =	simm.s32 @p0 $0x1  }
0x13: {  	[smem:$0x3FB4] =	sst s0;
	s0 =	simm.s32 @!p1 $0x0  }
0x14: {  	s2 =	sld [smem:$0x3F98];
	s0 =	simm.s32 @p1 $0x1  }
0x15: {  	[smem:$0x3FB5] =	sst s0;
	s0 =	simm.s32 @!p2 $0x0  }
0x16: {  	s3 =	sld [smem:$0x3FDB];
	s0 =	simm.s32 @p2 $0x1  }
0x17: {  	s4 =	simm.s32 $0x1BF5;
	[smem:$0x3FB7] =	sst s0  }
0x18: {  	s0 =	sld [smem:$0x3F9A];
	_ =	swait.ge [sflag:s4], $0x0  }
0x19: {  	s7 =	sld [smem:$0x3F9B]  }
0x1a: {  	s8 =	sadd.s32 $0xFFFFE003, lr  }
0x1b: {  	s9 =	sadd.s32 $0xFFFFFEF7, lr;
	s5 =	simm.s32 $0xFFFFFFFF;
	p2 =	slt.u32 s8, $0xFFFFF086  }
0x1c: {  	p1 =	slt.u32 s9, $0xF7A;
	s5 =	simm.s32 @!p2 $0x0  }
0x1d: {  	s5 =	simm.s32 @p1 $0x1;
	p0 =	seq.s32 s7, s2  }
0x1e: {  	s7 =	smul.u32 @!p0 $0xF7A, s2;
	p2 =	seq.s32 @!p0 s5, $0x0  }
0x1f: {  	s9 =	smul.u32 $0xF7A, s1;
	s8 =	simm.s32 @!p0 $0x1BF5;
	p2 =	por !p2, p0  }
0x20: {  	[sflag:s8] =	ssyncset.s32 @!p0 $0xFFFFF086;
	s6 =	sadd.s32 @!p0 s3, s7;
	s7 =	simm.s32 @!p0 $0x108  }
0x21: {  	s3 =	sadd.s32 s3, s9;
	s6 =	sadd.s32 @!p0 $0x88, s6;
	s7 =	simm.s32 @p2 $0x1082  }
0x22: {  	[simem:s7], [sflag:s8] =	dma.local @!p0 [hbm:s6], $0xF7A  }
0x23: {  	s9 =	sor.u32 $0xD0000000, s2;
	s6 =	simm.s32 $0x108;
	_ =	swait.ge @!p0 [sflag:s8], $0x0  }
0x24: {  	s3 =	sadd.s32 $0x88, s3;
	s6 =	simm.s32 @!p1 $0x1082;
	[sflag:s4] =	ssyncset.s32 $0xFFFFF086  }
0x25: {  	[simem:s6], [sflag:s4] =	dma.local [hbm:s3], $0xF7A  }
0x26: {  	[smem:$0x3F9B] =	sst s1;
	(tag) =	ssettag s2;
	_ =	strace s9  }
0x27: {  	s1 =	sld [smem:$0x3FAB]  }
0x28: {  	s2 =	sld [smem:$0x3FAC]  }
0x29: {  	s4 =	sld [smem:$0x3FAE]  }
0x2a: {  	p0 =	seq.s32 s5, $0x0;
	s5 =	sld [smem:$0x3FAF]  }
0x2b: {  	s6 =	sld [smem:$0x3FB0]  }
0x2c: {  	s7 =	sld [smem:$0x3FB1]  }
0x2d: {  	s3 =	simm.s32 $0x108;
	s8 =	sld [smem:$0x3FB2]  }
0x2e: {  	s3 =	simm.s32 @!p0 $0x1082;
	s9 =	sld [smem:$0x3FB3]  }
0x2f: {  	lr =	sadd.s32 s0, s3;
	s0 =	sld [smem:$0x3FAA]  }
0x30: {  	s3 =	sld [smem:$0x3FAD]  }
0x31: {  	[smem:$0x3FB6] =	sst s10  }
0x32: {  	s10 =	sld [smem:$0x3FB4];
	_ =	sdelay $0x3  }
0x33: {  	p0 =	seq.s32 s10, $0x1;
	s10 =	sld [smem:$0x3FB6];
	_ =	sdelay $0x3  }
0x34: {  	[smem:$0x3FB6] =	sst s10  }
0x35: {  	s10 =	sld [smem:$0x3FB5];
	_ =	sdelay $0x3  }
0x36: {  	p1 =	seq.s32 s10, $0x1;
	s10 =	sld [smem:$0x3FB6];
	_ =	sdelay $0x3  }
0x37: {  	[smem:$0x3FB6] =	sst s10  }
0x38: {  	s10 =	sld [smem:$0x3FB7]  }
0x39: {  	_ = 	snop;
	(pc) =	sbr.ind lr, $3  }
0x3a: {  	_ = 	snop  }
0x3b: {  	_ = 	snop  }
0x3c: {  	p2 =	seq.s32 s10, $0x1;
	s10 =	sld [smem:$0x3FB6]  }
0x3d: {  	_ =	shalt  }
0x3e: {  	_ =	shalt  }
0x3f: {  	_ =	shalt  }
0x40: {  	_ =	shalt  }
0x41: {  	_ =	shalt  }
0x42: {  	_ =	shalt  }
0x43: {  	_ =	shalt  }
0x44: {  	_ =	shalt  }
0x45: {  	_ =	shalt  }
0x46: {  	_ =	shalt  }
0x47: {  	_ =	shalt  }
0x48: {  	_ =	shalt  }
0x49: {  	_ =	shalt  }
0x4a: {  	_ =	shalt  }
0x4b: {  	_ =	shalt  }
0x4c: {  	_ =	shalt  }
0x4d: {  	_ =	shalt  }
0x4e: {  	_ =	shalt  }
0x4f: {  	_ =	shalt  }
0x50: {  	_ =	shalt  }
0x51: {  	_ =	shalt  }
0x52: {  	_ =	shalt  }
0x53: {  	_ =	shalt  }
0x54: {  	_ =	shalt  }
0x55: {  	_ =	shalt  }
0x56: {  	_ =	shalt  }
0x57: {  	_ =	shalt  }
0x58: {  	_ =	shalt  }
0x59: {  	_ =	shalt  }
0x5a: {  	_ =	shalt  }
0x5b: {  	_ =	shalt  }
0x5c: {  	_ =	shalt  }
0x5d: {  	_ =	shalt  }
0x5e: {  	_ =	shalt  }
0x5f: {  	_ =	shalt  }
0x60: {  	_ =	shalt  }
0x61: {  	_ =	shalt  }
0x62: {  	_ =	shalt  }
0x63: {  	_ =	shalt  }
0x64: {  	_ =	shalt  }
0x65: {  	_ =	shalt  }
0x66: {  	_ =	shalt  }
0x67: {  	_ =	shalt  }
0x68: {  	_ =	shalt  }
0x69: {  	_ =	shalt  }
0x6a: {  	_ =	shalt  }
0x6b: {  	_ =	shalt  }
0x6c: {  	_ =	shalt  }
0x6d: {  	_ =	shalt  }
0x6e: {  	_ =	shalt  }
0x6f: {  	_ =	shalt  }
0x70: {  	_ =	shalt  }
0x71: {  	_ =	shalt  }
0x72: {  	_ =	shalt  }
0x73: {  	_ =	shalt  }
0x74: {  	_ =	shalt  }
0x75: {  	_ =	shalt  }
0x76: {  	_ =	shalt  }
0x77: {  	_ =	shalt  }
0x78: {  	_ =	shalt  }
0x79: {  	_ =	shalt  }
0x7a: {  	_ =	shalt  }
0x7b: {  	_ =	shalt  }
0x7c: {  	_ =	shalt  }
0x7d: {  	_ =	shalt  }
0x7e: {  	_ =	shalt  }
0x7f: {  	_ =	shalt  }
0x80: {  	_ =	shalt  }
0x81: {  	_ =	shalt  }
0x82: {  	_ =	shalt  }
0x83: {  	_ =	shalt  }
0x84: {  	_ =	shalt  }
0x85: {  	_ =	shalt  }
0x86: {  	_ =	shalt  }
0x87: {  	_ =	shalt  }
.Lfunc_end0:
.L_simem_size_0:
called_computation.1_lowered:
.L_overlay_start_0:
0x88: {  	s2 =	sld [smem:$0x3FD9]  }
0x89: {  	s3 =	sld [smem:$0x3FFE];
	_ =	sdelay $0x1  }
0x8a: {  	s1 =	srdreg.scid  }
0x8b: {  	s0 =	sand.u32 $0x1, s1  }
0x8c: {  	s17 =	sshll.u32 s0, $0xA;
	s2 =	sadd.s32 s3, s2  }
0x8d: {  	s2 =	sadd.s32 s2, s17  }
0x8e: {  	[smem:$0x3FC2] =	sst s2  }
0x8f: {  	_ = 	snop  }
0x90: {  	s2 =	sld [smem:$0x3FD0];
	(tm) =	ssettm $0x1  }
0x91: {  	s18 =	sld [smem:$0x3FFB];
	_ =	sdelay $0x3  }
0x92: {  	_ =	strace s18  }
0x93: {  	s3 =	sld [smem:$0x3FFC];
	_ =	sdelay $0x3  }
0x94: {  	_ =	strace s3  }
0x95: {  	s3 =	sld [smem:$0x3FFD];
	_ =	sdelay $0x3  }
0x96: {  	_ =	strace s3  }
0x97: {  	_ =	strace $0x8FFFFFFF  }
0x98: {  	s19 =	sld [smem:$0x3FDB];
	_ =	sdelay $0x1  }
0x99: {  	s4 =	simm.s32 $_scs_section_size  }
0x9a: {  	s5 =	simm.s32 $_size__tile_overlayer_lowered;
	s6 =	simm.s32 $_tile_overlayer_lowered  }
0x9b: {  	s22 =	simm.s32 $0x1BFF;
	s21 =	sshll.u32 s6, $0x1;
	s3 =	sadd.s32 s4, s19  }
0x9c: {  	s7 =	simm.s32 $0x0;
	s20 =	sshll.u32 s5, $0x1;
	s5 =	sadd.s32 s21, s3  }
0x9d: {  	[timem:s7], [sflag:s22] =	dma.local [hbm:s5], s20  }
0x9e: {  	_ =	swait.ge [sflag:s22], s20  }
0x9f: {  	s4 =	ssub.s32 $0x0, s20;
	[sflag:s22] =	ssyncset.done $0x0  }
0xa0: {  	[sflag:s22] =	ssyncadd.s32 s4;
	_ =	sdelay $0x1  }
0xa1: {  	s23 =	simm.s32 $0x1B8B  }
0xa2: {  	_ =	swait.ge [sflag:s23], $0x1  }
0xa3: {  	[sflag:s23] =	ssyncset.done $0x0  }
0xa4: {  	s25 =	simm.s32 $0x1B8E;
	s24 =	sld [smem:$0x3FFE];
	[sflag:s23] =	ssyncadd.s32 $0xFFFFFFFF  }
0xa5: {  	s26 =	simm.s32 $execute0_lowered;
	[smem:$0x3FD2] =	sst s25  }
0xa6: {  	s5 =	sshll.u32 s26, $0x1;
	_ =	strace $0x80000049;
	[dreg:$0x1] =	wrdreg $0xFFFFFFFF  }
0xa7: {  	s28 =	simm.s32 $_size_execute0_lowered;
	s3 =	sadd.s32 s3, s5;
	[dreg:$0x0] =	wrdreg $0x0  }
0xa8: {  	s5 =	sshll.u32 s28, $0x1;
	[dreg:$0x2] =	wrdreg s3  }
0xa9: {  	[dreg:$0x3] =	wrdreg s5  }
0xaa: {  	[dreg:$0x4] =	wrdreg $0xC0  }
0xab: {  	_ =	task [dreg:s7], $0x5FFFF  }
0xac: {  	[dreg:$0x1] =	wrdreg $0xFFFFFFFF  }
0xad: {  	[dreg:$0x0] =	wrdreg $0x60  }
0xae: {  	[dreg:$0x2] =	wrdreg s24  }
0xaf: {  	[dreg:$0x3] =	wrdreg s2  }
0xb0: {  	[dreg:$0x4] =	wrdreg $0x9  }
0xb1: {  	_ =	task.clear_ibuf [dreg:s7], $0x5FFFF;
	_ =	strace $0x90000049  }
0xb2: {  	s29 =	simm.s32 $0x9;
	_ =	strace $0x8000004B  }
0xb3: {  	_ =	swait.ge [sflag:s29], $0x1  }
0xb4: {  	[sflag:s29] =	ssyncadd.s32 $0xFFFFFFFF  }
0xb5: {  	_ =	strace $0x9000004B  }
0xb6: {  	_ =	sfence  }
0xb7: {  	s30 =	sld [smem:$0x0];
	_ =	sdelay $0x2  }
0xb8: {  	s31 =	sshll.u32 s1, $0xD;
	s1 =	sshrl.u32 s1, $0x2  }
0xb9: {  	s3 =	sand.u32 $0x4000, s31;
	s1 =	sadd.s32 s1, s30  }
0xba: {  	s0 =	sor.u32 s3, s0;
	s1 =	sshll.u32 s1, $0x11  }
0xbb: {  	s0 =	sor.u32 s1, s0  }
0xbc: {  	s0 =	sadd.s32 $0x8F2B, s0  }
0xbd: {  	[sflag:s0] =	ssyncadd.remote.s32 $0x1  }
0xbe: {  	_ =	sfence.sel $0xFFFF  }
0xbf: {  	[dreg:$0x0] =	wrdreg $0xFFFFFFFF;
	(pc) =	sbr.abs _section_cstart, $3  }
0xc0: {  	[dreg:$0x1] =	wrdreg $0xFFFFFFFF  }
0xc1: {  	_ =	task.clear_ibuf [dreg:s7], $0x2FFFF;
	_ =	strace $0x9FFFFFFF  }
0xc2: {  	(tm) =	ssettm $0x7FFFFFFF  }
0xc3: {  	_ =	shalt  }
tec
execute0_lowered:
.L_overlay_start_1:
0x0: {  	(tag) =	ssettag $0x1  }
0x1: {  	s0 =	rddreg [dreg:$0x0]  }
0x2: {  	s1 =	srdreg.scid;
	s3 =	stileid.u32  }
0x3: {  	s2 =	rddreg [dreg:$0x1];
	s28 =	simm.s32 $0x9;
	s29 =	simm.s32 $0x4  }
0x4: {  	s13 =	simm.s32 $0x7;
	s30 =	simm.s32 $0xB;
	s31 =	simm.s32 $0x8  }
0x5: {  	s11 =	simm.s32 $0x0;
	s1 =	sand.u32 $0x1, s1;
	s4 =	sshll.u32 s3, $0x1  }
0x6: {  	s3 =	simm.s32 $0x0;
	s5 =	sadd.s32 $0xB1C00, s0;
	s7 =	sor.u32 s1, s4  }
0x7: {  	s6 =	sadd.s32 $0x29400, s0;
	[smem:$0x7FF] =	sst s3;
	s8 =	smul.u32 $0x2710, s7  }
0x8: {  	s4 =	sadd.s32 $0x1C00, s0;
	s1 =	ssub.s32 $0x2, s1;
	s10 =	smul.u32 $0x7D, s7  }
0x9: {  	_ =	strace $0x8000004A;
	s15 =	sshrl.u32 s1, $0x1;
	s22 =	smul.u32 $0x138800, s7  }
0xa: {  	s7 =	simm.s32 $0xA;
	s0 =	ssub.s32 s1, s15;
	s24 =	sadd.s32 $0x140, s8  }
0xb: {  	s15 =	simm.s32 $0x5;
	s25 =	sadd.s32 $0x190, s8;
	[dreg:$0xb] =	wrdreg s24  }
0xc: {  	s9 =	sshrl.u32 s8, $0x3;
	s26 =	sadd.s32 $0x1, s10;
	[dreg:$0xc] =	wrdreg s25  }
0xd: {  	s1 =	sshrl.u32 s22, $0x3;
	s0 =	smax.u32 s0, $0x1;
	[dreg:$0xd] =	wrdreg s26  }
0xe: {  	s22 =	sadd.s32 $0x3, s10;
	s9 =	sadd.s32 s5, s9;
	[dreg:$0xf] =	wrdreg s0  }
0xf: {  	s1 =	sadd.s32 s2, s1;
	s16 =	sadd.s32 $0x9C40, s9;
	[dreg:$0x3] =	wrdreg s9  }
0x10: {  	s25 =	simm.s32 $0x140;
	s17 =	sadd.s32 $0xA, s9;
	[dreg:$0x4] =	wrdreg s16  }
0x11: {  	s26 =	simm.s32 $0x50;
	s18 =	sadd.s32 $0x9C4A, s9;
	[dreg:$0x5] =	wrdreg s17  }
0x12: {  	s0 =	simm.s32 $0x1;
	s19 =	sadd.s32 $0x14, s9;
	[dreg:$0x6] =	wrdreg s18  }
0x13: {  	s24 =	simm.s32 $0x6;
	s20 =	sadd.s32 $0x9C54, s9;
	[dreg:$0x7] =	wrdreg s19  }
0x14: {  	s21 =	sadd.s32 $0x1E, s9;
	s23 =	sadd.s32 $0x9C5E, s9;
	[dreg:$0x8] =	wrdreg s20  }
0x15: {  	s1 =	sadd.s32 $0x26C00, s1;
	s9 =	simm.s32 $0xA280;
	[dreg:$0x9] =	wrdreg s21  }
0x16: {  	[dreg:$0xa] =	wrdreg s23;
	s19 =	sadd.s32 $0x1E0, s8;
	s20 =	sadd.s32 $0x2, s10  }
0x17: {  	s21 =	sadd.s32 $0x230, s8;
	s18 =	smov.u32 s10;
	[dreg:$0xe] =	wrdreg s1  }
0x18: {  	s23 =	simm.s32 $0x11A80;
	s10 =	simm.s32 $0xD;
	s1 =	simm.s32 $0xC  }
.LBB2_1:
0x19: {  	[dreg:$0x10] =	wrdreg s11  }
0x1a: {  	s8 =	rddreg [dreg:$0x3]  }
0x1b: {  	[tilespmem:s3], [sflag:$0x1] =	stream.linear.gather [hbm4b:s8+s3], $0x50, $0x38;
	[tilespmem:$0x14280] =	vst v63  }
0x1c: {  	s17 =	rddreg [dreg:$0x4]  }
0x1d: {  	[tilespmem:s25], [sflag:$0x1] =	stream.linear.gather [hbm4b:s17+s3], $0x50, $0x38;
	[tilespmem:$0x14280] =	vst v63  }
0x1e: {  	s11 =	rddreg [dreg:$0x5]  }
0x1f: {  	[tilespmem:s26], [sflag:$0x2] =	stream.linear.gather [hbm4b:s11+s3], $0x50, $0x38;
	[tilespmem:$0x14280] =	vst v63  }
0x20: {  	s12 =	rddreg [dreg:$0x6];
	s11 =	simm.s32 $0x190  }
0x21: {  	[tilespmem:s11], [sflag:$0x2] =	stream.linear.gather [hbm4b:s12+s3], $0x50, $0x38;
	[tilespmem:$0x14280] =	vst v63  }
0x22: {  	s14 =	rddreg [dreg:$0x7];
	s12 =	simm.s32 $0xA0  }
0x23: {  	[tilespmem:s12], [sflag:$0x3] =	stream.linear.gather [hbm4b:s14+s3], $0x50, $0x38;
	[tilespmem:$0x14280] =	vst v63  }
0x24: {  	s16 =	rddreg [dreg:$0x8];
	s14 =	simm.s32 $0x1E0  }
0x25: {  	[tilespmem:s14], [sflag:$0x3] =	stream.linear.gather [hbm4b:s16+s3], $0x50, $0x38;
	[tilespmem:$0x14280] =	vst v63  }
0x26: {  	s17 =	rddreg [dreg:$0x9];
	s16 =	simm.s32 $0xF0  }
0x27: {  	[tilespmem:s16], [sflag:$0x4] =	stream.linear.gather [hbm4b:s17+s3], $0x50, $0x38;
	[tilespmem:$0x14280] =	vst v63  }
0x28: {  	s16 =	rddreg [dreg:$0xa];
	s17 =	simm.s32 $0x230  }
0x29: {  	[tilespmem:s17], [sflag:$0x4] =	stream.linear.gather [hbm4b:s16+s3], $0x50, $0x38;
	[tilespmem:$0x14280] =	vst v63  }
0x2a: {  	_ =	swait.ge [sflag:s0], $0x50  }
0x2b: {  	[sflag:s0] =	ssyncset.done $0x0  }
0x2c: {  	[sflag:s0] =	ssyncadd.s32 $0xFFFFFFB0  }
0x2d: {  	_ =	swait.ge [sflag:s0], $0x50  }
0x2e: {  	[sflag:s0] =	ssyncset.done $0x0  }
0x2f: {  	s16 =	simm.s32 $0x280;
	[sflag:s0] =	ssyncadd.s32 $0xFFFFFFB0  }
0x30: {  	[tilespmem:s16], [sflag:$0x5] =	stream.indirect.gather [hbm4b:s4+s26], $0x80, s3, s26, $0xb8;
	[tilespmem:$0x14280] =	vst v63  }
0x31: {  	s17 =	simm.s32 $0x2  }
0x32: {  	[tilespmem:s9], [sflag:$0x9] =	stream.indirect.gather [hbm4b:s6+s26], $0x80, s25, s26, $0xb8;
	[tilespmem:$0x14280] =	vst v63  }
0x33: {  	_ =	swait.ge [sflag:s17], $0x50  }
0x34: {  	[sflag:s17] =	ssyncset.done $0x0  }
0x35: {  	[sflag:s17] =	ssyncadd.s32 $0xFFFFFFB0  }
0x36: {  	_ =	swait.ge [sflag:s17], $0x50  }
0x37: {  	[sflag:s17] =	ssyncset.done $0x0  }
0x38: {  	s16 =	simm.s32 $0x2A80;
	[sflag:s17] =	ssyncadd.s32 $0xFFFFFFB0  }
0x39: {  	[tilespmem:s16], [sflag:$0x6] =	stream.indirect.gather [hbm4b:s4+s26], $0x80, s26, s26, $0xb8;
	[tilespmem:$0x14280] =	vst v63  }
0x3a: {  	s17 =	simm.s32 $0xCA80  }
0x3b: {  	[tilespmem:s17], [sflag:$0xA] =	stream.indirect.gather [hbm4b:s6+s26], $0x80, s11, s26, $0xb8;
	[tilespmem:$0x14280] =	vst v63  }
0x3c: {  	s11 =	simm.s32 $0x3  }
0x3d: {  	_ =	swait.ge [sflag:s11], $0x50  }
0x3e: {  	[sflag:s11] =	ssyncset.done $0x0  }
0x3f: {  	[sflag:s11] =	ssyncadd.s32 $0xFFFFFFB0  }
0x40: {  	_ =	swait.ge [sflag:s11], $0x50  }
0x41: {  	[sflag:s11] =	ssyncset.done $0x0  }
0x42: {  	s16 =	simm.s32 $0x5280;
	[sflag:s11] =	ssyncadd.s32 $0xFFFFFFB0  }
0x43: {  	[tilespmem:s16], [sflag:$0x7] =	stream.indirect.gather [hbm4b:s4+s26], $0x80, s12, s26, $0xb8;
	[tilespmem:$0x14280] =	vst v63  }
0x44: {  	s8 =	simm.s32 $0x0;
	s17 =	simm.s32 $0xF280  }
0x45: {  	[tilespmem:s17], [sflag:$0xB] =	stream.indirect.gather [hbm4b:s6+s26], $0x80, s14, s26, $0xb8;
	[tilespmem:$0x14280] =	vst v63  }
.LBB2_2:
0x46: {  	_ =	swait.ge [sflag:s15], $0x2800  }
0x47: {  	[sflag:s15] =	ssyncset.done $0x0  }
0x48: {  	[sflag:s15] =	ssyncadd.s32 $0xFFFFD800  }
0x49: {  	_ =	swait.ge [sflag:s28], $0x2800  }
0x4a: {  	[sflag:s28] =	ssyncset.done $0x0  }
0x4b: {  	[sflag:s28] =	ssyncadd.s32 $0xFFFFD800  }
0x4c: {  	_ =	swait.ge [sflag:s29], $0x50  }
0x4d: {  	[sflag:s29] =	ssyncset.done $0x0  }
0x4e: {  	[sflag:s29] =	ssyncadd.s32 $0xFFFFFFB0  }
0x4f: {  	_ =	swait.ge [sflag:s29], $0x50  }
0x50: {  	p0 =	seq.s32 s8, $0x0;
	[sflag:s29] =	ssyncset.done $0x0  }
0x51: {  	s11 =	simm.s32 @!p0 $0x10;
	[sflag:s29] =	ssyncadd.s32 $0xFFFFFFB0  }
0x52: {  	s14 =	smul.u32 $0x140, s8;
	_ =	swait.ge @!p0 [sflag:s11], $0x2800  }
0x53: {  	s17 =	simm.s32 $0xF0;
	[sflag:s11] =	ssyncset.done @!p0 $0x0;
	s16 =	rddreg [dreg:$0xb]  }
0x54: {  	s12 =	simm.s32 $0x7A80;
	[sflag:s11] =	ssyncadd.s32 @!p0 $0xFFFFD800;
	s11 =	sadd.s32 s14, s16  }
0x55: {  	[tilespmem:s12], [sflag:$0x8] =	stream.indirect.gather [hbm4b:s4+s26], $0x80, s17, s26, $0xb8;
	[tilespmem:$0x14280] =	vst v63  }
0x56: {  	s12 =	simm.s32 $0x230;
	s11 =	sshrl.u32 s11, $0x3  }
0x57: {  	[tilespmem:s23], [sflag:$0xC] =	stream.indirect.gather [hbm4b:s6+s26], $0x80, s12, s26, $0xb8;
	[tilespmem:$0x14280] =	vst v63  }
0x58: {  	s17 =	simm.s32 $0x0;
	s11 =	sadd.s32 s5, s11  }
0x59: {  	[tilespmem:s17], [sflag:$0x1] =	stream.linear.gather [hbm4b:s11+s17], $0x50, $0x38;
	[tilespmem:$0x14280] =	vst v63  }
0x5a: {  	s12 =	simm.s32 $0x0;
	s11 =	sadd.s32 $0x9C40, s11  }
0x5b: {  	[tilespmem:s25], [sflag:$0x1] =	stream.linear.gather [hbm4b:s11+s17], $0x50, $0x38;
	[tilespmem:$0x14280] =	vst v63  }
0x5c: {  	v7 =	vld [tilespmem:s12+$0x280]  }
0x5d: {  	v11 =	vld [tilespmem:s12+$0x290]  }
0x5e: {  	v5 =	vld [tilespmem:s12+$0x2A0]  }
0x5f: {  	v4 =	vld [tilespmem:s12+$0x2B0]  }
0x60: {  	v3 =	vld [tilespmem:s12+$0x2C0]  }
0x61: {  	v2 =	vld [tilespmem:s12+$0x2D0]  }
0x62: {  	v1 =	vld [tilespmem:s12+$0x2E0]  }
0x63: {  	v0 =	vld [tilespmem:s12+$0x2F0]  }
0x64: {  	v12 =	vld [tilespmem:s12+$0xA280]  }
0x65: {  	v13 =	vld [tilespmem:s12+$0xA290]  }
0x66: {  	v10 =	vld [tilespmem:s12+$0xA2A0]  }
0x67: {  	v9 =	vld [tilespmem:s12+$0xA2B0]  }
0x68: {  	v8 =	vld [tilespmem:s12+$0xA2C0]  }
0x69: {  	v6 =	vld [tilespmem:s12+$0xA2D0];
	v12 =	vadd.f32 v7, v12  }
0x6a: {  	s16 =	simm.s32 $0x200;
	s11 =	sshll.u32 s8, $0x2;
	v11 =	vadd.f32 v11, v13;
	v7 =	vld [tilespmem:s12+$0xA2E0]  }
.LBB2_3:
0x6b: {  	s17 =	sshra.s32 s16, $0x2;
	p0 =	sne.s32 s16, $0x9E00;
	[tilespmem:s12+$0xA280] =	vst v12;
	v5 =	vadd.f32 v5, v10;
	v10 =	vld [tilespmem:s12+$0xA2F0]  }
0x6c: {  	v12 =	vld [tilespmem:s17+$0x280];
	[tilespmem:s12+$0xA290] =	vst v11;
	v4 =	vadd.f32 v4, v9  }
0x6d: {  	v11 =	vld [tilespmem:s17+$0x290];
	[tilespmem:s12+$0xA2A0] =	vst v5;
	v3 =	vadd.f32 v3, v8  }
0x6e: {  	v5 =	vld [tilespmem:s17+$0x2A0];
	[tilespmem:s12+$0xA2B0] =	vst v4;
	v2 =	vadd.f32 v2, v6  }
0x6f: {  	v4 =	vld [tilespmem:s17+$0x2B0];
	[tilespmem:s12+$0xA2C0] =	vst v3;
	v1 =	vadd.f32 v1, v7  }
0x70: {  	v3 =	vld [tilespmem:s17+$0x2C0];
	[tilespmem:s12+$0xA2D0] =	vst v2;
	v0 =	vadd.f32 v0, v10  }
0x71: {  	v2 =	vld [tilespmem:s17+$0x2D0];
	[tilespmem:s12+$0xA2E0] =	vst v1  }
0x72: {  	v1 =	vld [tilespmem:s17+$0x2E0];
	[tilespmem:s12+$0xA2F0] =	vst v0;
	s12 =	smov.u32 s17  }
0x73: {  	v0 =	vld [tilespmem:s12+$0x2F0]  }
0x74: {  	v6 =	vld [tilespmem:s12+$0xA280]  }
0x75: {  	v7 =	vld [tilespmem:s12+$0xA290]  }
.Ltmp0:
0x76: {  	v10 =	vld [tilespmem:s12+$0xA2A0];
	(pc) =	sbr.rel @p0 .LBB2_3-.Ltmp0, $4  }
0x77: {  	v9 =	vld [tilespmem:s12+$0xA2B0]  }
0x78: {  	v8 =	vld [tilespmem:s12+$0xA2C0]  }
0x79: {  	v12 =	vadd.f32 v12, v6;
	v6 =	vld [tilespmem:s12+$0xA2D0]  }
0x7a: {  	s16 =	sadd.s32 $0x200, s16;
	v11 =	vadd.f32 v11, v7;
	v7 =	vld [tilespmem:s12+$0xA2E0]  }
0x7b: {  	[tilespmem:s12+$0xA280] =	vst v12;
	v5 =	vadd.f32 v5, v10;
	v10 =	vld [tilespmem:s12+$0xA2F0]  }
0x7c: {  	[tilespmem:s12+$0xA290] =	vst v11;
	v4 =	vadd.f32 v4, v9  }
0x7d: {  	[tilespmem:s12+$0xA2A0] =	vst v5;
	v3 =	vadd.f32 v3, v8  }
0x7e: {  	[tilespmem:s12+$0xA2B0] =	vst v4;
	v2 =	vadd.f32 v2, v6  }
0x7f: {  	s16 =	sadd.s32 s18, s11;
	[tilespmem:s12+$0xA2C0] =	vst v3;
	v1 =	vadd.f32 v1, v7  }
0x80: {  	s16 =	smul.u32 $0x500, s16;
	[tilespmem:s12+$0xA2D0] =	vst v2;
	v0 =	vadd.f32 v0, v10  }
0x81: {  	[tilespmem:s12+$0xA2E0] =	vst v1  }
0x82: {  	s16 =	sadd.s32 s2, s16;
	[tilespmem:s12+$0xA2F0] =	vst v0  }
0x83: {  	[hbm4b:s16+s3] =	stream.linear.scatter [tilespmem:s9], [sflag:$0xD], $0x2800, $0x38;
	[tilespmem:$0x14280] =	vst v63  }
0x84: {  	_ =	swait.ge [sflag:s24], $0x2800  }
0x85: {  	[sflag:s24] =	ssyncset.done $0x0  }
0x86: {  	[sflag:s24] =	ssyncadd.s32 $0xFFFFD800  }
0x87: {  	_ =	swait.ge [sflag:s7], $0x2800  }
0x88: {  	[sflag:s7] =	ssyncset.done $0x0  }
0x89: {  	[sflag:s7] =	ssyncadd.s32 $0xFFFFD800  }
0x8a: {  	_ =	swait.ge [sflag:s0], $0x50  }
0x8b: {  	[sflag:s0] =	ssyncset.done $0x0  }
0x8c: {  	[sflag:s0] =	ssyncadd.s32 $0xFFFFFFB0  }
0x8d: {  	_ =	swait.ge [sflag:s0], $0x50  }
0x8e: {  	[sflag:s0] =	ssyncset.done $0x0  }
0x8f: {  	[sflag:s0] =	ssyncadd.s32 $0xFFFFFFB0  }
0x90: {  	_ =	swait.ge [sflag:s10], $0x2800  }
0x91: {  	p0 =	seq.s32 s8, $0x1E;
	[sflag:s10] =	ssyncset.done $0x0;
	s12 =	rddreg [dreg:$0xc]  }
0x92: {  	s17 =	simm.s32 $0x280;
	[sflag:s10] =	ssyncadd.s32 $0xFFFFD800;
	s12 =	sadd.s32 @!p0 s14, s12  }
0x93: {  	[tilespmem:s17], [sflag:$0x5] =	stream.indirect.gather [hbm4b:s4+s26], $0x80, s3, s26, $0xb8;
	[tilespmem:$0x14280] =	vst v63  }
0x94: {  	s12 =	sshrl.u32 @!p0 s12, $0x3  }
0x95: {  	[tilespmem:s9], [sflag:$0x9] =	stream.indirect.gather [hbm4b:s6+s26], $0x80, s25, s26, $0xb8;
	[tilespmem:$0x14280] =	vst v63  }
0x96: {  	s16 =	simm.s32 @!p0 $0x0;
	s17 =	simm.s32 @!p0 $0x50;
	s12 =	sadd.s32 @!p0 s5, s12  }
0x97: {  	[tilespmem:s17], [sflag:$0x2] =	stream.linear.gather @!p0 [hbm4b:s12+s16], $0x50, $0x38;
	[tilespmem:$0x14280] =	vst v63  }
0x98: {  	s12 =	sadd.s32 @!p0 $0x9C40, s12;
	s17 =	simm.s32 @!p0 $0x190  }
0x99: {  	[tilespmem:s17], [sflag:$0x2] =	stream.linear.gather @!p0 [hbm4b:s12+s16], $0x50, $0x38;
	[tilespmem:$0x14280] =	vst v63  }
0x9a: {  	s12 =	simm.s32 $0x0  }
0x9b: {  	v7 =	vld [tilespmem:s12+$0x2A80]  }
0x9c: {  	v11 =	vld [tilespmem:s12+$0x2A90]  }
0x9d: {  	v5 =	vld [tilespmem:s12+$0x2AA0]  }
0x9e: {  	v4 =	vld [tilespmem:s12+$0x2AB0]  }
0x9f: {  	v3 =	vld [tilespmem:s12+$0x2AC0]  }
0xa0: {  	v2 =	vld [tilespmem:s12+$0x2AD0]  }
0xa1: {  	v1 =	vld [tilespmem:s12+$0x2AE0]  }
0xa2: {  	v0 =	vld [tilespmem:s12+$0x2AF0]  }
0xa3: {  	v12 =	vld [tilespmem:s12+$0xCA80]  }
0xa4: {  	v13 =	vld [tilespmem:s12+$0xCA90]  }
0xa5: {  	v10 =	vld [tilespmem:s12+$0xCAA0]  }
0xa6: {  	v9 =	vld [tilespmem:s12+$0xCAB0]  }
0xa7: {  	v8 =	vld [tilespmem:s12+$0xCAC0]  }
0xa8: {  	v6 =	vld [tilespmem:s12+$0xCAD0];
	v12 =	vadd.f32 v7, v12  }
0xa9: {  	s16 =	simm.s32 $0x200;
	v11 =	vadd.f32 v11, v13;
	v7 =	vld [tilespmem:s12+$0xCAE0]  }
.LBB2_5:
0xaa: {  	s17 =	sshra.s32 s16, $0x2;
	p0 =	sne.s32 s16, $0x9E00;
	[tilespmem:s12+$0xCA80] =	vst v12;
	v5 =	vadd.f32 v5, v10;
	v10 =	vld [tilespmem:s12+$0xCAF0]  }
0xab: {  	v12 =	vld [tilespmem:s17+$0x2A80];
	[tilespmem:s12+$0xCA90] =	vst v11;
	v4 =	vadd.f32 v4, v9  }
0xac: {  	v11 =	vld [tilespmem:s17+$0x2A90];
	[tilespmem:s12+$0xCAA0] =	vst v5;
	v3 =	vadd.f32 v3, v8  }
0xad: {  	v5 =	vld [tilespmem:s17+$0x2AA0];
	[tilespmem:s12+$0xCAB0] =	vst v4;
	v2 =	vadd.f32 v2, v6  }
0xae: {  	v4 =	vld [tilespmem:s17+$0x2AB0];
	[tilespmem:s12+$0xCAC0] =	vst v3;
	v1 =	vadd.f32 v1, v7  }
0xaf: {  	v3 =	vld [tilespmem:s17+$0x2AC0];
	[tilespmem:s12+$0xCAD0] =	vst v2;
	v0 =	vadd.f32 v0, v10  }
0xb0: {  	v2 =	vld [tilespmem:s17+$0x2AD0];
	[tilespmem:s12+$0xCAE0] =	vst v1  }
0xb1: {  	v1 =	vld [tilespmem:s17+$0x2AE0];
	[tilespmem:s12+$0xCAF0] =	vst v0;
	s12 =	smov.u32 s17  }
0xb2: {  	v0 =	vld [tilespmem:s12+$0x2AF0]  }
0xb3: {  	v6 =	vld [tilespmem:s12+$0xCA80]  }
0xb4: {  	v7 =	vld [tilespmem:s12+$0xCA90]  }
.Ltmp1:
0xb5: {  	v10 =	vld [tilespmem:s12+$0xCAA0];
	(pc) =	sbr.rel @p0 .LBB2_5-.Ltmp1, $4  }
0xb6: {  	v9 =	vld [tilespmem:s12+$0xCAB0]  }
0xb7: {  	v8 =	vld [tilespmem:s12+$0xCAC0]  }
0xb8: {  	v12 =	vadd.f32 v12, v6;
	v6 =	vld [tilespmem:s12+$0xCAD0]  }
0xb9: {  	s16 =	sadd.s32 $0x200, s16;
	v11 =	vadd.f32 v11, v7;
	v7 =	vld [tilespmem:s12+$0xCAE0]  }
0xba: {  	[tilespmem:s12+$0xCA80] =	vst v12;
	v5 =	vadd.f32 v5, v10;
	v10 =	vld [tilespmem:s12+$0xCAF0]  }
0xbb: {  	[tilespmem:s12+$0xCA90] =	vst v11;
	v4 =	vadd.f32 v4, v9  }
0xbc: {  	[tilespmem:s12+$0xCAA0] =	vst v5;
	v3 =	vadd.f32 v3, v8  }
0xbd: {  	s16 =	rddreg [dreg:$0xd];
	[tilespmem:s12+$0xCAB0] =	vst v4;
	v2 =	vadd.f32 v2, v6  }
0xbe: {  	s16 =	sadd.s32 s11, s16;
	[tilespmem:s12+$0xCAC0] =	vst v3;
	v1 =	vadd.f32 v1, v7  }
0xbf: {  	s16 =	smul.u32 $0x500, s16;
	[tilespmem:s12+$0xCAD0] =	vst v2;
	v0 =	vadd.f32 v0, v10  }
0xc0: {  	[tilespmem:s12+$0xCAE0] =	vst v1  }
0xc1: {  	s17 =	simm.s32 $0xCA80;
	s16 =	sadd.s32 s2, s16;
	[tilespmem:s12+$0xCAF0] =	vst v0  }
0xc2: {  	[hbm4b:s16+s3] =	stream.linear.scatter [tilespmem:s17], [sflag:$0xE], $0x2800, $0x38;
	[tilespmem:$0x14280] =	vst v63  }
0xc3: {  	_ =	swait.ge [sflag:s13], $0x2800  }
0xc4: {  	[sflag:s13] =	ssyncset.done $0x0  }
0xc5: {  	[sflag:s13] =	ssyncadd.s32 $0xFFFFD800  }
0xc6: {  	_ =	swait.ge [sflag:s30], $0x2800  }
0xc7: {  	p0 =	sne.s32 s8, $0x1E;
	[sflag:s30] =	ssyncset.done $0x0  }
0xc8: {  	s12 =	simm.s32 @p0 $0x2;
	[sflag:s30] =	ssyncadd.s32 $0xFFFFD800  }
0xc9: {  	_ =	swait.ge @p0 [sflag:s12], $0x50  }
0xca: {  	[sflag:s12] =	ssyncset.done @p0 $0x0  }
0xcb: {  	[sflag:s12] =	ssyncadd.s32 @p0 $0xFFFFFFB0  }
0xcc: {  	_ =	swait.ge @p0 [sflag:s12], $0x50  }
0xcd: {  	[sflag:s12] =	ssyncset.done @p0 $0x0  }
0xce: {  	[sflag:s12] =	ssyncadd.s32 @p0 $0xFFFFFFB0;
	s12 =	simm.s32 @p0 $0xE  }
0xcf: {  	_ =	swait.ge @p0 [sflag:s12], $0x2800  }
0xd0: {  	[sflag:s12] =	ssyncset.done @p0 $0x0  }
0xd1: {  	s16 =	simm.s32 @p0 $0x2A80;
	[sflag:s12] =	ssyncadd.s32 @p0 $0xFFFFD800;
	s12 =	simm.s32 @p0 $0x50  }
0xd2: {  	[tilespmem:s16], [sflag:$0x6] =	stream.indirect.gather @p0 [hbm4b:s4+s12], $0x80, s12, s12, $0xb8;
	[tilespmem:$0x14280] =	vst v63  }
0xd3: {  	s17 =	simm.s32 @p0 $0xCA80;
	s16 =	simm.s32 @p0 $0x190  }
0xd4: {  	[tilespmem:s17], [sflag:$0xA] =	stream.indirect.gather @p0 [hbm4b:s6+s12], $0x80, s16, s12, $0xb8;
	[tilespmem:$0x14280] =	vst v63  }
0xd5: {  	s12 =	sadd.s32 @p0 s14, s19  }
0xd6: {  	s12 =	sshrl.u32 @p0 s12, $0x3  }
0xd7: {  	s16 =	simm.s32 @p0 $0x0;
	s17 =	simm.s32 @p0 $0xA0;
	s12 =	sadd.s32 @p0 s5, s12  }
0xd8: {  	[tilespmem:s17], [sflag:$0x3] =	stream.linear.gather @p0 [hbm4b:s12+s16], $0x50, $0x38;
	[tilespmem:$0x14280] =	vst v63  }
0xd9: {  	s12 =	sadd.s32 @p0 $0x9C40, s12;
	s17 =	simm.s32 @p0 $0x1E0  }
0xda: {  	[tilespmem:s17], [sflag:$0x3] =	stream.linear.gather @p0 [hbm4b:s12+s16], $0x50, $0x38;
	[tilespmem:$0x14280] =	vst v63  }
0xdb: {  	s12 =	simm.s32 @!p0 $0xE  }
0xdc: {  	_ =	swait.ge @!p0 [sflag:s12], $0x2800  }
0xdd: {  	[sflag:s12] =	ssyncset.done @!p0 $0x0  }
0xde: {  	[sflag:s12] =	ssyncadd.s32 @!p0 $0xFFFFD800;
	s12 =	simm.s32 $0x0  }
0xdf: {  	v7 =	vld [tilespmem:s12+$0x5280]  }
0xe0: {  	v11 =	vld [tilespmem:s12+$0x5290]  }
0xe1: {  	v5 =	vld [tilespmem:s12+$0x52A0]  }
0xe2: {  	v4 =	vld [tilespmem:s12+$0x52B0]  }
0xe3: {  	v3 =	vld [tilespmem:s12+$0x52C0]  }
0xe4: {  	v2 =	vld [tilespmem:s12+$0x52D0]  }
0xe5: {  	v1 =	vld [tilespmem:s12+$0x52E0]  }
0xe6: {  	v0 =	vld [tilespmem:s12+$0x52F0]  }
0xe7: {  	v12 =	vld [tilespmem:s12+$0xF280]  }
0xe8: {  	v13 =	vld [tilespmem:s12+$0xF290]  }
0xe9: {  	v10 =	vld [tilespmem:s12+$0xF2A0]  }
0xea: {  	v9 =	vld [tilespmem:s12+$0xF2B0]  }
0xeb: {  	v8 =	vld [tilespmem:s12+$0xF2C0]  }
0xec: {  	v6 =	vld [tilespmem:s12+$0xF2D0];
	v12 =	vadd.f32 v7, v12  }
0xed: {  	s16 =	simm.s32 $0x200;
	v11 =	vadd.f32 v11, v13;
	v7 =	vld [tilespmem:s12+$0xF2E0]  }
.LBB2_7:
0xee: {  	s17 =	sshra.s32 s16, $0x2;
	p1 =	sne.s32 s16, $0x9E00;
	[tilespmem:s12+$0xF280] =	vst v12;
	v5 =	vadd.f32 v5, v10;
	v10 =	vld [tilespmem:s12+$0xF2F0]  }
0xef: {  	v12 =	vld [tilespmem:s17+$0x5280];
	[tilespmem:s12+$0xF290] =	vst v11;
	v4 =	vadd.f32 v4, v9  }
0xf0: {  	v11 =	vld [tilespmem:s17+$0x5290];
	[tilespmem:s12+$0xF2A0] =	vst v5;
	v3 =	vadd.f32 v3, v8  }
0xf1: {  	v5 =	vld [tilespmem:s17+$0x52A0];
	[tilespmem:s12+$0xF2B0] =	vst v4;
	v2 =	vadd.f32 v2, v6  }
0xf2: {  	v4 =	vld [tilespmem:s17+$0x52B0];
	[tilespmem:s12+$0xF2C0] =	vst v3;
	v1 =	vadd.f32 v1, v7  }
0xf3: {  	v3 =	vld [tilespmem:s17+$0x52C0];
	[tilespmem:s12+$0xF2D0] =	vst v2;
	v0 =	vadd.f32 v0, v10  }
0xf4: {  	v2 =	vld [tilespmem:s17+$0x52D0];
	[tilespmem:s12+$0xF2E0] =	vst v1  }
0xf5: {  	v1 =	vld [tilespmem:s17+$0x52E0];
	[tilespmem:s12+$0xF2F0] =	vst v0;
	s12 =	smov.u32 s17  }
0xf6: {  	v0 =	vld [tilespmem:s12+$0x52F0]  }
0xf7: {  	v6 =	vld [tilespmem:s12+$0xF280]  }
0xf8: {  	v7 =	vld [tilespmem:s12+$0xF290]  }
.Ltmp2:
0xf9: {  	v10 =	vld [tilespmem:s12+$0xF2A0];
	(pc) =	sbr.rel @p1 .LBB2_7-.Ltmp2, $4  }
0xfa: {  	v9 =	vld [tilespmem:s12+$0xF2B0]  }
0xfb: {  	v8 =	vld [tilespmem:s12+$0xF2C0]  }
0xfc: {  	v12 =	vadd.f32 v12, v6;
	v6 =	vld [tilespmem:s12+$0xF2D0]  }
0xfd: {  	s16 =	sadd.s32 $0x200, s16;
	v11 =	vadd.f32 v11, v7;
	v7 =	vld [tilespmem:s12+$0xF2E0]  }
0xfe: {  	[tilespmem:s12+$0xF280] =	vst v12;
	v5 =	vadd.f32 v5, v10;
	v10 =	vld [tilespmem:s12+$0xF2F0]  }
0xff: {  	[tilespmem:s12+$0xF290] =	vst v11;
	v4 =	vadd.f32 v4, v9  }
0x100: {  	[tilespmem:s12+$0xF2A0] =	vst v5;
	v3 =	vadd.f32 v3, v8  }
0x101: {  	[tilespmem:s12+$0xF2B0] =	vst v4;
	v2 =	vadd.f32 v2, v6  }
0x102: {  	s16 =	sadd.s32 s11, s20;
	[tilespmem:s12+$0xF2C0] =	vst v3;
	v1 =	vadd.f32 v1, v7  }
0x103: {  	s16 =	smul.u32 $0x500, s16;
	[tilespmem:s12+$0xF2D0] =	vst v2;
	v0 =	vadd.f32 v0, v10  }
0x104: {  	[tilespmem:s12+$0xF2E0] =	vst v1  }
0x105: {  	s17 =	simm.s32 $0xF280;
	s16 =	sadd.s32 s2, s16;
	[tilespmem:s12+$0xF2F0] =	vst v0  }
0x106: {  	[hbm4b:s16+s3] =	stream.linear.scatter [tilespmem:s17], [sflag:$0xF], $0x2800, $0x38;
	[tilespmem:$0x14280] =	vst v63  }
0x107: {  	_ =	swait.ge [sflag:s31], $0x2800  }
0x108: {  	[sflag:s31] =	ssyncset.done $0x0  }
0x109: {  	[sflag:s31] =	ssyncadd.s32 $0xFFFFD800  }
0x10a: {  	_ =	swait.ge [sflag:s1], $0x2800  }
0x10b: {  	[sflag:s1] =	ssyncset.done $0x0  }
0x10c: {  	s12 =	simm.s32 @p0 $0x3;
	[sflag:s1] =	ssyncadd.s32 $0xFFFFD800  }
0x10d: {  	_ =	swait.ge @p0 [sflag:s12], $0x50  }
0x10e: {  	[sflag:s12] =	ssyncset.done @p0 $0x0  }
0x10f: {  	[sflag:s12] =	ssyncadd.s32 @p0 $0xFFFFFFB0  }
0x110: {  	_ =	swait.ge @p0 [sflag:s12], $0x50  }
0x111: {  	[sflag:s12] =	ssyncset.done @p0 $0x0  }
0x112: {  	[sflag:s12] =	ssyncadd.s32 @p0 $0xFFFFFFB0;
	s12 =	simm.s32 @p0 $0xF  }
0x113: {  	_ =	swait.ge @p0 [sflag:s12], $0x2800  }
0x114: {  	s16 =	simm.s32 @p0 $0xA0;
	[sflag:s12] =	ssyncset.done @p0 $0x0  }
0x115: {  	s17 =	simm.s32 @p0 $0x5280;
	[sflag:s12] =	ssyncadd.s32 @p0 $0xFFFFD800;
	s12 =	simm.s32 @p0 $0x50  }
0x116: {  	[tilespmem:s17], [sflag:$0x7] =	stream.indirect.gather @p0 [hbm4b:s4+s12], $0x80, s16, s12, $0xb8;
	[tilespmem:$0x14280] =	vst v63  }
0x117: {  	s16 =	simm.s32 @p0 $0x1E0;
	s17 =	simm.s32 @p0 $0xF280  }
0x118: {  	[tilespmem:s17], [sflag:$0xB] =	stream.indirect.gather @p0 [hbm4b:s6+s12], $0x80, s16, s12, $0xb8;
	[tilespmem:$0x14280] =	vst v63  }
0x119: {  	s12 =	sadd.s32 @p0 s14, s21  }
0x11a: {  	s12 =	sshrl.u32 @p0 s12, $0x3  }
0x11b: {  	s14 =	simm.s32 @p0 $0x0;
	s16 =	simm.s32 @p0 $0xF0;
	s12 =	sadd.s32 @p0 s5, s12  }
0x11c: {  	[tilespmem:s16], [sflag:$0x4] =	stream.linear.gather @p0 [hbm4b:s12+s14], $0x50, $0x38;
	[tilespmem:$0x14280] =	vst v63  }
0x11d: {  	s12 =	sadd.s32 @p0 $0x9C40, s12;
	s16 =	simm.s32 @p0 $0x230  }
0x11e: {  	[tilespmem:s16], [sflag:$0x4] =	stream.linear.gather @p0 [hbm4b:s12+s14], $0x50, $0x38;
	[tilespmem:$0x14280] =	vst v63  }
0x11f: {  	s12 =	simm.s32 @!p0 $0xF  }
0x120: {  	_ =	swait.ge @!p0 [sflag:s12], $0x2800  }
0x121: {  	[sflag:s12] =	ssyncset.done @!p0 $0x0  }
0x122: {  	[sflag:s12] =	ssyncadd.s32 @!p0 $0xFFFFD800;
	s12 =	simm.s32 $0x0  }
0x123: {  	v7 =	vld [tilespmem:s12+$0x7A80]  }
0x124: {  	v11 =	vld [tilespmem:s12+$0x7A90]  }
0x125: {  	v5 =	vld [tilespmem:s12+$0x7AA0]  }
0x126: {  	v4 =	vld [tilespmem:s12+$0x7AB0]  }
0x127: {  	v3 =	vld [tilespmem:s12+$0x7AC0]  }
0x128: {  	v2 =	vld [tilespmem:s12+$0x7AD0]  }
0x129: {  	v1 =	vld [tilespmem:s12+$0x7AE0]  }
0x12a: {  	v0 =	vld [tilespmem:s12+$0x7AF0]  }
0x12b: {  	v12 =	vld [tilespmem:s12+$0x11A80]  }
0x12c: {  	v13 =	vld [tilespmem:s12+$0x11A90]  }
0x12d: {  	v10 =	vld [tilespmem:s12+$0x11AA0]  }
0x12e: {  	v9 =	vld [tilespmem:s12+$0x11AB0]  }
0x12f: {  	v8 =	vld [tilespmem:s12+$0x11AC0]  }
0x130: {  	v6 =	vld [tilespmem:s12+$0x11AD0];
	v12 =	vadd.f32 v7, v12  }
0x131: {  	s14 =	simm.s32 $0x200;
	v11 =	vadd.f32 v11, v13;
	v7 =	vld [tilespmem:s12+$0x11AE0]  }
.LBB2_9:
0x132: {  	s16 =	sshra.s32 s14, $0x2;
	p0 =	sne.s32 s14, $0x9E00;
	[tilespmem:s12+$0x11A80] =	vst v12;
	v5 =	vadd.f32 v5, v10;
	v10 =	vld [tilespmem:s12+$0x11AF0]  }
0x133: {  	v12 =	vld [tilespmem:s16+$0x7A80];
	[tilespmem:s12+$0x11A90] =	vst v11;
	v4 =	vadd.f32 v4, v9  }
0x134: {  	v11 =	vld [tilespmem:s16+$0x7A90];
	[tilespmem:s12+$0x11AA0] =	vst v5;
	v3 =	vadd.f32 v3, v8  }
0x135: {  	v5 =	vld [tilespmem:s16+$0x7AA0];
	[tilespmem:s12+$0x11AB0] =	vst v4;
	v2 =	vadd.f32 v2, v6  }
0x136: {  	v4 =	vld [tilespmem:s16+$0x7AB0];
	[tilespmem:s12+$0x11AC0] =	vst v3;
	v1 =	vadd.f32 v1, v7  }
0x137: {  	v3 =	vld [tilespmem:s16+$0x7AC0];
	[tilespmem:s12+$0x11AD0] =	vst v2;
	v0 =	vadd.f32 v0, v10  }
0x138: {  	v2 =	vld [tilespmem:s16+$0x7AD0];
	[tilespmem:s12+$0x11AE0] =	vst v1  }
0x139: {  	v1 =	vld [tilespmem:s16+$0x7AE0];
	[tilespmem:s12+$0x11AF0] =	vst v0;
	s12 =	smov.u32 s16  }
0x13a: {  	v0 =	vld [tilespmem:s12+$0x7AF0]  }
0x13b: {  	v6 =	vld [tilespmem:s12+$0x11A80]  }
0x13c: {  	v7 =	vld [tilespmem:s12+$0x11A90]  }
.Ltmp3:
0x13d: {  	v10 =	vld [tilespmem:s12+$0x11AA0];
	(pc) =	sbr.rel @p0 .LBB2_9-.Ltmp3, $4  }
0x13e: {  	v9 =	vld [tilespmem:s12+$0x11AB0]  }
0x13f: {  	v8 =	vld [tilespmem:s12+$0x11AC0]  }
0x140: {  	v12 =	vadd.f32 v12, v6;
	v6 =	vld [tilespmem:s12+$0x11AD0]  }
0x141: {  	s14 =	sadd.s32 $0x200, s14;
	v11 =	vadd.f32 v11, v7;
	v7 =	vld [tilespmem:s12+$0x11AE0]  }
0x142: {  	[tilespmem:s12+$0x11A80] =	vst v12;
	v5 =	vadd.f32 v5, v10;
	v63 =	vld [tilespmem:s12+$0x11AF0]  }
0x143: {  	[tilespmem:s12+$0x11A90] =	vst v11;
	v4 =	vadd.f32 v4, v9  }
0x144: {  	s8 =	sadd.s32 $0x1, s8;
	[tilespmem:s12+$0x11AA0] =	vst v5;
	v3 =	vadd.f32 v3, v8  }
0x145: {  	p0 =	sne.s32 s8, $0x1F;
	[tilespmem:s12+$0x11AB0] =	vst v4;
	v2 =	vadd.f32 v2, v6  }
.Ltmp4:
0x146: {  	s11 =	sadd.s32 s11, s22;
	[tilespmem:s12+$0x11AC0] =	vst v3;
	v1 =	vadd.f32 v1, v7;
	(pc) =	sbr.rel @p0 .LBB2_2-.Ltmp4, $4  }
0x147: {  	s11 =	smul.u32 $0x500, s11;
	[tilespmem:s12+$0x11AD0] =	vst v2;
	v0 =	vadd.f32 v0, v63  }
0x148: {  	[tilespmem:s12+$0x11AE0] =	vst v1  }
0x149: {  	s11 =	sadd.s32 s2, s11;
	[tilespmem:s12+$0x11AF0] =	vst v0  }
0x14a: {  	[hbm4b:s11+s3] =	stream.linear.scatter [tilespmem:s23], [sflag:$0x10], $0x2800, $0x38;
	[tilespmem:$0x14280] =	vst v63  }
0x14b: {  	_ =	swait.ge [sflag:s15], $0x2800  }
0x14c: {  	[sflag:s15] =	ssyncset.done $0x0  }
0x14d: {  	[sflag:s15] =	ssyncadd.s32 $0xFFFFD800  }
0x14e: {  	_ =	swait.ge [sflag:s28], $0x2800  }
0x14f: {  	[sflag:s28] =	ssyncset.done $0x0  }
0x150: {  	s8 =	simm.s32 $0x10;
	[sflag:s28] =	ssyncadd.s32 $0xFFFFD800  }
0x151: {  	_ =	swait.ge [sflag:s8], $0x2800  }
0x152: {  	[sflag:s8] =	ssyncset.done $0x0  }
0x153: {  	[sflag:s8] =	ssyncadd.s32 $0xFFFFD800;
	s8 =	simm.s32 $0x0  }
0x154: {  	v7 =	vld [tilespmem:s8+$0x280]  }
0x155: {  	v11 =	vld [tilespmem:s8+$0x290]  }
0x156: {  	v5 =	vld [tilespmem:s8+$0x2A0]  }
0x157: {  	v4 =	vld [tilespmem:s8+$0x2B0]  }
0x158: {  	v3 =	vld [tilespmem:s8+$0x2C0]  }
0x159: {  	v2 =	vld [tilespmem:s8+$0x2D0]  }
0x15a: {  	v1 =	vld [tilespmem:s8+$0x2E0]  }
0x15b: {  	v0 =	vld [tilespmem:s8+$0x2F0]  }
0x15c: {  	v12 =	vld [tilespmem:s8+$0xA280]  }
0x15d: {  	v13 =	vld [tilespmem:s8+$0xA290]  }
0x15e: {  	v10 =	vld [tilespmem:s8+$0xA2A0]  }
0x15f: {  	v9 =	vld [tilespmem:s8+$0xA2B0]  }
0x160: {  	v8 =	vld [tilespmem:s8+$0xA2C0]  }
0x161: {  	v6 =	vld [tilespmem:s8+$0xA2D0];
	v12 =	vadd.f32 v7, v12  }
0x162: {  	s11 =	simm.s32 $0x200;
	v11 =	vadd.f32 v11, v13;
	v7 =	vld [tilespmem:s8+$0xA2E0]  }
.LBB2_12:
0x163: {  	s12 =	sshra.s32 s11, $0x2;
	p0 =	sne.s32 s11, $0x9E00;
	[tilespmem:s8+$0xA280] =	vst v12;
	v5 =	vadd.f32 v5, v10;
	v10 =	vld [tilespmem:s8+$0xA2F0]  }
0x164: {  	v12 =	vld [tilespmem:s12+$0x280];
	[tilespmem:s8+$0xA290] =	vst v11;
	v4 =	vadd.f32 v4, v9  }
0x165: {  	v11 =	vld [tilespmem:s12+$0x290];
	[tilespmem:s8+$0xA2A0] =	vst v5;
	v3 =	vadd.f32 v3, v8  }
0x166: {  	v5 =	vld [tilespmem:s12+$0x2A0];
	[tilespmem:s8+$0xA2B0] =	vst v4;
	v2 =	vadd.f32 v2, v6  }
0x167: {  	v4 =	vld [tilespmem:s12+$0x2B0];
	[tilespmem:s8+$0xA2C0] =	vst v3;
	v1 =	vadd.f32 v1, v7  }
0x168: {  	v3 =	vld [tilespmem:s12+$0x2C0];
	[tilespmem:s8+$0xA2D0] =	vst v2;
	v0 =	vadd.f32 v0, v10  }
0x169: {  	v2 =	vld [tilespmem:s12+$0x2D0];
	[tilespmem:s8+$0xA2E0] =	vst v1  }
0x16a: {  	v1 =	vld [tilespmem:s12+$0x2E0];
	[tilespmem:s8+$0xA2F0] =	vst v0;
	s8 =	smov.u32 s12  }
0x16b: {  	v0 =	vld [tilespmem:s8+$0x2F0]  }
0x16c: {  	v6 =	vld [tilespmem:s8+$0xA280]  }
0x16d: {  	v7 =	vld [tilespmem:s8+$0xA290]  }
.Ltmp5:
0x16e: {  	v10 =	vld [tilespmem:s8+$0xA2A0];
	(pc) =	sbr.rel @p0 .LBB2_12-.Ltmp5, $4  }
0x16f: {  	v9 =	vld [tilespmem:s8+$0xA2B0]  }
0x170: {  	v8 =	vld [tilespmem:s8+$0xA2C0]  }
0x171: {  	v12 =	vadd.f32 v12, v6;
	v6 =	vld [tilespmem:s8+$0xA2D0]  }
0x172: {  	s11 =	sadd.s32 $0x200, s11;
	v11 =	vadd.f32 v11, v7;
	v7 =	vld [tilespmem:s8+$0xA2E0]  }
0x173: {  	[tilespmem:s8+$0xA280] =	vst v12;
	v5 =	vadd.f32 v5, v10;
	v63 =	vld [tilespmem:s8+$0xA2F0]  }
0x174: {  	[tilespmem:s8+$0xA290] =	vst v11;
	v4 =	vadd.f32 v4, v9  }
0x175: {  	[tilespmem:s8+$0xA2A0] =	vst v5;
	v3 =	vadd.f32 v3, v8  }
0x176: {  	[tilespmem:s8+$0xA2B0] =	vst v4;
	v2 =	vadd.f32 v2, v6  }
0x177: {  	[tilespmem:s8+$0xA2C0] =	vst v3;
	v1 =	vadd.f32 v1, v7  }
0x178: {  	[tilespmem:s8+$0xA2D0] =	vst v2;
	v0 =	vadd.f32 v0, v63  }
0x179: {  	[tilespmem:s8+$0xA2E0] =	vst v1  }
0x17a: {  	s16 =	rddreg [dreg:$0xe];
	[tilespmem:s8+$0xA2F0] =	vst v0  }
0x17b: {  	[hbm4b:s16+s3] =	stream.linear.scatter [tilespmem:s9], [sflag:$0xD], $0x2800, $0x38;
	[tilespmem:$0x14280] =	vst v63  }
0x17c: {  	_ =	swait.ge [sflag:s10], $0x2800  }
0x17d: {  	s11 =	rddreg [dreg:$0x10]  }
0x17e: {  	s17 =	rddreg [dreg:$0xf];
	s11 =	sadd.s32 $0x1, s11  }
0x17f: {  	p0 =	sne.s32 s11, s17  }
.Ltmp6:
0x180: {  	_ = 	snop;
	(pc) =	sbr.rel @p0 .LBB2_1-.Ltmp6, $3  }
0x181: {  	_ =	sdelay $0x1  }
0x182: {  	[sflag:s10] =	ssyncset.done $0x0  }
0x183: {  	[sflag:s10] =	ssyncadd.s32 $0xFFFFD800  }
0x184: {  	_ =	sfence.sel $0x180000  }
0x185: {  	[bflag:$0x0] =	sbarrier.arrive $0xFFFF  }
0x186: {  	_ =	strace $0x9000004A  }
0x187: {  	s0 =	stileid.u32;
	[bflag:$0x2] =	sbarrier.arrive $0xFFFF  }
0x188: {  	p0 =	sne.s32 s0, $0x0;
	s0 =	rddreg [dreg:$0x2]  }
0x189: {  	s0 =	sadd.s32 @!p0 $0x100000, s0  }
0x18a: {  	[sflag:s0] =	ssyncadd.tile.s32 @!p0 $0x1;
	_ =	shalt  }
.Lfunc_end2:
_tile_overlayer_lowered:
.L_overlay_start_2:
0x18b: {  	(tag) =	ssettag $0x2  }
0x18c: {  	s0 =	rddreg [dreg:$0x0];
	s2 =	stileid.u32  }
0x18d: {  	s1 =	rddreg [dreg:$0x1];
	p0 =	sne.s32 s2, $0x0  }
0x18e: {  	s3 =	rddreg [dreg:$0x2];
	[bflag:$0x3] =	sbarrier.arrive $0xFFFF;
	s2 =	simm.s32 @!p0 $0x1C11  }
0x18f: {  	[timem:s3], [sflag:s2] =	dma.local @!p0 [hbm:s0], s1  }
0x190: {  	s0 =	simm.s32 @!p0 $0x11  }
0x191: {  	_ =	swait.ge @!p0 [sflag:s0], s1  }
0x192: {  	s1 =	ssub.s32 @!p0 $0x0, s1;
	[sflag:s0] =	ssyncset.done @!p0 $0x0  }
0x193: {  	[sflag:s0] =	ssyncadd.s32 @!p0 s1  }
0x194: {  	[bflag:$0x3] =	sbarrier.arrive $0xFFFF  }
0x195: {  	_ =	shalt  }

</sc_bundles>
